<compile_context>
chip_gen: v7x
topology: tpu7x:2x2x1
jax: 0.10.2.dev20260603
libtpu: 0.0.44.dev20260713+nightly
codegen_flags: <defaults>
</compile_context>

<pallas_src>
import functools

import jax
import jax.numpy as jnp
from jax import lax
from jax.experimental import pallas as pl
from jax.experimental.pallas import tpu as pltpu
from jax.experimental.pallas import tpu_sc as plsc

NC = 2
NS = 16
NW = NC * NS
LANES = 16

VOCAB_DIM = 300
MAIN = 256
TW = 128
NTS = 3
BATCH = 16384
PER_W = BATCH // NW
CHUNK = 64
NCHUNK = PER_W // CHUNK
NBUF = 2


def _sc_body(x0_hbm, x1_hbm, tbl_hbm, ttl_hbm, out_hbm,
             idx0_v, idx1_v,
             ma0_v, mb0_v, ta0_v, tb0_v,
             ma1_v, mb1_v, ta1_v, tb1_v,
             stage_v, s0, s1, sg):
    wid = lax.axis_index("s") * NC + lax.axis_index("c")
    base = wid * PER_W
    ca = pltpu.async_copy(x0_hbm.at[pl.ds(base, PER_W)], idx0_v, s0)
    cb = pltpu.async_copy(x1_hbm.at[pl.ds(base, PER_W)], idx1_v, s1)
    ca.wait()
    cb.wait()

    bufs = [(ma0_v, mb0_v, ta0_v, tb0_v), (ma1_v, mb1_v, ta1_v, tb1_v)]
    sems = [s0, s1]

    def issue(g):
        slot = g % NBUF
        i0 = idx0_v.at[pl.ds(g * CHUNK, CHUNK)]
        i1 = idx1_v.at[pl.ds(g * CHUNK, CHUNK)]
        ma, mb, ta, tb = bufs[slot]
        sem = sems[slot]
        return (
            pltpu.async_copy(tbl_hbm.at[i0, pl.ds(0, MAIN)], ma, sem),
            pltpu.async_copy(tbl_hbm.at[i1, pl.ds(0, MAIN)], mb, sem),
            pltpu.async_copy(ttl_hbm.at[i0], ta, sem),
            pltpu.async_copy(ttl_hbm.at[i1], tb, sem),
        )

    acc = jnp.zeros((LANES,), jnp.float32)
    pending = {}
    for g in range(min(NBUF, NCHUNK)):
        pending[g] = issue(g)
    for g in range(NCHUNK):
        slot = g % NBUF
        for h in pending.pop(g):
            h.wait()
        ma, mb, ta, tb = bufs[slot]

        def row_step(r, acc, ma=ma, mb=mb, ta=ta, tb=tb):
            for j in range(MAIN // LANES):
                a = ma[r, pl.ds(j * LANES, LANES)]
                b = mb[r, pl.ds(j * LANES, LANES)]
                acc = acc + a * b
            for j in range(NTS):
                a = ta[r, pl.ds(j * LANES, LANES)]
                b = tb[r, pl.ds(j * LANES, LANES)]
                acc = acc + a * b
            return acc

        acc = lax.fori_loop(0, CHUNK, row_step, acc)
        if g + NBUF < NCHUNK:
            pending[g + NBUF] = issue(g + NBUF)

    for i in range(8):
        for j in range(128 // LANES):
            stage_v[i, pl.ds(j * LANES, LANES)] = jnp.zeros(
                (LANES,), jnp.float32)
    stage_v[0, pl.ds(0, LANES)] = acc
    pltpu.async_copy(stage_v, out_hbm.at[wid], sg).wait()


@jax.jit
def _sc_gather_dot(x0, x1, table, tail_tbl):
    mesh = plsc.VectorSubcoreMesh(core_axis_name="c", subcore_axis_name="s")
    return pl.kernel(
        _sc_body,
        out_type=jax.ShapeDtypeStruct((NW, 8, 128), jnp.float32),
        mesh=mesh,
        scratch_types=[
            pltpu.VMEM((PER_W,), jnp.int32),
            pltpu.VMEM((PER_W,), jnp.int32),
            pltpu.VMEM((CHUNK, MAIN), jnp.float32),
            pltpu.VMEM((CHUNK, MAIN), jnp.float32),
            pltpu.VMEM((CHUNK, TW), jnp.float32),
            pltpu.VMEM((CHUNK, TW), jnp.float32),
            pltpu.VMEM((CHUNK, MAIN), jnp.float32),
            pltpu.VMEM((CHUNK, MAIN), jnp.float32),
            pltpu.VMEM((CHUNK, TW), jnp.float32),
            pltpu.VMEM((CHUNK, TW), jnp.float32),
            pltpu.VMEM((8, 128), jnp.float32),
            pltpu.SemaphoreType.DMA,
            pltpu.SemaphoreType.DMA,
            pltpu.SemaphoreType.DMA,
        ],
    )(x0, x1, table, tail_tbl)


def _finish_body(p_ref, o_ref):
    s = jnp.sum(p_ref[...])
    o_ref[0, 0] = s * s


@jax.jit
def _finish(partials):
    out = pl.pallas_call(
        _finish_body,
        out_shape=jax.ShapeDtypeStruct((1, 1), jnp.float32),
        out_specs=pl.BlockSpec(memory_space=pltpu.SMEM),
    )(partials)
    return out[0, 0]


def kernel(x, table):
    x0 = x[:, 0]
    x1 = x[:, 1]
    tail_tbl = jnp.pad(table[:, MAIN:],
                       ((0, 0), (0, TW - (VOCAB_DIM - MAIN))))
    partials = _sc_gather_dot(x0, x1, table, tail_tbl)
    return _finish(partials)

# --- scband reference (transcript-rebuilt; emitter-appended) ---
"""Pipeline reference for scband-my-model-86431921865157 (READ-ONLY COPY).

The authoritative reference and input builder live on the scoring server;
editing this copy changes nothing except your own understanding.
"""

import jax, jax.numpy as jnp
import numpy as np

VOCAB = 28436
DIM = 300
BATCH = 16384

def setup_inputs(seed: int = 0) -> dict:
    key = jax.random.key(seed)
    k1, k2 = jax.random.split(key)
    x = jax.random.randint(k1, (BATCH, 2), 0, VOCAB, dtype=jnp.int32)
    # nn.Embedding default init: N(0, 1)
    table = jax.random.normal(k2, (VOCAB, DIM), dtype=jnp.float32)
    return {"x": x, "table": table}

def reference(x, table):
    # res = self.nodeembedding(x) -> [B, 2, D]
    res = jnp.take(table, x, axis=0)
    res1 = res[:, 0, :]
    res2 = res[:, 1, :]
    res_dot = res1 * res2
    res_dot = jnp.sum(res_dot)
    return res_dot ** 2

if __name__ == "__main__":
    import jax
    _d = setup_inputs()
    print(jax.jit(kernel)(*tuple(_d.values())))

</pallas_src>

<mosaic_0001>
#map = affine_map<(d0, d1) -> (0)>
#map1 = affine_map<(d0, d1) -> (0, 0)>
#map2 = affine_map<(d0, d1) -> (0, 0, 0)>
module attributes {stable_mosaic.version = 14 : i64} {
  func.func @_sc_body(%arg0: i32, %arg1: i32, %arg2: memref<16384xi32, #tpu.memory_space<hbm>>, %arg3: memref<16384xi32, #tpu.memory_space<hbm>>, %arg4: memref<28436x300xf32, #tpu.memory_space<hbm>>, %arg5: memref<28436x128xf32, #tpu.memory_space<hbm>>, %arg6: memref<32x8x128xf32, #tpu.memory_space<hbm>>, %arg7: memref<512xi32, #tpu.memory_space<vmem>>, %arg8: memref<512xi32, #tpu.memory_space<vmem>>, %arg9: memref<64x256xf32, #tpu.memory_space<vmem>>, %arg10: memref<64x256xf32, #tpu.memory_space<vmem>>, %arg11: memref<64x128xf32, #tpu.memory_space<vmem>>, %arg12: memref<64x128xf32, #tpu.memory_space<vmem>>, %arg13: memref<64x256xf32, #tpu.memory_space<vmem>>, %arg14: memref<64x256xf32, #tpu.memory_space<vmem>>, %arg15: memref<64x128xf32, #tpu.memory_space<vmem>>, %arg16: memref<64x128xf32, #tpu.memory_space<vmem>>, %arg17: memref<8x128xf32, #tpu.memory_space<vmem>>, %arg18: memref<!tpu.dma_semaphore, #tpu.memory_space<semaphore_mem>>, %arg19: memref<!tpu.dma_semaphore, #tpu.memory_space<semaphore_mem>>, %arg20: memref<!tpu.dma_semaphore, #tpu.memory_space<semaphore_mem>>) attributes {dimension_semantics = [#tpu.dimension_semantics<core_parallel>, #tpu.dimension_semantics<subcore_parallel>], iteration_bounds = array<i64: 2, 16>, scalar_prefetch = 0 : i64, scratch_operands = 14 : i64, tpu.core_type = #tpu.core_type<sc_vector_subcore>, window_params = [{transform_indices = #map}, {transform_indices = #map}, {transform_indices = #map1}, {transform_indices = #map1}, {transform_indices = #map2}]} {
    %mul3A = arith.constant 2 : i32
    %mul3A_0 = arith.muli %arg1, %mul3A : i32
    %add3A = arith.addi %mul3A_0, %arg0 : i32
    %mul3A_1 = arith.constant 512 : i32
    %mul3A_2 = arith.muli %add3A, %mul3A_1 : i32
    %dma_start3A = tpu.memref_slice %arg2[%mul3A_2] : memref<16384xi32, #tpu.memory_space<hbm>> -> memref<512xi32, #tpu.memory_space<hbm>>
    %dma_start3A_3 = tpu.memref_slice %arg2[%mul3A_2] : memref<16384xi32, #tpu.memory_space<hbm>> -> memref<512xi32, #tpu.memory_space<hbm>>
    tpu.enqueue_dma source(%dma_start3A_3 : memref<512xi32, #tpu.memory_space<hbm>>) target(%arg7 : memref<512xi32, #tpu.memory_space<vmem>>) target_semaphore(%arg18 : memref<!tpu.dma_semaphore, #tpu.memory_space<semaphore_mem>>)
    %dma_start3A_4 = tpu.memref_slice %arg3[%mul3A_2] : memref<16384xi32, #tpu.memory_space<hbm>> -> memref<512xi32, #tpu.memory_space<hbm>>
    %dma_start3A_5 = tpu.memref_slice %arg3[%mul3A_2] : memref<16384xi32, #tpu.memory_space<hbm>> -> memref<512xi32, #tpu.memory_space<hbm>>
    tpu.enqueue_dma source(%dma_start3A_5 : memref<512xi32, #tpu.memory_space<hbm>>) target(%arg8 : memref<512xi32, #tpu.memory_space<vmem>>) target_semaphore(%arg19 : memref<!tpu.dma_semaphore, #tpu.memory_space<semaphore_mem>>)
    %dma_wait3A = tpu.memref_slice %arg2[%mul3A_2] : memref<16384xi32, #tpu.memory_space<hbm>> -> memref<512xi32, #tpu.memory_space<hbm>>
    %dma_wait3A_6 = tpu.memref_slice %arg2[%mul3A_2] : memref<16384xi32, #tpu.memory_space<hbm>> -> memref<512xi32, #tpu.memory_space<hbm>>
    tpu.wait_dma2 semaphore(%arg18 : memref<!tpu.dma_semaphore, #tpu.memory_space<semaphore_mem>>) src(%dma_wait3A_6 : memref<512xi32, #tpu.memory_space<hbm>>) dst(%arg7 : memref<512xi32, #tpu.memory_space<vmem>>)
    %dma_wait3A_7 = tpu.memref_slice %arg3[%mul3A_2] : memref<16384xi32, #tpu.memory_space<hbm>> -> memref<512xi32, #tpu.memory_space<hbm>>
    %dma_wait3A_8 = tpu.memref_slice %arg3[%mul3A_2] : memref<16384xi32, #tpu.memory_space<hbm>> -> memref<512xi32, #tpu.memory_space<hbm>>
    tpu.wait_dma2 semaphore(%arg19 : memref<!tpu.dma_semaphore, #tpu.memory_space<semaphore_mem>>) src(%dma_wait3A_8 : memref<512xi32, #tpu.memory_space<hbm>>) dst(%arg8 : memref<512xi32, #tpu.memory_space<vmem>>)
    %broadcast_in_dim3A = arith.constant 0.000000e+00 : f32
    %broadcast_in_dim3A_9 = vector.broadcast %broadcast_in_dim3A : f32 to vector<16xf32>
    %dma_start3A_10 = arith.constant 0 : i32
    %dma_start3A_11 = tpu.memref_slice %arg7[%dma_start3A_10] : memref<512xi32, #tpu.memory_space<vmem>> -> memref<64xi32, #tpu.memory_space<vmem>>
    %dma_start3A_12 = arith.constant 0 : i32
    %dma_start3A_13 = arith.constant 0 : i32
    %dma_start3A_14 = tpu.memref_slice %arg4[%dma_start3A_12, %dma_start3A_13] : memref<28436x300xf32, #tpu.memory_space<hbm>> -> memref<28436x256xf32, #tpu.memory_space<hbm>>
    tpu.enqueue_indirect_dma source(%dma_start3A_14 : memref<28436x256xf32, #tpu.memory_space<hbm>>) target(%arg9 : memref<64x256xf32, #tpu.memory_space<vmem>>) offsets(%dma_start3A_11 : memref<64xi32, #tpu.memory_space<vmem>>) semaphore(%arg18 : memref<!tpu.dma_semaphore, #tpu.memory_space<semaphore_mem>>)
    %dma_start3A_15 = arith.constant 0 : i32
    %dma_start3A_16 = tpu.memref_slice %arg8[%dma_start3A_15] : memref<512xi32, #tpu.memory_space<vmem>> -> memref<64xi32, #tpu.memory_space<vmem>>
    %dma_start3A_17 = arith.constant 0 : i32
    %dma_start3A_18 = arith.constant 0 : i32
    %dma_start3A_19 = tpu.memref_slice %arg4[%dma_start3A_17, %dma_start3A_18] : memref<28436x300xf32, #tpu.memory_space<hbm>> -> memref<28436x256xf32, #tpu.memory_space<hbm>>
    tpu.enqueue_indirect_dma source(%dma_start3A_19 : memref<28436x256xf32, #tpu.memory_space<hbm>>) target(%arg10 : memref<64x256xf32, #tpu.memory_space<vmem>>) offsets(%dma_start3A_16 : memref<64xi32, #tpu.memory_space<vmem>>) semaphore(%arg18 : memref<!tpu.dma_semaphore, #tpu.memory_space<semaphore_mem>>)
    %dma_start3A_20 = arith.constant 0 : i32
    %dma_start3A_21 = tpu.memref_slice %arg7[%dma_start3A_20] : memref<512xi32, #tpu.memory_space<vmem>> -> memref<64xi32, #tpu.memory_space<vmem>>
    %dma_start3A_22 = arith.constant 0 : i32
    %dma_start3A_23 = arith.constant 0 : i32
    %dma_start3A_24 = tpu.memref_slice %arg5[%dma_start3A_22, %dma_start3A_23] : memref<28436x128xf32, #tpu.memory_space<hbm>> -> memref<28436x128xf32, #tpu.memory_space<hbm>>
    tpu.enqueue_indirect_dma source(%dma_start3A_24 : memref<28436x128xf32, #tpu.memory_space<hbm>>) target(%arg11 : memref<64x128xf32, #tpu.memory_space<vmem>>) offsets(%dma_start3A_21 : memref<64xi32, #tpu.memory_space<vmem>>) semaphore(%arg18 : memref<!tpu.dma_semaphore, #tpu.memory_space<semaphore_mem>>)
    %dma_start3A_25 = arith.constant 0 : i32
    %dma_start3A_26 = tpu.memref_slice %arg8[%dma_start3A_25] : memref<512xi32, #tpu.memory_space<vmem>> -> memref<64xi32, #tpu.memory_space<vmem>>
    %dma_start3A_27 = arith.constant 0 : i32
    %dma_start3A_28 = arith.constant 0 : i32
    %dma_start3A_29 = tpu.memref_slice %arg5[%dma_start3A_27, %dma_start3A_28] : memref<28436x128xf32, #tpu.memory_space<hbm>> -> memref<28436x128xf32, #tpu.memory_space<hbm>>
    tpu.enqueue_indirect_dma source(%dma_start3A_29 : memref<28436x128xf32, #tpu.memory_space<hbm>>) target(%arg12 : memref<64x128xf32, #tpu.memory_space<vmem>>) offsets(%dma_start3A_26 : memref<64xi32, #tpu.memory_space<vmem>>) semaphore(%arg18 : memref<!tpu.dma_semaphore, #tpu.memory_space<semaphore_mem>>)
    %dma_start3A_30 = arith.constant 64 : i32
    %dma_start3A_31 = tpu.memref_slice %arg7[%dma_start3A_30] : memref<512xi32, #tpu.memory_space<vmem>> -> memref<64xi32, #tpu.memory_space<vmem>>
    %dma_start3A_32 = arith.constant 0 : i32
    %dma_start3A_33 = arith.constant 0 : i32
    %dma_start3A_34 = tpu.memref_slice %arg4[%dma_start3A_32, %dma_start3A_33] : memref<28436x300xf32, #tpu.memory_space<hbm>> -> memref<28436x256xf32, #tpu.memory_space<hbm>>
    tpu.enqueue_indirect_dma source(%dma_start3A_34 : memref<28436x256xf32, #tpu.memory_space<hbm>>) target(%arg13 : memref<64x256xf32, #tpu.memory_space<vmem>>) offsets(%dma_start3A_31 : memref<64xi32, #tpu.memory_space<vmem>>) semaphore(%arg19 : memref<!tpu.dma_semaphore, #tpu.memory_space<semaphore_mem>>)
    %dma_start3A_35 = arith.constant 64 : i32
    %dma_start3A_36 = tpu.memref_slice %arg8[%dma_start3A_35] : memref<512xi32, #tpu.memory_space<vmem>> -> memref<64xi32, #tpu.memory_space<vmem>>
    %dma_start3A_37 = arith.constant 0 : i32
    %dma_start3A_38 = arith.constant 0 : i32
    %dma_start3A_39 = tpu.memref_slice %arg4[%dma_start3A_37, %dma_start3A_38] : memref<28436x300xf32, #tpu.memory_space<hbm>> -> memref<28436x256xf32, #tpu.memory_space<hbm>>
    tpu.enqueue_indirect_dma source(%dma_start3A_39 : memref<28436x256xf32, #tpu.memory_space<hbm>>) target(%arg14 : memref<64x256xf32, #tpu.memory_space<vmem>>) offsets(%dma_start3A_36 : memref<64xi32, #tpu.memory_space<vmem>>) semaphore(%arg19 : memref<!tpu.dma_semaphore, #tpu.memory_space<semaphore_mem>>)
    %dma_start3A_40 = arith.constant 64 : i32
    %dma_start3A_41 = tpu.memref_slice %arg7[%dma_start3A_40] : memref<512xi32, #tpu.memory_space<vmem>> -> memref<64xi32, #tpu.memory_space<vmem>>
    %dma_start3A_42 = arith.constant 0 : i32
    %dma_start3A_43 = arith.constant 0 : i32
    %dma_start3A_44 = tpu.memref_slice %arg5[%dma_start3A_42, %dma_start3A_43] : memref<28436x128xf32, #tpu.memory_space<hbm>> -> memref<28436x128xf32, #tpu.memory_space<hbm>>
    tpu.enqueue_indirect_dma source(%dma_start3A_44 : memref<28436x128xf32, #tpu.memory_space<hbm>>) target(%arg15 : memref<64x128xf32, #tpu.memory_space<vmem>>) offsets(%dma_start3A_41 : memref<64xi32, #tpu.memory_space<vmem>>) semaphore(%arg19 : memref<!tpu.dma_semaphore, #tpu.memory_space<semaphore_mem>>)
    %dma_start3A_45 = arith.constant 64 : i32
    %dma_start3A_46 = tpu.memref_slice %arg8[%dma_start3A_45] : memref<512xi32, #tpu.memory_space<vmem>> -> memref<64xi32, #tpu.memory_space<vmem>>
    %dma_start3A_47 = arith.constant 0 : i32
    %dma_start3A_48 = arith.constant 0 : i32
    %dma_start3A_49 = tpu.memref_slice %arg5[%dma_start3A_47, %dma_start3A_48] : memref<28436x128xf32, #tpu.memory_space<hbm>> -> memref<28436x128xf32, #tpu.memory_space<hbm>>
    tpu.enqueue_indirect_dma source(%dma_start3A_49 : memref<28436x128xf32, #tpu.memory_space<hbm>>) target(%arg16 : memref<64x128xf32, #tpu.memory_space<vmem>>) offsets(%dma_start3A_46 : memref<64xi32, #tpu.memory_space<vmem>>) semaphore(%arg19 : memref<!tpu.dma_semaphore, #tpu.memory_space<semaphore_mem>>)
    %dma_wait3A_50 = arith.constant 0 : i32
    %dma_wait3A_51 = tpu.memref_slice %arg7[%dma_wait3A_50] : memref<512xi32, #tpu.memory_space<vmem>> -> memref<64xi32, #tpu.memory_space<vmem>>
    %dma_wait3A_52 = arith.constant 0 : i32
    %dma_wait3A_53 = arith.constant 0 : i32
    %dma_wait3A_54 = tpu.memref_slice %arg4[%dma_wait3A_52, %dma_wait3A_53] : memref<28436x300xf32, #tpu.memory_space<hbm>> -> memref<28436x256xf32, #tpu.memory_space<hbm>>
    tpu.wait_indirect_dma semaphore(%arg18 : memref<!tpu.dma_semaphore, #tpu.memory_space<semaphore_mem>>) src(%dma_wait3A_54 : memref<28436x256xf32, #tpu.memory_space<hbm>>) dst(%arg9 : memref<64x256xf32, #tpu.memory_space<vmem>>)
    %dma_wait3A_55 = arith.constant 0 : i32
    %dma_wait3A_56 = tpu.memref_slice %arg8[%dma_wait3A_55] : memref<512xi32, #tpu.memory_space<vmem>> -> memref<64xi32, #tpu.memory_space<vmem>>
    %dma_wait3A_57 = arith.constant 0 : i32
    %dma_wait3A_58 = arith.constant 0 : i32
    %dma_wait3A_59 = tpu.memref_slice %arg4[%dma_wait3A_57, %dma_wait3A_58] : memref<28436x300xf32, #tpu.memory_space<hbm>> -> memref<28436x256xf32, #tpu.memory_space<hbm>>
    tpu.wait_indirect_dma semaphore(%arg18 : memref<!tpu.dma_semaphore, #tpu.memory_space<semaphore_mem>>) src(%dma_wait3A_59 : memref<28436x256xf32, #tpu.memory_space<hbm>>) dst(%arg10 : memref<64x256xf32, #tpu.memory_space<vmem>>)
    %dma_wait3A_60 = arith.constant 0 : i32
    %dma_wait3A_61 = tpu.memref_slice %arg7[%dma_wait3A_60] : memref<512xi32, #tpu.memory_space<vmem>> -> memref<64xi32, #tpu.memory_space<vmem>>
    %dma_wait3A_62 = arith.constant 0 : i32
    %dma_wait3A_63 = arith.constant 0 : i32
    %dma_wait3A_64 = tpu.memref_slice %arg5[%dma_wait3A_62, %dma_wait3A_63] : memref<28436x128xf32, #tpu.memory_space<hbm>> -> memref<28436x128xf32, #tpu.memory_space<hbm>>
    tpu.wait_indirect_dma semaphore(%arg18 : memref<!tpu.dma_semaphore, #tpu.memory_space<semaphore_mem>>) src(%dma_wait3A_64 : memref<28436x128xf32, #tpu.memory_space<hbm>>) dst(%arg11 : memref<64x128xf32, #tpu.memory_space<vmem>>)
    %dma_wait3A_65 = arith.constant 0 : i32
    %dma_wait3A_66 = tpu.memref_slice %arg8[%dma_wait3A_65] : memref<512xi32, #tpu.memory_space<vmem>> -> memref<64xi32, #tpu.memory_space<vmem>>
    %dma_wait3A_67 = arith.constant 0 : i32
    %dma_wait3A_68 = arith.constant 0 : i32
    %dma_wait3A_69 = tpu.memref_slice %arg5[%dma_wait3A_67, %dma_wait3A_68] : memref<28436x128xf32, #tpu.memory_space<hbm>> -> memref<28436x128xf32, #tpu.memory_space<hbm>>
    tpu.wait_indirect_dma semaphore(%arg18 : memref<!tpu.dma_semaphore, #tpu.memory_space<semaphore_mem>>) src(%dma_wait3A_69 : memref<28436x128xf32, #tpu.memory_space<hbm>>) dst(%arg12 : memref<64x128xf32, #tpu.memory_space<vmem>>)
    %scan3A = arith.constant 0 : i32
    %scan3A_70 = arith.constant 64 : i32
    %scan3A_71 = arith.addi %scan3A, %scan3A_70 : i32
    %scan3A_72 = arith.constant 1 : i32
    %scan3A_73 = scf.for %scan3A_910 = %scan3A to %scan3A_71 step %scan3A_72 iter_args(%scan3A_911 = %broadcast_in_dim3A_9) -> (vector<16xf32>)  : i32 {
      %get3A = arith.index_cast %scan3A_910 : i32 to index
      %get3A_912 = arith.constant 0 : index
      %get3A_913 = tpu.vector_load %arg9[%get3A, %get3A_912] {strides = array<i32>} : memref<64x256xf32, #tpu.memory_space<vmem>>, vector<1x16xf32>,
      %get3A_914 = vector.shape_cast %get3A_913 : vector<1x16xf32> to vector<16xf32>
      %get3A_915 = arith.index_cast %scan3A_910 : i32 to index
      %get3A_916 = arith.constant 0 : index
      %get3A_917 = tpu.vector_load %arg10[%get3A_915, %get3A_916] {strides = array<i32>} : memref<64x256xf32, #tpu.memory_space<vmem>>, vector<1x16xf32>,
      %get3A_918 = vector.shape_cast %get3A_917 : vector<1x16xf32> to vector<16xf32>
      %mul3A_919 = arith.mulf %get3A_914, %get3A_918 : vector<16xf32>
      %add3A_920 = arith.addf %scan3A_911, %mul3A_919 : vector<16xf32>
      %get3A_921 = arith.index_cast %scan3A_910 : i32 to index
      %get3A_922 = arith.constant 16 : index
      %get3A_923 = tpu.vector_load %arg9[%get3A_921, %get3A_922] {strides = array<i32>} : memref<64x256xf32, #tpu.memory_space<vmem>>, vector<1x16xf32>,
      %get3A_924 = vector.shape_cast %get3A_923 : vector<1x16xf32> to vector<16xf32>
      %get3A_925 = arith.index_cast %scan3A_910 : i32 to index
      %get3A_926 = arith.constant 16 : index
      %get3A_927 = tpu.vector_load %arg10[%get3A_925, %get3A_926] {strides = array<i32>} : memref<64x256xf32, #tpu.memory_space<vmem>>, vector<1x16xf32>,
      %get3A_928 = vector.shape_cast %get3A_927 : vector<1x16xf32> to vector<16xf32>
      %mul3A_929 = arith.mulf %get3A_924, %get3A_928 : vector<16xf32>
      %add3A_930 = arith.addf %add3A_920, %mul3A_929 : vector<16xf32>
      %get3A_931 = arith.index_cast %scan3A_910 : i32 to index
      %get3A_932 = arith.constant 32 : index
      %get3A_933 = tpu.vector_load %arg9[%get3A_931, %get3A_932] {strides = array<i32>} : memref<64x256xf32, #tpu.memory_space<vmem>>, vector<1x16xf32>,
      %get3A_934 = vector.shape_cast %get3A_933 : vector<1x16xf32> to vector<16xf32>
      %get3A_935 = arith.index_cast %scan3A_910 : i32 to index
      %get3A_936 = arith.constant 32 : index
      %get3A_937 = tpu.vector_load %arg10[%get3A_935, %get3A_936] {strides = array<i32>} : memref<64x256xf32, #tpu.memory_space<vmem>>, vector<1x16xf32>,
      %get3A_938 = vector.shape_cast %get3A_937 : vector<1x16xf32> to vector<16xf32>
      %mul3A_939 = arith.mulf %get3A_934, %get3A_938 : vector<16xf32>
      %add3A_940 = arith.addf %add3A_930, %mul3A_939 : vector<16xf32>
      %get3A_941 = arith.index_cast %scan3A_910 : i32 to index
      %get3A_942 = arith.constant 48 : index
      %get3A_943 = tpu.vector_load %arg9[%get3A_941, %get3A_942] {strides = array<i32>} : memref<64x256xf32, #tpu.memory_space<vmem>>, vector<1x16xf32>,
      %get3A_944 = vector.shape_cast %get3A_943 : vector<1x16xf32> to vector<16xf32>
      %get3A_945 = arith.index_cast %scan3A_910 : i32 to index
      %get3A_946 = arith.constant 48 : index
      %get3A_947 = tpu.vector_load %arg10[%get3A_945, %get3A_946] {strides = array<i32>} : memref<64x256xf32, #tpu.memory_space<vmem>>, vector<1x16xf32>,
      %get3A_948 = vector.shape_cast %get3A_947 : vector<1x16xf32> to vector<16xf32>
      %mul3A_949 = arith.mulf %get3A_944, %get3A_948 : vector<16xf32>
      %add3A_950 = arith.addf %add3A_940, %mul3A_949 : vector<16xf32>
      %get3A_951 = arith.index_cast %scan3A_910 : i32 to index
      %get3A_952 = arith.constant 64 : index
      %get3A_953 = tpu.vector_load %arg9[%get3A_951, %get3A_952] {strides = array<i32>} : memref<64x256xf32, #tpu.memory_space<vmem>>, vector<1x16xf32>,
      %get3A_954 = vector.shape_cast %get3A_953 : vector<1x16xf32> to vector<16xf32>
      %get3A_955 = arith.index_cast %scan3A_910 : i32 to index
      %get3A_956 = arith.constant 64 : index
      %get3A_957 = tpu.vector_load %arg10[%get3A_955, %get3A_956] {strides = array<i32>} : memref<64x256xf32, #tpu.memory_space<vmem>>, vector<1x16xf32>,
      %get3A_958 = vector.shape_cast %get3A_957 : vector<1x16xf32> to vector<16xf32>
      %mul3A_959 = arith.mulf %get3A_954, %get3A_958 : vector<16xf32>
      %add3A_960 = arith.addf %add3A_950, %mul3A_959 : vector<16xf32>
      %get3A_961 = arith.index_cast %scan3A_910 : i32 to index
      %get3A_962 = arith.constant 80 : index
      %get3A_963 = tpu.vector_load %arg9[%get3A_961, %get3A_962] {strides = array<i32>} : memref<64x256xf32, #tpu.memory_space<vmem>>, vector<1x16xf32>,
      %get3A_964 = vector.shape_cast %get3A_963 : vector<1x16xf32> to vector<16xf32>
      %get3A_965 = arith.index_cast %scan3A_910 : i32 to index
      %get3A_966 = arith.constant 80 : index
      %get3A_967 = tpu.vector_load %arg10[%get3A_965, %get3A_966] {strides = array<i32>} : memref<64x256xf32, #tpu.memory_space<vmem>>, vector<1x16xf32>,
      %get3A_968 = vector.shape_cast %get3A_967 : vector<1x16xf32> to vector<16xf32>
      %mul3A_969 = arith.mulf %get3A_964, %get3A_968 : vector<16xf32>
      %add3A_970 = arith.addf %add3A_960, %mul3A_969 : vector<16xf32>
      %get3A_971 = arith.index_cast %scan3A_910 : i32 to index
      %get3A_972 = arith.constant 96 : index
      %get3A_973 = tpu.vector_load %arg9[%get3A_971, %get3A_972] {strides = array<i32>} : memref<64x256xf32, #tpu.memory_space<vmem>>, vector<1x16xf32>,
      %get3A_974 = vector.shape_cast %get3A_973 : vector<1x16xf32> to vector<16xf32>
      %get3A_975 = arith.index_cast %scan3A_910 : i32 to index
      %get3A_976 = arith.constant 96 : index
      %get3A_977 = tpu.vector_load %arg10[%get3A_975, %get3A_976] {strides = array<i32>} : memref<64x256xf32, #tpu.memory_space<vmem>>, vector<1x16xf32>,
      %get3A_978 = vector.shape_cast %get3A_977 : vector<1x16xf32> to vector<16xf32>
      %mul3A_979 = arith.mulf %get3A_974, %get3A_978 : vector<16xf32>
      %add3A_980 = arith.addf %add3A_970, %mul3A_979 : vector<16xf32>
      %get3A_981 = arith.index_cast %scan3A_910 : i32 to index
      %get3A_982 = arith.constant 112 : index
      %get3A_983 = tpu.vector_load %arg9[%get3A_981, %get3A_982] {strides = array<i32>} : memref<64x256xf32, #tpu.memory_space<vmem>>, vector<1x16xf32>,
      %get3A_984 = vector.shape_cast %get3A_983 : vector<1x16xf32> to vector<16xf32>
      %get3A_985 = arith.index_cast %scan3A_910 : i32 to index
      %get3A_986 = arith.constant 112 : index
      %get3A_987 = tpu.vector_load %arg10[%get3A_985, %get3A_986] {strides = array<i32>} : memref<64x256xf32, #tpu.memory_space<vmem>>, vector<1x16xf32>,
      %get3A_988 = vector.shape_cast %get3A_987 : vector<1x16xf32> to vector<16xf32>
      %mul3A_989 = arith.mulf %get3A_984, %get3A_988 : vector<16xf32>
      %add3A_990 = arith.addf %add3A_980, %mul3A_989 : vector<16xf32>
      %get3A_991 = arith.index_cast %scan3A_910 : i32 to index
      %get3A_992 = arith.constant 128 : index
      %get3A_993 = tpu.vector_load %arg9[%get3A_991, %get3A_992] {strides = array<i32>} : memref<64x256xf32, #tpu.memory_space<vmem>>, vector<1x16xf32>,
      %get3A_994 = vector.shape_cast %get3A_993 : vector<1x16xf32> to vector<16xf32>
      %get3A_995 = arith.index_cast %scan3A_910 : i32 to index
      %get3A_996 = arith.constant 128 : index
      %get3A_997 = tpu.vector_load %arg10[%get3A_995, %get3A_996] {strides = array<i32>} : memref<64x256xf32, #tpu.memory_space<vmem>>, vector<1x16xf32>,
      %get3A_998 = vector.shape_cast %get3A_997 : vector<1x16xf32> to vector<16xf32>
      %mul3A_999 = arith.mulf %get3A_994, %get3A_998 : vector<16xf32>
      %add3A_1000 = arith.addf %add3A_990, %mul3A_999 : vector<16xf32>
      %get3A_1001 = arith.index_cast %scan3A_910 : i32 to index
      %get3A_1002 = arith.constant 144 : index
      %get3A_1003 = tpu.vector_load %arg9[%get3A_1001, %get3A_1002] {strides = array<i32>} : memref<64x256xf32, #tpu.memory_space<vmem>>, vector<1x16xf32>,
      %get3A_1004 = vector.shape_cast %get3A_1003 : vector<1x16xf32> to vector<16xf32>
      %get3A_1005 = arith.index_cast %scan3A_910 : i32 to index
      %get3A_1006 = arith.constant 144 : index
      %get3A_1007 = tpu.vector_load %arg10[%get3A_1005, %get3A_1006] {strides = array<i32>} : memref<64x256xf32, #tpu.memory_space<vmem>>, vector<1x16xf32>,
      %get3A_1008 = vector.shape_cast %get3A_1007 : vector<1x16xf32> to vector<16xf32>
      %mul3A_1009 = arith.mulf %get3A_1004, %get3A_1008 : vector<16xf32>
      %add3A_1010 = arith.addf %add3A_1000, %mul3A_1009 : vector<16xf32>
      %get3A_1011 = arith.index_cast %scan3A_910 : i32 to index
      %get3A_1012 = arith.constant 160 : index
      %get3A_1013 = tpu.vector_load %arg9[%get3A_1011, %get3A_1012] {strides = array<i32>} : memref<64x256xf32, #tpu.memory_space<vmem>>, vector<1x16xf32>,
      %get3A_1014 = vector.shape_cast %get3A_1013 : vector<1x16xf32> to vector<16xf32>
      %get3A_1015 = arith.index_cast %scan3A_910 : i32 to index
      %get3A_1016 = arith.constant 160 : index
      %get3A_1017 = tpu.vector_load %arg10[%get3A_1015, %get3A_1016] {strides = array<i32>} : memref<64x256xf32, #tpu.memory_space<vmem>>, vector<1x16xf32>,
      %get3A_1018 = vector.shape_cast %get3A_1017 : vector<1x16xf32> to vector<16xf32>
      %mul3A_1019 = arith.mulf %get3A_1014, %get3A_1018 : vector<16xf32>
      %add3A_1020 = arith.addf %add3A_1010, %mul3A_1019 : vector<16xf32>
      %get3A_1021 = arith.index_cast %scan3A_910 : i32 to index
      %get3A_1022 = arith.constant 176 : index
      %get3A_1023 = tpu.vector_load %arg9[%get3A_1021, %get3A_1022] {strides = array<i32>} : memref<64x256xf32, #tpu.memory_space<vmem>>, vector<1x16xf32>,
      %get3A_1024 = vector.shape_cast %get3A_1023 : vector<1x16xf32> to vector<16xf32>
      %get3A_1025 = arith.index_cast %scan3A_910 : i32 to index
      %get3A_1026 = arith.constant 176 : index
      %get3A_1027 = tpu.vector_load %arg10[%get3A_1025, %get3A_1026] {strides = array<i32>} : memref<64x256xf32, #tpu.memory_space<vmem>>, vector<1x16xf32>,
      %get3A_1028 = vector.shape_cast %get3A_1027 : vector<1x16xf32> to vector<16xf32>
      %mul3A_1029 = arith.mulf %get3A_1024, %get3A_1028 : vector<16xf32>
      %add3A_1030 = arith.addf %add3A_1020, %mul3A_1029 : vector<16xf32>
      %get3A_1031 = arith.index_cast %scan3A_910 : i32 to index
      %get3A_1032 = arith.constant 192 : index
      %get3A_1033 = tpu.vector_load %arg9[%get3A_1031, %get3A_1032] {strides = array<i32>} : memref<64x256xf32, #tpu.memory_space<vmem>>, vector<1x16xf32>,
      %get3A_1034 = vector.shape_cast %get3A_1033 : vector<1x16xf32> to vector<16xf32>
      %get3A_1035 = arith.index_cast %scan3A_910 : i32 to index
      %get3A_1036 = arith.constant 192 : index
      %get3A_1037 = tpu.vector_load %arg10[%get3A_1035, %get3A_1036] {strides = array<i32>} : memref<64x256xf32, #tpu.memory_space<vmem>>, vector<1x16xf32>,
      %get3A_1038 = vector.shape_cast %get3A_1037 : vector<1x16xf32> to vector<16xf32>
      %mul3A_1039 = arith.mulf %get3A_1034, %get3A_1038 : vector<16xf32>
      %add3A_1040 = arith.addf %add3A_1030, %mul3A_1039 : vector<16xf32>
      %get3A_1041 = arith.index_cast %scan3A_910 : i32 to index
      %get3A_1042 = arith.constant 208 : index
      %get3A_1043 = tpu.vector_load %arg9[%get3A_1041, %get3A_1042] {strides = array<i32>} : memref<64x256xf32, #tpu.memory_space<vmem>>, vector<1x16xf32>,
      %get3A_1044 = vector.shape_cast %get3A_1043 : vector<1x16xf32> to vector<16xf32>
      %get3A_1045 = arith.index_cast %scan3A_910 : i32 to index
      %get3A_1046 = arith.constant 208 : index
      %get3A_1047 = tpu.vector_load %arg10[%get3A_1045, %get3A_1046] {strides = array<i32>} : memref<64x256xf32, #tpu.memory_space<vmem>>, vector<1x16xf32>,
      %get3A_1048 = vector.shape_cast %get3A_1047 : vector<1x16xf32> to vector<16xf32>
      %mul3A_1049 = arith.mulf %get3A_1044, %get3A_1048 : vector<16xf32>
      %add3A_1050 = arith.addf %add3A_1040, %mul3A_1049 : vector<16xf32>
      %get3A_1051 = arith.index_cast %scan3A_910 : i32 to index
      %get3A_1052 = arith.constant 224 : index
      %get3A_1053 = tpu.vector_load %arg9[%get3A_1051, %get3A_1052] {strides = array<i32>} : memref<64x256xf32, #tpu.memory_space<vmem>>, vector<1x16xf32>,
      %get3A_1054 = vector.shape_cast %get3A_1053 : vector<1x16xf32> to vector<16xf32>
      %get3A_1055 = arith.index_cast %scan3A_910 : i32 to index
      %get3A_1056 = arith.constant 224 : index
      %get3A_1057 = tpu.vector_load %arg10[%get3A_1055, %get3A_1056] {strides = array<i32>} : memref<64x256xf32, #tpu.memory_space<vmem>>, vector<1x16xf32>,
      %get3A_1058 = vector.shape_cast %get3A_1057 : vector<1x16xf32> to vector<16xf32>
      %mul3A_1059 = arith.mulf %get3A_1054, %get3A_1058 : vector<16xf32>
      %add3A_1060 = arith.addf %add3A_1050, %mul3A_1059 : vector<16xf32>
      %get3A_1061 = arith.index_cast %scan3A_910 : i32 to index
      %get3A_1062 = arith.constant 240 : index
      %get3A_1063 = tpu.vector_load %arg9[%get3A_1061, %get3A_1062] {strides = array<i32>} : memref<64x256xf32, #tpu.memory_space<vmem>>, vector<1x16xf32>,
      %get3A_1064 = vector.shape_cast %get3A_1063 : vector<1x16xf32> to vector<16xf32>
      %get3A_1065 = arith.index_cast %scan3A_910 : i32 to index
      %get3A_1066 = arith.constant 240 : index
      %get3A_1067 = tpu.vector_load %arg10[%get3A_1065, %get3A_1066] {strides = array<i32>} : memref<64x256xf32, #tpu.memory_space<vmem>>, vector<1x16xf32>,
      %get3A_1068 = vector.shape_cast %get3A_1067 : vector<1x16xf32> to vector<16xf32>
      %mul3A_1069 = arith.mulf %get3A_1064, %get3A_1068 : vector<16xf32>
      %add3A_1070 = arith.addf %add3A_1060, %mul3A_1069 : vector<16xf32>
      %get3A_1071 = arith.index_cast %scan3A_910 : i32 to index
      %get3A_1072 = arith.constant 0 : index
      %get3A_1073 = tpu.vector_load %arg11[%get3A_1071, %get3A_1072] {strides = array<i32>} : memref<64x128xf32, #tpu.memory_space<vmem>>, vector<1x16xf32>,
      %get3A_1074 = vector.shape_cast %get3A_1073 : vector<1x16xf32> to vector<16xf32>
      %get3A_1075 = arith.index_cast %scan3A_910 : i32 to index
      %get3A_1076 = arith.constant 0 : index
      %get3A_1077 = tpu.vector_load %arg12[%get3A_1075, %get3A_1076] {strides = array<i32>} : memref<64x128xf32, #tpu.memory_space<vmem>>, vector<1x16xf32>,
      %get3A_1078 = vector.shape_cast %get3A_1077 : vector<1x16xf32> to vector<16xf32>
      %mul3A_1079 = arith.mulf %get3A_1074, %get3A_1078 : vector<16xf32>
      %add3A_1080 = arith.addf %add3A_1070, %mul3A_1079 : vector<16xf32>
      %get3A_1081 = arith.index_cast %scan3A_910 : i32 to index
      %get3A_1082 = arith.constant 16 : index
      %get3A_1083 = tpu.vector_load %arg11[%get3A_1081, %get3A_1082] {strides = array<i32>} : memref<64x128xf32, #tpu.memory_space<vmem>>, vector<1x16xf32>,
      %get3A_1084 = vector.shape_cast %get3A_1083 : vector<1x16xf32> to vector<16xf32>
      %get3A_1085 = arith.index_cast %scan3A_910 : i32 to index
      %get3A_1086 = arith.constant 16 : index
      %get3A_1087 = tpu.vector_load %arg12[%get3A_1085, %get3A_1086] {strides = array<i32>} : memref<64x128xf32, #tpu.memory_space<vmem>>, vector<1x16xf32>,
      %get3A_1088 = vector.shape_cast %get3A_1087 : vector<1x16xf32> to vector<16xf32>
      %mul3A_1089 = arith.mulf %get3A_1084, %get3A_1088 : vector<16xf32>
      %add3A_1090 = arith.addf %add3A_1080, %mul3A_1089 : vector<16xf32>
      %get3A_1091 = arith.index_cast %scan3A_910 : i32 to index
      %get3A_1092 = arith.constant 32 : index
      %get3A_1093 = tpu.vector_load %arg11[%get3A_1091, %get3A_1092] {strides = array<i32>} : memref<64x128xf32, #tpu.memory_space<vmem>>, vector<1x16xf32>,
      %get3A_1094 = vector.shape_cast %get3A_1093 : vector<1x16xf32> to vector<16xf32>
      %get3A_1095 = arith.index_cast %scan3A_910 : i32 to index
      %get3A_1096 = arith.constant 32 : index
      %get3A_1097 = tpu.vector_load %arg12[%get3A_1095, %get3A_1096] {strides = array<i32>} : memref<64x128xf32, #tpu.memory_space<vmem>>, vector<1x16xf32>,
      %get3A_1098 = vector.shape_cast %get3A_1097 : vector<1x16xf32> to vector<16xf32>
      %mul3A_1099 = arith.mulf %get3A_1094, %get3A_1098 : vector<16xf32>
      %add3A_1100 = arith.addf %add3A_1090, %mul3A_1099 : vector<16xf32>
      scf.yield %add3A_1100 : vector<16xf32>
    }
    %scan3A_74 = arith.constant 64 : i32
    %dma_start3A_75 = arith.constant 128 : i32
    %dma_start3A_76 = tpu.memref_slice %arg7[%dma_start3A_75] : memref<512xi32, #tpu.memory_space<vmem>> -> memref<64xi32, #tpu.memory_space<vmem>>
    %dma_start3A_77 = arith.constant 0 : i32
    %dma_start3A_78 = arith.constant 0 : i32
    %dma_start3A_79 = tpu.memref_slice %arg4[%dma_start3A_77, %dma_start3A_78] : memref<28436x300xf32, #tpu.memory_space<hbm>> -> memref<28436x256xf32, #tpu.memory_space<hbm>>
    tpu.enqueue_indirect_dma source(%dma_start3A_79 : memref<28436x256xf32, #tpu.memory_space<hbm>>) target(%arg9 : memref<64x256xf32, #tpu.memory_space<vmem>>) offsets(%dma_start3A_76 : memref<64xi32, #tpu.memory_space<vmem>>) semaphore(%arg18 : memref<!tpu.dma_semaphore, #tpu.memory_space<semaphore_mem>>)
    %dma_start3A_80 = arith.constant 128 : i32
    %dma_start3A_81 = tpu.memref_slice %arg8[%dma_start3A_80] : memref<512xi32, #tpu.memory_space<vmem>> -> memref<64xi32, #tpu.memory_space<vmem>>
    %dma_start3A_82 = arith.constant 0 : i32
    %dma_start3A_83 = arith.constant 0 : i32
    %dma_start3A_84 = tpu.memref_slice %arg4[%dma_start3A_82, %dma_start3A_83] : memref<28436x300xf32, #tpu.memory_space<hbm>> -> memref<28436x256xf32, #tpu.memory_space<hbm>>
    tpu.enqueue_indirect_dma source(%dma_start3A_84 : memref<28436x256xf32, #tpu.memory_space<hbm>>) target(%arg10 : memref<64x256xf32, #tpu.memory_space<vmem>>) offsets(%dma_start3A_81 : memref<64xi32, #tpu.memory_space<vmem>>) semaphore(%arg18 : memref<!tpu.dma_semaphore, #tpu.memory_space<semaphore_mem>>)
    %dma_start3A_85 = arith.constant 128 : i32
    %dma_start3A_86 = tpu.memref_slice %arg7[%dma_start3A_85] : memref<512xi32, #tpu.memory_space<vmem>> -> memref<64xi32, #tpu.memory_space<vmem>>
    %dma_start3A_87 = arith.constant 0 : i32
    %dma_start3A_88 = arith.constant 0 : i32
    %dma_start3A_89 = tpu.memref_slice %arg5[%dma_start3A_87, %dma_start3A_88] : memref<28436x128xf32, #tpu.memory_space<hbm>> -> memref<28436x128xf32, #tpu.memory_space<hbm>>
    tpu.enqueue_indirect_dma source(%dma_start3A_89 : memref<28436x128xf32, #tpu.memory_space<hbm>>) target(%arg11 : memref<64x128xf32, #tpu.memory_space<vmem>>) offsets(%dma_start3A_86 : memref<64xi32, #tpu.memory_space<vmem>>) semaphore(%arg18 : memref<!tpu.dma_semaphore, #tpu.memory_space<semaphore_mem>>)
    %dma_start3A_90 = arith.constant 128 : i32
    %dma_start3A_91 = tpu.memref_slice %arg8[%dma_start3A_90] : memref<512xi32, #tpu.memory_space<vmem>> -> memref<64xi32, #tpu.memory_space<vmem>>
    %dma_start3A_92 = arith.constant 0 : i32
    %dma_start3A_93 = arith.constant 0 : i32
    %dma_start3A_94 = tpu.memref_slice %arg5[%dma_start3A_92, %dma_start3A_93] : memref<28436x128xf32, #tpu.memory_space<hbm>> -> memref<28436x128xf32, #tpu.memory_space<hbm>>
    tpu.enqueue_indirect_dma source(%dma_start3A_94 : memref<28436x128xf32, #tpu.memory_space<hbm>>) target(%arg12 : memref<64x128xf32, #tpu.memory_space<vmem>>) offsets(%dma_start3A_91 : memref<64xi32, #tpu.memory_space<vmem>>) semaphore(%arg18 : memref<!tpu.dma_semaphore, #tpu.memory_space<semaphore_mem>>)
    %dma_wait3A_95 = arith.constant 64 : i32
    %dma_wait3A_96 = tpu.memref_slice %arg7[%dma_wait3A_95] : memref<512xi32, #tpu.memory_space<vmem>> -> memref<64xi32, #tpu.memory_space<vmem>>
    %dma_wait3A_97 = arith.constant 0 : i32
    %dma_wait3A_98 = arith.constant 0 : i32
    %dma_wait3A_99 = tpu.memref_slice %arg4[%dma_wait3A_97, %dma_wait3A_98] : memref<28436x300xf32, #tpu.memory_space<hbm>> -> memref<28436x256xf32, #tpu.memory_space<hbm>>
    tpu.wait_indirect_dma semaphore(%arg19 : memref<!tpu.dma_semaphore, #tpu.memory_space<semaphore_mem>>) src(%dma_wait3A_99 : memref<28436x256xf32, #tpu.memory_space<hbm>>) dst(%arg13 : memref<64x256xf32, #tpu.memory_space<vmem>>)
    %dma_wait3A_100 = arith.constant 64 : i32
    %dma_wait3A_101 = tpu.memref_slice %arg8[%dma_wait3A_100] : memref<512xi32, #tpu.memory_space<vmem>> -> memref<64xi32, #tpu.memory_space<vmem>>
    %dma_wait3A_102 = arith.constant 0 : i32
    %dma_wait3A_103 = arith.constant 0 : i32
    %dma_wait3A_104 = tpu.memref_slice %arg4[%dma_wait3A_102, %dma_wait3A_103] : memref<28436x300xf32, #tpu.memory_space<hbm>> -> memref<28436x256xf32, #tpu.memory_space<hbm>>
    tpu.wait_indirect_dma semaphore(%arg19 : memref<!tpu.dma_semaphore, #tpu.memory_space<semaphore_mem>>) src(%dma_wait3A_104 : memref<28436x256xf32, #tpu.memory_space<hbm>>) dst(%arg14 : memref<64x256xf32, #tpu.memory_space<vmem>>)
    %dma_wait3A_105 = arith.constant 64 : i32
    %dma_wait3A_106 = tpu.memref_slice %arg7[%dma_wait3A_105] : memref<512xi32, #tpu.memory_space<vmem>> -> memref<64xi32, #tpu.memory_space<vmem>>
    %dma_wait3A_107 = arith.constant 0 : i32
    %dma_wait3A_108 = arith.constant 0 : i32
    %dma_wait3A_109 = tpu.memref_slice %arg5[%dma_wait3A_107, %dma_wait3A_108] : memref<28436x128xf32, #tpu.memory_space<hbm>> -> memref<28436x128xf32, #tpu.memory_space<hbm>>
    tpu.wait_indirect_dma semaphore(%arg19 : memref<!tpu.dma_semaphore, #tpu.memory_space<semaphore_mem>>) src(%dma_wait3A_109 : memref<28436x128xf32, #tpu.memory_space<hbm>>) dst(%arg15 : memref<64x128xf32, #tpu.memory_space<vmem>>)
    %dma_wait3A_110 = arith.constant 64 : i32
    %dma_wait3A_111 = tpu.memref_slice %arg8[%dma_wait3A_110] : memref<512xi32, #tpu.memory_space<vmem>> -> memref<64xi32, #tpu.memory_space<vmem>>
    %dma_wait3A_112 = arith.constant 0 : i32
    %dma_wait3A_113 = arith.constant 0 : i32
    %dma_wait3A_114 = tpu.memref_slice %arg5[%dma_wait3A_112, %dma_wait3A_113] : memref<28436x128xf32, #tpu.memory_space<hbm>> -> memref<28436x128xf32, #tpu.memory_space<hbm>>
    tpu.wait_indirect_dma semaphore(%arg19 : memref<!tpu.dma_semaphore, #tpu.memory_space<semaphore_mem>>) src(%dma_wait3A_114 : memref<28436x128xf32, #tpu.memory_space<hbm>>) dst(%arg16 : memref<64x128xf32, #tpu.memory_space<vmem>>)
    %scan3A_115 = arith.constant 0 : i32
    %scan3A_116 = arith.constant 64 : i32
    %scan3A_117 = arith.addi %scan3A_115, %scan3A_116 : i32
    %scan3A_118 = arith.constant 1 : i32
    %scan3A_119 = scf.for %scan3A_910 = %scan3A_115 to %scan3A_117 step %scan3A_118 iter_args(%scan3A_911 = %scan3A_73) -> (vector<16xf32>)  : i32 {
      %get3A = arith.index_cast %scan3A_910 : i32 to index
      %get3A_912 = arith.constant 0 : index
      %get3A_913 = tpu.vector_load %arg13[%get3A, %get3A_912] {strides = array<i32>} : memref<64x256xf32, #tpu.memory_space<vmem>>, vector<1x16xf32>,
      %get3A_914 = vector.shape_cast %get3A_913 : vector<1x16xf32> to vector<16xf32>
      %get3A_915 = arith.index_cast %scan3A_910 : i32 to index
      %get3A_916 = arith.constant 0 : index
      %get3A_917 = tpu.vector_load %arg14[%get3A_915, %get3A_916] {strides = array<i32>} : memref<64x256xf32, #tpu.memory_space<vmem>>, vector<1x16xf32>,
      %get3A_918 = vector.shape_cast %get3A_917 : vector<1x16xf32> to vector<16xf32>
      %mul3A_919 = arith.mulf %get3A_914, %get3A_918 : vector<16xf32>
      %add3A_920 = arith.addf %scan3A_911, %mul3A_919 : vector<16xf32>
      %get3A_921 = arith.index_cast %scan3A_910 : i32 to index
      %get3A_922 = arith.constant 16 : index
      %get3A_923 = tpu.vector_load %arg13[%get3A_921, %get3A_922] {strides = array<i32>} : memref<64x256xf32, #tpu.memory_space<vmem>>, vector<1x16xf32>,
      %get3A_924 = vector.shape_cast %get3A_923 : vector<1x16xf32> to vector<16xf32>
      %get3A_925 = arith.index_cast %scan3A_910 : i32 to index
      %get3A_926 = arith.constant 16 : index
      %get3A_927 = tpu.vector_load %arg14[%get3A_925, %get3A_926] {strides = array<i32>} : memref<64x256xf32, #tpu.memory_space<vmem>>, vector<1x16xf32>,
      %get3A_928 = vector.shape_cast %get3A_927 : vector<1x16xf32> to vector<16xf32>
      %mul3A_929 = arith.mulf %get3A_924, %get3A_928 : vector<16xf32>
      %add3A_930 = arith.addf %add3A_920, %mul3A_929 : vector<16xf32>
      %get3A_931 = arith.index_cast %scan3A_910 : i32 to index
      %get3A_932 = arith.constant 32 : index
      %get3A_933 = tpu.vector_load %arg13[%get3A_931, %get3A_932] {strides = array<i32>} : memref<64x256xf32, #tpu.memory_space<vmem>>, vector<1x16xf32>,
      %get3A_934 = vector.shape_cast %get3A_933 : vector<1x16xf32> to vector<16xf32>
      %get3A_935 = arith.index_cast %scan3A_910 : i32 to index
      %get3A_936 = arith.constant 32 : index
      %get3A_937 = tpu.vector_load %arg14[%get3A_935, %get3A_936] {strides = array<i32>} : memref<64x256xf32, #tpu.memory_space<vmem>>, vector<1x16xf32>,
      %get3A_938 = vector.shape_cast %get3A_937 : vector<1x16xf32> to vector<16xf32>
      %mul3A_939 = arith.mulf %get3A_934, %get3A_938 : vector<16xf32>
      %add3A_940 = arith.addf %add3A_930, %mul3A_939 : vector<16xf32>
      %get3A_941 = arith.index_cast %scan3A_910 : i32 to index
      %get3A_942 = arith.constant 48 : index
      %get3A_943 = tpu.vector_load %arg13[%get3A_941, %get3A_942] {strides = array<i32>} : memref<64x256xf32, #tpu.memory_space<vmem>>, vector<1x16xf32>,
      %get3A_944 = vector.shape_cast %get3A_943 : vector<1x16xf32> to vector<16xf32>
      %get3A_945 = arith.index_cast %scan3A_910 : i32 to index
      %get3A_946 = arith.constant 48 : index
      %get3A_947 = tpu.vector_load %arg14[%get3A_945, %get3A_946] {strides = array<i32>} : memref<64x256xf32, #tpu.memory_space<vmem>>, vector<1x16xf32>,
      %get3A_948 = vector.shape_cast %get3A_947 : vector<1x16xf32> to vector<16xf32>
      %mul3A_949 = arith.mulf %get3A_944, %get3A_948 : vector<16xf32>
      %add3A_950 = arith.addf %add3A_940, %mul3A_949 : vector<16xf32>
      %get3A_951 = arith.index_cast %scan3A_910 : i32 to index
      %get3A_952 = arith.constant 64 : index
      %get3A_953 = tpu.vector_load %arg13[%get3A_951, %get3A_952] {strides = array<i32>} : memref<64x256xf32, #tpu.memory_space<vmem>>, vector<1x16xf32>,
      %get3A_954 = vector.shape_cast %get3A_953 : vector<1x16xf32> to vector<16xf32>
      %get3A_955 = arith.index_cast %scan3A_910 : i32 to index
      %get3A_956 = arith.constant 64 : index
      %get3A_957 = tpu.vector_load %arg14[%get3A_955, %get3A_956] {strides = array<i32>} : memref<64x256xf32, #tpu.memory_space<vmem>>, vector<1x16xf32>,
      %get3A_958 = vector.shape_cast %get3A_957 : vector<1x16xf32> to vector<16xf32>
      %mul3A_959 = arith.mulf %get3A_954, %get3A_958 : vector<16xf32>
      %add3A_960 = arith.addf %add3A_950, %mul3A_959 : vector<16xf32>
      %get3A_961 = arith.index_cast %scan3A_910 : i32 to index
      %get3A_962 = arith.constant 80 : index
      %get3A_963 = tpu.vector_load %arg13[%get3A_961, %get3A_962] {strides = array<i32>} : memref<64x256xf32, #tpu.memory_space<vmem>>, vector<1x16xf32>,
      %get3A_964 = vector.shape_cast %get3A_963 : vector<1x16xf32> to vector<16xf32>
      %get3A_965 = arith.index_cast %scan3A_910 : i32 to index
      %get3A_966 = arith.constant 80 : index
      %get3A_967 = tpu.vector_load %arg14[%get3A_965, %get3A_966] {strides = array<i32>} : memref<64x256xf32, #tpu.memory_space<vmem>>, vector<1x16xf32>,
      %get3A_968 = vector.shape_cast %get3A_967 : vector<1x16xf32> to vector<16xf32>
      %mul3A_969 = arith.mulf %get3A_964, %get3A_968 : vector<16xf32>
      %add3A_970 = arith.addf %add3A_960, %mul3A_969 : vector<16xf32>
      %get3A_971 = arith.index_cast %scan3A_910 : i32 to index
      %get3A_972 = arith.constant 96 : index
      %get3A_973 = tpu.vector_load %arg13[%get3A_971, %get3A_972] {strides = array<i32>} : memref<64x256xf32, #tpu.memory_space<vmem>>, vector<1x16xf32>,
      %get3A_974 = vector.shape_cast %get3A_973 : vector<1x16xf32> to vector<16xf32>
      %get3A_975 = arith.index_cast %scan3A_910 : i32 to index
      %get3A_976 = arith.constant 96 : index
      %get3A_977 = tpu.vector_load %arg14[%get3A_975, %get3A_976] {strides = array<i32>} : memref<64x256xf32, #tpu.memory_space<vmem>>, vector<1x16xf32>,
      %get3A_978 = vector.shape_cast %get3A_977 : vector<1x16xf32> to vector<16xf32>
      %mul3A_979 = arith.mulf %get3A_974, %get3A_978 : vector<16xf32>
      %add3A_980 = arith.addf %add3A_970, %mul3A_979 : vector<16xf32>
      %get3A_981 = arith.index_cast %scan3A_910 : i32 to index
      %get3A_982 = arith.constant 112 : index
      %get3A_983 = tpu.vector_load %arg13[%get3A_981, %get3A_982] {strides = array<i32>} : memref<64x256xf32, #tpu.memory_space<vmem>>, vector<1x16xf32>,
      %get3A_984 = vector.shape_cast %get3A_983 : vector<1x16xf32> to vector<16xf32>
      %get3A_985 = arith.index_cast %scan3A_910 : i32 to index
      %get3A_986 = arith.constant 112 : index
      %get3A_987 = tpu.vector_load %arg14[%get3A_985, %get3A_986] {strides = array<i32>} : memref<64x256xf32, #tpu.memory_space<vmem>>, vector<1x16xf32>,
      %get3A_988 = vector.shape_cast %get3A_987 : vector<1x16xf32> to vector<16xf32>
      %mul3A_989 = arith.mulf %get3A_984, %get3A_988 : vector<16xf32>
      %add3A_990 = arith.addf %add3A_980, %mul3A_989 : vector<16xf32>
      %get3A_991 = arith.index_cast %scan3A_910 : i32 to index
      %get3A_992 = arith.constant 128 : index
      %get3A_993 = tpu.vector_load %arg13[%get3A_991, %get3A_992] {strides = array<i32>} : memref<64x256xf32, #tpu.memory_space<vmem>>, vector<1x16xf32>,
      %get3A_994 = vector.shape_cast %get3A_993 : vector<1x16xf32> to vector<16xf32>
      %get3A_995 = arith.index_cast %scan3A_910 : i32 to index
      %get3A_996 = arith.constant 128 : index
      %get3A_997 = tpu.vector_load %arg14[%get3A_995, %get3A_996] {strides = array<i32>} : memref<64x256xf32, #tpu.memory_space<vmem>>, vector<1x16xf32>,
      %get3A_998 = vector.shape_cast %get3A_997 : vector<1x16xf32> to vector<16xf32>
      %mul3A_999 = arith.mulf %get3A_994, %get3A_998 : vector<16xf32>
      %add3A_1000 = arith.addf %add3A_990, %mul3A_999 : vector<16xf32>
      %get3A_1001 = arith.index_cast %scan3A_910 : i32 to index
      %get3A_1002 = arith.constant 144 : index
      %get3A_1003 = tpu.vector_load %arg13[%get3A_1001, %get3A_1002] {strides = array<i32>} : memref<64x256xf32, #tpu.memory_space<vmem>>, vector<1x16xf32>,
      %get3A_1004 = vector.shape_cast %get3A_1003 : vector<1x16xf32> to vector<16xf32>
      %get3A_1005 = arith.index_cast %scan3A_910 : i32 to index
      %get3A_1006 = arith.constant 144 : index
      %get3A_1007 = tpu.vector_load %arg14[%get3A_1005, %get3A_1006] {strides = array<i32>} : memref<64x256xf32, #tpu.memory_space<vmem>>, vector<1x16xf32>,
      %get3A_1008 = vector.shape_cast %get3A_1007 : vector<1x16xf32> to vector<16xf32>
      %mul3A_1009 = arith.mulf %get3A_1004, %get3A_1008 : vector<16xf32>
      %add3A_1010 = arith.addf %add3A_1000, %mul3A_1009 : vector<16xf32>
      %get3A_1011 = arith.index_cast %scan3A_910 : i32 to index
      %get3A_1012 = arith.constant 160 : index
      %get3A_1013 = tpu.vector_load %arg13[%get3A_1011, %get3A_1012] {strides = array<i32>} : memref<64x256xf32, #tpu.memory_space<vmem>>, vector<1x16xf32>,
      %get3A_1014 = vector.shape_cast %get3A_1013 : vector<1x16xf32> to vector<16xf32>
      %get3A_1015 = arith.index_cast %scan3A_910 : i32 to index
      %get3A_1016 = arith.constant 160 : index
      %get3A_1017 = tpu.vector_load %arg14[%get3A_1015, %get3A_1016] {strides = array<i32>} : memref<64x256xf32, #tpu.memory_space<vmem>>, vector<1x16xf32>,
      %get3A_1018 = vector.shape_cast %get3A_1017 : vector<1x16xf32> to vector<16xf32>
      %mul3A_1019 = arith.mulf %get3A_1014, %get3A_1018 : vector<16xf32>
      %add3A_1020 = arith.addf %add3A_1010, %mul3A_1019 : vector<16xf32>
      %get3A_1021 = arith.index_cast %scan3A_910 : i32 to index
      %get3A_1022 = arith.constant 176 : index
      %get3A_1023 = tpu.vector_load %arg13[%get3A_1021, %get3A_1022] {strides = array<i32>} : memref<64x256xf32, #tpu.memory_space<vmem>>, vector<1x16xf32>,
      %get3A_1024 = vector.shape_cast %get3A_1023 : vector<1x16xf32> to vector<16xf32>
      %get3A_1025 = arith.index_cast %scan3A_910 : i32 to index
      %get3A_1026 = arith.constant 176 : index
      %get3A_1027 = tpu.vector_load %arg14[%get3A_1025, %get3A_1026] {strides = array<i32>} : memref<64x256xf32, #tpu.memory_space<vmem>>, vector<1x16xf32>,
      %get3A_1028 = vector.shape_cast %get3A_1027 : vector<1x16xf32> to vector<16xf32>
      %mul3A_1029 = arith.mulf %get3A_1024, %get3A_1028 : vector<16xf32>
      %add3A_1030 = arith.addf %add3A_1020, %mul3A_1029 : vector<16xf32>
      %get3A_1031 = arith.index_cast %scan3A_910 : i32 to index
      %get3A_1032 = arith.constant 192 : index
      %get3A_1033 = tpu.vector_load %arg13[%get3A_1031, %get3A_1032] {strides = array<i32>} : memref<64x256xf32, #tpu.memory_space<vmem>>, vector<1x16xf32>,
      %get3A_1034 = vector.shape_cast %get3A_1033 : vector<1x16xf32> to vector<16xf32>
      %get3A_1035 = arith.index_cast %scan3A_910 : i32 to index
      %get3A_1036 = arith.constant 192 : index
      %get3A_1037 = tpu.vector_load %arg14[%get3A_1035, %get3A_1036] {strides = array<i32>} : memref<64x256xf32, #tpu.memory_space<vmem>>, vector<1x16xf32>,
      %get3A_1038 = vector.shape_cast %get3A_1037 : vector<1x16xf32> to vector<16xf32>
      %mul3A_1039 = arith.mulf %get3A_1034, %get3A_1038 : vector<16xf32>
      %add3A_1040 = arith.addf %add3A_1030, %mul3A_1039 : vector<16xf32>
      %get3A_1041 = arith.index_cast %scan3A_910 : i32 to index
      %get3A_1042 = arith.constant 208 : index
      %get3A_1043 = tpu.vector_load %arg13[%get3A_1041, %get3A_1042] {strides = array<i32>} : memref<64x256xf32, #tpu.memory_space<vmem>>, vector<1x16xf32>,
      %get3A_1044 = vector.shape_cast %get3A_1043 : vector<1x16xf32> to vector<16xf32>
      %get3A_1045 = arith.index_cast %scan3A_910 : i32 to index
      %get3A_1046 = arith.constant 208 : index
      %get3A_1047 = tpu.vector_load %arg14[%get3A_1045, %get3A_1046] {strides = array<i32>} : memref<64x256xf32, #tpu.memory_space<vmem>>, vector<1x16xf32>,
      %get3A_1048 = vector.shape_cast %get3A_1047 : vector<1x16xf32> to vector<16xf32>
      %mul3A_1049 = arith.mulf %get3A_1044, %get3A_1048 : vector<16xf32>
      %add3A_1050 = arith.addf %add3A_1040, %mul3A_1049 : vector<16xf32>
      %get3A_1051 = arith.index_cast %scan3A_910 : i32 to index
      %get3A_1052 = arith.constant 224 : index
      %get3A_1053 = tpu.vector_load %arg13[%get3A_1051, %get3A_1052] {strides = array<i32>} : memref<64x256xf32, #tpu.memory_space<vmem>>, vector<1x16xf32>,
      %get3A_1054 = vector.shape_cast %get3A_1053 : vector<1x16xf32> to vector<16xf32>
      %get3A_1055 = arith.index_cast %scan3A_910 : i32 to index
      %get3A_1056 = arith.constant 224 : index
      %get3A_1057 = tpu.vector_load %arg14[%get3A_1055, %get3A_1056] {strides = array<i32>} : memref<64x256xf32, #tpu.memory_space<vmem>>, vector<1x16xf32>,
      %get3A_1058 = vector.shape_cast %get3A_1057 : vector<1x16xf32> to vector<16xf32>
      %mul3A_1059 = arith.mulf %get3A_1054, %get3A_1058 : vector<16xf32>
      %add3A_1060 = arith.addf %add3A_1050, %mul3A_1059 : vector<16xf32>
      %get3A_1061 = arith.index_cast %scan3A_910 : i32 to index
      %get3A_1062 = arith.constant 240 : index
      %get3A_1063 = tpu.vector_load %arg13[%get3A_1061, %get3A_1062] {strides = array<i32>} : memref<64x256xf32, #tpu.memory_space<vmem>>, vector<1x16xf32>,
      %get3A_1064 = vector.shape_cast %get3A_1063 : vector<1x16xf32> to vector<16xf32>
      %get3A_1065 = arith.index_cast %scan3A_910 : i32 to index
      %get3A_1066 = arith.constant 240 : index
      %get3A_1067 = tpu.vector_load %arg14[%get3A_1065, %get3A_1066] {strides = array<i32>} : memref<64x256xf32, #tpu.memory_space<vmem>>, vector<1x16xf32>,
      %get3A_1068 = vector.shape_cast %get3A_1067 : vector<1x16xf32> to vector<16xf32>
      %mul3A_1069 = arith.mulf %get3A_1064, %get3A_1068 : vector<16xf32>
      %add3A_1070 = arith.addf %add3A_1060, %mul3A_1069 : vector<16xf32>
      %get3A_1071 = arith.index_cast %scan3A_910 : i32 to index
      %get3A_1072 = arith.constant 0 : index
      %get3A_1073 = tpu.vector_load %arg15[%get3A_1071, %get3A_1072] {strides = array<i32>} : memref<64x128xf32, #tpu.memory_space<vmem>>, vector<1x16xf32>,
      %get3A_1074 = vector.shape_cast %get3A_1073 : vector<1x16xf32> to vector<16xf32>
      %get3A_1075 = arith.index_cast %scan3A_910 : i32 to index
      %get3A_1076 = arith.constant 0 : index
      %get3A_1077 = tpu.vector_load %arg16[%get3A_1075, %get3A_1076] {strides = array<i32>} : memref<64x128xf32, #tpu.memory_space<vmem>>, vector<1x16xf32>,
      %get3A_1078 = vector.shape_cast %get3A_1077 : vector<1x16xf32> to vector<16xf32>
      %mul3A_1079 = arith.mulf %get3A_1074, %get3A_1078 : vector<16xf32>
      %add3A_1080 = arith.addf %add3A_1070, %mul3A_1079 : vector<16xf32>
      %get3A_1081 = arith.index_cast %scan3A_910 : i32 to index
      %get3A_1082 = arith.constant 16 : index
      %get3A_1083 = tpu.vector_load %arg15[%get3A_1081, %get3A_1082] {strides = array<i32>} : memref<64x128xf32, #tpu.memory_space<vmem>>, vector<1x16xf32>,
      %get3A_1084 = vector.shape_cast %get3A_1083 : vector<1x16xf32> to vector<16xf32>
      %get3A_1085 = arith.index_cast %scan3A_910 : i32 to index
      %get3A_1086 = arith.constant 16 : index
      %get3A_1087 = tpu.vector_load %arg16[%get3A_1085, %get3A_1086] {strides = array<i32>} : memref<64x128xf32, #tpu.memory_space<vmem>>, vector<1x16xf32>,
      %get3A_1088 = vector.shape_cast %get3A_1087 : vector<1x16xf32> to vector<16xf32>
      %mul3A_1089 = arith.mulf %get3A_1084, %get3A_1088 : vector<16xf32>
      %add3A_1090 = arith.addf %add3A_1080, %mul3A_1089 : vector<16xf32>
      %get3A_1091 = arith.index_cast %scan3A_910 : i32 to index
      %get3A_1092 = arith.constant 32 : index
      %get3A_1093 = tpu.vector_load %arg15[%get3A_1091, %get3A_1092] {strides = array<i32>} : memref<64x128xf32, #tpu.memory_space<vmem>>, vector<1x16xf32>,
      %get3A_1094 = vector.shape_cast %get3A_1093 : vector<1x16xf32> to vector<16xf32>
      %get3A_1095 = arith.index_cast %scan3A_910 : i32 to index
      %get3A_1096 = arith.constant 32 : index
      %get3A_1097 = tpu.vector_load %arg16[%get3A_1095, %get3A_1096] {strides = array<i32>} : memref<64x128xf32, #tpu.memory_space<vmem>>, vector<1x16xf32>,
      %get3A_1098 = vector.shape_cast %get3A_1097 : vector<1x16xf32> to vector<16xf32>
      %mul3A_1099 = arith.mulf %get3A_1094, %get3A_1098 : vector<16xf32>
      %add3A_1100 = arith.addf %add3A_1090, %mul3A_1099 : vector<16xf32>
      scf.yield %add3A_1100 : vector<16xf32>
    }
    %scan3A_120 = arith.constant 64 : i32
    %dma_start3A_121 = arith.constant 192 : i32
    %dma_start3A_122 = tpu.memref_slice %arg7[%dma_start3A_121] : memref<512xi32, #tpu.memory_space<vmem>> -> memref<64xi32, #tpu.memory_space<vmem>>
    %dma_start3A_123 = arith.constant 0 : i32
    %dma_start3A_124 = arith.constant 0 : i32
    %dma_start3A_125 = tpu.memref_slice %arg4[%dma_start3A_123, %dma_start3A_124] : memref<28436x300xf32, #tpu.memory_space<hbm>> -> memref<28436x256xf32, #tpu.memory_space<hbm>>
    tpu.enqueue_indirect_dma source(%dma_start3A_125 : memref<28436x256xf32, #tpu.memory_space<hbm>>) target(%arg13 : memref<64x256xf32, #tpu.memory_space<vmem>>) offsets(%dma_start3A_122 : memref<64xi32, #tpu.memory_space<vmem>>) semaphore(%arg19 : memref<!tpu.dma_semaphore, #tpu.memory_space<semaphore_mem>>)
    %dma_start3A_126 = arith.constant 192 : i32
    %dma_start3A_127 = tpu.memref_slice %arg8[%dma_start3A_126] : memref<512xi32, #tpu.memory_space<vmem>> -> memref<64xi32, #tpu.memory_space<vmem>>
    %dma_start3A_128 = arith.constant 0 : i32
    %dma_start3A_129 = arith.constant 0 : i32
    %dma_start3A_130 = tpu.memref_slice %arg4[%dma_start3A_128, %dma_start3A_129] : memref<28436x300xf32, #tpu.memory_space<hbm>> -> memref<28436x256xf32, #tpu.memory_space<hbm>>
    tpu.enqueue_indirect_dma source(%dma_start3A_130 : memref<28436x256xf32, #tpu.memory_space<hbm>>) target(%arg14 : memref<64x256xf32, #tpu.memory_space<vmem>>) offsets(%dma_start3A_127 : memref<64xi32, #tpu.memory_space<vmem>>) semaphore(%arg19 : memref<!tpu.dma_semaphore, #tpu.memory_space<semaphore_mem>>)
    %dma_start3A_131 = arith.constant 192 : i32
    %dma_start3A_132 = tpu.memref_slice %arg7[%dma_start3A_131] : memref<512xi32, #tpu.memory_space<vmem>> -> memref<64xi32, #tpu.memory_space<vmem>>
    %dma_start3A_133 = arith.constant 0 : i32
    %dma_start3A_134 = arith.constant 0 : i32
    %dma_start3A_135 = tpu.memref_slice %arg5[%dma_start3A_133, %dma_start3A_134] : memref<28436x128xf32, #tpu.memory_space<hbm>> -> memref<28436x128xf32, #tpu.memory_space<hbm>>
    tpu.enqueue_indirect_dma source(%dma_start3A_135 : memref<28436x128xf32, #tpu.memory_space<hbm>>) target(%arg15 : memref<64x128xf32, #tpu.memory_space<vmem>>) offsets(%dma_start3A_132 : memref<64xi32, #tpu.memory_space<vmem>>) semaphore(%arg19 : memref<!tpu.dma_semaphore, #tpu.memory_space<semaphore_mem>>)
    %dma_start3A_136 = arith.constant 192 : i32
    %dma_start3A_137 = tpu.memref_slice %arg8[%dma_start3A_136] : memref<512xi32, #tpu.memory_space<vmem>> -> memref<64xi32, #tpu.memory_space<vmem>>
    %dma_start3A_138 = arith.constant 0 : i32
    %dma_start3A_139 = arith.constant 0 : i32
    %dma_start3A_140 = tpu.memref_slice %arg5[%dma_start3A_138, %dma_start3A_139] : memref<28436x128xf32, #tpu.memory_space<hbm>> -> memref<28436x128xf32, #tpu.memory_space<hbm>>
    tpu.enqueue_indirect_dma source(%dma_start3A_140 : memref<28436x128xf32, #tpu.memory_space<hbm>>) target(%arg16 : memref<64x128xf32, #tpu.memory_space<vmem>>) offsets(%dma_start3A_137 : memref<64xi32, #tpu.memory_space<vmem>>) semaphore(%arg19 : memref<!tpu.dma_semaphore, #tpu.memory_space<semaphore_mem>>)
    %dma_wait3A_141 = arith.constant 128 : i32
    %dma_wait3A_142 = tpu.memref_slice %arg7[%dma_wait3A_141] : memref<512xi32, #tpu.memory_space<vmem>> -> memref<64xi32, #tpu.memory_space<vmem>>
    %dma_wait3A_143 = arith.constant 0 : i32
    %dma_wait3A_144 = arith.constant 0 : i32
    %dma_wait3A_145 = tpu.memref_slice %arg4[%dma_wait3A_143, %dma_wait3A_144] : memref<28436x300xf32, #tpu.memory_space<hbm>> -> memref<28436x256xf32, #tpu.memory_space<hbm>>
    tpu.wait_indirect_dma semaphore(%arg18 : memref<!tpu.dma_semaphore, #tpu.memory_space<semaphore_mem>>) src(%dma_wait3A_145 : memref<28436x256xf32, #tpu.memory_space<hbm>>) dst(%arg9 : memref<64x256xf32, #tpu.memory_space<vmem>>)
    %dma_wait3A_146 = arith.constant 128 : i32
    %dma_wait3A_147 = tpu.memref_slice %arg8[%dma_wait3A_146] : memref<512xi32, #tpu.memory_space<vmem>> -> memref<64xi32, #tpu.memory_space<vmem>>
    %dma_wait3A_148 = arith.constant 0 : i32
    %dma_wait3A_149 = arith.constant 0 : i32
    %dma_wait3A_150 = tpu.memref_slice %arg4[%dma_wait3A_148, %dma_wait3A_149] : memref<28436x300xf32, #tpu.memory_space<hbm>> -> memref<28436x256xf32, #tpu.memory_space<hbm>>
    tpu.wait_indirect_dma semaphore(%arg18 : memref<!tpu.dma_semaphore, #tpu.memory_space<semaphore_mem>>) src(%dma_wait3A_150 : memref<28436x256xf32, #tpu.memory_space<hbm>>) dst(%arg10 : memref<64x256xf32, #tpu.memory_space<vmem>>)
    %dma_wait3A_151 = arith.constant 128 : i32
    %dma_wait3A_152 = tpu.memref_slice %arg7[%dma_wait3A_151] : memref<512xi32, #tpu.memory_space<vmem>> -> memref<64xi32, #tpu.memory_space<vmem>>
    %dma_wait3A_153 = arith.constant 0 : i32
    %dma_wait3A_154 = arith.constant 0 : i32
    %dma_wait3A_155 = tpu.memref_slice %arg5[%dma_wait3A_153, %dma_wait3A_154] : memref<28436x128xf32, #tpu.memory_space<hbm>> -> memref<28436x128xf32, #tpu.memory_space<hbm>>
    tpu.wait_indirect_dma semaphore(%arg18 : memref<!tpu.dma_semaphore, #tpu.memory_space<semaphore_mem>>) src(%dma_wait3A_155 : memref<28436x128xf32, #tpu.memory_space<hbm>>) dst(%arg11 : memref<64x128xf32, #tpu.memory_space<vmem>>)
    %dma_wait3A_156 = arith.constant 128 : i32
    %dma_wait3A_157 = tpu.memref_slice %arg8[%dma_wait3A_156] : memref<512xi32, #tpu.memory_space<vmem>> -> memref<64xi32, #tpu.memory_space<vmem>>
    %dma_wait3A_158 = arith.constant 0 : i32
    %dma_wait3A_159 = arith.constant 0 : i32
    %dma_wait3A_160 = tpu.memref_slice %arg5[%dma_wait3A_158, %dma_wait3A_159] : memref<28436x128xf32, #tpu.memory_space<hbm>> -> memref<28436x128xf32, #tpu.memory_space<hbm>>
    tpu.wait_indirect_dma semaphore(%arg18 : memref<!tpu.dma_semaphore, #tpu.memory_space<semaphore_mem>>) src(%dma_wait3A_160 : memref<28436x128xf32, #tpu.memory_space<hbm>>) dst(%arg12 : memref<64x128xf32, #tpu.memory_space<vmem>>)
    %scan3A_161 = arith.constant 0 : i32
    %scan3A_162 = arith.constant 64 : i32
    %scan3A_163 = arith.addi %scan3A_161, %scan3A_162 : i32
    %scan3A_164 = arith.constant 1 : i32
    %scan3A_165 = scf.for %scan3A_910 = %scan3A_161 to %scan3A_163 step %scan3A_164 iter_args(%scan3A_911 = %scan3A_119) -> (vector<16xf32>)  : i32 {
      %get3A = arith.index_cast %scan3A_910 : i32 to index
      %get3A_912 = arith.constant 0 : index
      %get3A_913 = tpu.vector_load %arg9[%get3A, %get3A_912] {strides = array<i32>} : memref<64x256xf32, #tpu.memory_space<vmem>>, vector<1x16xf32>,
      %get3A_914 = vector.shape_cast %get3A_913 : vector<1x16xf32> to vector<16xf32>
      %get3A_915 = arith.index_cast %scan3A_910 : i32 to index
      %get3A_916 = arith.constant 0 : index
      %get3A_917 = tpu.vector_load %arg10[%get3A_915, %get3A_916] {strides = array<i32>} : memref<64x256xf32, #tpu.memory_space<vmem>>, vector<1x16xf32>,
      %get3A_918 = vector.shape_cast %get3A_917 : vector<1x16xf32> to vector<16xf32>
      %mul3A_919 = arith.mulf %get3A_914, %get3A_918 : vector<16xf32>
      %add3A_920 = arith.addf %scan3A_911, %mul3A_919 : vector<16xf32>
      %get3A_921 = arith.index_cast %scan3A_910 : i32 to index
      %get3A_922 = arith.constant 16 : index
      %get3A_923 = tpu.vector_load %arg9[%get3A_921, %get3A_922] {strides = array<i32>} : memref<64x256xf32, #tpu.memory_space<vmem>>, vector<1x16xf32>,
      %get3A_924 = vector.shape_cast %get3A_923 : vector<1x16xf32> to vector<16xf32>
      %get3A_925 = arith.index_cast %scan3A_910 : i32 to index
      %get3A_926 = arith.constant 16 : index
      %get3A_927 = tpu.vector_load %arg10[%get3A_925, %get3A_926] {strides = array<i32>} : memref<64x256xf32, #tpu.memory_space<vmem>>, vector<1x16xf32>,
      %get3A_928 = vector.shape_cast %get3A_927 : vector<1x16xf32> to vector<16xf32>
      %mul3A_929 = arith.mulf %get3A_924, %get3A_928 : vector<16xf32>
      %add3A_930 = arith.addf %add3A_920, %mul3A_929 : vector<16xf32>
      %get3A_931 = arith.index_cast %scan3A_910 : i32 to index
      %get3A_932 = arith.constant 32 : index
      %get3A_933 = tpu.vector_load %arg9[%get3A_931, %get3A_932] {strides = array<i32>} : memref<64x256xf32, #tpu.memory_space<vmem>>, vector<1x16xf32>,
      %get3A_934 = vector.shape_cast %get3A_933 : vector<1x16xf32> to vector<16xf32>
      %get3A_935 = arith.index_cast %scan3A_910 : i32 to index
      %get3A_936 = arith.constant 32 : index
      %get3A_937 = tpu.vector_load %arg10[%get3A_935, %get3A_936] {strides = array<i32>} : memref<64x256xf32, #tpu.memory_space<vmem>>, vector<1x16xf32>,
      %get3A_938 = vector.shape_cast %get3A_937 : vector<1x16xf32> to vector<16xf32>
      %mul3A_939 = arith.mulf %get3A_934, %get3A_938 : vector<16xf32>
      %add3A_940 = arith.addf %add3A_930, %mul3A_939 : vector<16xf32>
      %get3A_941 = arith.index_cast %scan3A_910 : i32 to index
      %get3A_942 = arith.constant 48 : index
      %get3A_943 = tpu.vector_load %arg9[%get3A_941, %get3A_942] {strides = array<i32>} : memref<64x256xf32, #tpu.memory_space<vmem>>, vector<1x16xf32>,
      %get3A_944 = vector.shape_cast %get3A_943 : vector<1x16xf32> to vector<16xf32>
      %get3A_945 = arith.index_cast %scan3A_910 : i32 to index
      %get3A_946 = arith.constant 48 : index
      %get3A_947 = tpu.vector_load %arg10[%get3A_945, %get3A_946] {strides = array<i32>} : memref<64x256xf32, #tpu.memory_space<vmem>>, vector<1x16xf32>,
      %get3A_948 = vector.shape_cast %get3A_947 : vector<1x16xf32> to vector<16xf32>
      %mul3A_949 = arith.mulf %get3A_944, %get3A_948 : vector<16xf32>
      %add3A_950 = arith.addf %add3A_940, %mul3A_949 : vector<16xf32>
      %get3A_951 = arith.index_cast %scan3A_910 : i32 to index
      %get3A_952 = arith.constant 64 : index
      %get3A_953 = tpu.vector_load %arg9[%get3A_951, %get3A_952] {strides = array<i32>} : memref<64x256xf32, #tpu.memory_space<vmem>>, vector<1x16xf32>,
      %get3A_954 = vector.shape_cast %get3A_953 : vector<1x16xf32> to vector<16xf32>
      %get3A_955 = arith.index_cast %scan3A_910 : i32 to index
      %get3A_956 = arith.constant 64 : index
      %get3A_957 = tpu.vector_load %arg10[%get3A_955, %get3A_956] {strides = array<i32>} : memref<64x256xf32, #tpu.memory_space<vmem>>, vector<1x16xf32>,
      %get3A_958 = vector.shape_cast %get3A_957 : vector<1x16xf32> to vector<16xf32>
      %mul3A_959 = arith.mulf %get3A_954, %get3A_958 : vector<16xf32>
      %add3A_960 = arith.addf %add3A_950, %mul3A_959 : vector<16xf32>
      %get3A_961 = arith.index_cast %scan3A_910 : i32 to index
      %get3A_962 = arith.constant 80 : index
      %get3A_963 = tpu.vector_load %arg9[%get3A_961, %get3A_962] {strides = array<i32>} : memref<64x256xf32, #tpu.memory_space<vmem>>, vector<1x16xf32>,
      %get3A_964 = vector.shape_cast %get3A_963 : vector<1x16xf32> to vector<16xf32>
      %get3A_965 = arith.index_cast %scan3A_910 : i32 to index
      %get3A_966 = arith.constant 80 : index
      %get3A_967 = tpu.vector_load %arg10[%get3A_965, %get3A_966] {strides = array<i32>} : memref<64x256xf32, #tpu.memory_space<vmem>>, vector<1x16xf32>,
      %get3A_968 = vector.shape_cast %get3A_967 : vector<1x16xf32> to vector<16xf32>
      %mul3A_969 = arith.mulf %get3A_964, %get3A_968 : vector<16xf32>
      %add3A_970 = arith.addf %add3A_960, %mul3A_969 : vector<16xf32>
      %get3A_971 = arith.index_cast %scan3A_910 : i32 to index
      %get3A_972 = arith.constant 96 : index
      %get3A_973 = tpu.vector_load %arg9[%get3A_971, %get3A_972] {strides = array<i32>} : memref<64x256xf32, #tpu.memory_space<vmem>>, vector<1x16xf32>,
      %get3A_974 = vector.shape_cast %get3A_973 : vector<1x16xf32> to vector<16xf32>
      %get3A_975 = arith.index_cast %scan3A_910 : i32 to index
      %get3A_976 = arith.constant 96 : index
      %get3A_977 = tpu.vector_load %arg10[%get3A_975, %get3A_976] {strides = array<i32>} : memref<64x256xf32, #tpu.memory_space<vmem>>, vector<1x16xf32>,
      %get3A_978 = vector.shape_cast %get3A_977 : vector<1x16xf32> to vector<16xf32>
      %mul3A_979 = arith.mulf %get3A_974, %get3A_978 : vector<16xf32>
      %add3A_980 = arith.addf %add3A_970, %mul3A_979 : vector<16xf32>
      %get3A_981 = arith.index_cast %scan3A_910 : i32 to index
      %get3A_982 = arith.constant 112 : index
      %get3A_983 = tpu.vector_load %arg9[%get3A_981, %get3A_982] {strides = array<i32>} : memref<64x256xf32, #tpu.memory_space<vmem>>, vector<1x16xf32>,
      %get3A_984 = vector.shape_cast %get3A_983 : vector<1x16xf32> to vector<16xf32>
      %get3A_985 = arith.index_cast %scan3A_910 : i32 to index
      %get3A_986 = arith.constant 112 : index
      %get3A_987 = tpu.vector_load %arg10[%get3A_985, %get3A_986] {strides = array<i32>} : memref<64x256xf32, #tpu.memory_space<vmem>>, vector<1x16xf32>,
      %get3A_988 = vector.shape_cast %get3A_987 : vector<1x16xf32> to vector<16xf32>
      %mul3A_989 = arith.mulf %get3A_984, %get3A_988 : vector<16xf32>
      %add3A_990 = arith.addf %add3A_980, %mul3A_989 : vector<16xf32>
      %get3A_991 = arith.index_cast %scan3A_910 : i32 to index
      %get3A_992 = arith.constant 128 : index
      %get3A_993 = tpu.vector_load %arg9[%get3A_991, %get3A_992] {strides = array<i32>} : memref<64x256xf32, #tpu.memory_space<vmem>>, vector<1x16xf32>,
      %get3A_994 = vector.shape_cast %get3A_993 : vector<1x16xf32> to vector<16xf32>
      %get3A_995 = arith.index_cast %scan3A_910 : i32 to index
      %get3A_996 = arith.constant 128 : index
      %get3A_997 = tpu.vector_load %arg10[%get3A_995, %get3A_996] {strides = array<i32>} : memref<64x256xf32, #tpu.memory_space<vmem>>, vector<1x16xf32>,
      %get3A_998 = vector.shape_cast %get3A_997 : vector<1x16xf32> to vector<16xf32>
      %mul3A_999 = arith.mulf %get3A_994, %get3A_998 : vector<16xf32>
      %add3A_1000 = arith.addf %add3A_990, %mul3A_999 : vector<16xf32>
      %get3A_1001 = arith.index_cast %scan3A_910 : i32 to index
      %get3A_1002 = arith.constant 144 : index
      %get3A_1003 = tpu.vector_load %arg9[%get3A_1001, %get3A_1002] {strides = array<i32>} : memref<64x256xf32, #tpu.memory_space<vmem>>, vector<1x16xf32>,
      %get3A_1004 = vector.shape_cast %get3A_1003 : vector<1x16xf32> to vector<16xf32>
      %get3A_1005 = arith.index_cast %scan3A_910 : i32 to index
      %get3A_1006 = arith.constant 144 : index
      %get3A_1007 = tpu.vector_load %arg10[%get3A_1005, %get3A_1006] {strides = array<i32>} : memref<64x256xf32, #tpu.memory_space<vmem>>, vector<1x16xf32>,
      %get3A_1008 = vector.shape_cast %get3A_1007 : vector<1x16xf32> to vector<16xf32>
      %mul3A_1009 = arith.mulf %get3A_1004, %get3A_1008 : vector<16xf32>
      %add3A_1010 = arith.addf %add3A_1000, %mul3A_1009 : vector<16xf32>
      %get3A_1011 = arith.index_cast %scan3A_910 : i32 to index
      %get3A_1012 = arith.constant 160 : index
      %get3A_1013 = tpu.vector_load %arg9[%get3A_1011, %get3A_1012] {strides = array<i32>} : memref<64x256xf32, #tpu.memory_space<vmem>>, vector<1x16xf32>,
      %get3A_1014 = vector.shape_cast %get3A_1013 : vector<1x16xf32> to vector<16xf32>
      %get3A_1015 = arith.index_cast %scan3A_910 : i32 to index
      %get3A_1016 = arith.constant 160 : index
      %get3A_1017 = tpu.vector_load %arg10[%get3A_1015, %get3A_1016] {strides = array<i32>} : memref<64x256xf32, #tpu.memory_space<vmem>>, vector<1x16xf32>,
      %get3A_1018 = vector.shape_cast %get3A_1017 : vector<1x16xf32> to vector<16xf32>
      %mul3A_1019 = arith.mulf %get3A_1014, %get3A_1018 : vector<16xf32>
      %add3A_1020 = arith.addf %add3A_1010, %mul3A_1019 : vector<16xf32>
      %get3A_1021 = arith.index_cast %scan3A_910 : i32 to index
      %get3A_1022 = arith.constant 176 : index
      %get3A_1023 = tpu.vector_load %arg9[%get3A_1021, %get3A_1022] {strides = array<i32>} : memref<64x256xf32, #tpu.memory_space<vmem>>, vector<1x16xf32>,
      %get3A_1024 = vector.shape_cast %get3A_1023 : vector<1x16xf32> to vector<16xf32>
      %get3A_1025 = arith.index_cast %scan3A_910 : i32 to index
      %get3A_1026 = arith.constant 176 : index
      %get3A_1027 = tpu.vector_load %arg10[%get3A_1025, %get3A_1026] {strides = array<i32>} : memref<64x256xf32, #tpu.memory_space<vmem>>, vector<1x16xf32>,
      %get3A_1028 = vector.shape_cast %get3A_1027 : vector<1x16xf32> to vector<16xf32>
      %mul3A_1029 = arith.mulf %get3A_1024, %get3A_1028 : vector<16xf32>
      %add3A_1030 = arith.addf %add3A_1020, %mul3A_1029 : vector<16xf32>
      %get3A_1031 = arith.index_cast %scan3A_910 : i32 to index
      %get3A_1032 = arith.constant 192 : index
      %get3A_1033 = tpu.vector_load %arg9[%get3A_1031, %get3A_1032] {strides = array<i32>} : memref<64x256xf32, #tpu.memory_space<vmem>>, vector<1x16xf32>,
      %get3A_1034 = vector.shape_cast %get3A_1033 : vector<1x16xf32> to vector<16xf32>
      %get3A_1035 = arith.index_cast %scan3A_910 : i32 to index
      %get3A_1036 = arith.constant 192 : index
      %get3A_1037 = tpu.vector_load %arg10[%get3A_1035, %get3A_1036] {strides = array<i32>} : memref<64x256xf32, #tpu.memory_space<vmem>>, vector<1x16xf32>,
      %get3A_1038 = vector.shape_cast %get3A_1037 : vector<1x16xf32> to vector<16xf32>
      %mul3A_1039 = arith.mulf %get3A_1034, %get3A_1038 : vector<16xf32>
      %add3A_1040 = arith.addf %add3A_1030, %mul3A_1039 : vector<16xf32>
      %get3A_1041 = arith.index_cast %scan3A_910 : i32 to index
      %get3A_1042 = arith.constant 208 : index
      %get3A_1043 = tpu.vector_load %arg9[%get3A_1041, %get3A_1042] {strides = array<i32>} : memref<64x256xf32, #tpu.memory_space<vmem>>, vector<1x16xf32>,
      %get3A_1044 = vector.shape_cast %get3A_1043 : vector<1x16xf32> to vector<16xf32>
      %get3A_1045 = arith.index_cast %scan3A_910 : i32 to index
      %get3A_1046 = arith.constant 208 : index
      %get3A_1047 = tpu.vector_load %arg10[%get3A_1045, %get3A_1046] {strides = array<i32>} : memref<64x256xf32, #tpu.memory_space<vmem>>, vector<1x16xf32>,
      %get3A_1048 = vector.shape_cast %get3A_1047 : vector<1x16xf32> to vector<16xf32>
      %mul3A_1049 = arith.mulf %get3A_1044, %get3A_1048 : vector<16xf32>
      %add3A_1050 = arith.addf %add3A_1040, %mul3A_1049 : vector<16xf32>
      %get3A_1051 = arith.index_cast %scan3A_910 : i32 to index
      %get3A_1052 = arith.constant 224 : index
      %get3A_1053 = tpu.vector_load %arg9[%get3A_1051, %get3A_1052] {strides = array<i32>} : memref<64x256xf32, #tpu.memory_space<vmem>>, vector<1x16xf32>,
      %get3A_1054 = vector.shape_cast %get3A_1053 : vector<1x16xf32> to vector<16xf32>
      %get3A_1055 = arith.index_cast %scan3A_910 : i32 to index
      %get3A_1056 = arith.constant 224 : index
      %get3A_1057 = tpu.vector_load %arg10[%get3A_1055, %get3A_1056] {strides = array<i32>} : memref<64x256xf32, #tpu.memory_space<vmem>>, vector<1x16xf32>,
      %get3A_1058 = vector.shape_cast %get3A_1057 : vector<1x16xf32> to vector<16xf32>
      %mul3A_1059 = arith.mulf %get3A_1054, %get3A_1058 : vector<16xf32>
      %add3A_1060 = arith.addf %add3A_1050, %mul3A_1059 : vector<16xf32>
      %get3A_1061 = arith.index_cast %scan3A_910 : i32 to index
      %get3A_1062 = arith.constant 240 : index
      %get3A_1063 = tpu.vector_load %arg9[%get3A_1061, %get3A_1062] {strides = array<i32>} : memref<64x256xf32, #tpu.memory_space<vmem>>, vector<1x16xf32>,
      %get3A_1064 = vector.shape_cast %get3A_1063 : vector<1x16xf32> to vector<16xf32>
      %get3A_1065 = arith.index_cast %scan3A_910 : i32 to index
      %get3A_1066 = arith.constant 240 : index
      %get3A_1067 = tpu.vector_load %arg10[%get3A_1065, %get3A_1066] {strides = array<i32>} : memref<64x256xf32, #tpu.memory_space<vmem>>, vector<1x16xf32>,
      %get3A_1068 = vector.shape_cast %get3A_1067 : vector<1x16xf32> to vector<16xf32>
      %mul3A_1069 = arith.mulf %get3A_1064, %get3A_1068 : vector<16xf32>
      %add3A_1070 = arith.addf %add3A_1060, %mul3A_1069 : vector<16xf32>
      %get3A_1071 = arith.index_cast %scan3A_910 : i32 to index
      %get3A_1072 = arith.constant 0 : index
      %get3A_1073 = tpu.vector_load %arg11[%get3A_1071, %get3A_1072] {strides = array<i32>} : memref<64x128xf32, #tpu.memory_space<vmem>>, vector<1x16xf32>,
      %get3A_1074 = vector.shape_cast %get3A_1073 : vector<1x16xf32> to vector<16xf32>
      %get3A_1075 = arith.index_cast %scan3A_910 : i32 to index
      %get3A_1076 = arith.constant 0 : index
      %get3A_1077 = tpu.vector_load %arg12[%get3A_1075, %get3A_1076] {strides = array<i32>} : memref<64x128xf32, #tpu.memory_space<vmem>>, vector<1x16xf32>,
      %get3A_1078 = vector.shape_cast %get3A_1077 : vector<1x16xf32> to vector<16xf32>
      %mul3A_1079 = arith.mulf %get3A_1074, %get3A_1078 : vector<16xf32>
      %add3A_1080 = arith.addf %add3A_1070, %mul3A_1079 : vector<16xf32>
      %get3A_1081 = arith.index_cast %scan3A_910 : i32 to index
      %get3A_1082 = arith.constant 16 : index
      %get3A_1083 = tpu.vector_load %arg11[%get3A_1081, %get3A_1082] {strides = array<i32>} : memref<64x128xf32, #tpu.memory_space<vmem>>, vector<1x16xf32>,
      %get3A_1084 = vector.shape_cast %get3A_1083 : vector<1x16xf32> to vector<16xf32>
      %get3A_1085 = arith.index_cast %scan3A_910 : i32 to index
      %get3A_1086 = arith.constant 16 : index
      %get3A_1087 = tpu.vector_load %arg12[%get3A_1085, %get3A_1086] {strides = array<i32>} : memref<64x128xf32, #tpu.memory_space<vmem>>, vector<1x16xf32>,
      %get3A_1088 = vector.shape_cast %get3A_1087 : vector<1x16xf32> to vector<16xf32>
      %mul3A_1089 = arith.mulf %get3A_1084, %get3A_1088 : vector<16xf32>
      %add3A_1090 = arith.addf %add3A_1080, %mul3A_1089 : vector<16xf32>
      %get3A_1091 = arith.index_cast %scan3A_910 : i32 to index
      %get3A_1092 = arith.constant 32 : index
      %get3A_1093 = tpu.vector_load %arg11[%get3A_1091, %get3A_1092] {strides = array<i32>} : memref<64x128xf32, #tpu.memory_space<vmem>>, vector<1x16xf32>,
      %get3A_1094 = vector.shape_cast %get3A_1093 : vector<1x16xf32> to vector<16xf32>
      %get3A_1095 = arith.index_cast %scan3A_910 : i32 to index
      %get3A_1096 = arith.constant 32 : index
      %get3A_1097 = tpu.vector_load %arg12[%get3A_1095, %get3A_1096] {strides = array<i32>} : memref<64x128xf32, #tpu.memory_space<vmem>>, vector<1x16xf32>,
      %get3A_1098 = vector.shape_cast %get3A_1097 : vector<1x16xf32> to vector<16xf32>
      %mul3A_1099 = arith.mulf %get3A_1094, %get3A_1098 : vector<16xf32>
      %add3A_1100 = arith.addf %add3A_1090, %mul3A_1099 : vector<16xf32>
      scf.yield %add3A_1100 : vector<16xf32>
    }
    %scan3A_166 = arith.constant 64 : i32
    %dma_start3A_167 = arith.constant 256 : i32
    %dma_start3A_168 = tpu.memref_slice %arg7[%dma_start3A_167] : memref<512xi32, #tpu.memory_space<vmem>> -> memref<64xi32, #tpu.memory_space<vmem>>
    %dma_start3A_169 = arith.constant 0 : i32
    %dma_start3A_170 = arith.constant 0 : i32
    %dma_start3A_171 = tpu.memref_slice %arg4[%dma_start3A_169, %dma_start3A_170] : memref<28436x300xf32, #tpu.memory_space<hbm>> -> memref<28436x256xf32, #tpu.memory_space<hbm>>
    tpu.enqueue_indirect_dma source(%dma_start3A_171 : memref<28436x256xf32, #tpu.memory_space<hbm>>) target(%arg9 : memref<64x256xf32, #tpu.memory_space<vmem>>) offsets(%dma_start3A_168 : memref<64xi32, #tpu.memory_space<vmem>>) semaphore(%arg18 : memref<!tpu.dma_semaphore, #tpu.memory_space<semaphore_mem>>)
    %dma_start3A_172 = arith.constant 256 : i32
    %dma_start3A_173 = tpu.memref_slice %arg8[%dma_start3A_172] : memref<512xi32, #tpu.memory_space<vmem>> -> memref<64xi32, #tpu.memory_space<vmem>>
    %dma_start3A_174 = arith.constant 0 : i32
    %dma_start3A_175 = arith.constant 0 : i32
    %dma_start3A_176 = tpu.memref_slice %arg4[%dma_start3A_174, %dma_start3A_175] : memref<28436x300xf32, #tpu.memory_space<hbm>> -> memref<28436x256xf32, #tpu.memory_space<hbm>>
    tpu.enqueue_indirect_dma source(%dma_start3A_176 : memref<28436x256xf32, #tpu.memory_space<hbm>>) target(%arg10 : memref<64x256xf32, #tpu.memory_space<vmem>>) offsets(%dma_start3A_173 : memref<64xi32, #tpu.memory_space<vmem>>) semaphore(%arg18 : memref<!tpu.dma_semaphore, #tpu.memory_space<semaphore_mem>>)
    %dma_start3A_177 = arith.constant 256 : i32
    %dma_start3A_178 = tpu.memref_slice %arg7[%dma_start3A_177] : memref<512xi32, #tpu.memory_space<vmem>> -> memref<64xi32, #tpu.memory_space<vmem>>
    %dma_start3A_179 = arith.constant 0 : i32
    %dma_start3A_180 = arith.constant 0 : i32
    %dma_start3A_181 = tpu.memref_slice %arg5[%dma_start3A_179, %dma_start3A_180] : memref<28436x128xf32, #tpu.memory_space<hbm>> -> memref<28436x128xf32, #tpu.memory_space<hbm>>
    tpu.enqueue_indirect_dma source(%dma_start3A_181 : memref<28436x128xf32, #tpu.memory_space<hbm>>) target(%arg11 : memref<64x128xf32, #tpu.memory_space<vmem>>) offsets(%dma_start3A_178 : memref<64xi32, #tpu.memory_space<vmem>>) semaphore(%arg18 : memref<!tpu.dma_semaphore, #tpu.memory_space<semaphore_mem>>)
    %dma_start3A_182 = arith.constant 256 : i32
    %dma_start3A_183 = tpu.memref_slice %arg8[%dma_start3A_182] : memref<512xi32, #tpu.memory_space<vmem>> -> memref<64xi32, #tpu.memory_space<vmem>>
    %dma_start3A_184 = arith.constant 0 : i32
    %dma_start3A_185 = arith.constant 0 : i32
    %dma_start3A_186 = tpu.memref_slice %arg5[%dma_start3A_184, %dma_start3A_185] : memref<28436x128xf32, #tpu.memory_space<hbm>> -> memref<28436x128xf32, #tpu.memory_space<hbm>>
    tpu.enqueue_indirect_dma source(%dma_start3A_186 : memref<28436x128xf32, #tpu.memory_space<hbm>>) target(%arg12 : memref<64x128xf32, #tpu.memory_space<vmem>>) offsets(%dma_start3A_183 : memref<64xi32, #tpu.memory_space<vmem>>) semaphore(%arg18 : memref<!tpu.dma_semaphore, #tpu.memory_space<semaphore_mem>>)
    %dma_wait3A_187 = arith.constant 192 : i32
    %dma_wait3A_188 = tpu.memref_slice %arg7[%dma_wait3A_187] : memref<512xi32, #tpu.memory_space<vmem>> -> memref<64xi32, #tpu.memory_space<vmem>>
    %dma_wait3A_189 = arith.constant 0 : i32
    %dma_wait3A_190 = arith.constant 0 : i32
    %dma_wait3A_191 = tpu.memref_slice %arg4[%dma_wait3A_189, %dma_wait3A_190] : memref<28436x300xf32, #tpu.memory_space<hbm>> -> memref<28436x256xf32, #tpu.memory_space<hbm>>
    tpu.wait_indirect_dma semaphore(%arg19 : memref<!tpu.dma_semaphore, #tpu.memory_space<semaphore_mem>>) src(%dma_wait3A_191 : memref<28436x256xf32, #tpu.memory_space<hbm>>) dst(%arg13 : memref<64x256xf32, #tpu.memory_space<vmem>>)
    %dma_wait3A_192 = arith.constant 192 : i32
    %dma_wait3A_193 = tpu.memref_slice %arg8[%dma_wait3A_192] : memref<512xi32, #tpu.memory_space<vmem>> -> memref<64xi32, #tpu.memory_space<vmem>>
    %dma_wait3A_194 = arith.constant 0 : i32
    %dma_wait3A_195 = arith.constant 0 : i32
    %dma_wait3A_196 = tpu.memref_slice %arg4[%dma_wait3A_194, %dma_wait3A_195] : memref<28436x300xf32, #tpu.memory_space<hbm>> -> memref<28436x256xf32, #tpu.memory_space<hbm>>
    tpu.wait_indirect_dma semaphore(%arg19 : memref<!tpu.dma_semaphore, #tpu.memory_space<semaphore_mem>>) src(%dma_wait3A_196 : memref<28436x256xf32, #tpu.memory_space<hbm>>) dst(%arg14 : memref<64x256xf32, #tpu.memory_space<vmem>>)
    %dma_wait3A_197 = arith.constant 192 : i32
    %dma_wait3A_198 = tpu.memref_slice %arg7[%dma_wait3A_197] : memref<512xi32, #tpu.memory_space<vmem>> -> memref<64xi32, #tpu.memory_space<vmem>>
    %dma_wait3A_199 = arith.constant 0 : i32
    %dma_wait3A_200 = arith.constant 0 : i32
    %dma_wait3A_201 = tpu.memref_slice %arg5[%dma_wait3A_199, %dma_wait3A_200] : memref<28436x128xf32, #tpu.memory_space<hbm>> -> memref<28436x128xf32, #tpu.memory_space<hbm>>
    tpu.wait_indirect_dma semaphore(%arg19 : memref<!tpu.dma_semaphore, #tpu.memory_space<semaphore_mem>>) src(%dma_wait3A_201 : memref<28436x128xf32, #tpu.memory_space<hbm>>) dst(%arg15 : memref<64x128xf32, #tpu.memory_space<vmem>>)
    %dma_wait3A_202 = arith.constant 192 : i32
    %dma_wait3A_203 = tpu.memref_slice %arg8[%dma_wait3A_202] : memref<512xi32, #tpu.memory_space<vmem>> -> memref<64xi32, #tpu.memory_space<vmem>>
    %dma_wait3A_204 = arith.constant 0 : i32
    %dma_wait3A_205 = arith.constant 0 : i32
    %dma_wait3A_206 = tpu.memref_slice %arg5[%dma_wait3A_204, %dma_wait3A_205] : memref<28436x128xf32, #tpu.memory_space<hbm>> -> memref<28436x128xf32, #tpu.memory_space<hbm>>
    tpu.wait_indirect_dma semaphore(%arg19 : memref<!tpu.dma_semaphore, #tpu.memory_space<semaphore_mem>>) src(%dma_wait3A_206 : memref<28436x128xf32, #tpu.memory_space<hbm>>) dst(%arg16 : memref<64x128xf32, #tpu.memory_space<vmem>>)
    %scan3A_207 = arith.constant 0 : i32
    %scan3A_208 = arith.constant 64 : i32
    %scan3A_209 = arith.addi %scan3A_207, %scan3A_208 : i32
    %scan3A_210 = arith.constant 1 : i32
    %scan3A_211 = scf.for %scan3A_910 = %scan3A_207 to %scan3A_209 step %scan3A_210 iter_args(%scan3A_911 = %scan3A_165) -> (vector<16xf32>)  : i32 {
      %get3A = arith.index_cast %scan3A_910 : i32 to index
      %get3A_912 = arith.constant 0 : index
      %get3A_913 = tpu.vector_load %arg13[%get3A, %get3A_912] {strides = array<i32>} : memref<64x256xf32, #tpu.memory_space<vmem>>, vector<1x16xf32>,
      %get3A_914 = vector.shape_cast %get3A_913 : vector<1x16xf32> to vector<16xf32>
      %get3A_915 = arith.index_cast %scan3A_910 : i32 to index
      %get3A_916 = arith.constant 0 : index
      %get3A_917 = tpu.vector_load %arg14[%get3A_915, %get3A_916] {strides = array<i32>} : memref<64x256xf32, #tpu.memory_space<vmem>>, vector<1x16xf32>,
      %get3A_918 = vector.shape_cast %get3A_917 : vector<1x16xf32> to vector<16xf32>
      %mul3A_919 = arith.mulf %get3A_914, %get3A_918 : vector<16xf32>
      %add3A_920 = arith.addf %scan3A_911, %mul3A_919 : vector<16xf32>
      %get3A_921 = arith.index_cast %scan3A_910 : i32 to index
      %get3A_922 = arith.constant 16 : index
      %get3A_923 = tpu.vector_load %arg13[%get3A_921, %get3A_922] {strides = array<i32>} : memref<64x256xf32, #tpu.memory_space<vmem>>, vector<1x16xf32>,
      %get3A_924 = vector.shape_cast %get3A_923 : vector<1x16xf32> to vector<16xf32>
      %get3A_925 = arith.index_cast %scan3A_910 : i32 to index
      %get3A_926 = arith.constant 16 : index
      %get3A_927 = tpu.vector_load %arg14[%get3A_925, %get3A_926] {strides = array<i32>} : memref<64x256xf32, #tpu.memory_space<vmem>>, vector<1x16xf32>,
      %get3A_928 = vector.shape_cast %get3A_927 : vector<1x16xf32> to vector<16xf32>
      %mul3A_929 = arith.mulf %get3A_924, %get3A_928 : vector<16xf32>
      %add3A_930 = arith.addf %add3A_920, %mul3A_929 : vector<16xf32>
      %get3A_931 = arith.index_cast %scan3A_910 : i32 to index
      %get3A_932 = arith.constant 32 : index
      %get3A_933 = tpu.vector_load %arg13[%get3A_931, %get3A_932] {strides = array<i32>} : memref<64x256xf32, #tpu.memory_space<vmem>>, vector<1x16xf32>,
      %get3A_934 = vector.shape_cast %get3A_933 : vector<1x16xf32> to vector<16xf32>
      %get3A_935 = arith.index_cast %scan3A_910 : i32 to index
      %get3A_936 = arith.constant 32 : index
      %get3A_937 = tpu.vector_load %arg14[%get3A_935, %get3A_936] {strides = array<i32>} : memref<64x256xf32, #tpu.memory_space<vmem>>, vector<1x16xf32>,
      %get3A_938 = vector.shape_cast %get3A_937 : vector<1x16xf32> to vector<16xf32>
      %mul3A_939 = arith.mulf %get3A_934, %get3A_938 : vector<16xf32>
      %add3A_940 = arith.addf %add3A_930, %mul3A_939 : vector<16xf32>
      %get3A_941 = arith.index_cast %scan3A_910 : i32 to index
      %get3A_942 = arith.constant 48 : index
      %get3A_943 = tpu.vector_load %arg13[%get3A_941, %get3A_942] {strides = array<i32>} : memref<64x256xf32, #tpu.memory_space<vmem>>, vector<1x16xf32>,
      %get3A_944 = vector.shape_cast %get3A_943 : vector<1x16xf32> to vector<16xf32>
      %get3A_945 = arith.index_cast %scan3A_910 : i32 to index
      %get3A_946 = arith.constant 48 : index
      %get3A_947 = tpu.vector_load %arg14[%get3A_945, %get3A_946] {strides = array<i32>} : memref<64x256xf32, #tpu.memory_space<vmem>>, vector<1x16xf32>,
      %get3A_948 = vector.shape_cast %get3A_947 : vector<1x16xf32> to vector<16xf32>
      %mul3A_949 = arith.mulf %get3A_944, %get3A_948 : vector<16xf32>
      %add3A_950 = arith.addf %add3A_940, %mul3A_949 : vector<16xf32>
      %get3A_951 = arith.index_cast %scan3A_910 : i32 to index
      %get3A_952 = arith.constant 64 : index
      %get3A_953 = tpu.vector_load %arg13[%get3A_951, %get3A_952] {strides = array<i32>} : memref<64x256xf32, #tpu.memory_space<vmem>>, vector<1x16xf32>,
      %get3A_954 = vector.shape_cast %get3A_953 : vector<1x16xf32> to vector<16xf32>
      %get3A_955 = arith.index_cast %scan3A_910 : i32 to index
      %get3A_956 = arith.constant 64 : index
      %get3A_957 = tpu.vector_load %arg14[%get3A_955, %get3A_956] {strides = array<i32>} : memref<64x256xf32, #tpu.memory_space<vmem>>, vector<1x16xf32>,
      %get3A_958 = vector.shape_cast %get3A_957 : vector<1x16xf32> to vector<16xf32>
      %mul3A_959 = arith.mulf %get3A_954, %get3A_958 : vector<16xf32>
      %add3A_960 = arith.addf %add3A_950, %mul3A_959 : vector<16xf32>
      %get3A_961 = arith.index_cast %scan3A_910 : i32 to index
      %get3A_962 = arith.constant 80 : index
      %get3A_963 = tpu.vector_load %arg13[%get3A_961, %get3A_962] {strides = array<i32>} : memref<64x256xf32, #tpu.memory_space<vmem>>, vector<1x16xf32>,
      %get3A_964 = vector.shape_cast %get3A_963 : vector<1x16xf32> to vector<16xf32>
      %get3A_965 = arith.index_cast %scan3A_910 : i32 to index
      %get3A_966 = arith.constant 80 : index
      %get3A_967 = tpu.vector_load %arg14[%get3A_965, %get3A_966] {strides = array<i32>} : memref<64x256xf32, #tpu.memory_space<vmem>>, vector<1x16xf32>,
      %get3A_968 = vector.shape_cast %get3A_967 : vector<1x16xf32> to vector<16xf32>
      %mul3A_969 = arith.mulf %get3A_964, %get3A_968 : vector<16xf32>
      %add3A_970 = arith.addf %add3A_960, %mul3A_969 : vector<16xf32>
      %get3A_971 = arith.index_cast %scan3A_910 : i32 to index
      %get3A_972 = arith.constant 96 : index
      %get3A_973 = tpu.vector_load %arg13[%get3A_971, %get3A_972] {strides = array<i32>} : memref<64x256xf32, #tpu.memory_space<vmem>>, vector<1x16xf32>,
      %get3A_974 = vector.shape_cast %get3A_973 : vector<1x16xf32> to vector<16xf32>
      %get3A_975 = arith.index_cast %scan3A_910 : i32 to index
      %get3A_976 = arith.constant 96 : index
      %get3A_977 = tpu.vector_load %arg14[%get3A_975, %get3A_976] {strides = array<i32>} : memref<64x256xf32, #tpu.memory_space<vmem>>, vector<1x16xf32>,
      %get3A_978 = vector.shape_cast %get3A_977 : vector<1x16xf32> to vector<16xf32>
      %mul3A_979 = arith.mulf %get3A_974, %get3A_978 : vector<16xf32>
      %add3A_980 = arith.addf %add3A_970, %mul3A_979 : vector<16xf32>
      %get3A_981 = arith.index_cast %scan3A_910 : i32 to index
      %get3A_982 = arith.constant 112 : index
      %get3A_983 = tpu.vector_load %arg13[%get3A_981, %get3A_982] {strides = array<i32>} : memref<64x256xf32, #tpu.memory_space<vmem>>, vector<1x16xf32>,
      %get3A_984 = vector.shape_cast %get3A_983 : vector<1x16xf32> to vector<16xf32>
      %get3A_985 = arith.index_cast %scan3A_910 : i32 to index
      %get3A_986 = arith.constant 112 : index
      %get3A_987 = tpu.vector_load %arg14[%get3A_985, %get3A_986] {strides = array<i32>} : memref<64x256xf32, #tpu.memory_space<vmem>>, vector<1x16xf32>,
      %get3A_988 = vector.shape_cast %get3A_987 : vector<1x16xf32> to vector<16xf32>
      %mul3A_989 = arith.mulf %get3A_984, %get3A_988 : vector<16xf32>
      %add3A_990 = arith.addf %add3A_980, %mul3A_989 : vector<16xf32>
      %get3A_991 = arith.index_cast %scan3A_910 : i32 to index
      %get3A_992 = arith.constant 128 : index
      %get3A_993 = tpu.vector_load %arg13[%get3A_991, %get3A_992] {strides = array<i32>} : memref<64x256xf32, #tpu.memory_space<vmem>>, vector<1x16xf32>,
      %get3A_994 = vector.shape_cast %get3A_993 : vector<1x16xf32> to vector<16xf32>
      %get3A_995 = arith.index_cast %scan3A_910 : i32 to index
      %get3A_996 = arith.constant 128 : index
      %get3A_997 = tpu.vector_load %arg14[%get3A_995, %get3A_996] {strides = array<i32>} : memref<64x256xf32, #tpu.memory_space<vmem>>, vector<1x16xf32>,
      %get3A_998 = vector.shape_cast %get3A_997 : vector<1x16xf32> to vector<16xf32>
      %mul3A_999 = arith.mulf %get3A_994, %get3A_998 : vector<16xf32>
      %add3A_1000 = arith.addf %add3A_990, %mul3A_999 : vector<16xf32>
      %get3A_1001 = arith.index_cast %scan3A_910 : i32 to index
      %get3A_1002 = arith.constant 144 : index
      %get3A_1003 = tpu.vector_load %arg13[%get3A_1001, %get3A_1002] {strides = array<i32>} : memref<64x256xf32, #tpu.memory_space<vmem>>, vector<1x16xf32>,
      %get3A_1004 = vector.shape_cast %get3A_1003 : vector<1x16xf32> to vector<16xf32>
      %get3A_1005 = arith.index_cast %scan3A_910 : i32 to index
      %get3A_1006 = arith.constant 144 : index
      %get3A_1007 = tpu.vector_load %arg14[%get3A_1005, %get3A_1006] {strides = array<i32>} : memref<64x256xf32, #tpu.memory_space<vmem>>, vector<1x16xf32>,
      %get3A_1008 = vector.shape_cast %get3A_1007 : vector<1x16xf32> to vector<16xf32>
      %mul3A_1009 = arith.mulf %get3A_1004, %get3A_1008 : vector<16xf32>
      %add3A_1010 = arith.addf %add3A_1000, %mul3A_1009 : vector<16xf32>
      %get3A_1011 = arith.index_cast %scan3A_910 : i32 to index
      %get3A_1012 = arith.constant 160 : index
      %get3A_1013 = tpu.vector_load %arg13[%get3A_1011, %get3A_1012] {strides = array<i32>} : memref<64x256xf32, #tpu.memory_space<vmem>>, vector<1x16xf32>,
      %get3A_1014 = vector.shape_cast %get3A_1013 : vector<1x16xf32> to vector<16xf32>
      %get3A_1015 = arith.index_cast %scan3A_910 : i32 to index
      %get3A_1016 = arith.constant 160 : index
      %get3A_1017 = tpu.vector_load %arg14[%get3A_1015, %get3A_1016] {strides = array<i32>} : memref<64x256xf32, #tpu.memory_space<vmem>>, vector<1x16xf32>,
      %get3A_1018 = vector.shape_cast %get3A_1017 : vector<1x16xf32> to vector<16xf32>
      %mul3A_1019 = arith.mulf %get3A_1014, %get3A_1018 : vector<16xf32>
      %add3A_1020 = arith.addf %add3A_1010, %mul3A_1019 : vector<16xf32>
      %get3A_1021 = arith.index_cast %scan3A_910 : i32 to index
      %get3A_1022 = arith.constant 176 : index
      %get3A_1023 = tpu.vector_load %arg13[%get3A_1021, %get3A_1022] {strides = array<i32>} : memref<64x256xf32, #tpu.memory_space<vmem>>, vector<1x16xf32>,
      %get3A_1024 = vector.shape_cast %get3A_1023 : vector<1x16xf32> to vector<16xf32>
      %get3A_1025 = arith.index_cast %scan3A_910 : i32 to index
      %get3A_1026 = arith.constant 176 : index
      %get3A_1027 = tpu.vector_load %arg14[%get3A_1025, %get3A_1026] {strides = array<i32>} : memref<64x256xf32, #tpu.memory_space<vmem>>, vector<1x16xf32>,
      %get3A_1028 = vector.shape_cast %get3A_1027 : vector<1x16xf32> to vector<16xf32>
      %mul3A_1029 = arith.mulf %get3A_1024, %get3A_1028 : vector<16xf32>
      %add3A_1030 = arith.addf %add3A_1020, %mul3A_1029 : vector<16xf32>
      %get3A_1031 = arith.index_cast %scan3A_910 : i32 to index
      %get3A_1032 = arith.constant 192 : index
      %get3A_1033 = tpu.vector_load %arg13[%get3A_1031, %get3A_1032] {strides = array<i32>} : memref<64x256xf32, #tpu.memory_space<vmem>>, vector<1x16xf32>,
      %get3A_1034 = vector.shape_cast %get3A_1033 : vector<1x16xf32> to vector<16xf32>
      %get3A_1035 = arith.index_cast %scan3A_910 : i32 to index
      %get3A_1036 = arith.constant 192 : index
      %get3A_1037 = tpu.vector_load %arg14[%get3A_1035, %get3A_1036] {strides = array<i32>} : memref<64x256xf32, #tpu.memory_space<vmem>>, vector<1x16xf32>,
      %get3A_1038 = vector.shape_cast %get3A_1037 : vector<1x16xf32> to vector<16xf32>
      %mul3A_1039 = arith.mulf %get3A_1034, %get3A_1038 : vector<16xf32>
      %add3A_1040 = arith.addf %add3A_1030, %mul3A_1039 : vector<16xf32>
      %get3A_1041 = arith.index_cast %scan3A_910 : i32 to index
      %get3A_1042 = arith.constant 208 : index
      %get3A_1043 = tpu.vector_load %arg13[%get3A_1041, %get3A_1042] {strides = array<i32>} : memref<64x256xf32, #tpu.memory_space<vmem>>, vector<1x16xf32>,
      %get3A_1044 = vector.shape_cast %get3A_1043 : vector<1x16xf32> to vector<16xf32>
      %get3A_1045 = arith.index_cast %scan3A_910 : i32 to index
      %get3A_1046 = arith.constant 208 : index
      %get3A_1047 = tpu.vector_load %arg14[%get3A_1045, %get3A_1046] {strides = array<i32>} : memref<64x256xf32, #tpu.memory_space<vmem>>, vector<1x16xf32>,
      %get3A_1048 = vector.shape_cast %get3A_1047 : vector<1x16xf32> to vector<16xf32>
      %mul3A_1049 = arith.mulf %get3A_1044, %get3A_1048 : vector<16xf32>
      %add3A_1050 = arith.addf %add3A_1040, %mul3A_1049 : vector<16xf32>
      %get3A_1051 = arith.index_cast %scan3A_910 : i32 to index
      %get3A_1052 = arith.constant 224 : index
      %get3A_1053 = tpu.vector_load %arg13[%get3A_1051, %get3A_1052] {strides = array<i32>} : memref<64x256xf32, #tpu.memory_space<vmem>>, vector<1x16xf32>,
      %get3A_1054 = vector.shape_cast %get3A_1053 : vector<1x16xf32> to vector<16xf32>
      %get3A_1055 = arith.index_cast %scan3A_910 : i32 to index
      %get3A_1056 = arith.constant 224 : index
      %get3A_1057 = tpu.vector_load %arg14[%get3A_1055, %get3A_1056] {strides = array<i32>} : memref<64x256xf32, #tpu.memory_space<vmem>>, vector<1x16xf32>,
      %get3A_1058 = vector.shape_cast %get3A_1057 : vector<1x16xf32> to vector<16xf32>
      %mul3A_1059 = arith.mulf %get3A_1054, %get3A_1058 : vector<16xf32>
      %add3A_1060 = arith.addf %add3A_1050, %mul3A_1059 : vector<16xf32>
      %get3A_1061 = arith.index_cast %scan3A_910 : i32 to index
      %get3A_1062 = arith.constant 240 : index
      %get3A_1063 = tpu.vector_load %arg13[%get3A_1061, %get3A_1062] {strides = array<i32>} : memref<64x256xf32, #tpu.memory_space<vmem>>, vector<1x16xf32>,
      %get3A_1064 = vector.shape_cast %get3A_1063 : vector<1x16xf32> to vector<16xf32>
      %get3A_1065 = arith.index_cast %scan3A_910 : i32 to index
      %get3A_1066 = arith.constant 240 : index
      %get3A_1067 = tpu.vector_load %arg14[%get3A_1065, %get3A_1066] {strides = array<i32>} : memref<64x256xf32, #tpu.memory_space<vmem>>, vector<1x16xf32>,
      %get3A_1068 = vector.shape_cast %get3A_1067 : vector<1x16xf32> to vector<16xf32>
      %mul3A_1069 = arith.mulf %get3A_1064, %get3A_1068 : vector<16xf32>
      %add3A_1070 = arith.addf %add3A_1060, %mul3A_1069 : vector<16xf32>
      %get3A_1071 = arith.index_cast %scan3A_910 : i32 to index
      %get3A_1072 = arith.constant 0 : index
      %get3A_1073 = tpu.vector_load %arg15[%get3A_1071, %get3A_1072] {strides = array<i32>} : memref<64x128xf32, #tpu.memory_space<vmem>>, vector<1x16xf32>,
      %get3A_1074 = vector.shape_cast %get3A_1073 : vector<1x16xf32> to vector<16xf32>
      %get3A_1075 = arith.index_cast %scan3A_910 : i32 to index
      %get3A_1076 = arith.constant 0 : index
      %get3A_1077 = tpu.vector_load %arg16[%get3A_1075, %get3A_1076] {strides = array<i32>} : memref<64x128xf32, #tpu.memory_space<vmem>>, vector<1x16xf32>,
      %get3A_1078 = vector.shape_cast %get3A_1077 : vector<1x16xf32> to vector<16xf32>
      %mul3A_1079 = arith.mulf %get3A_1074, %get3A_1078 : vector<16xf32>
      %add3A_1080 = arith.addf %add3A_1070, %mul3A_1079 : vector<16xf32>
      %get3A_1081 = arith.index_cast %scan3A_910 : i32 to index
      %get3A_1082 = arith.constant 16 : index
      %get3A_1083 = tpu.vector_load %arg15[%get3A_1081, %get3A_1082] {strides = array<i32>} : memref<64x128xf32, #tpu.memory_space<vmem>>, vector<1x16xf32>,
      %get3A_1084 = vector.shape_cast %get3A_1083 : vector<1x16xf32> to vector<16xf32>
      %get3A_1085 = arith.index_cast %scan3A_910 : i32 to index
      %get3A_1086 = arith.constant 16 : index
      %get3A_1087 = tpu.vector_load %arg16[%get3A_1085, %get3A_1086] {strides = array<i32>} : memref<64x128xf32, #tpu.memory_space<vmem>>, vector<1x16xf32>,
      %get3A_1088 = vector.shape_cast %get3A_1087 : vector<1x16xf32> to vector<16xf32>
      %mul3A_1089 = arith.mulf %get3A_1084, %get3A_1088 : vector<16xf32>
      %add3A_1090 = arith.addf %add3A_1080, %mul3A_1089 : vector<16xf32>
      %get3A_1091 = arith.index_cast %scan3A_910 : i32 to index
      %get3A_1092 = arith.constant 32 : index
      %get3A_1093 = tpu.vector_load %arg15[%get3A_1091, %get3A_1092] {strides = array<i32>} : memref<64x128xf32, #tpu.memory_space<vmem>>, vector<1x16xf32>,
      %get3A_1094 = vector.shape_cast %get3A_1093 : vector<1x16xf32> to vector<16xf32>
      %get3A_1095 = arith.index_cast %scan3A_910 : i32 to index
      %get3A_1096 = arith.constant 32 : index
      %get3A_1097 = tpu.vector_load %arg16[%get3A_1095, %get3A_1096] {strides = array<i32>} : memref<64x128xf32, #tpu.memory_space<vmem>>, vector<1x16xf32>,
      %get3A_1098 = vector.shape_cast %get3A_1097 : vector<1x16xf32> to vector<16xf32>
      %mul3A_1099 = arith.mulf %get3A_1094, %get3A_1098 : vector<16xf32>
      %add3A_1100 = arith.addf %add3A_1090, %mul3A_1099 : vector<16xf32>
      scf.yield %add3A_1100 : vector<16xf32>
    }
    %scan3A_212 = arith.constant 64 : i32
    %dma_start3A_213 = arith.constant 320 : i32
    %dma_start3A_214 = tpu.memref_slice %arg7[%dma_start3A_213] : memref<512xi32, #tpu.memory_space<vmem>> -> memref<64xi32, #tpu.memory_space<vmem>>
    %dma_start3A_215 = arith.constant 0 : i32
    %dma_start3A_216 = arith.constant 0 : i32
    %dma_start3A_217 = tpu.memref_slice %arg4[%dma_start3A_215, %dma_start3A_216] : memref<28436x300xf32, #tpu.memory_space<hbm>> -> memref<28436x256xf32, #tpu.memory_space<hbm>>
    tpu.enqueue_indirect_dma source(%dma_start3A_217 : memref<28436x256xf32, #tpu.memory_space<hbm>>) target(%arg13 : memref<64x256xf32, #tpu.memory_space<vmem>>) offsets(%dma_start3A_214 : memref<64xi32, #tpu.memory_space<vmem>>) semaphore(%arg19 : memref<!tpu.dma_semaphore, #tpu.memory_space<semaphore_mem>>)
    %dma_start3A_218 = arith.constant 320 : i32
    %dma_start3A_219 = tpu.memref_slice %arg8[%dma_start3A_218] : memref<512xi32, #tpu.memory_space<vmem>> -> memref<64xi32, #tpu.memory_space<vmem>>
    %dma_start3A_220 = arith.constant 0 : i32
    %dma_start3A_221 = arith.constant 0 : i32
    %dma_start3A_222 = tpu.memref_slice %arg4[%dma_start3A_220, %dma_start3A_221] : memref<28436x300xf32, #tpu.memory_space<hbm>> -> memref<28436x256xf32, #tpu.memory_space<hbm>>
    tpu.enqueue_indirect_dma source(%dma_start3A_222 : memref<28436x256xf32, #tpu.memory_space<hbm>>) target(%arg14 : memref<64x256xf32, #tpu.memory_space<vmem>>) offsets(%dma_start3A_219 : memref<64xi32, #tpu.memory_space<vmem>>) semaphore(%arg19 : memref<!tpu.dma_semaphore, #tpu.memory_space<semaphore_mem>>)
    %dma_start3A_223 = arith.constant 320 : i32
    %dma_start3A_224 = tpu.memref_slice %arg7[%dma_start3A_223] : memref<512xi32, #tpu.memory_space<vmem>> -> memref<64xi32, #tpu.memory_space<vmem>>
    %dma_start3A_225 = arith.constant 0 : i32
    %dma_start3A_226 = arith.constant 0 : i32
    %dma_start3A_227 = tpu.memref_slice %arg5[%dma_start3A_225, %dma_start3A_226] : memref<28436x128xf32, #tpu.memory_space<hbm>> -> memref<28436x128xf32, #tpu.memory_space<hbm>>
    tpu.enqueue_indirect_dma source(%dma_start3A_227 : memref<28436x128xf32, #tpu.memory_space<hbm>>) target(%arg15 : memref<64x128xf32, #tpu.memory_space<vmem>>) offsets(%dma_start3A_224 : memref<64xi32, #tpu.memory_space<vmem>>) semaphore(%arg19 : memref<!tpu.dma_semaphore, #tpu.memory_space<semaphore_mem>>)
    %dma_start3A_228 = arith.constant 320 : i32
    %dma_start3A_229 = tpu.memref_slice %arg8[%dma_start3A_228] : memref<512xi32, #tpu.memory_space<vmem>> -> memref<64xi32, #tpu.memory_space<vmem>>
    %dma_start3A_230 = arith.constant 0 : i32
    %dma_start3A_231 = arith.constant 0 : i32
    %dma_start3A_232 = tpu.memref_slice %arg5[%dma_start3A_230, %dma_start3A_231] : memref<28436x128xf32, #tpu.memory_space<hbm>> -> memref<28436x128xf32, #tpu.memory_space<hbm>>
    tpu.enqueue_indirect_dma source(%dma_start3A_232 : memref<28436x128xf32, #tpu.memory_space<hbm>>) target(%arg16 : memref<64x128xf32, #tpu.memory_space<vmem>>) offsets(%dma_start3A_229 : memref<64xi32, #tpu.memory_space<vmem>>) semaphore(%arg19 : memref<!tpu.dma_semaphore, #tpu.memory_space<semaphore_mem>>)
    %dma_wait3A_233 = arith.constant 256 : i32
    %dma_wait3A_234 = tpu.memref_slice %arg7[%dma_wait3A_233] : memref<512xi32, #tpu.memory_space<vmem>> -> memref<64xi32, #tpu.memory_space<vmem>>
    %dma_wait3A_235 = arith.constant 0 : i32
    %dma_wait3A_236 = arith.constant 0 : i32
    %dma_wait3A_237 = tpu.memref_slice %arg4[%dma_wait3A_235, %dma_wait3A_236] : memref<28436x300xf32, #tpu.memory_space<hbm>> -> memref<28436x256xf32, #tpu.memory_space<hbm>>
    tpu.wait_indirect_dma semaphore(%arg18 : memref<!tpu.dma_semaphore, #tpu.memory_space<semaphore_mem>>) src(%dma_wait3A_237 : memref<28436x256xf32, #tpu.memory_space<hbm>>) dst(%arg9 : memref<64x256xf32, #tpu.memory_space<vmem>>)
    %dma_wait3A_238 = arith.constant 256 : i32
    %dma_wait3A_239 = tpu.memref_slice %arg8[%dma_wait3A_238] : memref<512xi32, #tpu.memory_space<vmem>> -> memref<64xi32, #tpu.memory_space<vmem>>
    %dma_wait3A_240 = arith.constant 0 : i32
    %dma_wait3A_241 = arith.constant 0 : i32
    %dma_wait3A_242 = tpu.memref_slice %arg4[%dma_wait3A_240, %dma_wait3A_241] : memref<28436x300xf32, #tpu.memory_space<hbm>> -> memref<28436x256xf32, #tpu.memory_space<hbm>>
    tpu.wait_indirect_dma semaphore(%arg18 : memref<!tpu.dma_semaphore, #tpu.memory_space<semaphore_mem>>) src(%dma_wait3A_242 : memref<28436x256xf32, #tpu.memory_space<hbm>>) dst(%arg10 : memref<64x256xf32, #tpu.memory_space<vmem>>)
    %dma_wait3A_243 = arith.constant 256 : i32
    %dma_wait3A_244 = tpu.memref_slice %arg7[%dma_wait3A_243] : memref<512xi32, #tpu.memory_space<vmem>> -> memref<64xi32, #tpu.memory_space<vmem>>
    %dma_wait3A_245 = arith.constant 0 : i32
    %dma_wait3A_246 = arith.constant 0 : i32
    %dma_wait3A_247 = tpu.memref_slice %arg5[%dma_wait3A_245, %dma_wait3A_246] : memref<28436x128xf32, #tpu.memory_space<hbm>> -> memref<28436x128xf32, #tpu.memory_space<hbm>>
    tpu.wait_indirect_dma semaphore(%arg18 : memref<!tpu.dma_semaphore, #tpu.memory_space<semaphore_mem>>) src(%dma_wait3A_247 : memref<28436x128xf32, #tpu.memory_space<hbm>>) dst(%arg11 : memref<64x128xf32, #tpu.memory_space<vmem>>)
    %dma_wait3A_248 = arith.constant 256 : i32
    %dma_wait3A_249 = tpu.memref_slice %arg8[%dma_wait3A_248] : memref<512xi32, #tpu.memory_space<vmem>> -> memref<64xi32, #tpu.memory_space<vmem>>
    %dma_wait3A_250 = arith.constant 0 : i32
    %dma_wait3A_251 = arith.constant 0 : i32
    %dma_wait3A_252 = tpu.memref_slice %arg5[%dma_wait3A_250, %dma_wait3A_251] : memref<28436x128xf32, #tpu.memory_space<hbm>> -> memref<28436x128xf32, #tpu.memory_space<hbm>>
    tpu.wait_indirect_dma semaphore(%arg18 : memref<!tpu.dma_semaphore, #tpu.memory_space<semaphore_mem>>) src(%dma_wait3A_252 : memref<28436x128xf32, #tpu.memory_space<hbm>>) dst(%arg12 : memref<64x128xf32, #tpu.memory_space<vmem>>)
    %scan3A_253 = arith.constant 0 : i32
    %scan3A_254 = arith.constant 64 : i32
    %scan3A_255 = arith.addi %scan3A_253, %scan3A_254 : i32
    %scan3A_256 = arith.constant 1 : i32
    %scan3A_257 = scf.for %scan3A_910 = %scan3A_253 to %scan3A_255 step %scan3A_256 iter_args(%scan3A_911 = %scan3A_211) -> (vector<16xf32>)  : i32 {
      %get3A = arith.index_cast %scan3A_910 : i32 to index
      %get3A_912 = arith.constant 0 : index
      %get3A_913 = tpu.vector_load %arg9[%get3A, %get3A_912] {strides = array<i32>} : memref<64x256xf32, #tpu.memory_space<vmem>>, vector<1x16xf32>,
      %get3A_914 = vector.shape_cast %get3A_913 : vector<1x16xf32> to vector<16xf32>
      %get3A_915 = arith.index_cast %scan3A_910 : i32 to index
      %get3A_916 = arith.constant 0 : index
      %get3A_917 = tpu.vector_load %arg10[%get3A_915, %get3A_916] {strides = array<i32>} : memref<64x256xf32, #tpu.memory_space<vmem>>, vector<1x16xf32>,
      %get3A_918 = vector.shape_cast %get3A_917 : vector<1x16xf32> to vector<16xf32>
      %mul3A_919 = arith.mulf %get3A_914, %get3A_918 : vector<16xf32>
      %add3A_920 = arith.addf %scan3A_911, %mul3A_919 : vector<16xf32>
      %get3A_921 = arith.index_cast %scan3A_910 : i32 to index
      %get3A_922 = arith.constant 16 : index
      %get3A_923 = tpu.vector_load %arg9[%get3A_921, %get3A_922] {strides = array<i32>} : memref<64x256xf32, #tpu.memory_space<vmem>>, vector<1x16xf32>,
      %get3A_924 = vector.shape_cast %get3A_923 : vector<1x16xf32> to vector<16xf32>
      %get3A_925 = arith.index_cast %scan3A_910 : i32 to index
      %get3A_926 = arith.constant 16 : index
      %get3A_927 = tpu.vector_load %arg10[%get3A_925, %get3A_926] {strides = array<i32>} : memref<64x256xf32, #tpu.memory_space<vmem>>, vector<1x16xf32>,
      %get3A_928 = vector.shape_cast %get3A_927 : vector<1x16xf32> to vector<16xf32>
      %mul3A_929 = arith.mulf %get3A_924, %get3A_928 : vector<16xf32>
      %add3A_930 = arith.addf %add3A_920, %mul3A_929 : vector<16xf32>
      %get3A_931 = arith.index_cast %scan3A_910 : i32 to index
      %get3A_932 = arith.constant 32 : index
      %get3A_933 = tpu.vector_load %arg9[%get3A_931, %get3A_932] {strides = array<i32>} : memref<64x256xf32, #tpu.memory_space<vmem>>, vector<1x16xf32>,
      %get3A_934 = vector.shape_cast %get3A_933 : vector<1x16xf32> to vector<16xf32>
      %get3A_935 = arith.index_cast %scan3A_910 : i32 to index
      %get3A_936 = arith.constant 32 : index
      %get3A_937 = tpu.vector_load %arg10[%get3A_935, %get3A_936] {strides = array<i32>} : memref<64x256xf32, #tpu.memory_space<vmem>>, vector<1x16xf32>,
      %get3A_938 = vector.shape_cast %get3A_937 : vector<1x16xf32> to vector<16xf32>
      %mul3A_939 = arith.mulf %get3A_934, %get3A_938 : vector<16xf32>
      %add3A_940 = arith.addf %add3A_930, %mul3A_939 : vector<16xf32>
      %get3A_941 = arith.index_cast %scan3A_910 : i32 to index
      %get3A_942 = arith.constant 48 : index
      %get3A_943 = tpu.vector_load %arg9[%get3A_941, %get3A_942] {strides = array<i32>} : memref<64x256xf32, #tpu.memory_space<vmem>>, vector<1x16xf32>,
      %get3A_944 = vector.shape_cast %get3A_943 : vector<1x16xf32> to vector<16xf32>
      %get3A_945 = arith.index_cast %scan3A_910 : i32 to index
      %get3A_946 = arith.constant 48 : index
      %get3A_947 = tpu.vector_load %arg10[%get3A_945, %get3A_946] {strides = array<i32>} : memref<64x256xf32, #tpu.memory_space<vmem>>, vector<1x16xf32>,
      %get3A_948 = vector.shape_cast %get3A_947 : vector<1x16xf32> to vector<16xf32>
      %mul3A_949 = arith.mulf %get3A_944, %get3A_948 : vector<16xf32>
      %add3A_950 = arith.addf %add3A_940, %mul3A_949 : vector<16xf32>
      %get3A_951 = arith.index_cast %scan3A_910 : i32 to index
      %get3A_952 = arith.constant 64 : index
      %get3A_953 = tpu.vector_load %arg9[%get3A_951, %get3A_952] {strides = array<i32>} : memref<64x256xf32, #tpu.memory_space<vmem>>, vector<1x16xf32>,
      %get3A_954 = vector.shape_cast %get3A_953 : vector<1x16xf32> to vector<16xf32>
      %get3A_955 = arith.index_cast %scan3A_910 : i32 to index
      %get3A_956 = arith.constant 64 : index
      %get3A_957 = tpu.vector_load %arg10[%get3A_955, %get3A_956] {strides = array<i32>} : memref<64x256xf32, #tpu.memory_space<vmem>>, vector<1x16xf32>,
      %get3A_958 = vector.shape_cast %get3A_957 : vector<1x16xf32> to vector<16xf32>
      %mul3A_959 = arith.mulf %get3A_954, %get3A_958 : vector<16xf32>
      %add3A_960 = arith.addf %add3A_950, %mul3A_959 : vector<16xf32>
      %get3A_961 = arith.index_cast %scan3A_910 : i32 to index
      %get3A_962 = arith.constant 80 : index
      %get3A_963 = tpu.vector_load %arg9[%get3A_961, %get3A_962] {strides = array<i32>} : memref<64x256xf32, #tpu.memory_space<vmem>>, vector<1x16xf32>,
      %get3A_964 = vector.shape_cast %get3A_963 : vector<1x16xf32> to vector<16xf32>
      %get3A_965 = arith.index_cast %scan3A_910 : i32 to index
      %get3A_966 = arith.constant 80 : index
      %get3A_967 = tpu.vector_load %arg10[%get3A_965, %get3A_966] {strides = array<i32>} : memref<64x256xf32, #tpu.memory_space<vmem>>, vector<1x16xf32>,
      %get3A_968 = vector.shape_cast %get3A_967 : vector<1x16xf32> to vector<16xf32>
      %mul3A_969 = arith.mulf %get3A_964, %get3A_968 : vector<16xf32>
      %add3A_970 = arith.addf %add3A_960, %mul3A_969 : vector<16xf32>
      %get3A_971 = arith.index_cast %scan3A_910 : i32 to index
      %get3A_972 = arith.constant 96 : index
      %get3A_973 = tpu.vector_load %arg9[%get3A_971, %get3A_972] {strides = array<i32>} : memref<64x256xf32, #tpu.memory_space<vmem>>, vector<1x16xf32>,
      %get3A_974 = vector.shape_cast %get3A_973 : vector<1x16xf32> to vector<16xf32>
      %get3A_975 = arith.index_cast %scan3A_910 : i32 to index
      %get3A_976 = arith.constant 96 : index
      %get3A_977 = tpu.vector_load %arg10[%get3A_975, %get3A_976] {strides = array<i32>} : memref<64x256xf32, #tpu.memory_space<vmem>>, vector<1x16xf32>,
      %get3A_978 = vector.shape_cast %get3A_977 : vector<1x16xf32> to vector<16xf32>
      %mul3A_979 = arith.mulf %get3A_974, %get3A_978 : vector<16xf32>
      %add3A_980 = arith.addf %add3A_970, %mul3A_979 : vector<16xf32>
      %get3A_981 = arith.index_cast %scan3A_910 : i32 to index
      %get3A_982 = arith.constant 112 : index
      %get3A_983 = tpu.vector_load %arg9[%get3A_981, %get3A_982] {strides = array<i32>} : memref<64x256xf32, #tpu.memory_space<vmem>>, vector<1x16xf32>,
      %get3A_984 = vector.shape_cast %get3A_983 : vector<1x16xf32> to vector<16xf32>
      %get3A_985 = arith.index_cast %scan3A_910 : i32 to index
      %get3A_986 = arith.constant 112 : index
      %get3A_987 = tpu.vector_load %arg10[%get3A_985, %get3A_986] {strides = array<i32>} : memref<64x256xf32, #tpu.memory_space<vmem>>, vector<1x16xf32>,
      %get3A_988 = vector.shape_cast %get3A_987 : vector<1x16xf32> to vector<16xf32>
      %mul3A_989 = arith.mulf %get3A_984, %get3A_988 : vector<16xf32>
      %add3A_990 = arith.addf %add3A_980, %mul3A_989 : vector<16xf32>
      %get3A_991 = arith.index_cast %scan3A_910 : i32 to index
      %get3A_992 = arith.constant 128 : index
      %get3A_993 = tpu.vector_load %arg9[%get3A_991, %get3A_992] {strides = array<i32>} : memref<64x256xf32, #tpu.memory_space<vmem>>, vector<1x16xf32>,
      %get3A_994 = vector.shape_cast %get3A_993 : vector<1x16xf32> to vector<16xf32>
      %get3A_995 = arith.index_cast %scan3A_910 : i32 to index
      %get3A_996 = arith.constant 128 : index
      %get3A_997 = tpu.vector_load %arg10[%get3A_995, %get3A_996] {strides = array<i32>} : memref<64x256xf32, #tpu.memory_space<vmem>>, vector<1x16xf32>,
      %get3A_998 = vector.shape_cast %get3A_997 : vector<1x16xf32> to vector<16xf32>
      %mul3A_999 = arith.mulf %get3A_994, %get3A_998 : vector<16xf32>
      %add3A_1000 = arith.addf %add3A_990, %mul3A_999 : vector<16xf32>
      %get3A_1001 = arith.index_cast %scan3A_910 : i32 to index
      %get3A_1002 = arith.constant 144 : index
      %get3A_1003 = tpu.vector_load %arg9[%get3A_1001, %get3A_1002] {strides = array<i32>} : memref<64x256xf32, #tpu.memory_space<vmem>>, vector<1x16xf32>,
      %get3A_1004 = vector.shape_cast %get3A_1003 : vector<1x16xf32> to vector<16xf32>
      %get3A_1005 = arith.index_cast %scan3A_910 : i32 to index
      %get3A_1006 = arith.constant 144 : index
      %get3A_1007 = tpu.vector_load %arg10[%get3A_1005, %get3A_1006] {strides = array<i32>} : memref<64x256xf32, #tpu.memory_space<vmem>>, vector<1x16xf32>,
      %get3A_1008 = vector.shape_cast %get3A_1007 : vector<1x16xf32> to vector<16xf32>
      %mul3A_1009 = arith.mulf %get3A_1004, %get3A_1008 : vector<16xf32>
      %add3A_1010 = arith.addf %add3A_1000, %mul3A_1009 : vector<16xf32>
      %get3A_1011 = arith.index_cast %scan3A_910 : i32 to index
      %get3A_1012 = arith.constant 160 : index
      %get3A_1013 = tpu.vector_load %arg9[%get3A_1011, %get3A_1012] {strides = array<i32>} : memref<64x256xf32, #tpu.memory_space<vmem>>, vector<1x16xf32>,
      %get3A_1014 = vector.shape_cast %get3A_1013 : vector<1x16xf32> to vector<16xf32>
      %get3A_1015 = arith.index_cast %scan3A_910 : i32 to index
      %get3A_1016 = arith.constant 160 : index
      %get3A_1017 = tpu.vector_load %arg10[%get3A_1015, %get3A_1016] {strides = array<i32>} : memref<64x256xf32, #tpu.memory_space<vmem>>, vector<1x16xf32>,
      %get3A_1018 = vector.shape_cast %get3A_1017 : vector<1x16xf32> to vector<16xf32>
      %mul3A_1019 = arith.mulf %get3A_1014, %get3A_1018 : vector<16xf32>
      %add3A_1020 = arith.addf %add3A_1010, %mul3A_1019 : vector<16xf32>
      %get3A_1021 = arith.index_cast %scan3A_910 : i32 to index
      %get3A_1022 = arith.constant 176 : index
      %get3A_1023 = tpu.vector_load %arg9[%get3A_1021, %get3A_1022] {strides = array<i32>} : memref<64x256xf32, #tpu.memory_space<vmem>>, vector<1x16xf32>,
      %get3A_1024 = vector.shape_cast %get3A_1023 : vector<1x16xf32> to vector<16xf32>
      %get3A_1025 = arith.index_cast %scan3A_910 : i32 to index
      %get3A_1026 = arith.constant 176 : index
      %get3A_1027 = tpu.vector_load %arg10[%get3A_1025, %get3A_1026] {strides = array<i32>} : memref<64x256xf32, #tpu.memory_space<vmem>>, vector<1x16xf32>,
      %get3A_1028 = vector.shape_cast %get3A_1027 : vector<1x16xf32> to vector<16xf32>
      %mul3A_1029 = arith.mulf %get3A_1024, %get3A_1028 : vector<16xf32>
      %add3A_1030 = arith.addf %add3A_1020, %mul3A_1029 : vector<16xf32>
      %get3A_1031 = arith.index_cast %scan3A_910 : i32 to index
      %get3A_1032 = arith.constant 192 : index
      %get3A_1033 = tpu.vector_load %arg9[%get3A_1031, %get3A_1032] {strides = array<i32>} : memref<64x256xf32, #tpu.memory_space<vmem>>, vector<1x16xf32>,
      %get3A_1034 = vector.shape_cast %get3A_1033 : vector<1x16xf32> to vector<16xf32>
      %get3A_1035 = arith.index_cast %scan3A_910 : i32 to index
      %get3A_1036 = arith.constant 192 : index
      %get3A_1037 = tpu.vector_load %arg10[%get3A_1035, %get3A_1036] {strides = array<i32>} : memref<64x256xf32, #tpu.memory_space<vmem>>, vector<1x16xf32>,
      %get3A_1038 = vector.shape_cast %get3A_1037 : vector<1x16xf32> to vector<16xf32>
      %mul3A_1039 = arith.mulf %get3A_1034, %get3A_1038 : vector<16xf32>
      %add3A_1040 = arith.addf %add3A_1030, %mul3A_1039 : vector<16xf32>
      %get3A_1041 = arith.index_cast %scan3A_910 : i32 to index
      %get3A_1042 = arith.constant 208 : index
      %get3A_1043 = tpu.vector_load %arg9[%get3A_1041, %get3A_1042] {strides = array<i32>} : memref<64x256xf32, #tpu.memory_space<vmem>>, vector<1x16xf32>,
      %get3A_1044 = vector.shape_cast %get3A_1043 : vector<1x16xf32> to vector<16xf32>
      %get3A_1045 = arith.index_cast %scan3A_910 : i32 to index
      %get3A_1046 = arith.constant 208 : index
      %get3A_1047 = tpu.vector_load %arg10[%get3A_1045, %get3A_1046] {strides = array<i32>} : memref<64x256xf32, #tpu.memory_space<vmem>>, vector<1x16xf32>,
      %get3A_1048 = vector.shape_cast %get3A_1047 : vector<1x16xf32> to vector<16xf32>
      %mul3A_1049 = arith.mulf %get3A_1044, %get3A_1048 : vector<16xf32>
      %add3A_1050 = arith.addf %add3A_1040, %mul3A_1049 : vector<16xf32>
      %get3A_1051 = arith.index_cast %scan3A_910 : i32 to index
      %get3A_1052 = arith.constant 224 : index
      %get3A_1053 = tpu.vector_load %arg9[%get3A_1051, %get3A_1052] {strides = array<i32>} : memref<64x256xf32, #tpu.memory_space<vmem>>, vector<1x16xf32>,
      %get3A_1054 = vector.shape_cast %get3A_1053 : vector<1x16xf32> to vector<16xf32>
      %get3A_1055 = arith.index_cast %scan3A_910 : i32 to index
      %get3A_1056 = arith.constant 224 : index
      %get3A_1057 = tpu.vector_load %arg10[%get3A_1055, %get3A_1056] {strides = array<i32>} : memref<64x256xf32, #tpu.memory_space<vmem>>, vector<1x16xf32>,
      %get3A_1058 = vector.shape_cast %get3A_1057 : vector<1x16xf32> to vector<16xf32>
      %mul3A_1059 = arith.mulf %get3A_1054, %get3A_1058 : vector<16xf32>
      %add3A_1060 = arith.addf %add3A_1050, %mul3A_1059 : vector<16xf32>
      %get3A_1061 = arith.index_cast %scan3A_910 : i32 to index
      %get3A_1062 = arith.constant 240 : index
      %get3A_1063 = tpu.vector_load %arg9[%get3A_1061, %get3A_1062] {strides = array<i32>} : memref<64x256xf32, #tpu.memory_space<vmem>>, vector<1x16xf32>,
      %get3A_1064 = vector.shape_cast %get3A_1063 : vector<1x16xf32> to vector<16xf32>
      %get3A_1065 = arith.index_cast %scan3A_910 : i32 to index
      %get3A_1066 = arith.constant 240 : index
      %get3A_1067 = tpu.vector_load %arg10[%get3A_1065, %get3A_1066] {strides = array<i32>} : memref<64x256xf32, #tpu.memory_space<vmem>>, vector<1x16xf32>,
      %get3A_1068 = vector.shape_cast %get3A_1067 : vector<1x16xf32> to vector<16xf32>
      %mul3A_1069 = arith.mulf %get3A_1064, %get3A_1068 : vector<16xf32>
      %add3A_1070 = arith.addf %add3A_1060, %mul3A_1069 : vector<16xf32>
      %get3A_1071 = arith.index_cast %scan3A_910 : i32 to index
      %get3A_1072 = arith.constant 0 : index
      %get3A_1073 = tpu.vector_load %arg11[%get3A_1071, %get3A_1072] {strides = array<i32>} : memref<64x128xf32, #tpu.memory_space<vmem>>, vector<1x16xf32>,
      %get3A_1074 = vector.shape_cast %get3A_1073 : vector<1x16xf32> to vector<16xf32>
      %get3A_1075 = arith.index_cast %scan3A_910 : i32 to index
      %get3A_1076 = arith.constant 0 : index
      %get3A_1077 = tpu.vector_load %arg12[%get3A_1075, %get3A_1076] {strides = array<i32>} : memref<64x128xf32, #tpu.memory_space<vmem>>, vector<1x16xf32>,
      %get3A_1078 = vector.shape_cast %get3A_1077 : vector<1x16xf32> to vector<16xf32>
      %mul3A_1079 = arith.mulf %get3A_1074, %get3A_1078 : vector<16xf32>
      %add3A_1080 = arith.addf %add3A_1070, %mul3A_1079 : vector<16xf32>
      %get3A_1081 = arith.index_cast %scan3A_910 : i32 to index
      %get3A_1082 = arith.constant 16 : index
      %get3A_1083 = tpu.vector_load %arg11[%get3A_1081, %get3A_1082] {strides = array<i32>} : memref<64x128xf32, #tpu.memory_space<vmem>>, vector<1x16xf32>,
      %get3A_1084 = vector.shape_cast %get3A_1083 : vector<1x16xf32> to vector<16xf32>
      %get3A_1085 = arith.index_cast %scan3A_910 : i32 to index
      %get3A_1086 = arith.constant 16 : index
      %get3A_1087 = tpu.vector_load %arg12[%get3A_1085, %get3A_1086] {strides = array<i32>} : memref<64x128xf32, #tpu.memory_space<vmem>>, vector<1x16xf32>,
      %get3A_1088 = vector.shape_cast %get3A_1087 : vector<1x16xf32> to vector<16xf32>
      %mul3A_1089 = arith.mulf %get3A_1084, %get3A_1088 : vector<16xf32>
      %add3A_1090 = arith.addf %add3A_1080, %mul3A_1089 : vector<16xf32>
      %get3A_1091 = arith.index_cast %scan3A_910 : i32 to index
      %get3A_1092 = arith.constant 32 : index
      %get3A_1093 = tpu.vector_load %arg11[%get3A_1091, %get3A_1092] {strides = array<i32>} : memref<64x128xf32, #tpu.memory_space<vmem>>, vector<1x16xf32>,
      %get3A_1094 = vector.shape_cast %get3A_1093 : vector<1x16xf32> to vector<16xf32>
      %get3A_1095 = arith.index_cast %scan3A_910 : i32 to index
      %get3A_1096 = arith.constant 32 : index
      %get3A_1097 = tpu.vector_load %arg12[%get3A_1095, %get3A_1096] {strides = array<i32>} : memref<64x128xf32, #tpu.memory_space<vmem>>, vector<1x16xf32>,
      %get3A_1098 = vector.shape_cast %get3A_1097 : vector<1x16xf32> to vector<16xf32>
      %mul3A_1099 = arith.mulf %get3A_1094, %get3A_1098 : vector<16xf32>
      %add3A_1100 = arith.addf %add3A_1090, %mul3A_1099 : vector<16xf32>
      scf.yield %add3A_1100 : vector<16xf32>
    }
    %scan3A_258 = arith.constant 64 : i32
    %dma_start3A_259 = arith.constant 384 : i32
    %dma_start3A_260 = tpu.memref_slice %arg7[%dma_start3A_259] : memref<512xi32, #tpu.memory_space<vmem>> -> memref<64xi32, #tpu.memory_space<vmem>>
    %dma_start3A_261 = arith.constant 0 : i32
    %dma_start3A_262 = arith.constant 0 : i32
    %dma_start3A_263 = tpu.memref_slice %arg4[%dma_start3A_261, %dma_start3A_262] : memref<28436x300xf32, #tpu.memory_space<hbm>> -> memref<28436x256xf32, #tpu.memory_space<hbm>>
    tpu.enqueue_indirect_dma source(%dma_start3A_263 : memref<28436x256xf32, #tpu.memory_space<hbm>>) target(%arg9 : memref<64x256xf32, #tpu.memory_space<vmem>>) offsets(%dma_start3A_260 : memref<64xi32, #tpu.memory_space<vmem>>) semaphore(%arg18 : memref<!tpu.dma_semaphore, #tpu.memory_space<semaphore_mem>>)
    %dma_start3A_264 = arith.constant 384 : i32
    %dma_start3A_265 = tpu.memref_slice %arg8[%dma_start3A_264] : memref<512xi32, #tpu.memory_space<vmem>> -> memref<64xi32, #tpu.memory_space<vmem>>
    %dma_start3A_266 = arith.constant 0 : i32
    %dma_start3A_267 = arith.constant 0 : i32
    %dma_start3A_268 = tpu.memref_slice %arg4[%dma_start3A_266, %dma_start3A_267] : memref<28436x300xf32, #tpu.memory_space<hbm>> -> memref<28436x256xf32, #tpu.memory_space<hbm>>
    tpu.enqueue_indirect_dma source(%dma_start3A_268 : memref<28436x256xf32, #tpu.memory_space<hbm>>) target(%arg10 : memref<64x256xf32, #tpu.memory_space<vmem>>) offsets(%dma_start3A_265 : memref<64xi32, #tpu.memory_space<vmem>>) semaphore(%arg18 : memref<!tpu.dma_semaphore, #tpu.memory_space<semaphore_mem>>)
    %dma_start3A_269 = arith.constant 384 : i32
    %dma_start3A_270 = tpu.memref_slice %arg7[%dma_start3A_269] : memref<512xi32, #tpu.memory_space<vmem>> -> memref<64xi32, #tpu.memory_space<vmem>>
    %dma_start3A_271 = arith.constant 0 : i32
    %dma_start3A_272 = arith.constant 0 : i32
    %dma_start3A_273 = tpu.memref_slice %arg5[%dma_start3A_271, %dma_start3A_272] : memref<28436x128xf32, #tpu.memory_space<hbm>> -> memref<28436x128xf32, #tpu.memory_space<hbm>>
    tpu.enqueue_indirect_dma source(%dma_start3A_273 : memref<28436x128xf32, #tpu.memory_space<hbm>>) target(%arg11 : memref<64x128xf32, #tpu.memory_space<vmem>>) offsets(%dma_start3A_270 : memref<64xi32, #tpu.memory_space<vmem>>) semaphore(%arg18 : memref<!tpu.dma_semaphore, #tpu.memory_space<semaphore_mem>>)
    %dma_start3A_274 = arith.constant 384 : i32
    %dma_start3A_275 = tpu.memref_slice %arg8[%dma_start3A_274] : memref<512xi32, #tpu.memory_space<vmem>> -> memref<64xi32, #tpu.memory_space<vmem>>
    %dma_start3A_276 = arith.constant 0 : i32
    %dma_start3A_277 = arith.constant 0 : i32
    %dma_start3A_278 = tpu.memref_slice %arg5[%dma_start3A_276, %dma_start3A_277] : memref<28436x128xf32, #tpu.memory_space<hbm>> -> memref<28436x128xf32, #tpu.memory_space<hbm>>
    tpu.enqueue_indirect_dma source(%dma_start3A_278 : memref<28436x128xf32, #tpu.memory_space<hbm>>) target(%arg12 : memref<64x128xf32, #tpu.memory_space<vmem>>) offsets(%dma_start3A_275 : memref<64xi32, #tpu.memory_space<vmem>>) semaphore(%arg18 : memref<!tpu.dma_semaphore, #tpu.memory_space<semaphore_mem>>)
    %dma_wait3A_279 = arith.constant 320 : i32
    %dma_wait3A_280 = tpu.memref_slice %arg7[%dma_wait3A_279] : memref<512xi32, #tpu.memory_space<vmem>> -> memref<64xi32, #tpu.memory_space<vmem>>
    %dma_wait3A_281 = arith.constant 0 : i32
    %dma_wait3A_282 = arith.constant 0 : i32
    %dma_wait3A_283 = tpu.memref_slice %arg4[%dma_wait3A_281, %dma_wait3A_282] : memref<28436x300xf32, #tpu.memory_space<hbm>> -> memref<28436x256xf32, #tpu.memory_space<hbm>>
    tpu.wait_indirect_dma semaphore(%arg19 : memref<!tpu.dma_semaphore, #tpu.memory_space<semaphore_mem>>) src(%dma_wait3A_283 : memref<28436x256xf32, #tpu.memory_space<hbm>>) dst(%arg13 : memref<64x256xf32, #tpu.memory_space<vmem>>)
    %dma_wait3A_284 = arith.constant 320 : i32
    %dma_wait3A_285 = tpu.memref_slice %arg8[%dma_wait3A_284] : memref<512xi32, #tpu.memory_space<vmem>> -> memref<64xi32, #tpu.memory_space<vmem>>
    %dma_wait3A_286 = arith.constant 0 : i32
    %dma_wait3A_287 = arith.constant 0 : i32
    %dma_wait3A_288 = tpu.memref_slice %arg4[%dma_wait3A_286, %dma_wait3A_287] : memref<28436x300xf32, #tpu.memory_space<hbm>> -> memref<28436x256xf32, #tpu.memory_space<hbm>>
    tpu.wait_indirect_dma semaphore(%arg19 : memref<!tpu.dma_semaphore, #tpu.memory_space<semaphore_mem>>) src(%dma_wait3A_288 : memref<28436x256xf32, #tpu.memory_space<hbm>>) dst(%arg14 : memref<64x256xf32, #tpu.memory_space<vmem>>)
    %dma_wait3A_289 = arith.constant 320 : i32
    %dma_wait3A_290 = tpu.memref_slice %arg7[%dma_wait3A_289] : memref<512xi32, #tpu.memory_space<vmem>> -> memref<64xi32, #tpu.memory_space<vmem>>
    %dma_wait3A_291 = arith.constant 0 : i32
    %dma_wait3A_292 = arith.constant 0 : i32
    %dma_wait3A_293 = tpu.memref_slice %arg5[%dma_wait3A_291, %dma_wait3A_292] : memref<28436x128xf32, #tpu.memory_space<hbm>> -> memref<28436x128xf32, #tpu.memory_space<hbm>>
    tpu.wait_indirect_dma semaphore(%arg19 : memref<!tpu.dma_semaphore, #tpu.memory_space<semaphore_mem>>) src(%dma_wait3A_293 : memref<28436x128xf32, #tpu.memory_space<hbm>>) dst(%arg15 : memref<64x128xf32, #tpu.memory_space<vmem>>)
    %dma_wait3A_294 = arith.constant 320 : i32
    %dma_wait3A_295 = tpu.memref_slice %arg8[%dma_wait3A_294] : memref<512xi32, #tpu.memory_space<vmem>> -> memref<64xi32, #tpu.memory_space<vmem>>
    %dma_wait3A_296 = arith.constant 0 : i32
    %dma_wait3A_297 = arith.constant 0 : i32
    %dma_wait3A_298 = tpu.memref_slice %arg5[%dma_wait3A_296, %dma_wait3A_297] : memref<28436x128xf32, #tpu.memory_space<hbm>> -> memref<28436x128xf32, #tpu.memory_space<hbm>>
    tpu.wait_indirect_dma semaphore(%arg19 : memref<!tpu.dma_semaphore, #tpu.memory_space<semaphore_mem>>) src(%dma_wait3A_298 : memref<28436x128xf32, #tpu.memory_space<hbm>>) dst(%arg16 : memref<64x128xf32, #tpu.memory_space<vmem>>)
    %scan3A_299 = arith.constant 0 : i32
    %scan3A_300 = arith.constant 64 : i32
    %scan3A_301 = arith.addi %scan3A_299, %scan3A_300 : i32
    %scan3A_302 = arith.constant 1 : i32
    %scan3A_303 = scf.for %scan3A_910 = %scan3A_299 to %scan3A_301 step %scan3A_302 iter_args(%scan3A_911 = %scan3A_257) -> (vector<16xf32>)  : i32 {
      %get3A = arith.index_cast %scan3A_910 : i32 to index
      %get3A_912 = arith.constant 0 : index
      %get3A_913 = tpu.vector_load %arg13[%get3A, %get3A_912] {strides = array<i32>} : memref<64x256xf32, #tpu.memory_space<vmem>>, vector<1x16xf32>,
      %get3A_914 = vector.shape_cast %get3A_913 : vector<1x16xf32> to vector<16xf32>
      %get3A_915 = arith.index_cast %scan3A_910 : i32 to index
      %get3A_916 = arith.constant 0 : index
      %get3A_917 = tpu.vector_load %arg14[%get3A_915, %get3A_916] {strides = array<i32>} : memref<64x256xf32, #tpu.memory_space<vmem>>, vector<1x16xf32>,
      %get3A_918 = vector.shape_cast %get3A_917 : vector<1x16xf32> to vector<16xf32>
      %mul3A_919 = arith.mulf %get3A_914, %get3A_918 : vector<16xf32>
      %add3A_920 = arith.addf %scan3A_911, %mul3A_919 : vector<16xf32>
      %get3A_921 = arith.index_cast %scan3A_910 : i32 to index
      %get3A_922 = arith.constant 16 : index
      %get3A_923 = tpu.vector_load %arg13[%get3A_921, %get3A_922] {strides = array<i32>} : memref<64x256xf32, #tpu.memory_space<vmem>>, vector<1x16xf32>,
      %get3A_924 = vector.shape_cast %get3A_923 : vector<1x16xf32> to vector<16xf32>
      %get3A_925 = arith.index_cast %scan3A_910 : i32 to index
      %get3A_926 = arith.constant 16 : index
      %get3A_927 = tpu.vector_load %arg14[%get3A_925, %get3A_926] {strides = array<i32>} : memref<64x256xf32, #tpu.memory_space<vmem>>, vector<1x16xf32>,
      %get3A_928 = vector.shape_cast %get3A_927 : vector<1x16xf32> to vector<16xf32>
      %mul3A_929 = arith.mulf %get3A_924, %get3A_928 : vector<16xf32>
      %add3A_930 = arith.addf %add3A_920, %mul3A_929 : vector<16xf32>
      %get3A_931 = arith.index_cast %scan3A_910 : i32 to index
      %get3A_932 = arith.constant 32 : index
      %get3A_933 = tpu.vector_load %arg13[%get3A_931, %get3A_932] {strides = array<i32>} : memref<64x256xf32, #tpu.memory_space<vmem>>, vector<1x16xf32>,
      %get3A_934 = vector.shape_cast %get3A_933 : vector<1x16xf32> to vector<16xf32>
      %get3A_935 = arith.index_cast %scan3A_910 : i32 to index
      %get3A_936 = arith.constant 32 : index
      %get3A_937 = tpu.vector_load %arg14[%get3A_935, %get3A_936] {strides = array<i32>} : memref<64x256xf32, #tpu.memory_space<vmem>>, vector<1x16xf32>,
      %get3A_938 = vector.shape_cast %get3A_937 : vector<1x16xf32> to vector<16xf32>
      %mul3A_939 = arith.mulf %get3A_934, %get3A_938 : vector<16xf32>
      %add3A_940 = arith.addf %add3A_930, %mul3A_939 : vector<16xf32>
      %get3A_941 = arith.index_cast %scan3A_910 : i32 to index
      %get3A_942 = arith.constant 48 : index
      %get3A_943 = tpu.vector_load %arg13[%get3A_941, %get3A_942] {strides = array<i32>} : memref<64x256xf32, #tpu.memory_space<vmem>>, vector<1x16xf32>,
      %get3A_944 = vector.shape_cast %get3A_943 : vector<1x16xf32> to vector<16xf32>
      %get3A_945 = arith.index_cast %scan3A_910 : i32 to index
      %get3A_946 = arith.constant 48 : index
      %get3A_947 = tpu.vector_load %arg14[%get3A_945, %get3A_946] {strides = array<i32>} : memref<64x256xf32, #tpu.memory_space<vmem>>, vector<1x16xf32>,
      %get3A_948 = vector.shape_cast %get3A_947 : vector<1x16xf32> to vector<16xf32>
      %mul3A_949 = arith.mulf %get3A_944, %get3A_948 : vector<16xf32>
      %add3A_950 = arith.addf %add3A_940, %mul3A_949 : vector<16xf32>
      %get3A_951 = arith.index_cast %scan3A_910 : i32 to index
      %get3A_952 = arith.constant 64 : index
      %get3A_953 = tpu.vector_load %arg13[%get3A_951, %get3A_952] {strides = array<i32>} : memref<64x256xf32, #tpu.memory_space<vmem>>, vector<1x16xf32>,
      %get3A_954 = vector.shape_cast %get3A_953 : vector<1x16xf32> to vector<16xf32>
      %get3A_955 = arith.index_cast %scan3A_910 : i32 to index
      %get3A_956 = arith.constant 64 : index
      %get3A_957 = tpu.vector_load %arg14[%get3A_955, %get3A_956] {strides = array<i32>} : memref<64x256xf32, #tpu.memory_space<vmem>>, vector<1x16xf32>,
      %get3A_958 = vector.shape_cast %get3A_957 : vector<1x16xf32> to vector<16xf32>
      %mul3A_959 = arith.mulf %get3A_954, %get3A_958 : vector<16xf32>
      %add3A_960 = arith.addf %add3A_950, %mul3A_959 : vector<16xf32>
      %get3A_961 = arith.index_cast %scan3A_910 : i32 to index
      %get3A_962 = arith.constant 80 : index
      %get3A_963 = tpu.vector_load %arg13[%get3A_961, %get3A_962] {strides = array<i32>} : memref<64x256xf32, #tpu.memory_space<vmem>>, vector<1x16xf32>,
      %get3A_964 = vector.shape_cast %get3A_963 : vector<1x16xf32> to vector<16xf32>
      %get3A_965 = arith.index_cast %scan3A_910 : i32 to index
      %get3A_966 = arith.constant 80 : index
      %get3A_967 = tpu.vector_load %arg14[%get3A_965, %get3A_966] {strides = array<i32>} : memref<64x256xf32, #tpu.memory_space<vmem>>, vector<1x16xf32>,
      %get3A_968 = vector.shape_cast %get3A_967 : vector<1x16xf32> to vector<16xf32>
      %mul3A_969 = arith.mulf %get3A_964, %get3A_968 : vector<16xf32>
      %add3A_970 = arith.addf %add3A_960, %mul3A_969 : vector<16xf32>
      %get3A_971 = arith.index_cast %scan3A_910 : i32 to index
      %get3A_972 = arith.constant 96 : index
      %get3A_973 = tpu.vector_load %arg13[%get3A_971, %get3A_972] {strides = array<i32>} : memref<64x256xf32, #tpu.memory_space<vmem>>, vector<1x16xf32>,
      %get3A_974 = vector.shape_cast %get3A_973 : vector<1x16xf32> to vector<16xf32>
      %get3A_975 = arith.index_cast %scan3A_910 : i32 to index
      %get3A_976 = arith.constant 96 : index
      %get3A_977 = tpu.vector_load %arg14[%get3A_975, %get3A_976] {strides = array<i32>} : memref<64x256xf32, #tpu.memory_space<vmem>>, vector<1x16xf32>,
      %get3A_978 = vector.shape_cast %get3A_977 : vector<1x16xf32> to vector<16xf32>
      %mul3A_979 = arith.mulf %get3A_974, %get3A_978 : vector<16xf32>
      %add3A_980 = arith.addf %add3A_970, %mul3A_979 : vector<16xf32>
      %get3A_981 = arith.index_cast %scan3A_910 : i32 to index
      %get3A_982 = arith.constant 112 : index
      %get3A_983 = tpu.vector_load %arg13[%get3A_981, %get3A_982] {strides = array<i32>} : memref<64x256xf32, #tpu.memory_space<vmem>>, vector<1x16xf32>,
      %get3A_984 = vector.shape_cast %get3A_983 : vector<1x16xf32> to vector<16xf32>
      %get3A_985 = arith.index_cast %scan3A_910 : i32 to index
      %get3A_986 = arith.constant 112 : index
      %get3A_987 = tpu.vector_load %arg14[%get3A_985, %get3A_986] {strides = array<i32>} : memref<64x256xf32, #tpu.memory_space<vmem>>, vector<1x16xf32>,
      %get3A_988 = vector.shape_cast %get3A_987 : vector<1x16xf32> to vector<16xf32>
      %mul3A_989 = arith.mulf %get3A_984, %get3A_988 : vector<16xf32>
      %add3A_990 = arith.addf %add3A_980, %mul3A_989 : vector<16xf32>
      %get3A_991 = arith.index_cast %scan3A_910 : i32 to index
      %get3A_992 = arith.constant 128 : index
      %get3A_993 = tpu.vector_load %arg13[%get3A_991, %get3A_992] {strides = array<i32>} : memref<64x256xf32, #tpu.memory_space<vmem>>, vector<1x16xf32>,
      %get3A_994 = vector.shape_cast %get3A_993 : vector<1x16xf32> to vector<16xf32>
      %get3A_995 = arith.index_cast %scan3A_910 : i32 to index
      %get3A_996 = arith.constant 128 : index
      %get3A_997 = tpu.vector_load %arg14[%get3A_995, %get3A_996] {strides = array<i32>} : memref<64x256xf32, #tpu.memory_space<vmem>>, vector<1x16xf32>,
      %get3A_998 = vector.shape_cast %get3A_997 : vector<1x16xf32> to vector<16xf32>
      %mul3A_999 = arith.mulf %get3A_994, %get3A_998 : vector<16xf32>
      %add3A_1000 = arith.addf %add3A_990, %mul3A_999 : vector<16xf32>
      %get3A_1001 = arith.index_cast %scan3A_910 : i32 to index
      %get3A_1002 = arith.constant 144 : index
      %get3A_1003 = tpu.vector_load %arg13[%get3A_1001, %get3A_1002] {strides = array<i32>} : memref<64x256xf32, #tpu.memory_space<vmem>>, vector<1x16xf32>,
      %get3A_1004 = vector.shape_cast %get3A_1003 : vector<1x16xf32> to vector<16xf32>
      %get3A_1005 = arith.index_cast %scan3A_910 : i32 to index
      %get3A_1006 = arith.constant 144 : index
      %get3A_1007 = tpu.vector_load %arg14[%get3A_1005, %get3A_1006] {strides = array<i32>} : memref<64x256xf32, #tpu.memory_space<vmem>>, vector<1x16xf32>,
      %get3A_1008 = vector.shape_cast %get3A_1007 : vector<1x16xf32> to vector<16xf32>
      %mul3A_1009 = arith.mulf %get3A_1004, %get3A_1008 : vector<16xf32>
      %add3A_1010 = arith.addf %add3A_1000, %mul3A_1009 : vector<16xf32>
      %get3A_1011 = arith.index_cast %scan3A_910 : i32 to index
      %get3A_1012 = arith.constant 160 : index
      %get3A_1013 = tpu.vector_load %arg13[%get3A_1011, %get3A_1012] {strides = array<i32>} : memref<64x256xf32, #tpu.memory_space<vmem>>, vector<1x16xf32>,
      %get3A_1014 = vector.shape_cast %get3A_1013 : vector<1x16xf32> to vector<16xf32>
      %get3A_1015 = arith.index_cast %scan3A_910 : i32 to index
      %get3A_1016 = arith.constant 160 : index
      %get3A_1017 = tpu.vector_load %arg14[%get3A_1015, %get3A_1016] {strides = array<i32>} : memref<64x256xf32, #tpu.memory_space<vmem>>, vector<1x16xf32>,
      %get3A_1018 = vector.shape_cast %get3A_1017 : vector<1x16xf32> to vector<16xf32>
      %mul3A_1019 = arith.mulf %get3A_1014, %get3A_1018 : vector<16xf32>
      %add3A_1020 = arith.addf %add3A_1010, %mul3A_1019 : vector<16xf32>
      %get3A_1021 = arith.index_cast %scan3A_910 : i32 to index
      %get3A_1022 = arith.constant 176 : index
      %get3A_1023 = tpu.vector_load %arg13[%get3A_1021, %get3A_1022] {strides = array<i32>} : memref<64x256xf32, #tpu.memory_space<vmem>>, vector<1x16xf32>,
      %get3A_1024 = vector.shape_cast %get3A_1023 : vector<1x16xf32> to vector<16xf32>
      %get3A_1025 = arith.index_cast %scan3A_910 : i32 to index
      %get3A_1026 = arith.constant 176 : index
      %get3A_1027 = tpu.vector_load %arg14[%get3A_1025, %get3A_1026] {strides = array<i32>} : memref<64x256xf32, #tpu.memory_space<vmem>>, vector<1x16xf32>,
      %get3A_1028 = vector.shape_cast %get3A_1027 : vector<1x16xf32> to vector<16xf32>
      %mul3A_1029 = arith.mulf %get3A_1024, %get3A_1028 : vector<16xf32>
      %add3A_1030 = arith.addf %add3A_1020, %mul3A_1029 : vector<16xf32>
      %get3A_1031 = arith.index_cast %scan3A_910 : i32 to index
      %get3A_1032 = arith.constant 192 : index
      %get3A_1033 = tpu.vector_load %arg13[%get3A_1031, %get3A_1032] {strides = array<i32>} : memref<64x256xf32, #tpu.memory_space<vmem>>, vector<1x16xf32>,
      %get3A_1034 = vector.shape_cast %get3A_1033 : vector<1x16xf32> to vector<16xf32>
      %get3A_1035 = arith.index_cast %scan3A_910 : i32 to index
      %get3A_1036 = arith.constant 192 : index
      %get3A_1037 = tpu.vector_load %arg14[%get3A_1035, %get3A_1036] {strides = array<i32>} : memref<64x256xf32, #tpu.memory_space<vmem>>, vector<1x16xf32>,
      %get3A_1038 = vector.shape_cast %get3A_1037 : vector<1x16xf32> to vector<16xf32>
      %mul3A_1039 = arith.mulf %get3A_1034, %get3A_1038 : vector<16xf32>
      %add3A_1040 = arith.addf %add3A_1030, %mul3A_1039 : vector<16xf32>
      %get3A_1041 = arith.index_cast %scan3A_910 : i32 to index
      %get3A_1042 = arith.constant 208 : index
      %get3A_1043 = tpu.vector_load %arg13[%get3A_1041, %get3A_1042] {strides = array<i32>} : memref<64x256xf32, #tpu.memory_space<vmem>>, vector<1x16xf32>,
      %get3A_1044 = vector.shape_cast %get3A_1043 : vector<1x16xf32> to vector<16xf32>
      %get3A_1045 = arith.index_cast %scan3A_910 : i32 to index
      %get3A_1046 = arith.constant 208 : index
      %get3A_1047 = tpu.vector_load %arg14[%get3A_1045, %get3A_1046] {strides = array<i32>} : memref<64x256xf32, #tpu.memory_space<vmem>>, vector<1x16xf32>,
      %get3A_1048 = vector.shape_cast %get3A_1047 : vector<1x16xf32> to vector<16xf32>
      %mul3A_1049 = arith.mulf %get3A_1044, %get3A_1048 : vector<16xf32>
      %add3A_1050 = arith.addf %add3A_1040, %mul3A_1049 : vector<16xf32>
      %get3A_1051 = arith.index_cast %scan3A_910 : i32 to index
      %get3A_1052 = arith.constant 224 : index
      %get3A_1053 = tpu.vector_load %arg13[%get3A_1051, %get3A_1052] {strides = array<i32>} : memref<64x256xf32, #tpu.memory_space<vmem>>, vector<1x16xf32>,
      %get3A_1054 = vector.shape_cast %get3A_1053 : vector<1x16xf32> to vector<16xf32>
      %get3A_1055 = arith.index_cast %scan3A_910 : i32 to index
      %get3A_1056 = arith.constant 224 : index
      %get3A_1057 = tpu.vector_load %arg14[%get3A_1055, %get3A_1056] {strides = array<i32>} : memref<64x256xf32, #tpu.memory_space<vmem>>, vector<1x16xf32>,
      %get3A_1058 = vector.shape_cast %get3A_1057 : vector<1x16xf32> to vector<16xf32>
      %mul3A_1059 = arith.mulf %get3A_1054, %get3A_1058 : vector<16xf32>
      %add3A_1060 = arith.addf %add3A_1050, %mul3A_1059 : vector<16xf32>
      %get3A_1061 = arith.index_cast %scan3A_910 : i32 to index
      %get3A_1062 = arith.constant 240 : index
      %get3A_1063 = tpu.vector_load %arg13[%get3A_1061, %get3A_1062] {strides = array<i32>} : memref<64x256xf32, #tpu.memory_space<vmem>>, vector<1x16xf32>,
      %get3A_1064 = vector.shape_cast %get3A_1063 : vector<1x16xf32> to vector<16xf32>
      %get3A_1065 = arith.index_cast %scan3A_910 : i32 to index
      %get3A_1066 = arith.constant 240 : index
      %get3A_1067 = tpu.vector_load %arg14[%get3A_1065, %get3A_1066] {strides = array<i32>} : memref<64x256xf32, #tpu.memory_space<vmem>>, vector<1x16xf32>,
      %get3A_1068 = vector.shape_cast %get3A_1067 : vector<1x16xf32> to vector<16xf32>
      %mul3A_1069 = arith.mulf %get3A_1064, %get3A_1068 : vector<16xf32>
      %add3A_1070 = arith.addf %add3A_1060, %mul3A_1069 : vector<16xf32>
      %get3A_1071 = arith.index_cast %scan3A_910 : i32 to index
      %get3A_1072 = arith.constant 0 : index
      %get3A_1073 = tpu.vector_load %arg15[%get3A_1071, %get3A_1072] {strides = array<i32>} : memref<64x128xf32, #tpu.memory_space<vmem>>, vector<1x16xf32>,
      %get3A_1074 = vector.shape_cast %get3A_1073 : vector<1x16xf32> to vector<16xf32>
      %get3A_1075 = arith.index_cast %scan3A_910 : i32 to index
      %get3A_1076 = arith.constant 0 : index
      %get3A_1077 = tpu.vector_load %arg16[%get3A_1075, %get3A_1076] {strides = array<i32>} : memref<64x128xf32, #tpu.memory_space<vmem>>, vector<1x16xf32>,
      %get3A_1078 = vector.shape_cast %get3A_1077 : vector<1x16xf32> to vector<16xf32>
      %mul3A_1079 = arith.mulf %get3A_1074, %get3A_1078 : vector<16xf32>
      %add3A_1080 = arith.addf %add3A_1070, %mul3A_1079 : vector<16xf32>
      %get3A_1081 = arith.index_cast %scan3A_910 : i32 to index
      %get3A_1082 = arith.constant 16 : index
      %get3A_1083 = tpu.vector_load %arg15[%get3A_1081, %get3A_1082] {strides = array<i32>} : memref<64x128xf32, #tpu.memory_space<vmem>>, vector<1x16xf32>,
      %get3A_1084 = vector.shape_cast %get3A_1083 : vector<1x16xf32> to vector<16xf32>
      %get3A_1085 = arith.index_cast %scan3A_910 : i32 to index
      %get3A_1086 = arith.constant 16 : index
      %get3A_1087 = tpu.vector_load %arg16[%get3A_1085, %get3A_1086] {strides = array<i32>} : memref<64x128xf32, #tpu.memory_space<vmem>>, vector<1x16xf32>,
      %get3A_1088 = vector.shape_cast %get3A_1087 : vector<1x16xf32> to vector<16xf32>
      %mul3A_1089 = arith.mulf %get3A_1084, %get3A_1088 : vector<16xf32>
      %add3A_1090 = arith.addf %add3A_1080, %mul3A_1089 : vector<16xf32>
      %get3A_1091 = arith.index_cast %scan3A_910 : i32 to index
      %get3A_1092 = arith.constant 32 : index
      %get3A_1093 = tpu.vector_load %arg15[%get3A_1091, %get3A_1092] {strides = array<i32>} : memref<64x128xf32, #tpu.memory_space<vmem>>, vector<1x16xf32>,
      %get3A_1094 = vector.shape_cast %get3A_1093 : vector<1x16xf32> to vector<16xf32>
      %get3A_1095 = arith.index_cast %scan3A_910 : i32 to index
      %get3A_1096 = arith.constant 32 : index
      %get3A_1097 = tpu.vector_load %arg16[%get3A_1095, %get3A_1096] {strides = array<i32>} : memref<64x128xf32, #tpu.memory_space<vmem>>, vector<1x16xf32>,
      %get3A_1098 = vector.shape_cast %get3A_1097 : vector<1x16xf32> to vector<16xf32>
      %mul3A_1099 = arith.mulf %get3A_1094, %get3A_1098 : vector<16xf32>
      %add3A_1100 = arith.addf %add3A_1090, %mul3A_1099 : vector<16xf32>
      scf.yield %add3A_1100 : vector<16xf32>
    }
    %scan3A_304 = arith.constant 64 : i32
    %dma_start3A_305 = arith.constant 448 : i32
    %dma_start3A_306 = tpu.memref_slice %arg7[%dma_start3A_305] : memref<512xi32, #tpu.memory_space<vmem>> -> memref<64xi32, #tpu.memory_space<vmem>>
    %dma_start3A_307 = arith.constant 0 : i32
    %dma_start3A_308 = arith.constant 0 : i32
    %dma_start3A_309 = tpu.memref_slice %arg4[%dma_start3A_307, %dma_start3A_308] : memref<28436x300xf32, #tpu.memory_space<hbm>> -> memref<28436x256xf32, #tpu.memory_space<hbm>>
    tpu.enqueue_indirect_dma source(%dma_start3A_309 : memref<28436x256xf32, #tpu.memory_space<hbm>>) target(%arg13 : memref<64x256xf32, #tpu.memory_space<vmem>>) offsets(%dma_start3A_306 : memref<64xi32, #tpu.memory_space<vmem>>) semaphore(%arg19 : memref<!tpu.dma_semaphore, #tpu.memory_space<semaphore_mem>>)
    %dma_start3A_310 = arith.constant 448 : i32
    %dma_start3A_311 = tpu.memref_slice %arg8[%dma_start3A_310] : memref<512xi32, #tpu.memory_space<vmem>> -> memref<64xi32, #tpu.memory_space<vmem>>
    %dma_start3A_312 = arith.constant 0 : i32
    %dma_start3A_313 = arith.constant 0 : i32
    %dma_start3A_314 = tpu.memref_slice %arg4[%dma_start3A_312, %dma_start3A_313] : memref<28436x300xf32, #tpu.memory_space<hbm>> -> memref<28436x256xf32, #tpu.memory_space<hbm>>
    tpu.enqueue_indirect_dma source(%dma_start3A_314 : memref<28436x256xf32, #tpu.memory_space<hbm>>) target(%arg14 : memref<64x256xf32, #tpu.memory_space<vmem>>) offsets(%dma_start3A_311 : memref<64xi32, #tpu.memory_space<vmem>>) semaphore(%arg19 : memref<!tpu.dma_semaphore, #tpu.memory_space<semaphore_mem>>)
    %dma_start3A_315 = arith.constant 448 : i32
    %dma_start3A_316 = tpu.memref_slice %arg7[%dma_start3A_315] : memref<512xi32, #tpu.memory_space<vmem>> -> memref<64xi32, #tpu.memory_space<vmem>>
    %dma_start3A_317 = arith.constant 0 : i32
    %dma_start3A_318 = arith.constant 0 : i32
    %dma_start3A_319 = tpu.memref_slice %arg5[%dma_start3A_317, %dma_start3A_318] : memref<28436x128xf32, #tpu.memory_space<hbm>> -> memref<28436x128xf32, #tpu.memory_space<hbm>>
    tpu.enqueue_indirect_dma source(%dma_start3A_319 : memref<28436x128xf32, #tpu.memory_space<hbm>>) target(%arg15 : memref<64x128xf32, #tpu.memory_space<vmem>>) offsets(%dma_start3A_316 : memref<64xi32, #tpu.memory_space<vmem>>) semaphore(%arg19 : memref<!tpu.dma_semaphore, #tpu.memory_space<semaphore_mem>>)
    %dma_start3A_320 = arith.constant 448 : i32
    %dma_start3A_321 = tpu.memref_slice %arg8[%dma_start3A_320] : memref<512xi32, #tpu.memory_space<vmem>> -> memref<64xi32, #tpu.memory_space<vmem>>
    %dma_start3A_322 = arith.constant 0 : i32
    %dma_start3A_323 = arith.constant 0 : i32
    %dma_start3A_324 = tpu.memref_slice %arg5[%dma_start3A_322, %dma_start3A_323] : memref<28436x128xf32, #tpu.memory_space<hbm>> -> memref<28436x128xf32, #tpu.memory_space<hbm>>
    tpu.enqueue_indirect_dma source(%dma_start3A_324 : memref<28436x128xf32, #tpu.memory_space<hbm>>) target(%arg16 : memref<64x128xf32, #tpu.memory_space<vmem>>) offsets(%dma_start3A_321 : memref<64xi32, #tpu.memory_space<vmem>>) semaphore(%arg19 : memref<!tpu.dma_semaphore, #tpu.memory_space<semaphore_mem>>)
    %dma_wait3A_325 = arith.constant 384 : i32
    %dma_wait3A_326 = tpu.memref_slice %arg7[%dma_wait3A_325] : memref<512xi32, #tpu.memory_space<vmem>> -> memref<64xi32, #tpu.memory_space<vmem>>
    %dma_wait3A_327 = arith.constant 0 : i32
    %dma_wait3A_328 = arith.constant 0 : i32
    %dma_wait3A_329 = tpu.memref_slice %arg4[%dma_wait3A_327, %dma_wait3A_328] : memref<28436x300xf32, #tpu.memory_space<hbm>> -> memref<28436x256xf32, #tpu.memory_space<hbm>>
    tpu.wait_indirect_dma semaphore(%arg18 : memref<!tpu.dma_semaphore, #tpu.memory_space<semaphore_mem>>) src(%dma_wait3A_329 : memref<28436x256xf32, #tpu.memory_space<hbm>>) dst(%arg9 : memref<64x256xf32, #tpu.memory_space<vmem>>)
    %dma_wait3A_330 = arith.constant 384 : i32
    %dma_wait3A_331 = tpu.memref_slice %arg8[%dma_wait3A_330] : memref<512xi32, #tpu.memory_space<vmem>> -> memref<64xi32, #tpu.memory_space<vmem>>
    %dma_wait3A_332 = arith.constant 0 : i32
    %dma_wait3A_333 = arith.constant 0 : i32
    %dma_wait3A_334 = tpu.memref_slice %arg4[%dma_wait3A_332, %dma_wait3A_333] : memref<28436x300xf32, #tpu.memory_space<hbm>> -> memref<28436x256xf32, #tpu.memory_space<hbm>>
    tpu.wait_indirect_dma semaphore(%arg18 : memref<!tpu.dma_semaphore, #tpu.memory_space<semaphore_mem>>) src(%dma_wait3A_334 : memref<28436x256xf32, #tpu.memory_space<hbm>>) dst(%arg10 : memref<64x256xf32, #tpu.memory_space<vmem>>)
    %dma_wait3A_335 = arith.constant 384 : i32
    %dma_wait3A_336 = tpu.memref_slice %arg7[%dma_wait3A_335] : memref<512xi32, #tpu.memory_space<vmem>> -> memref<64xi32, #tpu.memory_space<vmem>>
    %dma_wait3A_337 = arith.constant 0 : i32
    %dma_wait3A_338 = arith.constant 0 : i32
    %dma_wait3A_339 = tpu.memref_slice %arg5[%dma_wait3A_337, %dma_wait3A_338] : memref<28436x128xf32, #tpu.memory_space<hbm>> -> memref<28436x128xf32, #tpu.memory_space<hbm>>
    tpu.wait_indirect_dma semaphore(%arg18 : memref<!tpu.dma_semaphore, #tpu.memory_space<semaphore_mem>>) src(%dma_wait3A_339 : memref<28436x128xf32, #tpu.memory_space<hbm>>) dst(%arg11 : memref<64x128xf32, #tpu.memory_space<vmem>>)
    %dma_wait3A_340 = arith.constant 384 : i32
    %dma_wait3A_341 = tpu.memref_slice %arg8[%dma_wait3A_340] : memref<512xi32, #tpu.memory_space<vmem>> -> memref<64xi32, #tpu.memory_space<vmem>>
    %dma_wait3A_342 = arith.constant 0 : i32
    %dma_wait3A_343 = arith.constant 0 : i32
    %dma_wait3A_344 = tpu.memref_slice %arg5[%dma_wait3A_342, %dma_wait3A_343] : memref<28436x128xf32, #tpu.memory_space<hbm>> -> memref<28436x128xf32, #tpu.memory_space<hbm>>
    tpu.wait_indirect_dma semaphore(%arg18 : memref<!tpu.dma_semaphore, #tpu.memory_space<semaphore_mem>>) src(%dma_wait3A_344 : memref<28436x128xf32, #tpu.memory_space<hbm>>) dst(%arg12 : memref<64x128xf32, #tpu.memory_space<vmem>>)
    %scan3A_345 = arith.constant 0 : i32
    %scan3A_346 = arith.constant 64 : i32
    %scan3A_347 = arith.addi %scan3A_345, %scan3A_346 : i32
    %scan3A_348 = arith.constant 1 : i32
    %scan3A_349 = scf.for %scan3A_910 = %scan3A_345 to %scan3A_347 step %scan3A_348 iter_args(%scan3A_911 = %scan3A_303) -> (vector<16xf32>)  : i32 {
      %get3A = arith.index_cast %scan3A_910 : i32 to index
      %get3A_912 = arith.constant 0 : index
      %get3A_913 = tpu.vector_load %arg9[%get3A, %get3A_912] {strides = array<i32>} : memref<64x256xf32, #tpu.memory_space<vmem>>, vector<1x16xf32>,
      %get3A_914 = vector.shape_cast %get3A_913 : vector<1x16xf32> to vector<16xf32>
      %get3A_915 = arith.index_cast %scan3A_910 : i32 to index
      %get3A_916 = arith.constant 0 : index
      %get3A_917 = tpu.vector_load %arg10[%get3A_915, %get3A_916] {strides = array<i32>} : memref<64x256xf32, #tpu.memory_space<vmem>>, vector<1x16xf32>,
      %get3A_918 = vector.shape_cast %get3A_917 : vector<1x16xf32> to vector<16xf32>
      %mul3A_919 = arith.mulf %get3A_914, %get3A_918 : vector<16xf32>
      %add3A_920 = arith.addf %scan3A_911, %mul3A_919 : vector<16xf32>
      %get3A_921 = arith.index_cast %scan3A_910 : i32 to index
      %get3A_922 = arith.constant 16 : index
      %get3A_923 = tpu.vector_load %arg9[%get3A_921, %get3A_922] {strides = array<i32>} : memref<64x256xf32, #tpu.memory_space<vmem>>, vector<1x16xf32>,
      %get3A_924 = vector.shape_cast %get3A_923 : vector<1x16xf32> to vector<16xf32>
      %get3A_925 = arith.index_cast %scan3A_910 : i32 to index
      %get3A_926 = arith.constant 16 : index
      %get3A_927 = tpu.vector_load %arg10[%get3A_925, %get3A_926] {strides = array<i32>} : memref<64x256xf32, #tpu.memory_space<vmem>>, vector<1x16xf32>,
      %get3A_928 = vector.shape_cast %get3A_927 : vector<1x16xf32> to vector<16xf32>
      %mul3A_929 = arith.mulf %get3A_924, %get3A_928 : vector<16xf32>
      %add3A_930 = arith.addf %add3A_920, %mul3A_929 : vector<16xf32>
      %get3A_931 = arith.index_cast %scan3A_910 : i32 to index
      %get3A_932 = arith.constant 32 : index
      %get3A_933 = tpu.vector_load %arg9[%get3A_931, %get3A_932] {strides = array<i32>} : memref<64x256xf32, #tpu.memory_space<vmem>>, vector<1x16xf32>,
      %get3A_934 = vector.shape_cast %get3A_933 : vector<1x16xf32> to vector<16xf32>
      %get3A_935 = arith.index_cast %scan3A_910 : i32 to index
      %get3A_936 = arith.constant 32 : index
      %get3A_937 = tpu.vector_load %arg10[%get3A_935, %get3A_936] {strides = array<i32>} : memref<64x256xf32, #tpu.memory_space<vmem>>, vector<1x16xf32>,
      %get3A_938 = vector.shape_cast %get3A_937 : vector<1x16xf32> to vector<16xf32>
      %mul3A_939 = arith.mulf %get3A_934, %get3A_938 : vector<16xf32>
      %add3A_940 = arith.addf %add3A_930, %mul3A_939 : vector<16xf32>
      %get3A_941 = arith.index_cast %scan3A_910 : i32 to index
      %get3A_942 = arith.constant 48 : index
      %get3A_943 = tpu.vector_load %arg9[%get3A_941, %get3A_942] {strides = array<i32>} : memref<64x256xf32, #tpu.memory_space<vmem>>, vector<1x16xf32>,
      %get3A_944 = vector.shape_cast %get3A_943 : vector<1x16xf32> to vector<16xf32>
      %get3A_945 = arith.index_cast %scan3A_910 : i32 to index
      %get3A_946 = arith.constant 48 : index
      %get3A_947 = tpu.vector_load %arg10[%get3A_945, %get3A_946] {strides = array<i32>} : memref<64x256xf32, #tpu.memory_space<vmem>>, vector<1x16xf32>,
      %get3A_948 = vector.shape_cast %get3A_947 : vector<1x16xf32> to vector<16xf32>
      %mul3A_949 = arith.mulf %get3A_944, %get3A_948 : vector<16xf32>
      %add3A_950 = arith.addf %add3A_940, %mul3A_949 : vector<16xf32>
      %get3A_951 = arith.index_cast %scan3A_910 : i32 to index
      %get3A_952 = arith.constant 64 : index
      %get3A_953 = tpu.vector_load %arg9[%get3A_951, %get3A_952] {strides = array<i32>} : memref<64x256xf32, #tpu.memory_space<vmem>>, vector<1x16xf32>,
      %get3A_954 = vector.shape_cast %get3A_953 : vector<1x16xf32> to vector<16xf32>
      %get3A_955 = arith.index_cast %scan3A_910 : i32 to index
      %get3A_956 = arith.constant 64 : index
      %get3A_957 = tpu.vector_load %arg10[%get3A_955, %get3A_956] {strides = array<i32>} : memref<64x256xf32, #tpu.memory_space<vmem>>, vector<1x16xf32>,
      %get3A_958 = vector.shape_cast %get3A_957 : vector<1x16xf32> to vector<16xf32>
      %mul3A_959 = arith.mulf %get3A_954, %get3A_958 : vector<16xf32>
      %add3A_960 = arith.addf %add3A_950, %mul3A_959 : vector<16xf32>
      %get3A_961 = arith.index_cast %scan3A_910 : i32 to index
      %get3A_962 = arith.constant 80 : index
      %get3A_963 = tpu.vector_load %arg9[%get3A_961, %get3A_962] {strides = array<i32>} : memref<64x256xf32, #tpu.memory_space<vmem>>, vector<1x16xf32>,
      %get3A_964 = vector.shape_cast %get3A_963 : vector<1x16xf32> to vector<16xf32>
      %get3A_965 = arith.index_cast %scan3A_910 : i32 to index
      %get3A_966 = arith.constant 80 : index
      %get3A_967 = tpu.vector_load %arg10[%get3A_965, %get3A_966] {strides = array<i32>} : memref<64x256xf32, #tpu.memory_space<vmem>>, vector<1x16xf32>,
      %get3A_968 = vector.shape_cast %get3A_967 : vector<1x16xf32> to vector<16xf32>
      %mul3A_969 = arith.mulf %get3A_964, %get3A_968 : vector<16xf32>
      %add3A_970 = arith.addf %add3A_960, %mul3A_969 : vector<16xf32>
      %get3A_971 = arith.index_cast %scan3A_910 : i32 to index
      %get3A_972 = arith.constant 96 : index
      %get3A_973 = tpu.vector_load %arg9[%get3A_971, %get3A_972] {strides = array<i32>} : memref<64x256xf32, #tpu.memory_space<vmem>>, vector<1x16xf32>,
      %get3A_974 = vector.shape_cast %get3A_973 : vector<1x16xf32> to vector<16xf32>
      %get3A_975 = arith.index_cast %scan3A_910 : i32 to index
      %get3A_976 = arith.constant 96 : index
      %get3A_977 = tpu.vector_load %arg10[%get3A_975, %get3A_976] {strides = array<i32>} : memref<64x256xf32, #tpu.memory_space<vmem>>, vector<1x16xf32>,
      %get3A_978 = vector.shape_cast %get3A_977 : vector<1x16xf32> to vector<16xf32>
      %mul3A_979 = arith.mulf %get3A_974, %get3A_978 : vector<16xf32>
      %add3A_980 = arith.addf %add3A_970, %mul3A_979 : vector<16xf32>
      %get3A_981 = arith.index_cast %scan3A_910 : i32 to index
      %get3A_982 = arith.constant 112 : index
      %get3A_983 = tpu.vector_load %arg9[%get3A_981, %get3A_982] {strides = array<i32>} : memref<64x256xf32, #tpu.memory_space<vmem>>, vector<1x16xf32>,
      %get3A_984 = vector.shape_cast %get3A_983 : vector<1x16xf32> to vector<16xf32>
      %get3A_985 = arith.index_cast %scan3A_910 : i32 to index
      %get3A_986 = arith.constant 112 : index
      %get3A_987 = tpu.vector_load %arg10[%get3A_985, %get3A_986] {strides = array<i32>} : memref<64x256xf32, #tpu.memory_space<vmem>>, vector<1x16xf32>,
      %get3A_988 = vector.shape_cast %get3A_987 : vector<1x16xf32> to vector<16xf32>
      %mul3A_989 = arith.mulf %get3A_984, %get3A_988 : vector<16xf32>
      %add3A_990 = arith.addf %add3A_980, %mul3A_989 : vector<16xf32>
      %get3A_991 = arith.index_cast %scan3A_910 : i32 to index
      %get3A_992 = arith.constant 128 : index
      %get3A_993 = tpu.vector_load %arg9[%get3A_991, %get3A_992] {strides = array<i32>} : memref<64x256xf32, #tpu.memory_space<vmem>>, vector<1x16xf32>,
      %get3A_994 = vector.shape_cast %get3A_993 : vector<1x16xf32> to vector<16xf32>
      %get3A_995 = arith.index_cast %scan3A_910 : i32 to index
      %get3A_996 = arith.constant 128 : index
      %get3A_997 = tpu.vector_load %arg10[%get3A_995, %get3A_996] {strides = array<i32>} : memref<64x256xf32, #tpu.memory_space<vmem>>, vector<1x16xf32>,
      %get3A_998 = vector.shape_cast %get3A_997 : vector<1x16xf32> to vector<16xf32>
      %mul3A_999 = arith.mulf %get3A_994, %get3A_998 : vector<16xf32>
      %add3A_1000 = arith.addf %add3A_990, %mul3A_999 : vector<16xf32>
      %get3A_1001 = arith.index_cast %scan3A_910 : i32 to index
      %get3A_1002 = arith.constant 144 : index
      %get3A_1003 = tpu.vector_load %arg9[%get3A_1001, %get3A_1002] {strides = array<i32>} : memref<64x256xf32, #tpu.memory_space<vmem>>, vector<1x16xf32>,
      %get3A_1004 = vector.shape_cast %get3A_1003 : vector<1x16xf32> to vector<16xf32>
      %get3A_1005 = arith.index_cast %scan3A_910 : i32 to index
      %get3A_1006 = arith.constant 144 : index
      %get3A_1007 = tpu.vector_load %arg10[%get3A_1005, %get3A_1006] {strides = array<i32>} : memref<64x256xf32, #tpu.memory_space<vmem>>, vector<1x16xf32>,
      %get3A_1008 = vector.shape_cast %get3A_1007 : vector<1x16xf32> to vector<16xf32>
      %mul3A_1009 = arith.mulf %get3A_1004, %get3A_1008 : vector<16xf32>
      %add3A_1010 = arith.addf %add3A_1000, %mul3A_1009 : vector<16xf32>
      %get3A_1011 = arith.index_cast %scan3A_910 : i32 to index
      %get3A_1012 = arith.constant 160 : index
      %get3A_1013 = tpu.vector_load %arg9[%get3A_1011, %get3A_1012] {strides = array<i32>} : memref<64x256xf32, #tpu.memory_space<vmem>>, vector<1x16xf32>,
      %get3A_1014 = vector.shape_cast %get3A_1013 : vector<1x16xf32> to vector<16xf32>
      %get3A_1015 = arith.index_cast %scan3A_910 : i32 to index
      %get3A_1016 = arith.constant 160 : index
      %get3A_1017 = tpu.vector_load %arg10[%get3A_1015, %get3A_1016] {strides = array<i32>} : memref<64x256xf32, #tpu.memory_space<vmem>>, vector<1x16xf32>,
      %get3A_1018 = vector.shape_cast %get3A_1017 : vector<1x16xf32> to vector<16xf32>
      %mul3A_1019 = arith.mulf %get3A_1014, %get3A_1018 : vector<16xf32>
      %add3A_1020 = arith.addf %add3A_1010, %mul3A_1019 : vector<16xf32>
      %get3A_1021 = arith.index_cast %scan3A_910 : i32 to index
      %get3A_1022 = arith.constant 176 : index
      %get3A_1023 = tpu.vector_load %arg9[%get3A_1021, %get3A_1022] {strides = array<i32>} : memref<64x256xf32, #tpu.memory_space<vmem>>, vector<1x16xf32>,
      %get3A_1024 = vector.shape_cast %get3A_1023 : vector<1x16xf32> to vector<16xf32>
      %get3A_1025 = arith.index_cast %scan3A_910 : i32 to index
      %get3A_1026 = arith.constant 176 : index
      %get3A_1027 = tpu.vector_load %arg10[%get3A_1025, %get3A_1026] {strides = array<i32>} : memref<64x256xf32, #tpu.memory_space<vmem>>, vector<1x16xf32>,
      %get3A_1028 = vector.shape_cast %get3A_1027 : vector<1x16xf32> to vector<16xf32>
      %mul3A_1029 = arith.mulf %get3A_1024, %get3A_1028 : vector<16xf32>
      %add3A_1030 = arith.addf %add3A_1020, %mul3A_1029 : vector<16xf32>
      %get3A_1031 = arith.index_cast %scan3A_910 : i32 to index
      %get3A_1032 = arith.constant 192 : index
      %get3A_1033 = tpu.vector_load %arg9[%get3A_1031, %get3A_1032] {strides = array<i32>} : memref<64x256xf32, #tpu.memory_space<vmem>>, vector<1x16xf32>,
      %get3A_1034 = vector.shape_cast %get3A_1033 : vector<1x16xf32> to vector<16xf32>
      %get3A_1035 = arith.index_cast %scan3A_910 : i32 to index
      %get3A_1036 = arith.constant 192 : index
      %get3A_1037 = tpu.vector_load %arg10[%get3A_1035, %get3A_1036] {strides = array<i32>} : memref<64x256xf32, #tpu.memory_space<vmem>>, vector<1x16xf32>,
      %get3A_1038 = vector.shape_cast %get3A_1037 : vector<1x16xf32> to vector<16xf32>
      %mul3A_1039 = arith.mulf %get3A_1034, %get3A_1038 : vector<16xf32>
      %add3A_1040 = arith.addf %add3A_1030, %mul3A_1039 : vector<16xf32>
      %get3A_1041 = arith.index_cast %scan3A_910 : i32 to index
      %get3A_1042 = arith.constant 208 : index
      %get3A_1043 = tpu.vector_load %arg9[%get3A_1041, %get3A_1042] {strides = array<i32>} : memref<64x256xf32, #tpu.memory_space<vmem>>, vector<1x16xf32>,
      %get3A_1044 = vector.shape_cast %get3A_1043 : vector<1x16xf32> to vector<16xf32>
      %get3A_1045 = arith.index_cast %scan3A_910 : i32 to index
      %get3A_1046 = arith.constant 208 : index
      %get3A_1047 = tpu.vector_load %arg10[%get3A_1045, %get3A_1046] {strides = array<i32>} : memref<64x256xf32, #tpu.memory_space<vmem>>, vector<1x16xf32>,
      %get3A_1048 = vector.shape_cast %get3A_1047 : vector<1x16xf32> to vector<16xf32>
      %mul3A_1049 = arith.mulf %get3A_1044, %get3A_1048 : vector<16xf32>
      %add3A_1050 = arith.addf %add3A_1040, %mul3A_1049 : vector<16xf32>
      %get3A_1051 = arith.index_cast %scan3A_910 : i32 to index
      %get3A_1052 = arith.constant 224 : index
      %get3A_1053 = tpu.vector_load %arg9[%get3A_1051, %get3A_1052] {strides = array<i32>} : memref<64x256xf32, #tpu.memory_space<vmem>>, vector<1x16xf32>,
      %get3A_1054 = vector.shape_cast %get3A_1053 : vector<1x16xf32> to vector<16xf32>
      %get3A_1055 = arith.index_cast %scan3A_910 : i32 to index
      %get3A_1056 = arith.constant 224 : index
      %get3A_1057 = tpu.vector_load %arg10[%get3A_1055, %get3A_1056] {strides = array<i32>} : memref<64x256xf32, #tpu.memory_space<vmem>>, vector<1x16xf32>,
      %get3A_1058 = vector.shape_cast %get3A_1057 : vector<1x16xf32> to vector<16xf32>
      %mul3A_1059 = arith.mulf %get3A_1054, %get3A_1058 : vector<16xf32>
      %add3A_1060 = arith.addf %add3A_1050, %mul3A_1059 : vector<16xf32>
      %get3A_1061 = arith.index_cast %scan3A_910 : i32 to index
      %get3A_1062 = arith.constant 240 : index
      %get3A_1063 = tpu.vector_load %arg9[%get3A_1061, %get3A_1062] {strides = array<i32>} : memref<64x256xf32, #tpu.memory_space<vmem>>, vector<1x16xf32>,
      %get3A_1064 = vector.shape_cast %get3A_1063 : vector<1x16xf32> to vector<16xf32>
      %get3A_1065 = arith.index_cast %scan3A_910 : i32 to index
      %get3A_1066 = arith.constant 240 : index
      %get3A_1067 = tpu.vector_load %arg10[%get3A_1065, %get3A_1066] {strides = array<i32>} : memref<64x256xf32, #tpu.memory_space<vmem>>, vector<1x16xf32>,
      %get3A_1068 = vector.shape_cast %get3A_1067 : vector<1x16xf32> to vector<16xf32>
      %mul3A_1069 = arith.mulf %get3A_1064, %get3A_1068 : vector<16xf32>
      %add3A_1070 = arith.addf %add3A_1060, %mul3A_1069 : vector<16xf32>
      %get3A_1071 = arith.index_cast %scan3A_910 : i32 to index
      %get3A_1072 = arith.constant 0 : index
      %get3A_1073 = tpu.vector_load %arg11[%get3A_1071, %get3A_1072] {strides = array<i32>} : memref<64x128xf32, #tpu.memory_space<vmem>>, vector<1x16xf32>,
      %get3A_1074 = vector.shape_cast %get3A_1073 : vector<1x16xf32> to vector<16xf32>
      %get3A_1075 = arith.index_cast %scan3A_910 : i32 to index
      %get3A_1076 = arith.constant 0 : index
      %get3A_1077 = tpu.vector_load %arg12[%get3A_1075, %get3A_1076] {strides = array<i32>} : memref<64x128xf32, #tpu.memory_space<vmem>>, vector<1x16xf32>,
      %get3A_1078 = vector.shape_cast %get3A_1077 : vector<1x16xf32> to vector<16xf32>
      %mul3A_1079 = arith.mulf %get3A_1074, %get3A_1078 : vector<16xf32>
      %add3A_1080 = arith.addf %add3A_1070, %mul3A_1079 : vector<16xf32>
      %get3A_1081 = arith.index_cast %scan3A_910 : i32 to index
      %get3A_1082 = arith.constant 16 : index
      %get3A_1083 = tpu.vector_load %arg11[%get3A_1081, %get3A_1082] {strides = array<i32>} : memref<64x128xf32, #tpu.memory_space<vmem>>, vector<1x16xf32>,
      %get3A_1084 = vector.shape_cast %get3A_1083 : vector<1x16xf32> to vector<16xf32>
      %get3A_1085 = arith.index_cast %scan3A_910 : i32 to index
      %get3A_1086 = arith.constant 16 : index
      %get3A_1087 = tpu.vector_load %arg12[%get3A_1085, %get3A_1086] {strides = array<i32>} : memref<64x128xf32, #tpu.memory_space<vmem>>, vector<1x16xf32>,
      %get3A_1088 = vector.shape_cast %get3A_1087 : vector<1x16xf32> to vector<16xf32>
      %mul3A_1089 = arith.mulf %get3A_1084, %get3A_1088 : vector<16xf32>
      %add3A_1090 = arith.addf %add3A_1080, %mul3A_1089 : vector<16xf32>
      %get3A_1091 = arith.index_cast %scan3A_910 : i32 to index
      %get3A_1092 = arith.constant 32 : index
      %get3A_1093 = tpu.vector_load %arg11[%get3A_1091, %get3A_1092] {strides = array<i32>} : memref<64x128xf32, #tpu.memory_space<vmem>>, vector<1x16xf32>,
      %get3A_1094 = vector.shape_cast %get3A_1093 : vector<1x16xf32> to vector<16xf32>
      %get3A_1095 = arith.index_cast %scan3A_910 : i32 to index
      %get3A_1096 = arith.constant 32 : index
      %get3A_1097 = tpu.vector_load %arg12[%get3A_1095, %get3A_1096] {strides = array<i32>} : memref<64x128xf32, #tpu.memory_space<vmem>>, vector<1x16xf32>,
      %get3A_1098 = vector.shape_cast %get3A_1097 : vector<1x16xf32> to vector<16xf32>
      %mul3A_1099 = arith.mulf %get3A_1094, %get3A_1098 : vector<16xf32>
      %add3A_1100 = arith.addf %add3A_1090, %mul3A_1099 : vector<16xf32>
      scf.yield %add3A_1100 : vector<16xf32>
    }
    %scan3A_350 = arith.constant 64 : i32
    %dma_wait3A_351 = arith.constant 448 : i32
    %dma_wait3A_352 = tpu.memref_slice %arg7[%dma_wait3A_351] : memref<512xi32, #tpu.memory_space<vmem>> -> memref<64xi32, #tpu.memory_space<vmem>>
    %dma_wait3A_353 = arith.constant 0 : i32
    %dma_wait3A_354 = arith.constant 0 : i32
    %dma_wait3A_355 = tpu.memref_slice %arg4[%dma_wait3A_353, %dma_wait3A_354] : memref<28436x300xf32, #tpu.memory_space<hbm>> -> memref<28436x256xf32, #tpu.memory_space<hbm>>
    tpu.wait_indirect_dma semaphore(%arg19 : memref<!tpu.dma_semaphore, #tpu.memory_space<semaphore_mem>>) src(%dma_wait3A_355 : memref<28436x256xf32, #tpu.memory_space<hbm>>) dst(%arg13 : memref<64x256xf32, #tpu.memory_space<vmem>>)
    %dma_wait3A_356 = arith.constant 448 : i32
    %dma_wait3A_357 = tpu.memref_slice %arg8[%dma_wait3A_356] : memref<512xi32, #tpu.memory_space<vmem>> -> memref<64xi32, #tpu.memory_space<vmem>>
    %dma_wait3A_358 = arith.constant 0 : i32
    %dma_wait3A_359 = arith.constant 0 : i32
    %dma_wait3A_360 = tpu.memref_slice %arg4[%dma_wait3A_358, %dma_wait3A_359] : memref<28436x300xf32, #tpu.memory_space<hbm>> -> memref<28436x256xf32, #tpu.memory_space<hbm>>
    tpu.wait_indirect_dma semaphore(%arg19 : memref<!tpu.dma_semaphore, #tpu.memory_space<semaphore_mem>>) src(%dma_wait3A_360 : memref<28436x256xf32, #tpu.memory_space<hbm>>) dst(%arg14 : memref<64x256xf32, #tpu.memory_space<vmem>>)
    %dma_wait3A_361 = arith.constant 448 : i32
    %dma_wait3A_362 = tpu.memref_slice %arg7[%dma_wait3A_361] : memref<512xi32, #tpu.memory_space<vmem>> -> memref<64xi32, #tpu.memory_space<vmem>>
    %dma_wait3A_363 = arith.constant 0 : i32
    %dma_wait3A_364 = arith.constant 0 : i32
    %dma_wait3A_365 = tpu.memref_slice %arg5[%dma_wait3A_363, %dma_wait3A_364] : memref<28436x128xf32, #tpu.memory_space<hbm>> -> memref<28436x128xf32, #tpu.memory_space<hbm>>
    tpu.wait_indirect_dma semaphore(%arg19 : memref<!tpu.dma_semaphore, #tpu.memory_space<semaphore_mem>>) src(%dma_wait3A_365 : memref<28436x128xf32, #tpu.memory_space<hbm>>) dst(%arg15 : memref<64x128xf32, #tpu.memory_space<vmem>>)
    %dma_wait3A_366 = arith.constant 448 : i32
    %dma_wait3A_367 = tpu.memref_slice %arg8[%dma_wait3A_366] : memref<512xi32, #tpu.memory_space<vmem>> -> memref<64xi32, #tpu.memory_space<vmem>>
    %dma_wait3A_368 = arith.constant 0 : i32
    %dma_wait3A_369 = arith.constant 0 : i32
    %dma_wait3A_370 = tpu.memref_slice %arg5[%dma_wait3A_368, %dma_wait3A_369] : memref<28436x128xf32, #tpu.memory_space<hbm>> -> memref<28436x128xf32, #tpu.memory_space<hbm>>
    tpu.wait_indirect_dma semaphore(%arg19 : memref<!tpu.dma_semaphore, #tpu.memory_space<semaphore_mem>>) src(%dma_wait3A_370 : memref<28436x128xf32, #tpu.memory_space<hbm>>) dst(%arg16 : memref<64x128xf32, #tpu.memory_space<vmem>>)
    %scan3A_371 = arith.constant 0 : i32
    %scan3A_372 = arith.constant 64 : i32
    %scan3A_373 = arith.addi %scan3A_371, %scan3A_372 : i32
    %scan3A_374 = arith.constant 1 : i32
    %scan3A_375 = scf.for %scan3A_910 = %scan3A_371 to %scan3A_373 step %scan3A_374 iter_args(%scan3A_911 = %scan3A_349) -> (vector<16xf32>)  : i32 {
      %get3A = arith.index_cast %scan3A_910 : i32 to index
      %get3A_912 = arith.constant 0 : index
      %get3A_913 = tpu.vector_load %arg13[%get3A, %get3A_912] {strides = array<i32>} : memref<64x256xf32, #tpu.memory_space<vmem>>, vector<1x16xf32>,
      %get3A_914 = vector.shape_cast %get3A_913 : vector<1x16xf32> to vector<16xf32>
      %get3A_915 = arith.index_cast %scan3A_910 : i32 to index
      %get3A_916 = arith.constant 0 : index
      %get3A_917 = tpu.vector_load %arg14[%get3A_915, %get3A_916] {strides = array<i32>} : memref<64x256xf32, #tpu.memory_space<vmem>>, vector<1x16xf32>,
      %get3A_918 = vector.shape_cast %get3A_917 : vector<1x16xf32> to vector<16xf32>
      %mul3A_919 = arith.mulf %get3A_914, %get3A_918 : vector<16xf32>
      %add3A_920 = arith.addf %scan3A_911, %mul3A_919 : vector<16xf32>
      %get3A_921 = arith.index_cast %scan3A_910 : i32 to index
      %get3A_922 = arith.constant 16 : index
      %get3A_923 = tpu.vector_load %arg13[%get3A_921, %get3A_922] {strides = array<i32>} : memref<64x256xf32, #tpu.memory_space<vmem>>, vector<1x16xf32>,
      %get3A_924 = vector.shape_cast %get3A_923 : vector<1x16xf32> to vector<16xf32>
      %get3A_925 = arith.index_cast %scan3A_910 : i32 to index
      %get3A_926 = arith.constant 16 : index
      %get3A_927 = tpu.vector_load %arg14[%get3A_925, %get3A_926] {strides = array<i32>} : memref<64x256xf32, #tpu.memory_space<vmem>>, vector<1x16xf32>,
      %get3A_928 = vector.shape_cast %get3A_927 : vector<1x16xf32> to vector<16xf32>
      %mul3A_929 = arith.mulf %get3A_924, %get3A_928 : vector<16xf32>
      %add3A_930 = arith.addf %add3A_920, %mul3A_929 : vector<16xf32>
      %get3A_931 = arith.index_cast %scan3A_910 : i32 to index
      %get3A_932 = arith.constant 32 : index
      %get3A_933 = tpu.vector_load %arg13[%get3A_931, %get3A_932] {strides = array<i32>} : memref<64x256xf32, #tpu.memory_space<vmem>>, vector<1x16xf32>,
      %get3A_934 = vector.shape_cast %get3A_933 : vector<1x16xf32> to vector<16xf32>
      %get3A_935 = arith.index_cast %scan3A_910 : i32 to index
      %get3A_936 = arith.constant 32 : index
      %get3A_937 = tpu.vector_load %arg14[%get3A_935, %get3A_936] {strides = array<i32>} : memref<64x256xf32, #tpu.memory_space<vmem>>, vector<1x16xf32>,
      %get3A_938 = vector.shape_cast %get3A_937 : vector<1x16xf32> to vector<16xf32>
      %mul3A_939 = arith.mulf %get3A_934, %get3A_938 : vector<16xf32>
      %add3A_940 = arith.addf %add3A_930, %mul3A_939 : vector<16xf32>
      %get3A_941 = arith.index_cast %scan3A_910 : i32 to index
      %get3A_942 = arith.constant 48 : index
      %get3A_943 = tpu.vector_load %arg13[%get3A_941, %get3A_942] {strides = array<i32>} : memref<64x256xf32, #tpu.memory_space<vmem>>, vector<1x16xf32>,
      %get3A_944 = vector.shape_cast %get3A_943 : vector<1x16xf32> to vector<16xf32>
      %get3A_945 = arith.index_cast %scan3A_910 : i32 to index
      %get3A_946 = arith.constant 48 : index
      %get3A_947 = tpu.vector_load %arg14[%get3A_945, %get3A_946] {strides = array<i32>} : memref<64x256xf32, #tpu.memory_space<vmem>>, vector<1x16xf32>,
      %get3A_948 = vector.shape_cast %get3A_947 : vector<1x16xf32> to vector<16xf32>
      %mul3A_949 = arith.mulf %get3A_944, %get3A_948 : vector<16xf32>
      %add3A_950 = arith.addf %add3A_940, %mul3A_949 : vector<16xf32>
      %get3A_951 = arith.index_cast %scan3A_910 : i32 to index
      %get3A_952 = arith.constant 64 : index
      %get3A_953 = tpu.vector_load %arg13[%get3A_951, %get3A_952] {strides = array<i32>} : memref<64x256xf32, #tpu.memory_space<vmem>>, vector<1x16xf32>,
      %get3A_954 = vector.shape_cast %get3A_953 : vector<1x16xf32> to vector<16xf32>
      %get3A_955 = arith.index_cast %scan3A_910 : i32 to index
      %get3A_956 = arith.constant 64 : index
      %get3A_957 = tpu.vector_load %arg14[%get3A_955, %get3A_956] {strides = array<i32>} : memref<64x256xf32, #tpu.memory_space<vmem>>, vector<1x16xf32>,
      %get3A_958 = vector.shape_cast %get3A_957 : vector<1x16xf32> to vector<16xf32>
      %mul3A_959 = arith.mulf %get3A_954, %get3A_958 : vector<16xf32>
      %add3A_960 = arith.addf %add3A_950, %mul3A_959 : vector<16xf32>
      %get3A_961 = arith.index_cast %scan3A_910 : i32 to index
      %get3A_962 = arith.constant 80 : index
      %get3A_963 = tpu.vector_load %arg13[%get3A_961, %get3A_962] {strides = array<i32>} : memref<64x256xf32, #tpu.memory_space<vmem>>, vector<1x16xf32>,
      %get3A_964 = vector.shape_cast %get3A_963 : vector<1x16xf32> to vector<16xf32>
      %get3A_965 = arith.index_cast %scan3A_910 : i32 to index
      %get3A_966 = arith.constant 80 : index
      %get3A_967 = tpu.vector_load %arg14[%get3A_965, %get3A_966] {strides = array<i32>} : memref<64x256xf32, #tpu.memory_space<vmem>>, vector<1x16xf32>,
      %get3A_968 = vector.shape_cast %get3A_967 : vector<1x16xf32> to vector<16xf32>
      %mul3A_969 = arith.mulf %get3A_964, %get3A_968 : vector<16xf32>
      %add3A_970 = arith.addf %add3A_960, %mul3A_969 : vector<16xf32>
      %get3A_971 = arith.index_cast %scan3A_910 : i32 to index
      %get3A_972 = arith.constant 96 : index
      %get3A_973 = tpu.vector_load %arg13[%get3A_971, %get3A_972] {strides = array<i32>} : memref<64x256xf32, #tpu.memory_space<vmem>>, vector<1x16xf32>,
      %get3A_974 = vector.shape_cast %get3A_973 : vector<1x16xf32> to vector<16xf32>
      %get3A_975 = arith.index_cast %scan3A_910 : i32 to index
      %get3A_976 = arith.constant 96 : index
      %get3A_977 = tpu.vector_load %arg14[%get3A_975, %get3A_976] {strides = array<i32>} : memref<64x256xf32, #tpu.memory_space<vmem>>, vector<1x16xf32>,
      %get3A_978 = vector.shape_cast %get3A_977 : vector<1x16xf32> to vector<16xf32>
      %mul3A_979 = arith.mulf %get3A_974, %get3A_978 : vector<16xf32>
      %add3A_980 = arith.addf %add3A_970, %mul3A_979 : vector<16xf32>
      %get3A_981 = arith.index_cast %scan3A_910 : i32 to index
      %get3A_982 = arith.constant 112 : index
      %get3A_983 = tpu.vector_load %arg13[%get3A_981, %get3A_982] {strides = array<i32>} : memref<64x256xf32, #tpu.memory_space<vmem>>, vector<1x16xf32>,
      %get3A_984 = vector.shape_cast %get3A_983 : vector<1x16xf32> to vector<16xf32>
      %get3A_985 = arith.index_cast %scan3A_910 : i32 to index
      %get3A_986 = arith.constant 112 : index
      %get3A_987 = tpu.vector_load %arg14[%get3A_985, %get3A_986] {strides = array<i32>} : memref<64x256xf32, #tpu.memory_space<vmem>>, vector<1x16xf32>,
      %get3A_988 = vector.shape_cast %get3A_987 : vector<1x16xf32> to vector<16xf32>
      %mul3A_989 = arith.mulf %get3A_984, %get3A_988 : vector<16xf32>
      %add3A_990 = arith.addf %add3A_980, %mul3A_989 : vector<16xf32>
      %get3A_991 = arith.index_cast %scan3A_910 : i32 to index
      %get3A_992 = arith.constant 128 : index
      %get3A_993 = tpu.vector_load %arg13[%get3A_991, %get3A_992] {strides = array<i32>} : memref<64x256xf32, #tpu.memory_space<vmem>>, vector<1x16xf32>,
      %get3A_994 = vector.shape_cast %get3A_993 : vector<1x16xf32> to vector<16xf32>
      %get3A_995 = arith.index_cast %scan3A_910 : i32 to index
      %get3A_996 = arith.constant 128 : index
      %get3A_997 = tpu.vector_load %arg14[%get3A_995, %get3A_996] {strides = array<i32>} : memref<64x256xf32, #tpu.memory_space<vmem>>, vector<1x16xf32>,
      %get3A_998 = vector.shape_cast %get3A_997 : vector<1x16xf32> to vector<16xf32>
      %mul3A_999 = arith.mulf %get3A_994, %get3A_998 : vector<16xf32>
      %add3A_1000 = arith.addf %add3A_990, %mul3A_999 : vector<16xf32>
      %get3A_1001 = arith.index_cast %scan3A_910 : i32 to index
      %get3A_1002 = arith.constant 144 : index
      %get3A_1003 = tpu.vector_load %arg13[%get3A_1001, %get3A_1002] {strides = array<i32>} : memref<64x256xf32, #tpu.memory_space<vmem>>, vector<1x16xf32>,
      %get3A_1004 = vector.shape_cast %get3A_1003 : vector<1x16xf32> to vector<16xf32>
      %get3A_1005 = arith.index_cast %scan3A_910 : i32 to index
      %get3A_1006 = arith.constant 144 : index
      %get3A_1007 = tpu.vector_load %arg14[%get3A_1005, %get3A_1006] {strides = array<i32>} : memref<64x256xf32, #tpu.memory_space<vmem>>, vector<1x16xf32>,
      %get3A_1008 = vector.shape_cast %get3A_1007 : vector<1x16xf32> to vector<16xf32>
      %mul3A_1009 = arith.mulf %get3A_1004, %get3A_1008 : vector<16xf32>
      %add3A_1010 = arith.addf %add3A_1000, %mul3A_1009 : vector<16xf32>
      %get3A_1011 = arith.index_cast %scan3A_910 : i32 to index
      %get3A_1012 = arith.constant 160 : index
      %get3A_1013 = tpu.vector_load %arg13[%get3A_1011, %get3A_1012] {strides = array<i32>} : memref<64x256xf32, #tpu.memory_space<vmem>>, vector<1x16xf32>,
      %get3A_1014 = vector.shape_cast %get3A_1013 : vector<1x16xf32> to vector<16xf32>
      %get3A_1015 = arith.index_cast %scan3A_910 : i32 to index
      %get3A_1016 = arith.constant 160 : index
      %get3A_1017 = tpu.vector_load %arg14[%get3A_1015, %get3A_1016] {strides = array<i32>} : memref<64x256xf32, #tpu.memory_space<vmem>>, vector<1x16xf32>,
      %get3A_1018 = vector.shape_cast %get3A_1017 : vector<1x16xf32> to vector<16xf32>
      %mul3A_1019 = arith.mulf %get3A_1014, %get3A_1018 : vector<16xf32>
      %add3A_1020 = arith.addf %add3A_1010, %mul3A_1019 : vector<16xf32>
      %get3A_1021 = arith.index_cast %scan3A_910 : i32 to index
      %get3A_1022 = arith.constant 176 : index
      %get3A_1023 = tpu.vector_load %arg13[%get3A_1021, %get3A_1022] {strides = array<i32>} : memref<64x256xf32, #tpu.memory_space<vmem>>, vector<1x16xf32>,
      %get3A_1024 = vector.shape_cast %get3A_1023 : vector<1x16xf32> to vector<16xf32>
      %get3A_1025 = arith.index_cast %scan3A_910 : i32 to index
      %get3A_1026 = arith.constant 176 : index
      %get3A_1027 = tpu.vector_load %arg14[%get3A_1025, %get3A_1026] {strides = array<i32>} : memref<64x256xf32, #tpu.memory_space<vmem>>, vector<1x16xf32>,
      %get3A_1028 = vector.shape_cast %get3A_1027 : vector<1x16xf32> to vector<16xf32>
      %mul3A_1029 = arith.mulf %get3A_1024, %get3A_1028 : vector<16xf32>
      %add3A_1030 = arith.addf %add3A_1020, %mul3A_1029 : vector<16xf32>
      %get3A_1031 = arith.index_cast %scan3A_910 : i32 to index
      %get3A_1032 = arith.constant 192 : index
      %get3A_1033 = tpu.vector_load %arg13[%get3A_1031, %get3A_1032] {strides = array<i32>} : memref<64x256xf32, #tpu.memory_space<vmem>>, vector<1x16xf32>,
      %get3A_1034 = vector.shape_cast %get3A_1033 : vector<1x16xf32> to vector<16xf32>
      %get3A_1035 = arith.index_cast %scan3A_910 : i32 to index
      %get3A_1036 = arith.constant 192 : index
      %get3A_1037 = tpu.vector_load %arg14[%get3A_1035, %get3A_1036] {strides = array<i32>} : memref<64x256xf32, #tpu.memory_space<vmem>>, vector<1x16xf32>,
      %get3A_1038 = vector.shape_cast %get3A_1037 : vector<1x16xf32> to vector<16xf32>
      %mul3A_1039 = arith.mulf %get3A_1034, %get3A_1038 : vector<16xf32>
      %add3A_1040 = arith.addf %add3A_1030, %mul3A_1039 : vector<16xf32>
      %get3A_1041 = arith.index_cast %scan3A_910 : i32 to index
      %get3A_1042 = arith.constant 208 : index
      %get3A_1043 = tpu.vector_load %arg13[%get3A_1041, %get3A_1042] {strides = array<i32>} : memref<64x256xf32, #tpu.memory_space<vmem>>, vector<1x16xf32>,
      %get3A_1044 = vector.shape_cast %get3A_1043 : vector<1x16xf32> to vector<16xf32>
      %get3A_1045 = arith.index_cast %scan3A_910 : i32 to index
      %get3A_1046 = arith.constant 208 : index
      %get3A_1047 = tpu.vector_load %arg14[%get3A_1045, %get3A_1046] {strides = array<i32>} : memref<64x256xf32, #tpu.memory_space<vmem>>, vector<1x16xf32>,
      %get3A_1048 = vector.shape_cast %get3A_1047 : vector<1x16xf32> to vector<16xf32>
      %mul3A_1049 = arith.mulf %get3A_1044, %get3A_1048 : vector<16xf32>
      %add3A_1050 = arith.addf %add3A_1040, %mul3A_1049 : vector<16xf32>
      %get3A_1051 = arith.index_cast %scan3A_910 : i32 to index
      %get3A_1052 = arith.constant 224 : index
      %get3A_1053 = tpu.vector_load %arg13[%get3A_1051, %get3A_1052] {strides = array<i32>} : memref<64x256xf32, #tpu.memory_space<vmem>>, vector<1x16xf32>,
      %get3A_1054 = vector.shape_cast %get3A_1053 : vector<1x16xf32> to vector<16xf32>
      %get3A_1055 = arith.index_cast %scan3A_910 : i32 to index
      %get3A_1056 = arith.constant 224 : index
      %get3A_1057 = tpu.vector_load %arg14[%get3A_1055, %get3A_1056] {strides = array<i32>} : memref<64x256xf32, #tpu.memory_space<vmem>>, vector<1x16xf32>,
      %get3A_1058 = vector.shape_cast %get3A_1057 : vector<1x16xf32> to vector<16xf32>
      %mul3A_1059 = arith.mulf %get3A_1054, %get3A_1058 : vector<16xf32>
      %add3A_1060 = arith.addf %add3A_1050, %mul3A_1059 : vector<16xf32>
      %get3A_1061 = arith.index_cast %scan3A_910 : i32 to index
      %get3A_1062 = arith.constant 240 : index
      %get3A_1063 = tpu.vector_load %arg13[%get3A_1061, %get3A_1062] {strides = array<i32>} : memref<64x256xf32, #tpu.memory_space<vmem>>, vector<1x16xf32>,
      %get3A_1064 = vector.shape_cast %get3A_1063 : vector<1x16xf32> to vector<16xf32>
      %get3A_1065 = arith.index_cast %scan3A_910 : i32 to index
      %get3A_1066 = arith.constant 240 : index
      %get3A_1067 = tpu.vector_load %arg14[%get3A_1065, %get3A_1066] {strides = array<i32>} : memref<64x256xf32, #tpu.memory_space<vmem>>, vector<1x16xf32>,
      %get3A_1068 = vector.shape_cast %get3A_1067 : vector<1x16xf32> to vector<16xf32>
      %mul3A_1069 = arith.mulf %get3A_1064, %get3A_1068 : vector<16xf32>
      %add3A_1070 = arith.addf %add3A_1060, %mul3A_1069 : vector<16xf32>
      %get3A_1071 = arith.index_cast %scan3A_910 : i32 to index
      %get3A_1072 = arith.constant 0 : index
      %get3A_1073 = tpu.vector_load %arg15[%get3A_1071, %get3A_1072] {strides = array<i32>} : memref<64x128xf32, #tpu.memory_space<vmem>>, vector<1x16xf32>,
      %get3A_1074 = vector.shape_cast %get3A_1073 : vector<1x16xf32> to vector<16xf32>
      %get3A_1075 = arith.index_cast %scan3A_910 : i32 to index
      %get3A_1076 = arith.constant 0 : index
      %get3A_1077 = tpu.vector_load %arg16[%get3A_1075, %get3A_1076] {strides = array<i32>} : memref<64x128xf32, #tpu.memory_space<vmem>>, vector<1x16xf32>,
      %get3A_1078 = vector.shape_cast %get3A_1077 : vector<1x16xf32> to vector<16xf32>
      %mul3A_1079 = arith.mulf %get3A_1074, %get3A_1078 : vector<16xf32>
      %add3A_1080 = arith.addf %add3A_1070, %mul3A_1079 : vector<16xf32>
      %get3A_1081 = arith.index_cast %scan3A_910 : i32 to index
      %get3A_1082 = arith.constant 16 : index
      %get3A_1083 = tpu.vector_load %arg15[%get3A_1081, %get3A_1082] {strides = array<i32>} : memref<64x128xf32, #tpu.memory_space<vmem>>, vector<1x16xf32>,
      %get3A_1084 = vector.shape_cast %get3A_1083 : vector<1x16xf32> to vector<16xf32>
      %get3A_1085 = arith.index_cast %scan3A_910 : i32 to index
      %get3A_1086 = arith.constant 16 : index
      %get3A_1087 = tpu.vector_load %arg16[%get3A_1085, %get3A_1086] {strides = array<i32>} : memref<64x128xf32, #tpu.memory_space<vmem>>, vector<1x16xf32>,
      %get3A_1088 = vector.shape_cast %get3A_1087 : vector<1x16xf32> to vector<16xf32>
      %mul3A_1089 = arith.mulf %get3A_1084, %get3A_1088 : vector<16xf32>
      %add3A_1090 = arith.addf %add3A_1080, %mul3A_1089 : vector<16xf32>
      %get3A_1091 = arith.index_cast %scan3A_910 : i32 to index
      %get3A_1092 = arith.constant 32 : index
      %get3A_1093 = tpu.vector_load %arg15[%get3A_1091, %get3A_1092] {strides = array<i32>} : memref<64x128xf32, #tpu.memory_space<vmem>>, vector<1x16xf32>,
      %get3A_1094 = vector.shape_cast %get3A_1093 : vector<1x16xf32> to vector<16xf32>
      %get3A_1095 = arith.index_cast %scan3A_910 : i32 to index
      %get3A_1096 = arith.constant 32 : index
      %get3A_1097 = tpu.vector_load %arg16[%get3A_1095, %get3A_1096] {strides = array<i32>} : memref<64x128xf32, #tpu.memory_space<vmem>>, vector<1x16xf32>,
      %get3A_1098 = vector.shape_cast %get3A_1097 : vector<1x16xf32> to vector<16xf32>
      %mul3A_1099 = arith.mulf %get3A_1094, %get3A_1098 : vector<16xf32>
      %add3A_1100 = arith.addf %add3A_1090, %mul3A_1099 : vector<16xf32>
      scf.yield %add3A_1100 : vector<16xf32>
    }
    %scan3A_376 = arith.constant 64 : i32
    %broadcast_in_dim3A_377 = arith.constant 0.000000e+00 : f32
    %broadcast_in_dim3A_378 = vector.broadcast %broadcast_in_dim3A_377 : f32 to vector<16xf32>
    %swap3A = arith.constant 0 : i32
    %swap3A_379 = arith.index_cast %swap3A : i32 to index
    %swap3A_380 = arith.constant 0 : index
    %swap3A_381 = tpu.vector_load %arg17[%swap3A_379, %swap3A_380] {strides = array<i32>} : memref<8x128xf32, #tpu.memory_space<vmem>>, vector<1x16xf32>,
    %swap3A_382 = vector.shape_cast %swap3A_381 : vector<1x16xf32> to vector<16xf32>
    %swap3A_383 = vector.shape_cast %broadcast_in_dim3A_378 : vector<16xf32> to vector<1x16xf32>
    tpu.vector_store %arg17[%swap3A_379, %swap3A_380], %swap3A_383 {strides = array<i32>} : memref<8x128xf32, #tpu.memory_space<vmem>>, vector<1x16xf32>,
    %broadcast_in_dim3A_384 = arith.constant 0.000000e+00 : f32
    %broadcast_in_dim3A_385 = vector.broadcast %broadcast_in_dim3A_384 : f32 to vector<16xf32>
    %swap3A_386 = arith.constant 0 : i32
    %swap3A_387 = arith.index_cast %swap3A_386 : i32 to index
    %swap3A_388 = arith.constant 16 : index
    %swap3A_389 = tpu.vector_load %arg17[%swap3A_387, %swap3A_388] {strides = array<i32>} : memref<8x128xf32, #tpu.memory_space<vmem>>, vector<1x16xf32>,
    %swap3A_390 = vector.shape_cast %swap3A_389 : vector<1x16xf32> to vector<16xf32>
    %swap3A_391 = vector.shape_cast %broadcast_in_dim3A_385 : vector<16xf32> to vector<1x16xf32>
    tpu.vector_store %arg17[%swap3A_387, %swap3A_388], %swap3A_391 {strides = array<i32>} : memref<8x128xf32, #tpu.memory_space<vmem>>, vector<1x16xf32>,
    %broadcast_in_dim3A_392 = arith.constant 0.000000e+00 : f32
    %broadcast_in_dim3A_393 = vector.broadcast %broadcast_in_dim3A_392 : f32 to vector<16xf32>
    %swap3A_394 = arith.constant 0 : i32
    %swap3A_395 = arith.index_cast %swap3A_394 : i32 to index
    %swap3A_396 = arith.constant 32 : index
    %swap3A_397 = tpu.vector_load %arg17[%swap3A_395, %swap3A_396] {strides = array<i32>} : memref<8x128xf32, #tpu.memory_space<vmem>>, vector<1x16xf32>,
    %swap3A_398 = vector.shape_cast %swap3A_397 : vector<1x16xf32> to vector<16xf32>
    %swap3A_399 = vector.shape_cast %broadcast_in_dim3A_393 : vector<16xf32> to vector<1x16xf32>
    tpu.vector_store %arg17[%swap3A_395, %swap3A_396], %swap3A_399 {strides = array<i32>} : memref<8x128xf32, #tpu.memory_space<vmem>>, vector<1x16xf32>,
    %broadcast_in_dim3A_400 = arith.constant 0.000000e+00 : f32
    %broadcast_in_dim3A_401 = vector.broadcast %broadcast_in_dim3A_400 : f32 to vector<16xf32>
    %swap3A_402 = arith.constant 0 : i32
    %swap3A_403 = arith.index_cast %swap3A_402 : i32 to index
    %swap3A_404 = arith.constant 48 : index
    %swap3A_405 = tpu.vector_load %arg17[%swap3A_403, %swap3A_404] {strides = array<i32>} : memref<8x128xf32, #tpu.memory_space<vmem>>, vector<1x16xf32>,
    %swap3A_406 = vector.shape_cast %swap3A_405 : vector<1x16xf32> to vector<16xf32>
    %swap3A_407 = vector.shape_cast %broadcast_in_dim3A_401 : vector<16xf32> to vector<1x16xf32>
    tpu.vector_store %arg17[%swap3A_403, %swap3A_404], %swap3A_407 {strides = array<i32>} : memref<8x128xf32, #tpu.memory_space<vmem>>, vector<1x16xf32>,
    %broadcast_in_dim3A_408 = arith.constant 0.000000e+00 : f32
    %broadcast_in_dim3A_409 = vector.broadcast %broadcast_in_dim3A_408 : f32 to vector<16xf32>
    %swap3A_410 = arith.constant 0 : i32
    %swap3A_411 = arith.index_cast %swap3A_410 : i32 to index
    %swap3A_412 = arith.constant 64 : index
    %swap3A_413 = tpu.vector_load %arg17[%swap3A_411, %swap3A_412] {strides = array<i32>} : memref<8x128xf32, #tpu.memory_space<vmem>>, vector<1x16xf32>,
    %swap3A_414 = vector.shape_cast %swap3A_413 : vector<1x16xf32> to vector<16xf32>
    %swap3A_415 = vector.shape_cast %broadcast_in_dim3A_409 : vector<16xf32> to vector<1x16xf32>
    tpu.vector_store %arg17[%swap3A_411, %swap3A_412], %swap3A_415 {strides = array<i32>} : memref<8x128xf32, #tpu.memory_space<vmem>>, vector<1x16xf32>,
    %broadcast_in_dim3A_416 = arith.constant 0.000000e+00 : f32
    %broadcast_in_dim3A_417 = vector.broadcast %broadcast_in_dim3A_416 : f32 to vector<16xf32>
    %swap3A_418 = arith.constant 0 : i32
    %swap3A_419 = arith.index_cast %swap3A_418 : i32 to index
    %swap3A_420 = arith.constant 80 : index
    %swap3A_421 = tpu.vector_load %arg17[%swap3A_419, %swap3A_420] {strides = array<i32>} : memref<8x128xf32, #tpu.memory_space<vmem>>, vector<1x16xf32>,
    %swap3A_422 = vector.shape_cast %swap3A_421 : vector<1x16xf32> to vector<16xf32>
    %swap3A_423 = vector.shape_cast %broadcast_in_dim3A_417 : vector<16xf32> to vector<1x16xf32>
    tpu.vector_store %arg17[%swap3A_419, %swap3A_420], %swap3A_423 {strides = array<i32>} : memref<8x128xf32, #tpu.memory_space<vmem>>, vector<1x16xf32>,
    %broadcast_in_dim3A_424 = arith.constant 0.000000e+00 : f32
    %broadcast_in_dim3A_425 = vector.broadcast %broadcast_in_dim3A_424 : f32 to vector<16xf32>
    %swap3A_426 = arith.constant 0 : i32
    %swap3A_427 = arith.index_cast %swap3A_426 : i32 to index
    %swap3A_428 = arith.constant 96 : index
    %swap3A_429 = tpu.vector_load %arg17[%swap3A_427, %swap3A_428] {strides = array<i32>} : memref<8x128xf32, #tpu.memory_space<vmem>>, vector<1x16xf32>,
    %swap3A_430 = vector.shape_cast %swap3A_429 : vector<1x16xf32> to vector<16xf32>
    %swap3A_431 = vector.shape_cast %broadcast_in_dim3A_425 : vector<16xf32> to vector<1x16xf32>
    tpu.vector_store %arg17[%swap3A_427, %swap3A_428], %swap3A_431 {strides = array<i32>} : memref<8x128xf32, #tpu.memory_space<vmem>>, vector<1x16xf32>,
    %broadcast_in_dim3A_432 = arith.constant 0.000000e+00 : f32
    %broadcast_in_dim3A_433 = vector.broadcast %broadcast_in_dim3A_432 : f32 to vector<16xf32>
    %swap3A_434 = arith.constant 0 : i32
    %swap3A_435 = arith.index_cast %swap3A_434 : i32 to index
    %swap3A_436 = arith.constant 112 : index
    %swap3A_437 = tpu.vector_load %arg17[%swap3A_435, %swap3A_436] {strides = array<i32>} : memref<8x128xf32, #tpu.memory_space<vmem>>, vector<1x16xf32>,
    %swap3A_438 = vector.shape_cast %swap3A_437 : vector<1x16xf32> to vector<16xf32>
    %swap3A_439 = vector.shape_cast %broadcast_in_dim3A_433 : vector<16xf32> to vector<1x16xf32>
    tpu.vector_store %arg17[%swap3A_435, %swap3A_436], %swap3A_439 {strides = array<i32>} : memref<8x128xf32, #tpu.memory_space<vmem>>, vector<1x16xf32>,
    %broadcast_in_dim3A_440 = arith.constant 0.000000e+00 : f32
    %broadcast_in_dim3A_441 = vector.broadcast %broadcast_in_dim3A_440 : f32 to vector<16xf32>
    %swap3A_442 = arith.constant 1 : i32
    %swap3A_443 = arith.index_cast %swap3A_442 : i32 to index
    %swap3A_444 = arith.constant 0 : index
    %swap3A_445 = tpu.vector_load %arg17[%swap3A_443, %swap3A_444] {strides = array<i32>} : memref<8x128xf32, #tpu.memory_space<vmem>>, vector<1x16xf32>,
    %swap3A_446 = vector.shape_cast %swap3A_445 : vector<1x16xf32> to vector<16xf32>
    %swap3A_447 = vector.shape_cast %broadcast_in_dim3A_441 : vector<16xf32> to vector<1x16xf32>
    tpu.vector_store %arg17[%swap3A_443, %swap3A_444], %swap3A_447 {strides = array<i32>} : memref<8x128xf32, #tpu.memory_space<vmem>>, vector<1x16xf32>,
    %broadcast_in_dim3A_448 = arith.constant 0.000000e+00 : f32
    %broadcast_in_dim3A_449 = vector.broadcast %broadcast_in_dim3A_448 : f32 to vector<16xf32>
    %swap3A_450 = arith.constant 1 : i32
    %swap3A_451 = arith.index_cast %swap3A_450 : i32 to index
    %swap3A_452 = arith.constant 16 : index
    %swap3A_453 = tpu.vector_load %arg17[%swap3A_451, %swap3A_452] {strides = array<i32>} : memref<8x128xf32, #tpu.memory_space<vmem>>, vector<1x16xf32>,
    %swap3A_454 = vector.shape_cast %swap3A_453 : vector<1x16xf32> to vector<16xf32>
    %swap3A_455 = vector.shape_cast %broadcast_in_dim3A_449 : vector<16xf32> to vector<1x16xf32>
    tpu.vector_store %arg17[%swap3A_451, %swap3A_452], %swap3A_455 {strides = array<i32>} : memref<8x128xf32, #tpu.memory_space<vmem>>, vector<1x16xf32>,
    %broadcast_in_dim3A_456 = arith.constant 0.000000e+00 : f32
    %broadcast_in_dim3A_457 = vector.broadcast %broadcast_in_dim3A_456 : f32 to vector<16xf32>
    %swap3A_458 = arith.constant 1 : i32
    %swap3A_459 = arith.index_cast %swap3A_458 : i32 to index
    %swap3A_460 = arith.constant 32 : index
    %swap3A_461 = tpu.vector_load %arg17[%swap3A_459, %swap3A_460] {strides = array<i32>} : memref<8x128xf32, #tpu.memory_space<vmem>>, vector<1x16xf32>,
    %swap3A_462 = vector.shape_cast %swap3A_461 : vector<1x16xf32> to vector<16xf32>
    %swap3A_463 = vector.shape_cast %broadcast_in_dim3A_457 : vector<16xf32> to vector<1x16xf32>
    tpu.vector_store %arg17[%swap3A_459, %swap3A_460], %swap3A_463 {strides = array<i32>} : memref<8x128xf32, #tpu.memory_space<vmem>>, vector<1x16xf32>,
    %broadcast_in_dim3A_464 = arith.constant 0.000000e+00 : f32
    %broadcast_in_dim3A_465 = vector.broadcast %broadcast_in_dim3A_464 : f32 to vector<16xf32>
    %swap3A_466 = arith.constant 1 : i32
    %swap3A_467 = arith.index_cast %swap3A_466 : i32 to index
    %swap3A_468 = arith.constant 48 : index
    %swap3A_469 = tpu.vector_load %arg17[%swap3A_467, %swap3A_468] {strides = array<i32>} : memref<8x128xf32, #tpu.memory_space<vmem>>, vector<1x16xf32>,
    %swap3A_470 = vector.shape_cast %swap3A_469 : vector<1x16xf32> to vector<16xf32>
    %swap3A_471 = vector.shape_cast %broadcast_in_dim3A_465 : vector<16xf32> to vector<1x16xf32>
    tpu.vector_store %arg17[%swap3A_467, %swap3A_468], %swap3A_471 {strides = array<i32>} : memref<8x128xf32, #tpu.memory_space<vmem>>, vector<1x16xf32>,
    %broadcast_in_dim3A_472 = arith.constant 0.000000e+00 : f32
    %broadcast_in_dim3A_473 = vector.broadcast %broadcast_in_dim3A_472 : f32 to vector<16xf32>
    %swap3A_474 = arith.constant 1 : i32
    %swap3A_475 = arith.index_cast %swap3A_474 : i32 to index
    %swap3A_476 = arith.constant 64 : index
    %swap3A_477 = tpu.vector_load %arg17[%swap3A_475, %swap3A_476] {strides = array<i32>} : memref<8x128xf32, #tpu.memory_space<vmem>>, vector<1x16xf32>,
    %swap3A_478 = vector.shape_cast %swap3A_477 : vector<1x16xf32> to vector<16xf32>
    %swap3A_479 = vector.shape_cast %broadcast_in_dim3A_473 : vector<16xf32> to vector<1x16xf32>
    tpu.vector_store %arg17[%swap3A_475, %swap3A_476], %swap3A_479 {strides = array<i32>} : memref<8x128xf32, #tpu.memory_space<vmem>>, vector<1x16xf32>,
    %broadcast_in_dim3A_480 = arith.constant 0.000000e+00 : f32
    %broadcast_in_dim3A_481 = vector.broadcast %broadcast_in_dim3A_480 : f32 to vector<16xf32>
    %swap3A_482 = arith.constant 1 : i32
    %swap3A_483 = arith.index_cast %swap3A_482 : i32 to index
    %swap3A_484 = arith.constant 80 : index
    %swap3A_485 = tpu.vector_load %arg17[%swap3A_483, %swap3A_484] {strides = array<i32>} : memref<8x128xf32, #tpu.memory_space<vmem>>, vector<1x16xf32>,
    %swap3A_486 = vector.shape_cast %swap3A_485 : vector<1x16xf32> to vector<16xf32>
    %swap3A_487 = vector.shape_cast %broadcast_in_dim3A_481 : vector<16xf32> to vector<1x16xf32>
    tpu.vector_store %arg17[%swap3A_483, %swap3A_484], %swap3A_487 {strides = array<i32>} : memref<8x128xf32, #tpu.memory_space<vmem>>, vector<1x16xf32>,
    %broadcast_in_dim3A_488 = arith.constant 0.000000e+00 : f32
    %broadcast_in_dim3A_489 = vector.broadcast %broadcast_in_dim3A_488 : f32 to vector<16xf32>
    %swap3A_490 = arith.constant 1 : i32
    %swap3A_491 = arith.index_cast %swap3A_490 : i32 to index
    %swap3A_492 = arith.constant 96 : index
    %swap3A_493 = tpu.vector_load %arg17[%swap3A_491, %swap3A_492] {strides = array<i32>} : memref<8x128xf32, #tpu.memory_space<vmem>>, vector<1x16xf32>,
    %swap3A_494 = vector.shape_cast %swap3A_493 : vector<1x16xf32> to vector<16xf32>
    %swap3A_495 = vector.shape_cast %broadcast_in_dim3A_489 : vector<16xf32> to vector<1x16xf32>
    tpu.vector_store %arg17[%swap3A_491, %swap3A_492], %swap3A_495 {strides = array<i32>} : memref<8x128xf32, #tpu.memory_space<vmem>>, vector<1x16xf32>,
    %broadcast_in_dim3A_496 = arith.constant 0.000000e+00 : f32
    %broadcast_in_dim3A_497 = vector.broadcast %broadcast_in_dim3A_496 : f32 to vector<16xf32>
    %swap3A_498 = arith.constant 1 : i32
    %swap3A_499 = arith.index_cast %swap3A_498 : i32 to index
    %swap3A_500 = arith.constant 112 : index
    %swap3A_501 = tpu.vector_load %arg17[%swap3A_499, %swap3A_500] {strides = array<i32>} : memref<8x128xf32, #tpu.memory_space<vmem>>, vector<1x16xf32>,
    %swap3A_502 = vector.shape_cast %swap3A_501 : vector<1x16xf32> to vector<16xf32>
    %swap3A_503 = vector.shape_cast %broadcast_in_dim3A_497 : vector<16xf32> to vector<1x16xf32>
    tpu.vector_store %arg17[%swap3A_499, %swap3A_500], %swap3A_503 {strides = array<i32>} : memref<8x128xf32, #tpu.memory_space<vmem>>, vector<1x16xf32>,
    %broadcast_in_dim3A_504 = arith.constant 0.000000e+00 : f32
    %broadcast_in_dim3A_505 = vector.broadcast %broadcast_in_dim3A_504 : f32 to vector<16xf32>
    %swap3A_506 = arith.constant 2 : i32
    %swap3A_507 = arith.index_cast %swap3A_506 : i32 to index
    %swap3A_508 = arith.constant 0 : index
    %swap3A_509 = tpu.vector_load %arg17[%swap3A_507, %swap3A_508] {strides = array<i32>} : memref<8x128xf32, #tpu.memory_space<vmem>>, vector<1x16xf32>,
    %swap3A_510 = vector.shape_cast %swap3A_509 : vector<1x16xf32> to vector<16xf32>
    %swap3A_511 = vector.shape_cast %broadcast_in_dim3A_505 : vector<16xf32> to vector<1x16xf32>
    tpu.vector_store %arg17[%swap3A_507, %swap3A_508], %swap3A_511 {strides = array<i32>} : memref<8x128xf32, #tpu.memory_space<vmem>>, vector<1x16xf32>,
    %broadcast_in_dim3A_512 = arith.constant 0.000000e+00 : f32
    %broadcast_in_dim3A_513 = vector.broadcast %broadcast_in_dim3A_512 : f32 to vector<16xf32>
    %swap3A_514 = arith.constant 2 : i32
    %swap3A_515 = arith.index_cast %swap3A_514 : i32 to index
    %swap3A_516 = arith.constant 16 : index
    %swap3A_517 = tpu.vector_load %arg17[%swap3A_515, %swap3A_516] {strides = array<i32>} : memref<8x128xf32, #tpu.memory_space<vmem>>, vector<1x16xf32>,
    %swap3A_518 = vector.shape_cast %swap3A_517 : vector<1x16xf32> to vector<16xf32>
    %swap3A_519 = vector.shape_cast %broadcast_in_dim3A_513 : vector<16xf32> to vector<1x16xf32>
    tpu.vector_store %arg17[%swap3A_515, %swap3A_516], %swap3A_519 {strides = array<i32>} : memref<8x128xf32, #tpu.memory_space<vmem>>, vector<1x16xf32>,
    %broadcast_in_dim3A_520 = arith.constant 0.000000e+00 : f32
    %broadcast_in_dim3A_521 = vector.broadcast %broadcast_in_dim3A_520 : f32 to vector<16xf32>
    %swap3A_522 = arith.constant 2 : i32
    %swap3A_523 = arith.index_cast %swap3A_522 : i32 to index
    %swap3A_524 = arith.constant 32 : index
    %swap3A_525 = tpu.vector_load %arg17[%swap3A_523, %swap3A_524] {strides = array<i32>} : memref<8x128xf32, #tpu.memory_space<vmem>>, vector<1x16xf32>,
    %swap3A_526 = vector.shape_cast %swap3A_525 : vector<1x16xf32> to vector<16xf32>
    %swap3A_527 = vector.shape_cast %broadcast_in_dim3A_521 : vector<16xf32> to vector<1x16xf32>
    tpu.vector_store %arg17[%swap3A_523, %swap3A_524], %swap3A_527 {strides = array<i32>} : memref<8x128xf32, #tpu.memory_space<vmem>>, vector<1x16xf32>,
    %broadcast_in_dim3A_528 = arith.constant 0.000000e+00 : f32
    %broadcast_in_dim3A_529 = vector.broadcast %broadcast_in_dim3A_528 : f32 to vector<16xf32>
    %swap3A_530 = arith.constant 2 : i32
    %swap3A_531 = arith.index_cast %swap3A_530 : i32 to index
    %swap3A_532 = arith.constant 48 : index
    %swap3A_533 = tpu.vector_load %arg17[%swap3A_531, %swap3A_532] {strides = array<i32>} : memref<8x128xf32, #tpu.memory_space<vmem>>, vector<1x16xf32>,
    %swap3A_534 = vector.shape_cast %swap3A_533 : vector<1x16xf32> to vector<16xf32>
    %swap3A_535 = vector.shape_cast %broadcast_in_dim3A_529 : vector<16xf32> to vector<1x16xf32>
    tpu.vector_store %arg17[%swap3A_531, %swap3A_532], %swap3A_535 {strides = array<i32>} : memref<8x128xf32, #tpu.memory_space<vmem>>, vector<1x16xf32>,
    %broadcast_in_dim3A_536 = arith.constant 0.000000e+00 : f32
    %broadcast_in_dim3A_537 = vector.broadcast %broadcast_in_dim3A_536 : f32 to vector<16xf32>
    %swap3A_538 = arith.constant 2 : i32
    %swap3A_539 = arith.index_cast %swap3A_538 : i32 to index
    %swap3A_540 = arith.constant 64 : index
    %swap3A_541 = tpu.vector_load %arg17[%swap3A_539, %swap3A_540] {strides = array<i32>} : memref<8x128xf32, #tpu.memory_space<vmem>>, vector<1x16xf32>,
    %swap3A_542 = vector.shape_cast %swap3A_541 : vector<1x16xf32> to vector<16xf32>
    %swap3A_543 = vector.shape_cast %broadcast_in_dim3A_537 : vector<16xf32> to vector<1x16xf32>
    tpu.vector_store %arg17[%swap3A_539, %swap3A_540], %swap3A_543 {strides = array<i32>} : memref<8x128xf32, #tpu.memory_space<vmem>>, vector<1x16xf32>,
    %broadcast_in_dim3A_544 = arith.constant 0.000000e+00 : f32
    %broadcast_in_dim3A_545 = vector.broadcast %broadcast_in_dim3A_544 : f32 to vector<16xf32>
    %swap3A_546 = arith.constant 2 : i32
    %swap3A_547 = arith.index_cast %swap3A_546 : i32 to index
    %swap3A_548 = arith.constant 80 : index
    %swap3A_549 = tpu.vector_load %arg17[%swap3A_547, %swap3A_548] {strides = array<i32>} : memref<8x128xf32, #tpu.memory_space<vmem>>, vector<1x16xf32>,
    %swap3A_550 = vector.shape_cast %swap3A_549 : vector<1x16xf32> to vector<16xf32>
    %swap3A_551 = vector.shape_cast %broadcast_in_dim3A_545 : vector<16xf32> to vector<1x16xf32>
    tpu.vector_store %arg17[%swap3A_547, %swap3A_548], %swap3A_551 {strides = array<i32>} : memref<8x128xf32, #tpu.memory_space<vmem>>, vector<1x16xf32>,
    %broadcast_in_dim3A_552 = arith.constant 0.000000e+00 : f32
    %broadcast_in_dim3A_553 = vector.broadcast %broadcast_in_dim3A_552 : f32 to vector<16xf32>
    %swap3A_554 = arith.constant 2 : i32
    %swap3A_555 = arith.index_cast %swap3A_554 : i32 to index
    %swap3A_556 = arith.constant 96 : index
    %swap3A_557 = tpu.vector_load %arg17[%swap3A_555, %swap3A_556] {strides = array<i32>} : memref<8x128xf32, #tpu.memory_space<vmem>>, vector<1x16xf32>,
    %swap3A_558 = vector.shape_cast %swap3A_557 : vector<1x16xf32> to vector<16xf32>
    %swap3A_559 = vector.shape_cast %broadcast_in_dim3A_553 : vector<16xf32> to vector<1x16xf32>
    tpu.vector_store %arg17[%swap3A_555, %swap3A_556], %swap3A_559 {strides = array<i32>} : memref<8x128xf32, #tpu.memory_space<vmem>>, vector<1x16xf32>,
    %broadcast_in_dim3A_560 = arith.constant 0.000000e+00 : f32
    %broadcast_in_dim3A_561 = vector.broadcast %broadcast_in_dim3A_560 : f32 to vector<16xf32>
    %swap3A_562 = arith.constant 2 : i32
    %swap3A_563 = arith.index_cast %swap3A_562 : i32 to index
    %swap3A_564 = arith.constant 112 : index
    %swap3A_565 = tpu.vector_load %arg17[%swap3A_563, %swap3A_564] {strides = array<i32>} : memref<8x128xf32, #tpu.memory_space<vmem>>, vector<1x16xf32>,
    %swap3A_566 = vector.shape_cast %swap3A_565 : vector<1x16xf32> to vector<16xf32>
    %swap3A_567 = vector.shape_cast %broadcast_in_dim3A_561 : vector<16xf32> to vector<1x16xf32>
    tpu.vector_store %arg17[%swap3A_563, %swap3A_564], %swap3A_567 {strides = array<i32>} : memref<8x128xf32, #tpu.memory_space<vmem>>, vector<1x16xf32>,
    %broadcast_in_dim3A_568 = arith.constant 0.000000e+00 : f32
    %broadcast_in_dim3A_569 = vector.broadcast %broadcast_in_dim3A_568 : f32 to vector<16xf32>
    %swap3A_570 = arith.constant 3 : i32
    %swap3A_571 = arith.index_cast %swap3A_570 : i32 to index
    %swap3A_572 = arith.constant 0 : index
    %swap3A_573 = tpu.vector_load %arg17[%swap3A_571, %swap3A_572] {strides = array<i32>} : memref<8x128xf32, #tpu.memory_space<vmem>>, vector<1x16xf32>,
    %swap3A_574 = vector.shape_cast %swap3A_573 : vector<1x16xf32> to vector<16xf32>
    %swap3A_575 = vector.shape_cast %broadcast_in_dim3A_569 : vector<16xf32> to vector<1x16xf32>
    tpu.vector_store %arg17[%swap3A_571, %swap3A_572], %swap3A_575 {strides = array<i32>} : memref<8x128xf32, #tpu.memory_space<vmem>>, vector<1x16xf32>,
    %broadcast_in_dim3A_576 = arith.constant 0.000000e+00 : f32
    %broadcast_in_dim3A_577 = vector.broadcast %broadcast_in_dim3A_576 : f32 to vector<16xf32>
    %swap3A_578 = arith.constant 3 : i32
    %swap3A_579 = arith.index_cast %swap3A_578 : i32 to index
    %swap3A_580 = arith.constant 16 : index
    %swap3A_581 = tpu.vector_load %arg17[%swap3A_579, %swap3A_580] {strides = array<i32>} : memref<8x128xf32, #tpu.memory_space<vmem>>, vector<1x16xf32>,
    %swap3A_582 = vector.shape_cast %swap3A_581 : vector<1x16xf32> to vector<16xf32>
    %swap3A_583 = vector.shape_cast %broadcast_in_dim3A_577 : vector<16xf32> to vector<1x16xf32>
    tpu.vector_store %arg17[%swap3A_579, %swap3A_580], %swap3A_583 {strides = array<i32>} : memref<8x128xf32, #tpu.memory_space<vmem>>, vector<1x16xf32>,
    %broadcast_in_dim3A_584 = arith.constant 0.000000e+00 : f32
    %broadcast_in_dim3A_585 = vector.broadcast %broadcast_in_dim3A_584 : f32 to vector<16xf32>
    %swap3A_586 = arith.constant 3 : i32
    %swap3A_587 = arith.index_cast %swap3A_586 : i32 to index
    %swap3A_588 = arith.constant 32 : index
    %swap3A_589 = tpu.vector_load %arg17[%swap3A_587, %swap3A_588] {strides = array<i32>} : memref<8x128xf32, #tpu.memory_space<vmem>>, vector<1x16xf32>,
    %swap3A_590 = vector.shape_cast %swap3A_589 : vector<1x16xf32> to vector<16xf32>
    %swap3A_591 = vector.shape_cast %broadcast_in_dim3A_585 : vector<16xf32> to vector<1x16xf32>
    tpu.vector_store %arg17[%swap3A_587, %swap3A_588], %swap3A_591 {strides = array<i32>} : memref<8x128xf32, #tpu.memory_space<vmem>>, vector<1x16xf32>,
    %broadcast_in_dim3A_592 = arith.constant 0.000000e+00 : f32
    %broadcast_in_dim3A_593 = vector.broadcast %broadcast_in_dim3A_592 : f32 to vector<16xf32>
    %swap3A_594 = arith.constant 3 : i32
    %swap3A_595 = arith.index_cast %swap3A_594 : i32 to index
    %swap3A_596 = arith.constant 48 : index
    %swap3A_597 = tpu.vector_load %arg17[%swap3A_595, %swap3A_596] {strides = array<i32>} : memref<8x128xf32, #tpu.memory_space<vmem>>, vector<1x16xf32>,
    %swap3A_598 = vector.shape_cast %swap3A_597 : vector<1x16xf32> to vector<16xf32>
    %swap3A_599 = vector.shape_cast %broadcast_in_dim3A_593 : vector<16xf32> to vector<1x16xf32>
    tpu.vector_store %arg17[%swap3A_595, %swap3A_596], %swap3A_599 {strides = array<i32>} : memref<8x128xf32, #tpu.memory_space<vmem>>, vector<1x16xf32>,
    %broadcast_in_dim3A_600 = arith.constant 0.000000e+00 : f32
    %broadcast_in_dim3A_601 = vector.broadcast %broadcast_in_dim3A_600 : f32 to vector<16xf32>
    %swap3A_602 = arith.constant 3 : i32
    %swap3A_603 = arith.index_cast %swap3A_602 : i32 to index
    %swap3A_604 = arith.constant 64 : index
    %swap3A_605 = tpu.vector_load %arg17[%swap3A_603, %swap3A_604] {strides = array<i32>} : memref<8x128xf32, #tpu.memory_space<vmem>>, vector<1x16xf32>,
    %swap3A_606 = vector.shape_cast %swap3A_605 : vector<1x16xf32> to vector<16xf32>
    %swap3A_607 = vector.shape_cast %broadcast_in_dim3A_601 : vector<16xf32> to vector<1x16xf32>
    tpu.vector_store %arg17[%swap3A_603, %swap3A_604], %swap3A_607 {strides = array<i32>} : memref<8x128xf32, #tpu.memory_space<vmem>>, vector<1x16xf32>,
    %broadcast_in_dim3A_608 = arith.constant 0.000000e+00 : f32
    %broadcast_in_dim3A_609 = vector.broadcast %broadcast_in_dim3A_608 : f32 to vector<16xf32>
    %swap3A_610 = arith.constant 3 : i32
    %swap3A_611 = arith.index_cast %swap3A_610 : i32 to index
    %swap3A_612 = arith.constant 80 : index
    %swap3A_613 = tpu.vector_load %arg17[%swap3A_611, %swap3A_612] {strides = array<i32>} : memref<8x128xf32, #tpu.memory_space<vmem>>, vector<1x16xf32>,
    %swap3A_614 = vector.shape_cast %swap3A_613 : vector<1x16xf32> to vector<16xf32>
    %swap3A_615 = vector.shape_cast %broadcast_in_dim3A_609 : vector<16xf32> to vector<1x16xf32>
    tpu.vector_store %arg17[%swap3A_611, %swap3A_612], %swap3A_615 {strides = array<i32>} : memref<8x128xf32, #tpu.memory_space<vmem>>, vector<1x16xf32>,
    %broadcast_in_dim3A_616 = arith.constant 0.000000e+00 : f32
    %broadcast_in_dim3A_617 = vector.broadcast %broadcast_in_dim3A_616 : f32 to vector<16xf32>
    %swap3A_618 = arith.constant 3 : i32
    %swap3A_619 = arith.index_cast %swap3A_618 : i32 to index
    %swap3A_620 = arith.constant 96 : index
    %swap3A_621 = tpu.vector_load %arg17[%swap3A_619, %swap3A_620] {strides = array<i32>} : memref<8x128xf32, #tpu.memory_space<vmem>>, vector<1x16xf32>,
    %swap3A_622 = vector.shape_cast %swap3A_621 : vector<1x16xf32> to vector<16xf32>
    %swap3A_623 = vector.shape_cast %broadcast_in_dim3A_617 : vector<16xf32> to vector<1x16xf32>
    tpu.vector_store %arg17[%swap3A_619, %swap3A_620], %swap3A_623 {strides = array<i32>} : memref<8x128xf32, #tpu.memory_space<vmem>>, vector<1x16xf32>,
    %broadcast_in_dim3A_624 = arith.constant 0.000000e+00 : f32
    %broadcast_in_dim3A_625 = vector.broadcast %broadcast_in_dim3A_624 : f32 to vector<16xf32>
    %swap3A_626 = arith.constant 3 : i32
    %swap3A_627 = arith.index_cast %swap3A_626 : i32 to index
    %swap3A_628 = arith.constant 112 : index
    %swap3A_629 = tpu.vector_load %arg17[%swap3A_627, %swap3A_628] {strides = array<i32>} : memref<8x128xf32, #tpu.memory_space<vmem>>, vector<1x16xf32>,
    %swap3A_630 = vector.shape_cast %swap3A_629 : vector<1x16xf32> to vector<16xf32>
    %swap3A_631 = vector.shape_cast %broadcast_in_dim3A_625 : vector<16xf32> to vector<1x16xf32>
    tpu.vector_store %arg17[%swap3A_627, %swap3A_628], %swap3A_631 {strides = array<i32>} : memref<8x128xf32, #tpu.memory_space<vmem>>, vector<1x16xf32>,
    %broadcast_in_dim3A_632 = arith.constant 0.000000e+00 : f32
    %broadcast_in_dim3A_633 = vector.broadcast %broadcast_in_dim3A_632 : f32 to vector<16xf32>
    %swap3A_634 = arith.constant 4 : i32
    %swap3A_635 = arith.index_cast %swap3A_634 : i32 to index
    %swap3A_636 = arith.constant 0 : index
    %swap3A_637 = tpu.vector_load %arg17[%swap3A_635, %swap3A_636] {strides = array<i32>} : memref<8x128xf32, #tpu.memory_space<vmem>>, vector<1x16xf32>,
    %swap3A_638 = vector.shape_cast %swap3A_637 : vector<1x16xf32> to vector<16xf32>
    %swap3A_639 = vector.shape_cast %broadcast_in_dim3A_633 : vector<16xf32> to vector<1x16xf32>
    tpu.vector_store %arg17[%swap3A_635, %swap3A_636], %swap3A_639 {strides = array<i32>} : memref<8x128xf32, #tpu.memory_space<vmem>>, vector<1x16xf32>,
    %broadcast_in_dim3A_640 = arith.constant 0.000000e+00 : f32
    %broadcast_in_dim3A_641 = vector.broadcast %broadcast_in_dim3A_640 : f32 to vector<16xf32>
    %swap3A_642 = arith.constant 4 : i32
    %swap3A_643 = arith.index_cast %swap3A_642 : i32 to index
    %swap3A_644 = arith.constant 16 : index
    %swap3A_645 = tpu.vector_load %arg17[%swap3A_643, %swap3A_644] {strides = array<i32>} : memref<8x128xf32, #tpu.memory_space<vmem>>, vector<1x16xf32>,
    %swap3A_646 = vector.shape_cast %swap3A_645 : vector<1x16xf32> to vector<16xf32>
    %swap3A_647 = vector.shape_cast %broadcast_in_dim3A_641 : vector<16xf32> to vector<1x16xf32>
    tpu.vector_store %arg17[%swap3A_643, %swap3A_644], %swap3A_647 {strides = array<i32>} : memref<8x128xf32, #tpu.memory_space<vmem>>, vector<1x16xf32>,
    %broadcast_in_dim3A_648 = arith.constant 0.000000e+00 : f32
    %broadcast_in_dim3A_649 = vector.broadcast %broadcast_in_dim3A_648 : f32 to vector<16xf32>
    %swap3A_650 = arith.constant 4 : i32
    %swap3A_651 = arith.index_cast %swap3A_650 : i32 to index
    %swap3A_652 = arith.constant 32 : index
    %swap3A_653 = tpu.vector_load %arg17[%swap3A_651, %swap3A_652] {strides = array<i32>} : memref<8x128xf32, #tpu.memory_space<vmem>>, vector<1x16xf32>,
    %swap3A_654 = vector.shape_cast %swap3A_653 : vector<1x16xf32> to vector<16xf32>
    %swap3A_655 = vector.shape_cast %broadcast_in_dim3A_649 : vector<16xf32> to vector<1x16xf32>
    tpu.vector_store %arg17[%swap3A_651, %swap3A_652], %swap3A_655 {strides = array<i32>} : memref<8x128xf32, #tpu.memory_space<vmem>>, vector<1x16xf32>,
    %broadcast_in_dim3A_656 = arith.constant 0.000000e+00 : f32
    %broadcast_in_dim3A_657 = vector.broadcast %broadcast_in_dim3A_656 : f32 to vector<16xf32>
    %swap3A_658 = arith.constant 4 : i32
    %swap3A_659 = arith.index_cast %swap3A_658 : i32 to index
    %swap3A_660 = arith.constant 48 : index
    %swap3A_661 = tpu.vector_load %arg17[%swap3A_659, %swap3A_660] {strides = array<i32>} : memref<8x128xf32, #tpu.memory_space<vmem>>, vector<1x16xf32>,
    %swap3A_662 = vector.shape_cast %swap3A_661 : vector<1x16xf32> to vector<16xf32>
    %swap3A_663 = vector.shape_cast %broadcast_in_dim3A_657 : vector<16xf32> to vector<1x16xf32>
    tpu.vector_store %arg17[%swap3A_659, %swap3A_660], %swap3A_663 {strides = array<i32>} : memref<8x128xf32, #tpu.memory_space<vmem>>, vector<1x16xf32>,
    %broadcast_in_dim3A_664 = arith.constant 0.000000e+00 : f32
    %broadcast_in_dim3A_665 = vector.broadcast %broadcast_in_dim3A_664 : f32 to vector<16xf32>
    %swap3A_666 = arith.constant 4 : i32
    %swap3A_667 = arith.index_cast %swap3A_666 : i32 to index
    %swap3A_668 = arith.constant 64 : index
    %swap3A_669 = tpu.vector_load %arg17[%swap3A_667, %swap3A_668] {strides = array<i32>} : memref<8x128xf32, #tpu.memory_space<vmem>>, vector<1x16xf32>,
    %swap3A_670 = vector.shape_cast %swap3A_669 : vector<1x16xf32> to vector<16xf32>
    %swap3A_671 = vector.shape_cast %broadcast_in_dim3A_665 : vector<16xf32> to vector<1x16xf32>
    tpu.vector_store %arg17[%swap3A_667, %swap3A_668], %swap3A_671 {strides = array<i32>} : memref<8x128xf32, #tpu.memory_space<vmem>>, vector<1x16xf32>,
    %broadcast_in_dim3A_672 = arith.constant 0.000000e+00 : f32
    %broadcast_in_dim3A_673 = vector.broadcast %broadcast_in_dim3A_672 : f32 to vector<16xf32>
    %swap3A_674 = arith.constant 4 : i32
    %swap3A_675 = arith.index_cast %swap3A_674 : i32 to index
    %swap3A_676 = arith.constant 80 : index
    %swap3A_677 = tpu.vector_load %arg17[%swap3A_675, %swap3A_676] {strides = array<i32>} : memref<8x128xf32, #tpu.memory_space<vmem>>, vector<1x16xf32>,
    %swap3A_678 = vector.shape_cast %swap3A_677 : vector<1x16xf32> to vector<16xf32>
    %swap3A_679 = vector.shape_cast %broadcast_in_dim3A_673 : vector<16xf32> to vector<1x16xf32>
    tpu.vector_store %arg17[%swap3A_675, %swap3A_676], %swap3A_679 {strides = array<i32>} : memref<8x128xf32, #tpu.memory_space<vmem>>, vector<1x16xf32>,
    %broadcast_in_dim3A_680 = arith.constant 0.000000e+00 : f32
    %broadcast_in_dim3A_681 = vector.broadcast %broadcast_in_dim3A_680 : f32 to vector<16xf32>
    %swap3A_682 = arith.constant 4 : i32
    %swap3A_683 = arith.index_cast %swap3A_682 : i32 to index
    %swap3A_684 = arith.constant 96 : index
    %swap3A_685 = tpu.vector_load %arg17[%swap3A_683, %swap3A_684] {strides = array<i32>} : memref<8x128xf32, #tpu.memory_space<vmem>>, vector<1x16xf32>,
    %swap3A_686 = vector.shape_cast %swap3A_685 : vector<1x16xf32> to vector<16xf32>
    %swap3A_687 = vector.shape_cast %broadcast_in_dim3A_681 : vector<16xf32> to vector<1x16xf32>
    tpu.vector_store %arg17[%swap3A_683, %swap3A_684], %swap3A_687 {strides = array<i32>} : memref<8x128xf32, #tpu.memory_space<vmem>>, vector<1x16xf32>,
    %broadcast_in_dim3A_688 = arith.constant 0.000000e+00 : f32
    %broadcast_in_dim3A_689 = vector.broadcast %broadcast_in_dim3A_688 : f32 to vector<16xf32>
    %swap3A_690 = arith.constant 4 : i32
    %swap3A_691 = arith.index_cast %swap3A_690 : i32 to index
    %swap3A_692 = arith.constant 112 : index
    %swap3A_693 = tpu.vector_load %arg17[%swap3A_691, %swap3A_692] {strides = array<i32>} : memref<8x128xf32, #tpu.memory_space<vmem>>, vector<1x16xf32>,
    %swap3A_694 = vector.shape_cast %swap3A_693 : vector<1x16xf32> to vector<16xf32>
    %swap3A_695 = vector.shape_cast %broadcast_in_dim3A_689 : vector<16xf32> to vector<1x16xf32>
    tpu.vector_store %arg17[%swap3A_691, %swap3A_692], %swap3A_695 {strides = array<i32>} : memref<8x128xf32, #tpu.memory_space<vmem>>, vector<1x16xf32>,
    %broadcast_in_dim3A_696 = arith.constant 0.000000e+00 : f32
    %broadcast_in_dim3A_697 = vector.broadcast %broadcast_in_dim3A_696 : f32 to vector<16xf32>
    %swap3A_698 = arith.constant 5 : i32
    %swap3A_699 = arith.index_cast %swap3A_698 : i32 to index
    %swap3A_700 = arith.constant 0 : index
    %swap3A_701 = tpu.vector_load %arg17[%swap3A_699, %swap3A_700] {strides = array<i32>} : memref<8x128xf32, #tpu.memory_space<vmem>>, vector<1x16xf32>,
    %swap3A_702 = vector.shape_cast %swap3A_701 : vector<1x16xf32> to vector<16xf32>
    %swap3A_703 = vector.shape_cast %broadcast_in_dim3A_697 : vector<16xf32> to vector<1x16xf32>
    tpu.vector_store %arg17[%swap3A_699, %swap3A_700], %swap3A_703 {strides = array<i32>} : memref<8x128xf32, #tpu.memory_space<vmem>>, vector<1x16xf32>,
    %broadcast_in_dim3A_704 = arith.constant 0.000000e+00 : f32
    %broadcast_in_dim3A_705 = vector.broadcast %broadcast_in_dim3A_704 : f32 to vector<16xf32>
    %swap3A_706 = arith.constant 5 : i32
    %swap3A_707 = arith.index_cast %swap3A_706 : i32 to index
    %swap3A_708 = arith.constant 16 : index
    %swap3A_709 = tpu.vector_load %arg17[%swap3A_707, %swap3A_708] {strides = array<i32>} : memref<8x128xf32, #tpu.memory_space<vmem>>, vector<1x16xf32>,
    %swap3A_710 = vector.shape_cast %swap3A_709 : vector<1x16xf32> to vector<16xf32>
    %swap3A_711 = vector.shape_cast %broadcast_in_dim3A_705 : vector<16xf32> to vector<1x16xf32>
    tpu.vector_store %arg17[%swap3A_707, %swap3A_708], %swap3A_711 {strides = array<i32>} : memref<8x128xf32, #tpu.memory_space<vmem>>, vector<1x16xf32>,
    %broadcast_in_dim3A_712 = arith.constant 0.000000e+00 : f32
    %broadcast_in_dim3A_713 = vector.broadcast %broadcast_in_dim3A_712 : f32 to vector<16xf32>
    %swap3A_714 = arith.constant 5 : i32
    %swap3A_715 = arith.index_cast %swap3A_714 : i32 to index
    %swap3A_716 = arith.constant 32 : index
    %swap3A_717 = tpu.vector_load %arg17[%swap3A_715, %swap3A_716] {strides = array<i32>} : memref<8x128xf32, #tpu.memory_space<vmem>>, vector<1x16xf32>,
    %swap3A_718 = vector.shape_cast %swap3A_717 : vector<1x16xf32> to vector<16xf32>
    %swap3A_719 = vector.shape_cast %broadcast_in_dim3A_713 : vector<16xf32> to vector<1x16xf32>
    tpu.vector_store %arg17[%swap3A_715, %swap3A_716], %swap3A_719 {strides = array<i32>} : memref<8x128xf32, #tpu.memory_space<vmem>>, vector<1x16xf32>,
    %broadcast_in_dim3A_720 = arith.constant 0.000000e+00 : f32
    %broadcast_in_dim3A_721 = vector.broadcast %broadcast_in_dim3A_720 : f32 to vector<16xf32>
    %swap3A_722 = arith.constant 5 : i32
    %swap3A_723 = arith.index_cast %swap3A_722 : i32 to index
    %swap3A_724 = arith.constant 48 : index
    %swap3A_725 = tpu.vector_load %arg17[%swap3A_723, %swap3A_724] {strides = array<i32>} : memref<8x128xf32, #tpu.memory_space<vmem>>, vector<1x16xf32>,
    %swap3A_726 = vector.shape_cast %swap3A_725 : vector<1x16xf32> to vector<16xf32>
    %swap3A_727 = vector.shape_cast %broadcast_in_dim3A_721 : vector<16xf32> to vector<1x16xf32>
    tpu.vector_store %arg17[%swap3A_723, %swap3A_724], %swap3A_727 {strides = array<i32>} : memref<8x128xf32, #tpu.memory_space<vmem>>, vector<1x16xf32>,
    %broadcast_in_dim3A_728 = arith.constant 0.000000e+00 : f32
    %broadcast_in_dim3A_729 = vector.broadcast %broadcast_in_dim3A_728 : f32 to vector<16xf32>
    %swap3A_730 = arith.constant 5 : i32
    %swap3A_731 = arith.index_cast %swap3A_730 : i32 to index
    %swap3A_732 = arith.constant 64 : index
    %swap3A_733 = tpu.vector_load %arg17[%swap3A_731, %swap3A_732] {strides = array<i32>} : memref<8x128xf32, #tpu.memory_space<vmem>>, vector<1x16xf32>,
    %swap3A_734 = vector.shape_cast %swap3A_733 : vector<1x16xf32> to vector<16xf32>
    %swap3A_735 = vector.shape_cast %broadcast_in_dim3A_729 : vector<16xf32> to vector<1x16xf32>
    tpu.vector_store %arg17[%swap3A_731, %swap3A_732], %swap3A_735 {strides = array<i32>} : memref<8x128xf32, #tpu.memory_space<vmem>>, vector<1x16xf32>,
    %broadcast_in_dim3A_736 = arith.constant 0.000000e+00 : f32
    %broadcast_in_dim3A_737 = vector.broadcast %broadcast_in_dim3A_736 : f32 to vector<16xf32>
    %swap3A_738 = arith.constant 5 : i32
    %swap3A_739 = arith.index_cast %swap3A_738 : i32 to index
    %swap3A_740 = arith.constant 80 : index
    %swap3A_741 = tpu.vector_load %arg17[%swap3A_739, %swap3A_740] {strides = array<i32>} : memref<8x128xf32, #tpu.memory_space<vmem>>, vector<1x16xf32>,
    %swap3A_742 = vector.shape_cast %swap3A_741 : vector<1x16xf32> to vector<16xf32>
    %swap3A_743 = vector.shape_cast %broadcast_in_dim3A_737 : vector<16xf32> to vector<1x16xf32>
    tpu.vector_store %arg17[%swap3A_739, %swap3A_740], %swap3A_743 {strides = array<i32>} : memref<8x128xf32, #tpu.memory_space<vmem>>, vector<1x16xf32>,
    %broadcast_in_dim3A_744 = arith.constant 0.000000e+00 : f32
    %broadcast_in_dim3A_745 = vector.broadcast %broadcast_in_dim3A_744 : f32 to vector<16xf32>
    %swap3A_746 = arith.constant 5 : i32
    %swap3A_747 = arith.index_cast %swap3A_746 : i32 to index
    %swap3A_748 = arith.constant 96 : index
    %swap3A_749 = tpu.vector_load %arg17[%swap3A_747, %swap3A_748] {strides = array<i32>} : memref<8x128xf32, #tpu.memory_space<vmem>>, vector<1x16xf32>,
    %swap3A_750 = vector.shape_cast %swap3A_749 : vector<1x16xf32> to vector<16xf32>
    %swap3A_751 = vector.shape_cast %broadcast_in_dim3A_745 : vector<16xf32> to vector<1x16xf32>
    tpu.vector_store %arg17[%swap3A_747, %swap3A_748], %swap3A_751 {strides = array<i32>} : memref<8x128xf32, #tpu.memory_space<vmem>>, vector<1x16xf32>,
    %broadcast_in_dim3A_752 = arith.constant 0.000000e+00 : f32
    %broadcast_in_dim3A_753 = vector.broadcast %broadcast_in_dim3A_752 : f32 to vector<16xf32>
    %swap3A_754 = arith.constant 5 : i32
    %swap3A_755 = arith.index_cast %swap3A_754 : i32 to index
    %swap3A_756 = arith.constant 112 : index
    %swap3A_757 = tpu.vector_load %arg17[%swap3A_755, %swap3A_756] {strides = array<i32>} : memref<8x128xf32, #tpu.memory_space<vmem>>, vector<1x16xf32>,
    %swap3A_758 = vector.shape_cast %swap3A_757 : vector<1x16xf32> to vector<16xf32>
    %swap3A_759 = vector.shape_cast %broadcast_in_dim3A_753 : vector<16xf32> to vector<1x16xf32>
    tpu.vector_store %arg17[%swap3A_755, %swap3A_756], %swap3A_759 {strides = array<i32>} : memref<8x128xf32, #tpu.memory_space<vmem>>, vector<1x16xf32>,
    %broadcast_in_dim3A_760 = arith.constant 0.000000e+00 : f32
    %broadcast_in_dim3A_761 = vector.broadcast %broadcast_in_dim3A_760 : f32 to vector<16xf32>
    %swap3A_762 = arith.constant 6 : i32
    %swap3A_763 = arith.index_cast %swap3A_762 : i32 to index
    %swap3A_764 = arith.constant 0 : index
    %swap3A_765 = tpu.vector_load %arg17[%swap3A_763, %swap3A_764] {strides = array<i32>} : memref<8x128xf32, #tpu.memory_space<vmem>>, vector<1x16xf32>,
    %swap3A_766 = vector.shape_cast %swap3A_765 : vector<1x16xf32> to vector<16xf32>
    %swap3A_767 = vector.shape_cast %broadcast_in_dim3A_761 : vector<16xf32> to vector<1x16xf32>
    tpu.vector_store %arg17[%swap3A_763, %swap3A_764], %swap3A_767 {strides = array<i32>} : memref<8x128xf32, #tpu.memory_space<vmem>>, vector<1x16xf32>,
    %broadcast_in_dim3A_768 = arith.constant 0.000000e+00 : f32
    %broadcast_in_dim3A_769 = vector.broadcast %broadcast_in_dim3A_768 : f32 to vector<16xf32>
    %swap3A_770 = arith.constant 6 : i32
    %swap3A_771 = arith.index_cast %swap3A_770 : i32 to index
    %swap3A_772 = arith.constant 16 : index
    %swap3A_773 = tpu.vector_load %arg17[%swap3A_771, %swap3A_772] {strides = array<i32>} : memref<8x128xf32, #tpu.memory_space<vmem>>, vector<1x16xf32>,
    %swap3A_774 = vector.shape_cast %swap3A_773 : vector<1x16xf32> to vector<16xf32>
    %swap3A_775 = vector.shape_cast %broadcast_in_dim3A_769 : vector<16xf32> to vector<1x16xf32>
    tpu.vector_store %arg17[%swap3A_771, %swap3A_772], %swap3A_775 {strides = array<i32>} : memref<8x128xf32, #tpu.memory_space<vmem>>, vector<1x16xf32>,
    %broadcast_in_dim3A_776 = arith.constant 0.000000e+00 : f32
    %broadcast_in_dim3A_777 = vector.broadcast %broadcast_in_dim3A_776 : f32 to vector<16xf32>
    %swap3A_778 = arith.constant 6 : i32
    %swap3A_779 = arith.index_cast %swap3A_778 : i32 to index
    %swap3A_780 = arith.constant 32 : index
    %swap3A_781 = tpu.vector_load %arg17[%swap3A_779, %swap3A_780] {strides = array<i32>} : memref<8x128xf32, #tpu.memory_space<vmem>>, vector<1x16xf32>,
    %swap3A_782 = vector.shape_cast %swap3A_781 : vector<1x16xf32> to vector<16xf32>
    %swap3A_783 = vector.shape_cast %broadcast_in_dim3A_777 : vector<16xf32> to vector<1x16xf32>
    tpu.vector_store %arg17[%swap3A_779, %swap3A_780], %swap3A_783 {strides = array<i32>} : memref<8x128xf32, #tpu.memory_space<vmem>>, vector<1x16xf32>,
    %broadcast_in_dim3A_784 = arith.constant 0.000000e+00 : f32
    %broadcast_in_dim3A_785 = vector.broadcast %broadcast_in_dim3A_784 : f32 to vector<16xf32>
    %swap3A_786 = arith.constant 6 : i32
    %swap3A_787 = arith.index_cast %swap3A_786 : i32 to index
    %swap3A_788 = arith.constant 48 : index
    %swap3A_789 = tpu.vector_load %arg17[%swap3A_787, %swap3A_788] {strides = array<i32>} : memref<8x128xf32, #tpu.memory_space<vmem>>, vector<1x16xf32>,
    %swap3A_790 = vector.shape_cast %swap3A_789 : vector<1x16xf32> to vector<16xf32>
    %swap3A_791 = vector.shape_cast %broadcast_in_dim3A_785 : vector<16xf32> to vector<1x16xf32>
    tpu.vector_store %arg17[%swap3A_787, %swap3A_788], %swap3A_791 {strides = array<i32>} : memref<8x128xf32, #tpu.memory_space<vmem>>, vector<1x16xf32>,
    %broadcast_in_dim3A_792 = arith.constant 0.000000e+00 : f32
    %broadcast_in_dim3A_793 = vector.broadcast %broadcast_in_dim3A_792 : f32 to vector<16xf32>
    %swap3A_794 = arith.constant 6 : i32
    %swap3A_795 = arith.index_cast %swap3A_794 : i32 to index
    %swap3A_796 = arith.constant 64 : index
    %swap3A_797 = tpu.vector_load %arg17[%swap3A_795, %swap3A_796] {strides = array<i32>} : memref<8x128xf32, #tpu.memory_space<vmem>>, vector<1x16xf32>,
    %swap3A_798 = vector.shape_cast %swap3A_797 : vector<1x16xf32> to vector<16xf32>
    %swap3A_799 = vector.shape_cast %broadcast_in_dim3A_793 : vector<16xf32> to vector<1x16xf32>
    tpu.vector_store %arg17[%swap3A_795, %swap3A_796], %swap3A_799 {strides = array<i32>} : memref<8x128xf32, #tpu.memory_space<vmem>>, vector<1x16xf32>,
    %broadcast_in_dim3A_800 = arith.constant 0.000000e+00 : f32
    %broadcast_in_dim3A_801 = vector.broadcast %broadcast_in_dim3A_800 : f32 to vector<16xf32>
    %swap3A_802 = arith.constant 6 : i32
    %swap3A_803 = arith.index_cast %swap3A_802 : i32 to index
    %swap3A_804 = arith.constant 80 : index
    %swap3A_805 = tpu.vector_load %arg17[%swap3A_803, %swap3A_804] {strides = array<i32>} : memref<8x128xf32, #tpu.memory_space<vmem>>, vector<1x16xf32>,
    %swap3A_806 = vector.shape_cast %swap3A_805 : vector<1x16xf32> to vector<16xf32>
    %swap3A_807 = vector.shape_cast %broadcast_in_dim3A_801 : vector<16xf32> to vector<1x16xf32>
    tpu.vector_store %arg17[%swap3A_803, %swap3A_804], %swap3A_807 {strides = array<i32>} : memref<8x128xf32, #tpu.memory_space<vmem>>, vector<1x16xf32>,
    %broadcast_in_dim3A_808 = arith.constant 0.000000e+00 : f32
    %broadcast_in_dim3A_809 = vector.broadcast %broadcast_in_dim3A_808 : f32 to vector<16xf32>
    %swap3A_810 = arith.constant 6 : i32
    %swap3A_811 = arith.index_cast %swap3A_810 : i32 to index
    %swap3A_812 = arith.constant 96 : index
    %swap3A_813 = tpu.vector_load %arg17[%swap3A_811, %swap3A_812] {strides = array<i32>} : memref<8x128xf32, #tpu.memory_space<vmem>>, vector<1x16xf32>,
    %swap3A_814 = vector.shape_cast %swap3A_813 : vector<1x16xf32> to vector<16xf32>
    %swap3A_815 = vector.shape_cast %broadcast_in_dim3A_809 : vector<16xf32> to vector<1x16xf32>
    tpu.vector_store %arg17[%swap3A_811, %swap3A_812], %swap3A_815 {strides = array<i32>} : memref<8x128xf32, #tpu.memory_space<vmem>>, vector<1x16xf32>,
    %broadcast_in_dim3A_816 = arith.constant 0.000000e+00 : f32
    %broadcast_in_dim3A_817 = vector.broadcast %broadcast_in_dim3A_816 : f32 to vector<16xf32>
    %swap3A_818 = arith.constant 6 : i32
    %swap3A_819 = arith.index_cast %swap3A_818 : i32 to index
    %swap3A_820 = arith.constant 112 : index
    %swap3A_821 = tpu.vector_load %arg17[%swap3A_819, %swap3A_820] {strides = array<i32>} : memref<8x128xf32, #tpu.memory_space<vmem>>, vector<1x16xf32>,
    %swap3A_822 = vector.shape_cast %swap3A_821 : vector<1x16xf32> to vector<16xf32>
    %swap3A_823 = vector.shape_cast %broadcast_in_dim3A_817 : vector<16xf32> to vector<1x16xf32>
    tpu.vector_store %arg17[%swap3A_819, %swap3A_820], %swap3A_823 {strides = array<i32>} : memref<8x128xf32, #tpu.memory_space<vmem>>, vector<1x16xf32>,
    %broadcast_in_dim3A_824 = arith.constant 0.000000e+00 : f32
    %broadcast_in_dim3A_825 = vector.broadcast %broadcast_in_dim3A_824 : f32 to vector<16xf32>
    %swap3A_826 = arith.constant 7 : i32
    %swap3A_827 = arith.index_cast %swap3A_826 : i32 to index
    %swap3A_828 = arith.constant 0 : index
    %swap3A_829 = tpu.vector_load %arg17[%swap3A_827, %swap3A_828] {strides = array<i32>} : memref<8x128xf32, #tpu.memory_space<vmem>>, vector<1x16xf32>,
    %swap3A_830 = vector.shape_cast %swap3A_829 : vector<1x16xf32> to vector<16xf32>
    %swap3A_831 = vector.shape_cast %broadcast_in_dim3A_825 : vector<16xf32> to vector<1x16xf32>
    tpu.vector_store %arg17[%swap3A_827, %swap3A_828], %swap3A_831 {strides = array<i32>} : memref<8x128xf32, #tpu.memory_space<vmem>>, vector<1x16xf32>,
    %broadcast_in_dim3A_832 = arith.constant 0.000000e+00 : f32
    %broadcast_in_dim3A_833 = vector.broadcast %broadcast_in_dim3A_832 : f32 to vector<16xf32>
    %swap3A_834 = arith.constant 7 : i32
    %swap3A_835 = arith.index_cast %swap3A_834 : i32 to index
    %swap3A_836 = arith.constant 16 : index
    %swap3A_837 = tpu.vector_load %arg17[%swap3A_835, %swap3A_836] {strides = array<i32>} : memref<8x128xf32, #tpu.memory_space<vmem>>, vector<1x16xf32>,
    %swap3A_838 = vector.shape_cast %swap3A_837 : vector<1x16xf32> to vector<16xf32>
    %swap3A_839 = vector.shape_cast %broadcast_in_dim3A_833 : vector<16xf32> to vector<1x16xf32>
    tpu.vector_store %arg17[%swap3A_835, %swap3A_836], %swap3A_839 {strides = array<i32>} : memref<8x128xf32, #tpu.memory_space<vmem>>, vector<1x16xf32>,
    %broadcast_in_dim3A_840 = arith.constant 0.000000e+00 : f32
    %broadcast_in_dim3A_841 = vector.broadcast %broadcast_in_dim3A_840 : f32 to vector<16xf32>
    %swap3A_842 = arith.constant 7 : i32
    %swap3A_843 = arith.index_cast %swap3A_842 : i32 to index
    %swap3A_844 = arith.constant 32 : index
    %swap3A_845 = tpu.vector_load %arg17[%swap3A_843, %swap3A_844] {strides = array<i32>} : memref<8x128xf32, #tpu.memory_space<vmem>>, vector<1x16xf32>,
    %swap3A_846 = vector.shape_cast %swap3A_845 : vector<1x16xf32> to vector<16xf32>
    %swap3A_847 = vector.shape_cast %broadcast_in_dim3A_841 : vector<16xf32> to vector<1x16xf32>
    tpu.vector_store %arg17[%swap3A_843, %swap3A_844], %swap3A_847 {strides = array<i32>} : memref<8x128xf32, #tpu.memory_space<vmem>>, vector<1x16xf32>,
    %broadcast_in_dim3A_848 = arith.constant 0.000000e+00 : f32
    %broadcast_in_dim3A_849 = vector.broadcast %broadcast_in_dim3A_848 : f32 to vector<16xf32>
    %swap3A_850 = arith.constant 7 : i32
    %swap3A_851 = arith.index_cast %swap3A_850 : i32 to index
    %swap3A_852 = arith.constant 48 : index
    %swap3A_853 = tpu.vector_load %arg17[%swap3A_851, %swap3A_852] {strides = array<i32>} : memref<8x128xf32, #tpu.memory_space<vmem>>, vector<1x16xf32>,
    %swap3A_854 = vector.shape_cast %swap3A_853 : vector<1x16xf32> to vector<16xf32>
    %swap3A_855 = vector.shape_cast %broadcast_in_dim3A_849 : vector<16xf32> to vector<1x16xf32>
    tpu.vector_store %arg17[%swap3A_851, %swap3A_852], %swap3A_855 {strides = array<i32>} : memref<8x128xf32, #tpu.memory_space<vmem>>, vector<1x16xf32>,
    %broadcast_in_dim3A_856 = arith.constant 0.000000e+00 : f32
    %broadcast_in_dim3A_857 = vector.broadcast %broadcast_in_dim3A_856 : f32 to vector<16xf32>
    %swap3A_858 = arith.constant 7 : i32
    %swap3A_859 = arith.index_cast %swap3A_858 : i32 to index
    %swap3A_860 = arith.constant 64 : index
    %swap3A_861 = tpu.vector_load %arg17[%swap3A_859, %swap3A_860] {strides = array<i32>} : memref<8x128xf32, #tpu.memory_space<vmem>>, vector<1x16xf32>,
    %swap3A_862 = vector.shape_cast %swap3A_861 : vector<1x16xf32> to vector<16xf32>
    %swap3A_863 = vector.shape_cast %broadcast_in_dim3A_857 : vector<16xf32> to vector<1x16xf32>
    tpu.vector_store %arg17[%swap3A_859, %swap3A_860], %swap3A_863 {strides = array<i32>} : memref<8x128xf32, #tpu.memory_space<vmem>>, vector<1x16xf32>,
    %broadcast_in_dim3A_864 = arith.constant 0.000000e+00 : f32
    %broadcast_in_dim3A_865 = vector.broadcast %broadcast_in_dim3A_864 : f32 to vector<16xf32>
    %swap3A_866 = arith.constant 7 : i32
    %swap3A_867 = arith.index_cast %swap3A_866 : i32 to index
    %swap3A_868 = arith.constant 80 : index
    %swap3A_869 = tpu.vector_load %arg17[%swap3A_867, %swap3A_868] {strides = array<i32>} : memref<8x128xf32, #tpu.memory_space<vmem>>, vector<1x16xf32>,
    %swap3A_870 = vector.shape_cast %swap3A_869 : vector<1x16xf32> to vector<16xf32>
    %swap3A_871 = vector.shape_cast %broadcast_in_dim3A_865 : vector<16xf32> to vector<1x16xf32>
    tpu.vector_store %arg17[%swap3A_867, %swap3A_868], %swap3A_871 {strides = array<i32>} : memref<8x128xf32, #tpu.memory_space<vmem>>, vector<1x16xf32>,
    %broadcast_in_dim3A_872 = arith.constant 0.000000e+00 : f32
    %broadcast_in_dim3A_873 = vector.broadcast %broadcast_in_dim3A_872 : f32 to vector<16xf32>
    %swap3A_874 = arith.constant 7 : i32
    %swap3A_875 = arith.index_cast %swap3A_874 : i32 to index
    %swap3A_876 = arith.constant 96 : index
    %swap3A_877 = tpu.vector_load %arg17[%swap3A_875, %swap3A_876] {strides = array<i32>} : memref<8x128xf32, #tpu.memory_space<vmem>>, vector<1x16xf32>,
    %swap3A_878 = vector.shape_cast %swap3A_877 : vector<1x16xf32> to vector<16xf32>
    %swap3A_879 = vector.shape_cast %broadcast_in_dim3A_873 : vector<16xf32> to vector<1x16xf32>
    tpu.vector_store %arg17[%swap3A_875, %swap3A_876], %swap3A_879 {strides = array<i32>} : memref<8x128xf32, #tpu.memory_space<vmem>>, vector<1x16xf32>,
    %broadcast_in_dim3A_880 = arith.constant 0.000000e+00 : f32
    %broadcast_in_dim3A_881 = vector.broadcast %broadcast_in_dim3A_880 : f32 to vector<16xf32>
    %swap3A_882 = arith.constant 7 : i32
    %swap3A_883 = arith.index_cast %swap3A_882 : i32 to index
    %swap3A_884 = arith.constant 112 : index
    %swap3A_885 = tpu.vector_load %arg17[%swap3A_883, %swap3A_884] {strides = array<i32>} : memref<8x128xf32, #tpu.memory_space<vmem>>, vector<1x16xf32>,
    %swap3A_886 = vector.shape_cast %swap3A_885 : vector<1x16xf32> to vector<16xf32>
    %swap3A_887 = vector.shape_cast %broadcast_in_dim3A_881 : vector<16xf32> to vector<1x16xf32>
    tpu.vector_store %arg17[%swap3A_883, %swap3A_884], %swap3A_887 {strides = array<i32>} : memref<8x128xf32, #tpu.memory_space<vmem>>, vector<1x16xf32>,
    %swap3A_888 = arith.constant 0 : i32
    %swap3A_889 = arith.index_cast %swap3A_888 : i32 to index
    %swap3A_890 = arith.constant 0 : index
    %swap3A_891 = tpu.vector_load %arg17[%swap3A_889, %swap3A_890] {strides = array<i32>} : memref<8x128xf32, #tpu.memory_space<vmem>>, vector<1x16xf32>,
    %swap3A_892 = vector.shape_cast %swap3A_891 : vector<1x16xf32> to vector<16xf32>
    %swap3A_893 = vector.shape_cast %scan3A_375 : vector<16xf32> to vector<1x16xf32>
    tpu.vector_store %arg17[%swap3A_889, %swap3A_890], %swap3A_893 {strides = array<i32>} : memref<8x128xf32, #tpu.memory_space<vmem>>, vector<1x16xf32>,
    %dma_start3A_894 = arith.constant 0 : i32
    %dma_start3A_895 = arith.constant 0 : i32
    %dma_start3A_896 = tpu.memref_slice %arg6[%add3A, %dma_start3A_894, %dma_start3A_895] : memref<32x8x128xf32, #tpu.memory_space<hbm>> -> memref<1x8x128xf32, #tpu.memory_space<hbm>>
    %dma_start3A_897 = tpu.memref_squeeze %dma_start3A_896 : memref<1x8x128xf32, #tpu.memory_space<hbm>> -> memref<8x128xf32, #tpu.memory_space<hbm>>
    %dma_start3A_898 = arith.constant 0 : i32
    %dma_start3A_899 = arith.constant 0 : i32
    %dma_start3A_900 = tpu.memref_slice %arg6[%add3A, %dma_start3A_898, %dma_start3A_899] : memref<32x8x128xf32, #tpu.memory_space<hbm>> -> memref<1x8x128xf32, #tpu.memory_space<hbm>>
    %dma_start3A_901 = tpu.memref_squeeze %dma_start3A_900 : memref<1x8x128xf32, #tpu.memory_space<hbm>> -> memref<8x128xf32, #tpu.memory_space<hbm>>
    tpu.enqueue_dma source(%arg17 : memref<8x128xf32, #tpu.memory_space<vmem>>) target(%dma_start3A_901 : memref<8x128xf32, #tpu.memory_space<hbm>>) target_semaphore(%arg20 : memref<!tpu.dma_semaphore, #tpu.memory_space<semaphore_mem>>)
    %dma_wait3A_902 = arith.constant 0 : i32
    %dma_wait3A_903 = arith.constant 0 : i32
    %dma_wait3A_904 = tpu.memref_slice %arg6[%add3A, %dma_wait3A_902, %dma_wait3A_903] : memref<32x8x128xf32, #tpu.memory_space<hbm>> -> memref<1x8x128xf32, #tpu.memory_space<hbm>>
    %dma_wait3A_905 = tpu.memref_squeeze %dma_wait3A_904 : memref<1x8x128xf32, #tpu.memory_space<hbm>> -> memref<8x128xf32, #tpu.memory_space<hbm>>
    %dma_wait3A_906 = arith.constant 0 : i32
    %dma_wait3A_907 = arith.constant 0 : i32
    %dma_wait3A_908 = tpu.memref_slice %arg6[%add3A, %dma_wait3A_906, %dma_wait3A_907] : memref<32x8x128xf32, #tpu.memory_space<hbm>> -> memref<1x8x128xf32, #tpu.memory_space<hbm>>
    %dma_wait3A_909 = tpu.memref_squeeze %dma_wait3A_908 : memref<1x8x128xf32, #tpu.memory_space<hbm>> -> memref<8x128xf32, #tpu.memory_space<hbm>>
    tpu.wait_dma2 semaphore(%arg20 : memref<!tpu.dma_semaphore, #tpu.memory_space<semaphore_mem>>) src(%arg17 : memref<8x128xf32, #tpu.memory_space<vmem>>) dst(%dma_wait3A_909 : memref<8x128xf32, #tpu.memory_space<hbm>>)
    return
  }
}

</mosaic_0001>

<sc_bundles>
// kernel: _sc_gather_dot.3.cloned.1.call-start
scs
__scs_entry_jumppad:
0x0: {  	(pc) =	sbr.rel $0x88, $3  }
0x1: {  	(tag) =	ssettag $0x0;
	lr =	simm.s32 $0x1  }
0x2: {  	[smem:$0x3F9D] =	sst lr;
	_ =	strace $0xD0000000  }
0x3: {  	_ = 	snop  }
0x4: {  	_ = 	snop  }
0x5: {  	_ = 	snop  }
0x6: {  	_ = 	snop  }
0x7: {  	_ = 	snop  }
__scs_overlays_trampoline_lowered:
0x8: {  	[smem:$0x3FAC] =	sst s0  }
0x9: {  	[smem:$0x3FAD] =	sst s1  }
0xa: {  	[smem:$0x3FAE] =	sst s2  }
0xb: {  	[smem:$0x3FAF] =	sst s3  }
0xc: {  	[smem:$0x3FB0] =	sst s4  }
0xd: {  	[smem:$0x3FB1] =	sst s5  }
0xe: {  	[smem:$0x3FB2] =	sst s6  }
0xf: {  	[smem:$0x3FB3] =	sst s7  }
0x10: {  	[smem:$0x3FB4] =	sst s8  }
0x11: {  	[smem:$0x3FB5] =	sst s9;
	s0 =	simm.s32 @!p0 $0x0  }
0x12: {  	s1 =	sld [smem:$0x3F9B];
	s0 =	simm.s32 @p0 $0x1  }
0x13: {  	[smem:$0x3FB6] =	sst s0;
	s0 =	simm.s32 @!p1 $0x0  }
0x14: {  	s2 =	sld [smem:$0x3F9A];
	s0 =	simm.s32 @p1 $0x1  }
0x15: {  	[smem:$0x3FB7] =	sst s0;
	s0 =	simm.s32 @!p2 $0x0  }
0x16: {  	s3 =	sld [smem:$0x3FDB];
	s0 =	simm.s32 @p2 $0x1  }
0x17: {  	s4 =	simm.s32 $0x1BF5;
	[smem:$0x3FB9] =	sst s0  }
0x18: {  	s0 =	sld [smem:$0x3F9C];
	_ =	swait.ge [sflag:s4], $0x0  }
0x19: {  	s7 =	sld [smem:$0x3F9D]  }
0x1a: {  	s8 =	sadd.s32 $0xFFFFE003, lr  }
0x1b: {  	s9 =	sadd.s32 $0xFFFFFEF7, lr;
	s5 =	simm.s32 $0xFFFFFFFF;
	p2 =	slt.u32 s8, $0xFFFFF086  }
0x1c: {  	p1 =	slt.u32 s9, $0xF7A;
	s5 =	simm.s32 @!p2 $0x0  }
0x1d: {  	s5 =	simm.s32 @p1 $0x1;
	p0 =	seq.s32 s7, s2  }
0x1e: {  	s7 =	smul.u32 @!p0 $0xF7A, s2;
	p2 =	seq.s32 @!p0 s5, $0x0  }
0x1f: {  	s9 =	smul.u32 $0xF7A, s1;
	s8 =	simm.s32 @!p0 $0x1BF5;
	p2 =	por !p2, p0  }
0x20: {  	[sflag:s8] =	ssyncset.s32 @!p0 $0xFFFFF086;
	s6 =	sadd.s32 @!p0 s3, s7;
	s7 =	simm.s32 @!p0 $0x108  }
0x21: {  	s3 =	sadd.s32 s3, s9;
	s6 =	sadd.s32 @!p0 $0x88, s6;
	s7 =	simm.s32 @p2 $0x1082  }
0x22: {  	[simem:s7], [sflag:s8] =	dma.local @!p0 [hbm:s6], $0xF7A  }
0x23: {  	s9 =	sor.u32 $0xD0000000, s2;
	s6 =	simm.s32 $0x108;
	_ =	swait.ge @!p0 [sflag:s8], $0x0  }
0x24: {  	s3 =	sadd.s32 $0x88, s3;
	s6 =	simm.s32 @!p1 $0x1082;
	[sflag:s4] =	ssyncset.s32 $0xFFFFF086  }
0x25: {  	[simem:s6], [sflag:s4] =	dma.local [hbm:s3], $0xF7A  }
0x26: {  	[smem:$0x3F9D] =	sst s1;
	(tag) =	ssettag s2;
	_ =	strace s9  }
0x27: {  	s1 =	sld [smem:$0x3FAD]  }
0x28: {  	s2 =	sld [smem:$0x3FAE]  }
0x29: {  	s4 =	sld [smem:$0x3FB0]  }
0x2a: {  	p0 =	seq.s32 s5, $0x0;
	s5 =	sld [smem:$0x3FB1]  }
0x2b: {  	s6 =	sld [smem:$0x3FB2]  }
0x2c: {  	s7 =	sld [smem:$0x3FB3]  }
0x2d: {  	s3 =	simm.s32 $0x108;
	s8 =	sld [smem:$0x3FB4]  }
0x2e: {  	s3 =	simm.s32 @!p0 $0x1082;
	s9 =	sld [smem:$0x3FB5]  }
0x2f: {  	lr =	sadd.s32 s0, s3;
	s0 =	sld [smem:$0x3FAC]  }
0x30: {  	s3 =	sld [smem:$0x3FAF]  }
0x31: {  	[smem:$0x3FB8] =	sst s10  }
0x32: {  	s10 =	sld [smem:$0x3FB6];
	_ =	sdelay $0x3  }
0x33: {  	p0 =	seq.s32 s10, $0x1;
	s10 =	sld [smem:$0x3FB8];
	_ =	sdelay $0x3  }
0x34: {  	[smem:$0x3FB8] =	sst s10  }
0x35: {  	s10 =	sld [smem:$0x3FB7];
	_ =	sdelay $0x3  }
0x36: {  	p1 =	seq.s32 s10, $0x1;
	s10 =	sld [smem:$0x3FB8];
	_ =	sdelay $0x3  }
0x37: {  	[smem:$0x3FB8] =	sst s10  }
0x38: {  	s10 =	sld [smem:$0x3FB9]  }
0x39: {  	_ = 	snop;
	(pc) =	sbr.ind lr, $3  }
0x3a: {  	_ = 	snop  }
0x3b: {  	_ = 	snop  }
0x3c: {  	p2 =	seq.s32 s10, $0x1;
	s10 =	sld [smem:$0x3FB8]  }
0x3d: {  	_ =	shalt  }
0x3e: {  	_ =	shalt  }
0x3f: {  	_ =	shalt  }
0x40: {  	_ =	shalt  }
0x41: {  	_ =	shalt  }
0x42: {  	_ =	shalt  }
0x43: {  	_ =	shalt  }
0x44: {  	_ =	shalt  }
0x45: {  	_ =	shalt  }
0x46: {  	_ =	shalt  }
0x47: {  	_ =	shalt  }
0x48: {  	_ =	shalt  }
0x49: {  	_ =	shalt  }
0x4a: {  	_ =	shalt  }
0x4b: {  	_ =	shalt  }
0x4c: {  	_ =	shalt  }
0x4d: {  	_ =	shalt  }
0x4e: {  	_ =	shalt  }
0x4f: {  	_ =	shalt  }
0x50: {  	_ =	shalt  }
0x51: {  	_ =	shalt  }
0x52: {  	_ =	shalt  }
0x53: {  	_ =	shalt  }
0x54: {  	_ =	shalt  }
0x55: {  	_ =	shalt  }
0x56: {  	_ =	shalt  }
0x57: {  	_ =	shalt  }
0x58: {  	_ =	shalt  }
0x59: {  	_ =	shalt  }
0x5a: {  	_ =	shalt  }
0x5b: {  	_ =	shalt  }
0x5c: {  	_ =	shalt  }
0x5d: {  	_ =	shalt  }
0x5e: {  	_ =	shalt  }
0x5f: {  	_ =	shalt  }
0x60: {  	_ =	shalt  }
0x61: {  	_ =	shalt  }
0x62: {  	_ =	shalt  }
0x63: {  	_ =	shalt  }
0x64: {  	_ =	shalt  }
0x65: {  	_ =	shalt  }
0x66: {  	_ =	shalt  }
0x67: {  	_ =	shalt  }
0x68: {  	_ =	shalt  }
0x69: {  	_ =	shalt  }
0x6a: {  	_ =	shalt  }
0x6b: {  	_ =	shalt  }
0x6c: {  	_ =	shalt  }
0x6d: {  	_ =	shalt  }
0x6e: {  	_ =	shalt  }
0x6f: {  	_ =	shalt  }
0x70: {  	_ =	shalt  }
0x71: {  	_ =	shalt  }
0x72: {  	_ =	shalt  }
0x73: {  	_ =	shalt  }
0x74: {  	_ =	shalt  }
0x75: {  	_ =	shalt  }
0x76: {  	_ =	shalt  }
0x77: {  	_ =	shalt  }
0x78: {  	_ =	shalt  }
0x79: {  	_ =	shalt  }
0x7a: {  	_ =	shalt  }
0x7b: {  	_ =	shalt  }
0x7c: {  	_ =	shalt  }
0x7d: {  	_ =	shalt  }
0x7e: {  	_ =	shalt  }
0x7f: {  	_ =	shalt  }
0x80: {  	_ =	shalt  }
0x81: {  	_ =	shalt  }
0x82: {  	_ =	shalt  }
0x83: {  	_ =	shalt  }
0x84: {  	_ =	shalt  }
0x85: {  	_ =	shalt  }
0x86: {  	_ =	shalt  }
0x87: {  	_ =	shalt  }
.Lfunc_end0:
.L_simem_size_0:
called_computation_lowered:
.L_overlay_start_0:
0x88: {  	s2 =	sld [smem:$0x3FD9]  }
0x89: {  	s3 =	sld [smem:$0x3FFE];
	_ =	sdelay $0x1  }
0x8a: {  	s1 =	srdreg.scid  }
0x8b: {  	s0 =	sand.u32 $0x1, s1  }
0x8c: {  	s17 =	sshll.u32 s0, $0xA;
	s2 =	sadd.s32 s3, s2  }
0x8d: {  	s2 =	sadd.s32 s2, s17  }
0x8e: {  	[smem:$0x3FC4] =	sst s2  }
0x8f: {  	_ = 	snop  }
0x90: {  	s2 =	sld [smem:$0x3FC9]  }
0x91: {  	s18 =	sld [smem:$0x3FC8]  }
0x92: {  	s4 =	sld [smem:$0x3FC6]  }
0x93: {  	s5 =	sld [smem:$0x3FD0];
	(tm) =	ssettm $0x1  }
0x94: {  	s6 =	sld [smem:$0x3FFB];
	_ =	sdelay $0x3  }
0x95: {  	_ =	strace s6  }
0x96: {  	s6 =	sld [smem:$0x3FFC];
	_ =	sdelay $0x3  }
0x97: {  	_ =	strace s6  }
0x98: {  	s6 =	sld [smem:$0x3FFD];
	_ =	sdelay $0x3  }
0x99: {  	_ =	strace s6  }
0x9a: {  	_ =	strace $0x8FFFFFFF  }
0x9b: {  	s19 =	sld [smem:$0x3FDB];
	_ =	sdelay $0x1  }
0x9c: {  	s7 =	simm.s32 $_scs_section_size  }
0x9d: {  	s8 =	simm.s32 $_size__tile_overlayer_lowered;
	s9 =	simm.s32 $_tile_overlayer_lowered  }
0x9e: {  	s22 =	simm.s32 $0x1BFF;
	s21 =	sshll.u32 s9, $0x1;
	s6 =	sadd.s32 s7, s19  }
0x9f: {  	s10 =	simm.s32 $0x0;
	s20 =	sshll.u32 s8, $0x1;
	s8 =	sadd.s32 s21, s6  }
0xa0: {  	[timem:s10], [sflag:s22] =	dma.local [hbm:s8], s20  }
0xa1: {  	_ =	swait.ge [sflag:s22], s20  }
0xa2: {  	s7 =	ssub.s32 $0x0, s20;
	[sflag:s22] =	ssyncset.done $0x0  }
0xa3: {  	[sflag:s22] =	ssyncadd.s32 s7;
	_ =	sdelay $0x1  }
0xa4: {  	s23 =	simm.s32 $0x1B8B  }
0xa5: {  	_ =	swait.ge [sflag:s23], $0x1  }
0xa6: {  	[sflag:s23] =	ssyncset.done $0x0  }
0xa7: {  	s25 =	simm.s32 $0x1B8E;
	s24 =	sld [smem:$0x3FFE];
	[sflag:s23] =	ssyncadd.s32 $0xFFFFFFFF  }
0xa8: {  	s26 =	simm.s32 $execute0_lowered;
	[smem:$0x3FD2] =	sst s25  }
0xa9: {  	s8 =	sshll.u32 s26, $0x1;
	_ =	strace $0x80000046;
	[dreg:$0x1] =	wrdreg $0xFFFFFFFF  }
0xaa: {  	s28 =	simm.s32 $_size_execute0_lowered;
	s6 =	sadd.s32 s6, s8;
	[dreg:$0x0] =	wrdreg $0x0  }
0xab: {  	s8 =	sshll.u32 s28, $0x1;
	[dreg:$0x2] =	wrdreg s6  }
0xac: {  	[dreg:$0x3] =	wrdreg s8  }
0xad: {  	[dreg:$0x4] =	wrdreg $0xC0  }
0xae: {  	_ =	task [dreg:s10], $0x5FFFF  }
0xaf: {  	[dreg:$0x1] =	wrdreg $0xFFFFFFFF  }
0xb0: {  	[dreg:$0x0] =	wrdreg $0x60  }
0xb1: {  	[dreg:$0x2] =	wrdreg s2  }
0xb2: {  	[dreg:$0x3] =	wrdreg s18  }
0xb3: {  	[dreg:$0x4] =	wrdreg s24  }
0xb4: {  	[dreg:$0x5] =	wrdreg s4  }
0xb5: {  	[dreg:$0x6] =	wrdreg s5  }
0xb6: {  	[dreg:$0x7] =	wrdreg $0x9  }
0xb7: {  	_ =	task.clear_ibuf [dreg:s10], $0x8FFFF;
	_ =	strace $0x90000046  }
0xb8: {  	s29 =	simm.s32 $0x9;
	_ =	strace $0x80000048  }
0xb9: {  	_ =	swait.ge [sflag:s29], $0x1  }
0xba: {  	[sflag:s29] =	ssyncadd.s32 $0xFFFFFFFF  }
0xbb: {  	_ =	strace $0x90000048  }
0xbc: {  	_ =	sfence  }
0xbd: {  	s30 =	sld [smem:$0x0];
	_ =	sdelay $0x2  }
0xbe: {  	s31 =	sshll.u32 s1, $0xD;
	s1 =	sshrl.u32 s1, $0x2  }
0xbf: {  	s3 =	sand.u32 $0x4000, s31;
	s1 =	sadd.s32 s1, s30  }
0xc0: {  	s0 =	sor.u32 s3, s0;
	s1 =	sshll.u32 s1, $0x11  }
0xc1: {  	s0 =	sor.u32 s1, s0  }
0xc2: {  	s0 =	sadd.s32 $0x8F2B, s0  }
0xc3: {  	[sflag:s0] =	ssyncadd.remote.s32 $0x1  }
0xc4: {  	_ =	sfence.sel $0xFFFF  }
0xc5: {  	[dreg:$0x0] =	wrdreg $0xFFFFFFFF;
	(pc) =	sbr.abs _section_cstart, $3  }
0xc6: {  	[dreg:$0x1] =	wrdreg $0xFFFFFFFF  }
0xc7: {  	_ =	task.clear_ibuf [dreg:s10], $0x2FFFF;
	_ =	strace $0x9FFFFFFF  }
0xc8: {  	(tm) =	ssettm $0x7FFFFFFF  }
0xc9: {  	_ =	shalt  }
tec
execute0_lowered:
.L_overlay_start_1:
0x0: {  	(tag) =	ssettag $0x1  }
0x1: {  	s0 =	rddreg [dreg:$0x0]  }
0x2: {  	s2 =	rddreg [dreg:$0x1]  }
0x3: {  	s4 =	rddreg [dreg:$0x2]  }
0x4: {  	s1 =	rddreg [dreg:$0x3]  }
0x5: {  	s5 =	rddreg [dreg:$0x4];
	s3 =	simm.s32 $0x0;
	s6 =	srdreg.scid  }
0x6: {  	s8 =	stileid.u32;
	s10 =	simm.s32 $0x1;
	s11 =	simm.s32 $0x2  }
0x7: {  	s29 =	simm.s32 $0x40;
	s12 =	simm.s32 $0xFC00;
	s13 =	simm.s32 $0x10400  }
0x8: {  	s14 =	simm.s32 $0x10C00;
	s15 =	simm.s32 $0x11400;
	s16 =	simm.s32 $0x11C00  }
0x9: {  	s17 =	simm.s32 $0x12400;
	s18 =	simm.s32 $0x12C00;
	s19 =	simm.s32 $0x13400  }
0xa: {  	s20 =	simm.s32 $0x13C00;
	s21 =	simm.s32 $0x14400;
	s22 =	simm.s32 $0x16400  }
0xb: {  	s23 =	simm.s32 $0x0;
	[smem:$0x7FF] =	sst s3;
	s6 =	sand.u32 $0x1, s6  }
0xc: {  	s8 =	sshll.u32 s8, $0x1;
	s4 =	sadd.s32 $0x400, s4;
	s7 =	ssub.s32 $0x2, s6  }
0xd: {  	_ =	strace $0x80000047;
	s6 =	sor.u32 s6, s8;
	s9 =	sshrl.u32 s7, $0x1  }
0xe: {  	s8 =	sshll.u32 s6, $0x6;
	s6 =	sshll.u32 s6, $0x7;
	s7 =	ssub.s32 s7, s9  }
0xf: {  	s0 =	sadd.s32 s0, s8;
	s28 =	sadd.s32 s2, s8;
	s30 =	sadd.s32 s5, s6  }
0x10: {  	s2 =	simm.s32 $0xCC00;
	s9 =	simm.s32 $0xD400;
	[dreg:$0x6] =	wrdreg s0  }
0x11: {  	v2 =	vlaneseq.u32;
	s5 =	simm.s32 $0xDC00;
	s6 =	simm.s32 $0xE400;
	[dreg:$0x7] =	wrdreg s28  }
0x12: {  	vm0 =	vmmov $0xffff;
	v3 =	vimm.f32 $0.0e+00;
	v1 =	vshrl.u32 v2, $0x3;
	s8 =	simm.s32 $0xF400;
	[dreg:$0x8] =	wrdreg s30;
	s31 =	smax.u32 s7, $0x1  }
0x13: {  	v0 =	vand.u32 $0x7, v2;
	v2 =	vor.u32 $0x8, v2;
	v1 =	vmul.u32 $0x8, v1;
	s0 =	simm.s32 $0xC400;
	s7 =	simm.s32 $0xEC00;
	[dreg:$0x9] =	wrdreg s31  }
.LBB2_1:
0x14: {  	s24 =	rddreg [dreg:$0x6]  }
0x15: {  	[tilespmem:s3], [sflag:$0x1] =	stream.linear.gather [hbm4b:s24+s3], $0x200, $0x38;
	[tilespmem:$0x18800] =	vst v63  }
0x16: {  	s31 =	rddreg [dreg:$0x7];
	s25 =	simm.s32 $0x200  }
0x17: {  	[tilespmem:s25], [sflag:$0x2] =	stream.linear.gather [hbm4b:s31+s3], $0x200, $0x38;
	[tilespmem:$0x18800] =	vst v63  }
0x18: {  	_ =	swait.ge [sflag:s10], $0x200  }
0x19: {  	[sflag:s10] =	ssyncset.done $0x0  }
0x1a: {  	[sflag:s10] =	ssyncadd.s32 $0xFFFFFE00  }
0x1b: {  	_ =	swait.ge [sflag:s11], $0x200  }
0x1c: {  	[sflag:s11] =	ssyncset.done $0x0  }
0x1d: {  	[sflag:s11] =	ssyncadd.s32 $0xFFFFFE00  }
0x1e: {  	v4 =	vld [tilespmem:$0x0];
	_ =	sdelay $0x4  }
0x1f: {  	v5 =	vshrl.u32 v4, $0x3  }
0x20: {  	v5 =	vmul.u32 $0x18, v5  }
0x21: {  	v4 =	vand.u32 $0x7, v4  }
0x22: {  	v4 =	vor.u32 v4, v5  }
0x23: {  	v5 =	vperm.xlane v4, v0;
	_ =	sdelay $0x1  }
0x24: {  	v4 =	vperm.xlane v4, v2;
	v5 =	vadd.s32 v1, v5;
	_ =	sdelay $0x1  }
0x25: {  	v4 =	vadd.s32 v1, v4;
	_ =	sdelay $0x1  }
0x26: {  	s26 =	simm.s32 $0x400  }
0x27: {  	[tilespmem:s26], [sflag:$0x1] =	stream.indirect_vreg.gather [hbm4b:s4+s3], $0x80, v5, vm0, $0xb8;
	[tilespmem:$0x18800] =	vst v63  }
0x28: {  	s31 =	simm.s32 $0xC00  }
0x29: {  	[tilespmem:s31], [sflag:$0x1] =	stream.indirect_vreg.gather [hbm4b:s4+s3], $0x80, v4, vm0, $0xb8;
	[tilespmem:$0x18800] =	vst v63  }
0x2a: {  	v4 =	vld [tilespmem:$0x10];
	_ =	sdelay $0x4  }
0x2b: {  	v5 =	vshrl.u32 v4, $0x3  }
0x2c: {  	v5 =	vmul.u32 $0x18, v5  }
0x2d: {  	v4 =	vand.u32 $0x7, v4  }
0x2e: {  	v4 =	vor.u32 v4, v5  }
0x2f: {  	v5 =	vperm.xlane v4, v0;
	_ =	sdelay $0x1  }
0x30: {  	v4 =	vperm.xlane v4, v2;
	v5 =	vadd.s32 v1, v5;
	_ =	sdelay $0x1  }
0x31: {  	v4 =	vadd.s32 v1, v4;
	_ =	sdelay $0x1  }
0x32: {  	s26 =	simm.s32 $0x1400  }
0x33: {  	[tilespmem:s26], [sflag:$0x1] =	stream.indirect_vreg.gather [hbm4b:s4+s3], $0x80, v5, vm0, $0xb8;
	[tilespmem:$0x18800] =	vst v63  }
0x34: {  	s31 =	simm.s32 $0x1C00  }
0x35: {  	[tilespmem:s31], [sflag:$0x1] =	stream.indirect_vreg.gather [hbm4b:s4+s3], $0x80, v4, vm0, $0xb8;
	[tilespmem:$0x18800] =	vst v63  }
0x36: {  	v4 =	vld [tilespmem:$0x20];
	_ =	sdelay $0x4  }
0x37: {  	v5 =	vshrl.u32 v4, $0x3  }
0x38: {  	v5 =	vmul.u32 $0x18, v5  }
0x39: {  	v4 =	vand.u32 $0x7, v4  }
0x3a: {  	v4 =	vor.u32 v4, v5  }
0x3b: {  	v5 =	vperm.xlane v4, v0;
	_ =	sdelay $0x1  }
0x3c: {  	v4 =	vperm.xlane v4, v2;
	v5 =	vadd.s32 v1, v5;
	_ =	sdelay $0x1  }
0x3d: {  	v4 =	vadd.s32 v1, v4;
	_ =	sdelay $0x1  }
0x3e: {  	s26 =	simm.s32 $0x2400  }
0x3f: {  	[tilespmem:s26], [sflag:$0x1] =	stream.indirect_vreg.gather [hbm4b:s4+s3], $0x80, v5, vm0, $0xb8;
	[tilespmem:$0x18800] =	vst v63  }
0x40: {  	s31 =	simm.s32 $0x2C00  }
0x41: {  	[tilespmem:s31], [sflag:$0x1] =	stream.indirect_vreg.gather [hbm4b:s4+s3], $0x80, v4, vm0, $0xb8;
	[tilespmem:$0x18800] =	vst v63  }
0x42: {  	v4 =	vld [tilespmem:$0x30];
	_ =	sdelay $0x4  }
0x43: {  	v5 =	vshrl.u32 v4, $0x3  }
0x44: {  	v5 =	vmul.u32 $0x18, v5  }
0x45: {  	v4 =	vand.u32 $0x7, v4  }
0x46: {  	v4 =	vor.u32 v4, v5  }
0x47: {  	v5 =	vperm.xlane v4, v0;
	_ =	sdelay $0x1  }
0x48: {  	v4 =	vperm.xlane v4, v2;
	v5 =	vadd.s32 v1, v5;
	_ =	sdelay $0x1  }
0x49: {  	v4 =	vadd.s32 v1, v4;
	_ =	sdelay $0x1  }
0x4a: {  	s26 =	simm.s32 $0x3400  }
0x4b: {  	[tilespmem:s26], [sflag:$0x1] =	stream.indirect_vreg.gather [hbm4b:s4+s3], $0x80, v5, vm0, $0xb8;
	[tilespmem:$0x18800] =	vst v63  }
0x4c: {  	s31 =	simm.s32 $0x3C00  }
0x4d: {  	[tilespmem:s31], [sflag:$0x1] =	stream.indirect_vreg.gather [hbm4b:s4+s3], $0x80, v4, vm0, $0xb8;
	[tilespmem:$0x18800] =	vst v63  }
0x4e: {  	v4 =	vld [tilespmem:$0x200];
	_ =	sdelay $0x4  }
0x4f: {  	v5 =	vshrl.u32 v4, $0x3  }
0x50: {  	v5 =	vmul.u32 $0x18, v5  }
0x51: {  	v4 =	vand.u32 $0x7, v4  }
0x52: {  	v4 =	vor.u32 v4, v5  }
0x53: {  	v5 =	vperm.xlane v4, v0;
	_ =	sdelay $0x1  }
0x54: {  	v4 =	vperm.xlane v4, v2;
	v5 =	vadd.s32 v1, v5;
	_ =	sdelay $0x1  }
0x55: {  	v4 =	vadd.s32 v1, v4;
	_ =	sdelay $0x1  }
0x56: {  	s26 =	simm.s32 $0x4400  }
0x57: {  	[tilespmem:s26], [sflag:$0x1] =	stream.indirect_vreg.gather [hbm4b:s4+s3], $0x80, v5, vm0, $0xb8;
	[tilespmem:$0x18800] =	vst v63  }
0x58: {  	s31 =	simm.s32 $0x4C00  }
0x59: {  	[tilespmem:s31], [sflag:$0x1] =	stream.indirect_vreg.gather [hbm4b:s4+s3], $0x80, v4, vm0, $0xb8;
	[tilespmem:$0x18800] =	vst v63  }
0x5a: {  	v4 =	vld [tilespmem:$0x210];
	_ =	sdelay $0x4  }
0x5b: {  	v5 =	vshrl.u32 v4, $0x3  }
0x5c: {  	v5 =	vmul.u32 $0x18, v5  }
0x5d: {  	v4 =	vand.u32 $0x7, v4  }
0x5e: {  	v4 =	vor.u32 v4, v5  }
0x5f: {  	v5 =	vperm.xlane v4, v0;
	_ =	sdelay $0x1  }
0x60: {  	v4 =	vperm.xlane v4, v2;
	v5 =	vadd.s32 v1, v5;
	_ =	sdelay $0x1  }
0x61: {  	v4 =	vadd.s32 v1, v4;
	_ =	sdelay $0x1  }
0x62: {  	s26 =	simm.s32 $0x5400  }
0x63: {  	[tilespmem:s26], [sflag:$0x1] =	stream.indirect_vreg.gather [hbm4b:s4+s3], $0x80, v5, vm0, $0xb8;
	[tilespmem:$0x18800] =	vst v63  }
0x64: {  	s31 =	simm.s32 $0x5C00  }
0x65: {  	[tilespmem:s31], [sflag:$0x1] =	stream.indirect_vreg.gather [hbm4b:s4+s3], $0x80, v4, vm0, $0xb8;
	[tilespmem:$0x18800] =	vst v63  }
0x66: {  	v4 =	vld [tilespmem:$0x220];
	_ =	sdelay $0x4  }
0x67: {  	v5 =	vshrl.u32 v4, $0x3  }
0x68: {  	v5 =	vmul.u32 $0x18, v5  }
0x69: {  	v4 =	vand.u32 $0x7, v4  }
0x6a: {  	v4 =	vor.u32 v4, v5  }
0x6b: {  	v5 =	vperm.xlane v4, v0;
	_ =	sdelay $0x1  }
0x6c: {  	v4 =	vperm.xlane v4, v2;
	v5 =	vadd.s32 v1, v5;
	_ =	sdelay $0x1  }
0x6d: {  	v4 =	vadd.s32 v1, v4;
	_ =	sdelay $0x1  }
0x6e: {  	s26 =	simm.s32 $0x6400  }
0x6f: {  	[tilespmem:s26], [sflag:$0x1] =	stream.indirect_vreg.gather [hbm4b:s4+s3], $0x80, v5, vm0, $0xb8;
	[tilespmem:$0x18800] =	vst v63  }
0x70: {  	s31 =	simm.s32 $0x6C00  }
0x71: {  	[tilespmem:s31], [sflag:$0x1] =	stream.indirect_vreg.gather [hbm4b:s4+s3], $0x80, v4, vm0, $0xb8;
	[tilespmem:$0x18800] =	vst v63  }
0x72: {  	v4 =	vld [tilespmem:$0x230];
	_ =	sdelay $0x4  }
0x73: {  	v5 =	vshrl.u32 v4, $0x3  }
0x74: {  	v5 =	vmul.u32 $0x18, v5  }
0x75: {  	v4 =	vand.u32 $0x7, v4  }
0x76: {  	v4 =	vor.u32 v4, v5  }
0x77: {  	v5 =	vperm.xlane v4, v0;
	_ =	sdelay $0x1  }
0x78: {  	v4 =	vperm.xlane v4, v2;
	v5 =	vadd.s32 v1, v5;
	_ =	sdelay $0x1  }
0x79: {  	v4 =	vadd.s32 v1, v4;
	_ =	sdelay $0x1  }
0x7a: {  	s26 =	simm.s32 $0x7400  }
0x7b: {  	[tilespmem:s26], [sflag:$0x1] =	stream.indirect_vreg.gather [hbm4b:s4+s3], $0x80, v5, vm0, $0xb8;
	[tilespmem:$0x18800] =	vst v63  }
0x7c: {  	s31 =	simm.s32 $0x7C00  }
0x7d: {  	[tilespmem:s31], [sflag:$0x1] =	stream.indirect_vreg.gather [hbm4b:s4+s3], $0x80, v4, vm0, $0xb8;
	[tilespmem:$0x18800] =	vst v63  }
0x7e: {  	s26 =	simm.s32 $0x8400  }
0x7f: {  	[tilespmem:s26], [sflag:$0x1] =	stream.indirect.gather [hbm4b:s1+s29], $0x80, s3, s29, $0xb8;
	[tilespmem:$0x18800] =	vst v63  }
0x80: {  	s31 =	simm.s32 $0xA400  }
0x81: {  	[tilespmem:s31], [sflag:$0x1] =	stream.indirect.gather [hbm4b:s1+s29], $0x80, s25, s29, $0xb8;
	[tilespmem:$0x18800] =	vst v63  }
0x82: {  	v4 =	vld [tilespmem:$0x40];
	_ =	sdelay $0x4  }
0x83: {  	v5 =	vshrl.u32 v4, $0x3  }
0x84: {  	v5 =	vmul.u32 $0x18, v5  }
0x85: {  	v4 =	vand.u32 $0x7, v4  }
0x86: {  	v4 =	vor.u32 v4, v5  }
0x87: {  	v5 =	vperm.xlane v4, v0;
	_ =	sdelay $0x1  }
0x88: {  	v4 =	vperm.xlane v4, v2;
	v5 =	vadd.s32 v1, v5;
	_ =	sdelay $0x1  }
0x89: {  	v4 =	vadd.s32 v1, v4;
	_ =	sdelay $0x2  }
0x8a: {  	[tilespmem:s0], [sflag:$0x2] =	stream.indirect_vreg.gather [hbm4b:s4+s3], $0x80, v5, vm0, $0xb8;
	[tilespmem:$0x18800] =	vst v63  }
0x8b: {  	_ = 	snop  }
0x8c: {  	[tilespmem:s2], [sflag:$0x2] =	stream.indirect_vreg.gather [hbm4b:s4+s3], $0x80, v4, vm0, $0xb8;
	[tilespmem:$0x18800] =	vst v63  }
0x8d: {  	v4 =	vld [tilespmem:$0x50];
	_ =	sdelay $0x4  }
0x8e: {  	v5 =	vshrl.u32 v4, $0x3  }
0x8f: {  	v5 =	vmul.u32 $0x18, v5  }
0x90: {  	v4 =	vand.u32 $0x7, v4  }
0x91: {  	v4 =	vor.u32 v4, v5  }
0x92: {  	v5 =	vperm.xlane v4, v0;
	_ =	sdelay $0x1  }
0x93: {  	v4 =	vperm.xlane v4, v2;
	v5 =	vadd.s32 v1, v5;
	_ =	sdelay $0x1  }
0x94: {  	v4 =	vadd.s32 v1, v4;
	_ =	sdelay $0x2  }
0x95: {  	[tilespmem:s9], [sflag:$0x2] =	stream.indirect_vreg.gather [hbm4b:s4+s3], $0x80, v5, vm0, $0xb8;
	[tilespmem:$0x18800] =	vst v63  }
0x96: {  	_ = 	snop  }
0x97: {  	[tilespmem:s5], [sflag:$0x2] =	stream.indirect_vreg.gather [hbm4b:s4+s3], $0x80, v4, vm0, $0xb8;
	[tilespmem:$0x18800] =	vst v63  }
0x98: {  	v4 =	vld [tilespmem:$0x60];
	_ =	sdelay $0x4  }
0x99: {  	v5 =	vshrl.u32 v4, $0x3  }
0x9a: {  	v5 =	vmul.u32 $0x18, v5  }
0x9b: {  	v4 =	vand.u32 $0x7, v4  }
0x9c: {  	v4 =	vor.u32 v4, v5  }
0x9d: {  	v5 =	vperm.xlane v4, v0;
	_ =	sdelay $0x1  }
0x9e: {  	v4 =	vperm.xlane v4, v2;
	v5 =	vadd.s32 v1, v5;
	_ =	sdelay $0x1  }
0x9f: {  	v4 =	vadd.s32 v1, v4;
	_ =	sdelay $0x2  }
0xa0: {  	[tilespmem:s6], [sflag:$0x2] =	stream.indirect_vreg.gather [hbm4b:s4+s3], $0x80, v5, vm0, $0xb8;
	[tilespmem:$0x18800] =	vst v63  }
0xa1: {  	_ = 	snop  }
0xa2: {  	[tilespmem:s7], [sflag:$0x2] =	stream.indirect_vreg.gather [hbm4b:s4+s3], $0x80, v4, vm0, $0xb8;
	[tilespmem:$0x18800] =	vst v63  }
0xa3: {  	v4 =	vld [tilespmem:$0x70];
	_ =	sdelay $0x4  }
0xa4: {  	v5 =	vshrl.u32 v4, $0x3  }
0xa5: {  	v5 =	vmul.u32 $0x18, v5  }
0xa6: {  	v4 =	vand.u32 $0x7, v4  }
0xa7: {  	v4 =	vor.u32 v4, v5  }
0xa8: {  	v5 =	vperm.xlane v4, v0;
	_ =	sdelay $0x1  }
0xa9: {  	v4 =	vperm.xlane v4, v2;
	v5 =	vadd.s32 v1, v5;
	_ =	sdelay $0x1  }
0xaa: {  	v4 =	vadd.s32 v1, v4;
	_ =	sdelay $0x2  }
0xab: {  	[tilespmem:s8], [sflag:$0x2] =	stream.indirect_vreg.gather [hbm4b:s4+s3], $0x80, v5, vm0, $0xb8;
	[tilespmem:$0x18800] =	vst v63  }
0xac: {  	_ = 	snop  }
0xad: {  	[tilespmem:s12], [sflag:$0x2] =	stream.indirect_vreg.gather [hbm4b:s4+s3], $0x80, v4, vm0, $0xb8;
	[tilespmem:$0x18800] =	vst v63  }
0xae: {  	v4 =	vld [tilespmem:$0x240];
	_ =	sdelay $0x4  }
0xaf: {  	v5 =	vshrl.u32 v4, $0x3  }
0xb0: {  	v5 =	vmul.u32 $0x18, v5  }
0xb1: {  	v4 =	vand.u32 $0x7, v4  }
0xb2: {  	v4 =	vor.u32 v4, v5  }
0xb3: {  	v5 =	vperm.xlane v4, v0;
	_ =	sdelay $0x1  }
0xb4: {  	v4 =	vperm.xlane v4, v2;
	v5 =	vadd.s32 v1, v5;
	_ =	sdelay $0x1  }
0xb5: {  	v4 =	vadd.s32 v1, v4;
	_ =	sdelay $0x2  }
0xb6: {  	[tilespmem:s13], [sflag:$0x2] =	stream.indirect_vreg.gather [hbm4b:s4+s3], $0x80, v5, vm0, $0xb8;
	[tilespmem:$0x18800] =	vst v63  }
0xb7: {  	_ = 	snop  }
0xb8: {  	[tilespmem:s14], [sflag:$0x2] =	stream.indirect_vreg.gather [hbm4b:s4+s3], $0x80, v4, vm0, $0xb8;
	[tilespmem:$0x18800] =	vst v63  }
0xb9: {  	v4 =	vld [tilespmem:$0x250];
	_ =	sdelay $0x4  }
0xba: {  	v5 =	vshrl.u32 v4, $0x3  }
0xbb: {  	v5 =	vmul.u32 $0x18, v5  }
0xbc: {  	v4 =	vand.u32 $0x7, v4  }
0xbd: {  	v4 =	vor.u32 v4, v5  }
0xbe: {  	v5 =	vperm.xlane v4, v0;
	_ =	sdelay $0x1  }
0xbf: {  	v4 =	vperm.xlane v4, v2;
	v5 =	vadd.s32 v1, v5;
	_ =	sdelay $0x1  }
0xc0: {  	v4 =	vadd.s32 v1, v4;
	_ =	sdelay $0x2  }
0xc1: {  	[tilespmem:s15], [sflag:$0x2] =	stream.indirect_vreg.gather [hbm4b:s4+s3], $0x80, v5, vm0, $0xb8;
	[tilespmem:$0x18800] =	vst v63  }
0xc2: {  	_ = 	snop  }
0xc3: {  	[tilespmem:s16], [sflag:$0x2] =	stream.indirect_vreg.gather [hbm4b:s4+s3], $0x80, v4, vm0, $0xb8;
	[tilespmem:$0x18800] =	vst v63  }
0xc4: {  	v4 =	vld [tilespmem:$0x260];
	_ =	sdelay $0x4  }
0xc5: {  	v5 =	vshrl.u32 v4, $0x3  }
0xc6: {  	v5 =	vmul.u32 $0x18, v5  }
0xc7: {  	v4 =	vand.u32 $0x7, v4  }
0xc8: {  	v4 =	vor.u32 v4, v5  }
0xc9: {  	v5 =	vperm.xlane v4, v0;
	_ =	sdelay $0x1  }
0xca: {  	v4 =	vperm.xlane v4, v2;
	v5 =	vadd.s32 v1, v5;
	_ =	sdelay $0x1  }
0xcb: {  	v4 =	vadd.s32 v1, v4;
	_ =	sdelay $0x2  }
0xcc: {  	[tilespmem:s17], [sflag:$0x2] =	stream.indirect_vreg.gather [hbm4b:s4+s3], $0x80, v5, vm0, $0xb8;
	[tilespmem:$0x18800] =	vst v63  }
0xcd: {  	_ = 	snop  }
0xce: {  	[tilespmem:s18], [sflag:$0x2] =	stream.indirect_vreg.gather [hbm4b:s4+s3], $0x80, v4, vm0, $0xb8;
	[tilespmem:$0x18800] =	vst v63  }
0xcf: {  	v4 =	vld [tilespmem:$0x270];
	_ =	sdelay $0x4  }
0xd0: {  	v5 =	vshrl.u32 v4, $0x3  }
0xd1: {  	v5 =	vmul.u32 $0x18, v5  }
0xd2: {  	v4 =	vand.u32 $0x7, v4  }
0xd3: {  	v4 =	vor.u32 v4, v5  }
0xd4: {  	v5 =	vperm.xlane v4, v0;
	_ =	sdelay $0x1  }
0xd5: {  	v4 =	vperm.xlane v4, v2;
	v5 =	vadd.s32 v1, v5;
	_ =	sdelay $0x1  }
0xd6: {  	v4 =	vadd.s32 v1, v4;
	_ =	sdelay $0x2  }
0xd7: {  	[tilespmem:s19], [sflag:$0x2] =	stream.indirect_vreg.gather [hbm4b:s4+s3], $0x80, v5, vm0, $0xb8;
	[tilespmem:$0x18800] =	vst v63  }
0xd8: {  	_ = 	snop  }
0xd9: {  	[tilespmem:s20], [sflag:$0x2] =	stream.indirect_vreg.gather [hbm4b:s4+s3], $0x80, v4, vm0, $0xb8;
	[tilespmem:$0x18800] =	vst v63  }
0xda: {  	_ = 	snop  }
0xdb: {  	[tilespmem:s21], [sflag:$0x2] =	stream.indirect.gather [hbm4b:s1+s29], $0x80, s29, s29, $0xb8;
	[tilespmem:$0x18800] =	vst v63  }
0xdc: {  	s25 =	simm.s32 $0x240  }
0xdd: {  	[tilespmem:s22], [sflag:$0x2] =	stream.indirect.gather [hbm4b:s1+s29], $0x80, s25, s29, $0xb8;
	[tilespmem:$0x18800] =	vst v63  }
0xde: {  	_ =	swait.ge [sflag:s10], $0x4000  }
0xdf: {  	[sflag:s10] =	ssyncset.done $0x0  }
0xe0: {  	[sflag:s10] =	ssyncadd.s32 $0xFFFFC000  }
0xe1: {  	_ =	swait.ge [sflag:s10], $0x4000  }
0xe2: {  	[sflag:s10] =	ssyncset.done $0x0  }
0xe3: {  	[sflag:s10] =	ssyncadd.s32 $0xFFFFC000  }
0xe4: {  	_ =	swait.ge [sflag:s10], $0x2000  }
0xe5: {  	[sflag:s10] =	ssyncset.done $0x0  }
0xe6: {  	[sflag:s10] =	ssyncadd.s32 $0xFFFFE000  }
0xe7: {  	_ =	swait.ge [sflag:s10], $0x2000  }
0xe8: {  	s26 =	sand.u32 $0x3800, s3;
	s31 =	sand.u32 $0x380, s3;
	[sflag:s10] =	ssyncset.done $0x0  }
0xe9: {  	s25 =	sor.u32 s31, s26;
	[sflag:s10] =	ssyncadd.s32 $0xFFFFE000  }
0xea: {  	v4 =	vld [tilespmem:s25+$0x400]  }
0xeb: {  	v5 =	vld [tilespmem:s25+$0x4400]  }
0xec: {  	v6 =	vld [tilespmem:s25+$0x410]  }
0xed: {  	v7 =	vld [tilespmem:s25+$0x4410]  }
0xee: {  	v8 =	vld [tilespmem:s25+$0x420]  }
0xef: {  	v9 =	vld [tilespmem:s25+$0x4420]  }
0xf0: {  	v10 =	vld [tilespmem:s25+$0x430];
	v4 =	vmul.f32 v5, v4  }
0xf1: {  	v5 =	vld [tilespmem:s25+$0x4430]  }
0xf2: {  	v11 =	vld [tilespmem:s25+$0x440];
	v6 =	vmul.f32 v7, v6;
	v4 =	vadd.f32 v4, v3  }
0xf3: {  	v7 =	vld [tilespmem:s25+$0x4440]  }
0xf4: {  	v12 =	vld [tilespmem:s25+$0x450];
	v4 =	vadd.f32 v6, v4;
	v6 =	vmul.f32 v9, v8  }
0xf5: {  	v8 =	vld [tilespmem:s25+$0x4450]  }
0xf6: {  	v9 =	vld [tilespmem:s25+$0x460];
	v5 =	vmul.f32 v5, v10;
	v4 =	vadd.f32 v6, v4  }
0xf7: {  	v6 =	vld [tilespmem:s25+$0x4460]  }
0xf8: {  	v10 =	vld [tilespmem:s25+$0x470];
	v4 =	vadd.f32 v5, v4;
	v5 =	vmul.f32 v7, v11  }
0xf9: {  	v7 =	vld [tilespmem:s25+$0x4470]  }
0xfa: {  	v11 =	vld [tilespmem:s25+$0x800];
	v4 =	vadd.f32 v5, v4;
	v5 =	vmul.f32 v8, v12  }
0xfb: {  	v8 =	vld [tilespmem:s25+$0x4800]  }
0xfc: {  	v12 =	vld [tilespmem:s25+$0x810];
	v4 =	vadd.f32 v5, v4;
	v5 =	vmul.f32 v6, v9  }
0xfd: {  	v6 =	vld [tilespmem:s25+$0x4810]  }
0xfe: {  	v9 =	vld [tilespmem:s25+$0x820];
	v4 =	vadd.f32 v5, v4;
	v5 =	vmul.f32 v7, v10  }
0xff: {  	v7 =	vld [tilespmem:s25+$0x4820]  }
0x100: {  	v10 =	vld [tilespmem:s25+$0x830];
	v4 =	vadd.f32 v5, v4;
	v5 =	vmul.f32 v8, v11  }
0x101: {  	v8 =	vld [tilespmem:s25+$0x4830]  }
0x102: {  	v11 =	vld [tilespmem:s25+$0x840];
	v4 =	vadd.f32 v5, v4;
	v5 =	vmul.f32 v6, v12  }
0x103: {  	v6 =	vld [tilespmem:s25+$0x4840]  }
0x104: {  	v12 =	vld [tilespmem:s25+$0x850];
	v4 =	vadd.f32 v5, v4;
	v5 =	vmul.f32 v7, v9  }
0x105: {  	v7 =	vld [tilespmem:s25+$0x4850]  }
0x106: {  	v9 =	vld [tilespmem:s25+$0x860];
	v4 =	vadd.f32 v5, v4;
	v5 =	vmul.f32 v8, v10  }
0x107: {  	v8 =	vld [tilespmem:s25+$0x4860]  }
0x108: {  	v10 =	vld [tilespmem:s25+$0x870];
	v6 =	vmul.f32 v6, v11;
	v5 =	vadd.f32 v5, v4  }
0x109: {  	s24 =	simm.s32 $0x8420;
	v11 =	vld [tilespmem:s25+$0x4870]  }
0x10a: {  	s25 =	simm.s32 $0xA410;
	v4 =	vld [tilespmem:s24+$0xFFFFFFE0];
	v7 =	vmul.f32 v7, v12;
	v13 =	vadd.f32 v6, v5  }
0x10b: {  	v6 =	vld [tilespmem:s25+$0xFFFFFFF0]  }
0x10c: {  	v5 =	vld [tilespmem:s24+$0xFFFFFFF0];
	v9 =	vmul.f32 v8, v9;
	v12 =	vadd.f32 v7, v13  }
0x10d: {  	s28 =	simm.s32 $0x80;
	s26 =	simm.s32 $0x100;
	v7 =	vld [tilespmem:s25+$0x0]  }
0x10e: {  	s30 =	sand.u32 $0x380, s28;
	s26 =	sand.u32 $0x3800, s26;
	v14 =	vld [tilespmem:s25+$0x10];
	v37 =	vmul.f32 v11, v10;
	v31 =	vadd.f32 v9, v12  }
0x10f: {  	s26 =	sor.u32 s30, s26;
	s30 =	simm.s32 $0x200;
	v8 =	vld [tilespmem:s24+$0x0]  }
.LBB2_2:
0x110: {  	p0 =	sne.s32 s30, $0x3F00;
	v9 =	vld [tilespmem:s26+$0x400];
	v10 =	vadd.f32 v37, v31;
	v4 =	vmul.f32 v6, v4  }
0x111: {  	v6 =	vld [tilespmem:s26+$0x4400]  }
0x112: {  	v11 =	vld [tilespmem:s26+$0x410];
	v4 =	vadd.f32 v4, v10;
	v5 =	vmul.f32 v7, v5  }
0x113: {  	v7 =	vld [tilespmem:s26+$0x4410]  }
0x114: {  	v10 =	vld [tilespmem:s26+$0x420];
	v4 =	vadd.f32 v5, v4;
	v5 =	vmul.f32 v14, v8  }
0x115: {  	v8 =	vld [tilespmem:s26+$0x4420]  }
0x116: {  	v6 =	vmul.f32 v6, v9;
	v9 =	vld [tilespmem:s26+$0x430];
	v4 =	vadd.f32 v5, v4  }
0x117: {  	v5 =	vld [tilespmem:s26+$0x4430]  }
0x118: {  	v4 =	vadd.f32 v6, v4;
	v6 =	vmul.f32 v7, v11;
	v7 =	vld [tilespmem:s26+$0x440]  }
0x119: {  	v11 =	vld [tilespmem:s26+$0x4440]  }
0x11a: {  	v4 =	vadd.f32 v6, v4;
	v6 =	vmul.f32 v8, v10;
	v8 =	vld [tilespmem:s26+$0x450]  }
0x11b: {  	v10 =	vld [tilespmem:s26+$0x4450]  }
0x11c: {  	v4 =	vadd.f32 v6, v4;
	v5 =	vmul.f32 v5, v9;
	v6 =	vld [tilespmem:s26+$0x460]  }
0x11d: {  	v9 =	vld [tilespmem:s26+$0x4460]  }
0x11e: {  	v4 =	vadd.f32 v5, v4;
	v5 =	vmul.f32 v11, v7;
	v7 =	vld [tilespmem:s26+$0x470]  }
0x11f: {  	v11 =	vld [tilespmem:s26+$0x4470]  }
0x120: {  	v4 =	vadd.f32 v5, v4;
	v5 =	vmul.f32 v10, v8;
	v8 =	vld [tilespmem:s26+$0x800]  }
0x121: {  	v10 =	vld [tilespmem:s26+$0x4800]  }
0x122: {  	v4 =	vadd.f32 v5, v4;
	v5 =	vmul.f32 v9, v6;
	v6 =	vld [tilespmem:s26+$0x810]  }
0x123: {  	v9 =	vld [tilespmem:s26+$0x4810]  }
0x124: {  	v4 =	vadd.f32 v5, v4;
	v5 =	vmul.f32 v11, v7;
	v7 =	vld [tilespmem:s26+$0x820]  }
0x125: {  	v11 =	vld [tilespmem:s26+$0x4820]  }
0x126: {  	v4 =	vadd.f32 v5, v4;
	v5 =	vmul.f32 v10, v8;
	v8 =	vld [tilespmem:s26+$0x830]  }
0x127: {  	v10 =	vld [tilespmem:s26+$0x4830]  }
0x128: {  	v4 =	vadd.f32 v5, v4;
	v5 =	vmul.f32 v9, v6;
	v6 =	vld [tilespmem:s26+$0x840]  }
0x129: {  	v9 =	vld [tilespmem:s26+$0x4840]  }
0x12a: {  	v4 =	vadd.f32 v5, v4;
	v5 =	vmul.f32 v11, v7;
	v7 =	vld [tilespmem:s26+$0x850]  }
0x12b: {  	v11 =	vld [tilespmem:s26+$0x4850]  }
0x12c: {  	v4 =	vadd.f32 v5, v4;
	v5 =	vmul.f32 v10, v8;
	v8 =	vld [tilespmem:s26+$0x860]  }
0x12d: {  	v10 =	vld [tilespmem:s26+$0x4860]  }
0x12e: {  	v4 =	vadd.f32 v5, v4;
	v5 =	vmul.f32 v9, v6;
	v9 =	vld [tilespmem:s26+$0x870]  }
0x12f: {  	s24 =	sadd.s32 $0x80, s24;
	v12 =	vld [tilespmem:s26+$0x4870]  }
0x130: {  	s25 =	sadd.s32 $0x80, s25;
	v5 =	vadd.f32 v5, v4;
	v7 =	vmul.f32 v11, v7;
	v4 =	vld [tilespmem:s24+$0xFFFFFFE0]  }
.Ltmp0:
0x131: {  	v6 =	vld [tilespmem:s25+$0xFFFFFFF0];
	(pc) =	sbr.rel @p0 .LBB2_2-.Ltmp0, $4  }
0x132: {  	v11 =	vadd.f32 v7, v5;
	v8 =	vmul.f32 v10, v8;
	v5 =	vld [tilespmem:s24+$0xFFFFFFF0]  }
0x133: {  	s28 =	sadd.s32 $0x80, s28;
	v7 =	vld [tilespmem:s25+$0x0]  }
0x134: {  	s31 =	sand.u32 $0x380, s28;
	s26 =	sand.u32 $0x3800, s30;
	v31 =	vadd.f32 v8, v11;
	v37 =	vmul.f32 v12, v9;
	v8 =	vld [tilespmem:s24+$0x0]  }
0x135: {  	s30 =	sadd.s32 $0x100, s30;
	s26 =	sor.u32 s31, s26;
	v14 =	vld [tilespmem:s25+$0x10]  }
0x136: {  	v45 =	vld [tilespmem:s26+$0x400]  }
0x137: {  	v46 =	vld [tilespmem:s26+$0x4400]  }
0x138: {  	v47 =	vld [tilespmem:s26+$0x410]  }
0x139: {  	v48 =	vld [tilespmem:s26+$0x4410]  }
0x13a: {  	v44 =	vld [tilespmem:s26+$0x420]  }
0x13b: {  	v49 =	vld [tilespmem:s26+$0x4420]  }
0x13c: {  	v42 =	vld [tilespmem:s26+$0x430]  }
0x13d: {  	v43 =	vld [tilespmem:s26+$0x4430]  }
0x13e: {  	v38 =	vld [tilespmem:s26+$0x440]  }
0x13f: {  	v41 =	vld [tilespmem:s26+$0x4440]  }
0x140: {  	v34 =	vld [tilespmem:s26+$0x450]  }
0x141: {  	v39 =	vld [tilespmem:s26+$0x4450]  }
0x142: {  	v35 =	vld [tilespmem:s26+$0x460]  }
0x143: {  	v40 =	vld [tilespmem:s26+$0x4460]  }
0x144: {  	v32 =	vld [tilespmem:s26+$0x470]  }
0x145: {  	v36 =	vld [tilespmem:s26+$0x4470]  }
0x146: {  	v29 =	vld [tilespmem:s26+$0x800]  }
0x147: {  	v33 =	vld [tilespmem:s26+$0x4800]  }
0x148: {  	v28 =	vld [tilespmem:s26+$0x810]  }
0x149: {  	v30 =	vld [tilespmem:s26+$0x4810]  }
0x14a: {  	v25 =	vld [tilespmem:s26+$0x820]  }
0x14b: {  	v27 =	vld [tilespmem:s26+$0x4820]  }
0x14c: {  	v9 =	vld [tilespmem:$0x80]  }
0x14d: {  	v23 =	vld [tilespmem:s26+$0x830]  }
0x14e: {  	v26 =	vld [tilespmem:s26+$0x4830]  }
0x14f: {  	v22 =	vld [tilespmem:s26+$0x840]  }
0x150: {  	v24 =	vld [tilespmem:s26+$0x4840]  }
0x151: {  	v19 =	vld [tilespmem:s26+$0x850];
	v10 =	vshrl.u32 v9, $0x3  }
0x152: {  	v20 =	vld [tilespmem:s26+$0x4850];
	v10 =	vmul.u32 $0x18, v10  }
0x153: {  	v15 =	vld [tilespmem:s26+$0x860];
	v11 =	vand.u32 $0x7, v9  }
0x154: {  	v21 =	vld [tilespmem:s26+$0x4860];
	v11 =	vor.u32 v11, v10  }
0x155: {  	v16 =	vld [tilespmem:s26+$0x4870];
	s25 =	sadd.s32 $0x80, s25;
	v12 =	vperm.xlane v11, v0  }
0x156: {  	v17 =	vld [tilespmem:s25+$0xFFFFFFF0]  }
0x157: {  	v18 =	vld [tilespmem:s25+$0x0];
	v11 =	vperm.xlane v11, v2;
	v50 =	vadd.s32 v1, v12  }
0x158: {  	s24 =	sadd.s32 $0x80, s24;
	v9 =	vld [tilespmem:s26+$0x870]  }
0x159: {  	v10 =	vld [tilespmem:s24+$0xFFFFFFE0];
	v51 =	vadd.s32 v1, v11  }
0x15a: {  	v12 =	vld [tilespmem:s24+$0xFFFFFFF0]  }
0x15b: {  	s26 =	simm.s32 $0x400;
	v11 =	vld [tilespmem:s24+$0x0];
	s24 =	simm.s32 $0x0  }
0x15c: {  	v13 =	vld [tilespmem:s25+$0x10];
	[tilespmem:s26], [sflag:$0x1] =	stream.indirect_vreg.gather [hbm4b:s4+s24], $0x80, v50, vm0, $0xb8  }
0x15d: {  	s31 =	simm.s32 $0xC00  }
0x15e: {  	[tilespmem:s31], [sflag:$0x1] =	stream.indirect_vreg.gather [hbm4b:s4+s24], $0x80, v51, vm0, $0xb8;
	[tilespmem:$0x18800] =	vst v63  }
0x15f: {  	v50 =	vld [tilespmem:$0x90];
	_ =	sdelay $0x4  }
0x160: {  	v58 =	vshrl.u32 v50, $0x3  }
0x161: {  	v51 =	vmul.u32 $0x18, v58  }
0x162: {  	v50 =	vand.u32 $0x7, v50  }
0x163: {  	v50 =	vor.u32 v50, v51  }
0x164: {  	v51 =	vperm.xlane v50, v0;
	_ =	sdelay $0x1  }
0x165: {  	v50 =	vperm.xlane v50, v2;
	v51 =	vadd.s32 v1, v51;
	_ =	sdelay $0x1  }
0x166: {  	v50 =	vadd.s32 v1, v50;
	_ =	sdelay $0x1  }
0x167: {  	s26 =	simm.s32 $0x1400  }
0x168: {  	[tilespmem:s26], [sflag:$0x1] =	stream.indirect_vreg.gather [hbm4b:s4+s24], $0x80, v51, vm0, $0xb8;
	[tilespmem:$0x18800] =	vst v63  }
0x169: {  	s31 =	simm.s32 $0x1C00  }
0x16a: {  	[tilespmem:s31], [sflag:$0x1] =	stream.indirect_vreg.gather [hbm4b:s4+s24], $0x80, v50, vm0, $0xb8;
	[tilespmem:$0x18800] =	vst v63  }
0x16b: {  	v50 =	vld [tilespmem:$0xA0];
	_ =	sdelay $0x4  }
0x16c: {  	v59 =	vshrl.u32 v50, $0x3  }
0x16d: {  	v51 =	vmul.u32 $0x18, v59  }
0x16e: {  	v50 =	vand.u32 $0x7, v50  }
0x16f: {  	v50 =	vor.u32 v50, v51  }
0x170: {  	v51 =	vperm.xlane v50, v0;
	_ =	sdelay $0x1  }
0x171: {  	v50 =	vperm.xlane v50, v2;
	v51 =	vadd.s32 v1, v51;
	_ =	sdelay $0x1  }
0x172: {  	v50 =	vadd.s32 v1, v50;
	_ =	sdelay $0x1  }
0x173: {  	s26 =	simm.s32 $0x2400  }
0x174: {  	[tilespmem:s26], [sflag:$0x1] =	stream.indirect_vreg.gather [hbm4b:s4+s24], $0x80, v51, vm0, $0xb8;
	[tilespmem:$0x18800] =	vst v63  }
0x175: {  	s31 =	simm.s32 $0x2C00  }
0x176: {  	[tilespmem:s31], [sflag:$0x1] =	stream.indirect_vreg.gather [hbm4b:s4+s24], $0x80, v50, vm0, $0xb8;
	[tilespmem:$0x18800] =	vst v63  }
0x177: {  	v50 =	vld [tilespmem:$0xB0];
	_ =	sdelay $0x4  }
0x178: {  	v60 =	vshrl.u32 v50, $0x3  }
0x179: {  	v51 =	vmul.u32 $0x18, v60  }
0x17a: {  	v50 =	vand.u32 $0x7, v50  }
0x17b: {  	v50 =	vor.u32 v50, v51  }
0x17c: {  	v51 =	vperm.xlane v50, v0;
	_ =	sdelay $0x1  }
0x17d: {  	v50 =	vperm.xlane v50, v2;
	v51 =	vadd.s32 v1, v51;
	_ =	sdelay $0x1  }
0x17e: {  	v50 =	vadd.s32 v1, v50;
	_ =	sdelay $0x1  }
0x17f: {  	s26 =	simm.s32 $0x3400  }
0x180: {  	[tilespmem:s26], [sflag:$0x1] =	stream.indirect_vreg.gather [hbm4b:s4+s24], $0x80, v51, vm0, $0xb8;
	[tilespmem:$0x18800] =	vst v63  }
0x181: {  	s31 =	simm.s32 $0x3C00  }
0x182: {  	[tilespmem:s31], [sflag:$0x1] =	stream.indirect_vreg.gather [hbm4b:s4+s24], $0x80, v50, vm0, $0xb8;
	[tilespmem:$0x18800] =	vst v63  }
0x183: {  	v50 =	vld [tilespmem:$0x280];
	_ =	sdelay $0x4  }
0x184: {  	v61 =	vshrl.u32 v50, $0x3  }
0x185: {  	v51 =	vmul.u32 $0x18, v61  }
0x186: {  	v50 =	vand.u32 $0x7, v50  }
0x187: {  	v50 =	vor.u32 v50, v51  }
0x188: {  	v51 =	vperm.xlane v50, v0;
	_ =	sdelay $0x1  }
0x189: {  	v50 =	vperm.xlane v50, v2;
	v51 =	vadd.s32 v1, v51;
	_ =	sdelay $0x1  }
0x18a: {  	v50 =	vadd.s32 v1, v50;
	_ =	sdelay $0x1  }
0x18b: {  	s26 =	simm.s32 $0x4400  }
0x18c: {  	[tilespmem:s26], [sflag:$0x1] =	stream.indirect_vreg.gather [hbm4b:s4+s24], $0x80, v51, vm0, $0xb8;
	[tilespmem:$0x18800] =	vst v63  }
0x18d: {  	s31 =	simm.s32 $0x4C00  }
0x18e: {  	[tilespmem:s31], [sflag:$0x1] =	stream.indirect_vreg.gather [hbm4b:s4+s24], $0x80, v50, vm0, $0xb8;
	[tilespmem:$0x18800] =	vst v63  }
0x18f: {  	v50 =	vld [tilespmem:$0x290];
	_ =	sdelay $0x4  }
0x190: {  	v62 =	vshrl.u32 v50, $0x3  }
0x191: {  	v51 =	vmul.u32 $0x18, v62  }
0x192: {  	v50 =	vand.u32 $0x7, v50  }
0x193: {  	v50 =	vor.u32 v50, v51  }
0x194: {  	v51 =	vperm.xlane v50, v0;
	_ =	sdelay $0x1  }
0x195: {  	v50 =	vperm.xlane v50, v2;
	v51 =	vadd.s32 v1, v51;
	_ =	sdelay $0x1  }
0x196: {  	v50 =	vadd.s32 v1, v50;
	_ =	sdelay $0x1  }
0x197: {  	s26 =	simm.s32 $0x5400  }
0x198: {  	[tilespmem:s26], [sflag:$0x1] =	stream.indirect_vreg.gather [hbm4b:s4+s24], $0x80, v51, vm0, $0xb8;
	[tilespmem:$0x18800] =	vst v63  }
0x199: {  	s31 =	simm.s32 $0x5C00  }
0x19a: {  	[tilespmem:s31], [sflag:$0x1] =	stream.indirect_vreg.gather [hbm4b:s4+s24], $0x80, v50, vm0, $0xb8;
	[tilespmem:$0x18800] =	vst v63  }
0x19b: {  	v50 =	vld [tilespmem:$0x2A0];
	_ =	sdelay $0x4  }
0x19c: {  	v63 =	vshrl.u32 v50, $0x3  }
0x19d: {  	v51 =	vmul.u32 $0x18, v63  }
0x19e: {  	v50 =	vand.u32 $0x7, v50  }
0x19f: {  	v50 =	vor.u32 v50, v51  }
0x1a0: {  	v51 =	vperm.xlane v50, v0;
	_ =	sdelay $0x1  }
0x1a1: {  	v50 =	vperm.xlane v50, v2;
	v51 =	vadd.s32 v1, v51;
	_ =	sdelay $0x1  }
0x1a2: {  	v50 =	vadd.s32 v1, v50;
	_ =	sdelay $0x1  }
0x1a3: {  	v31 =	vadd.f32 v37, v31;
	v4 =	vmul.f32 v6, v4;
	s26 =	simm.s32 $0x6400  }
0x1a4: {  	[tilespmem:s26], [sflag:$0x1] =	stream.indirect_vreg.gather [hbm4b:s4+s24], $0x80, v51, vm0, $0xb8;
	[tilespmem:$0x18800] =	vst v63  }
0x1a5: {  	v4 =	vadd.f32 v4, v31;
	v5 =	vmul.f32 v7, v5;
	s31 =	simm.s32 $0x6C00  }
0x1a6: {  	[tilespmem:s31], [sflag:$0x1] =	stream.indirect_vreg.gather [hbm4b:s4+s24], $0x80, v50, vm0, $0xb8;
	[tilespmem:$0x18800] =	vst v63  }
0x1a7: {  	v4 =	vadd.f32 v5, v4;
	v5 =	vmul.f32 v14, v8;
	v6 =	vld [tilespmem:$0x2B0];
	_ =	sdelay $0x1  }
0x1a8: {  	v7 =	vmul.f32 v46, v45;
	v4 =	vadd.f32 v5, v4;
	_ =	sdelay $0x1  }
0x1a9: {  	v4 =	vadd.f32 v7, v4;
	v7 =	vmul.f32 v48, v47  }
0x1aa: {  	v5 =	vshrl.u32 v6, $0x3  }
0x1ab: {  	v4 =	vadd.f32 v7, v4;
	v7 =	vmul.f32 v49, v44;
	v5 =	vmul.u32 $0x18, v5  }
0x1ac: {  	v6 =	vand.u32 $0x7, v6  }
0x1ad: {  	v4 =	vadd.f32 v7, v4;
	v7 =	vmul.f32 v43, v42;
	v5 =	vor.u32 v6, v5  }
0x1ae: {  	v6 =	vperm.xlane v5, v0  }
0x1af: {  	v4 =	vadd.f32 v7, v4  }
0x1b0: {  	v7 =	vmul.f32 v41, v38;
	v5 =	vperm.xlane v5, v2;
	v6 =	vadd.s32 v1, v6;
	_ =	sdelay $0x1  }
0x1b1: {  	v4 =	vadd.f32 v7, v4;
	v7 =	vmul.f32 v39, v34;
	v5 =	vadd.s32 v1, v5;
	_ =	sdelay $0x1  }
0x1b2: {  	v4 =	vadd.f32 v7, v4;
	v7 =	vmul.f32 v40, v35;
	s26 =	simm.s32 $0x7400  }
0x1b3: {  	[tilespmem:s26], [sflag:$0x1] =	stream.indirect_vreg.gather [hbm4b:s4+s24], $0x80, v6, vm0, $0xb8;
	[tilespmem:$0x18800] =	vst v63  }
0x1b4: {  	v4 =	vadd.f32 v7, v4;
	s31 =	simm.s32 $0x7C00;
	v6 =	vmul.f32 v36, v32  }
0x1b5: {  	[tilespmem:s31], [sflag:$0x1] =	stream.indirect_vreg.gather [hbm4b:s4+s24], $0x80, v5, vm0, $0xb8;
	[tilespmem:$0x18800] =	vst v63  }
0x1b6: {  	s26 =	simm.s32 $0x8400;
	v4 =	vadd.f32 v6, v4;
	v5 =	vmul.f32 v33, v29;
	s31 =	simm.s32 $0x80  }
0x1b7: {  	[tilespmem:s26], [sflag:$0x1] =	stream.indirect.gather [hbm4b:s1+s29], $0x80, s31, s29, $0xb8;
	[tilespmem:$0x18800] =	vst v63  }
0x1b8: {  	v4 =	vadd.f32 v5, v4;
	v5 =	vmul.f32 v30, v28;
	s26 =	simm.s32 $0xA400;
	s31 =	simm.s32 $0x280  }
0x1b9: {  	[tilespmem:s26], [sflag:$0x1] =	stream.indirect.gather [hbm4b:s1+s29], $0x80, s31, s29, $0xb8;
	[tilespmem:$0x18800] =	vst v63  }
0x1ba: {  	v4 =	vadd.f32 v5, v4;
	v5 =	vmul.f32 v27, v25;
	_ =	swait.ge [sflag:s11], $0x4000  }
0x1bb: {  	[sflag:s11] =	ssyncset.done $0x0  }
0x1bc: {  	v4 =	vadd.f32 v5, v4;
	v5 =	vmul.f32 v26, v23;
	[sflag:s11] =	ssyncadd.s32 $0xFFFFC000  }
0x1bd: {  	_ =	swait.ge [sflag:s11], $0x4000  }
0x1be: {  	v4 =	vadd.f32 v5, v4;
	v5 =	vmul.f32 v24, v22;
	[sflag:s11] =	ssyncset.done $0x0  }
0x1bf: {  	[sflag:s11] =	ssyncadd.s32 $0xFFFFC000  }
0x1c0: {  	v4 =	vadd.f32 v5, v4;
	v5 =	vmul.f32 v20, v19;
	_ =	swait.ge [sflag:s11], $0x2000  }
0x1c1: {  	[sflag:s11] =	ssyncset.done $0x0  }
0x1c2: {  	v4 =	vadd.f32 v5, v4;
	v5 =	vmul.f32 v21, v15;
	[sflag:s11] =	ssyncadd.s32 $0xFFFFE000  }
0x1c3: {  	_ =	swait.ge [sflag:s11], $0x2000  }
0x1c4: {  	s26 =	sand.u32 $0x3800, s24;
	s24 =	sand.u32 $0x380, s24;
	v4 =	vadd.f32 v5, v4;
	v5 =	vmul.f32 v16, v9;
	[sflag:s11] =	ssyncset.done $0x0  }
0x1c5: {  	s25 =	sor.u32 s24, s26;
	[sflag:s11] =	ssyncadd.s32 $0xFFFFE000  }
0x1c6: {  	v4 =	vadd.f32 v5, v4;
	v5 =	vmul.f32 v17, v10;
	v6 =	vld [tilespmem:s25+$0xC400]  }
0x1c7: {  	v7 =	vld [tilespmem:s25+$0x10400]  }
0x1c8: {  	v8 =	vld [tilespmem:s25+$0xC410];
	v4 =	vadd.f32 v5, v4;
	v5 =	vmul.f32 v18, v12  }
0x1c9: {  	v9 =	vld [tilespmem:s25+$0x10410]  }
0x1ca: {  	v10 =	vld [tilespmem:s25+$0xC420];
	v4 =	vadd.f32 v5, v4;
	v5 =	vmul.f32 v13, v11  }
0x1cb: {  	v11 =	vld [tilespmem:s25+$0x10420]  }
0x1cc: {  	v12 =	vld [tilespmem:s25+$0xC430];
	v4 =	vadd.f32 v5, v4;
	v5 =	vmul.f32 v7, v6  }
0x1cd: {  	v6 =	vld [tilespmem:s25+$0x10430]  }
0x1ce: {  	v7 =	vld [tilespmem:s25+$0xC440];
	v4 =	vadd.f32 v5, v4;
	v5 =	vmul.f32 v9, v8  }
0x1cf: {  	v8 =	vld [tilespmem:s25+$0x10440]  }
0x1d0: {  	v9 =	vld [tilespmem:s25+$0xC450];
	v4 =	vadd.f32 v5, v4;
	v5 =	vmul.f32 v11, v10  }
0x1d1: {  	v10 =	vld [tilespmem:s25+$0x10450]  }
0x1d2: {  	v11 =	vld [tilespmem:s25+$0xC460];
	v4 =	vadd.f32 v5, v4;
	v5 =	vmul.f32 v6, v12  }
0x1d3: {  	v6 =	vld [tilespmem:s25+$0x10460]  }
0x1d4: {  	v12 =	vld [tilespmem:s25+$0xC470];
	v4 =	vadd.f32 v5, v4;
	v5 =	vmul.f32 v8, v7  }
0x1d5: {  	v7 =	vld [tilespmem:s25+$0x10470]  }
0x1d6: {  	v8 =	vld [tilespmem:s25+$0xC800];
	v4 =	vadd.f32 v5, v4;
	v5 =	vmul.f32 v10, v9  }
0x1d7: {  	v9 =	vld [tilespmem:s25+$0x10800]  }
0x1d8: {  	v10 =	vld [tilespmem:s25+$0xC810];
	v4 =	vadd.f32 v5, v4;
	v5 =	vmul.f32 v6, v11  }
0x1d9: {  	v6 =	vld [tilespmem:s25+$0x10810]  }
0x1da: {  	v11 =	vld [tilespmem:s25+$0xC820];
	v4 =	vadd.f32 v5, v4;
	v5 =	vmul.f32 v7, v12  }
0x1db: {  	v7 =	vld [tilespmem:s25+$0x10820]  }
0x1dc: {  	v12 =	vld [tilespmem:s25+$0xC830];
	v4 =	vadd.f32 v5, v4;
	v5 =	vmul.f32 v9, v8  }
0x1dd: {  	v8 =	vld [tilespmem:s25+$0x10830]  }
0x1de: {  	v9 =	vld [tilespmem:s25+$0xC840];
	v4 =	vadd.f32 v5, v4;
	v5 =	vmul.f32 v6, v10  }
0x1df: {  	v6 =	vld [tilespmem:s25+$0x10840]  }
0x1e0: {  	v10 =	vld [tilespmem:s25+$0xC850];
	v4 =	vadd.f32 v5, v4;
	v5 =	vmul.f32 v7, v11  }
0x1e1: {  	v7 =	vld [tilespmem:s25+$0x10850]  }
0x1e2: {  	v11 =	vld [tilespmem:s25+$0xC860];
	v4 =	vadd.f32 v5, v4;
	v5 =	vmul.f32 v8, v12  }
0x1e3: {  	v8 =	vld [tilespmem:s25+$0x10860]  }
0x1e4: {  	v12 =	vld [tilespmem:s25+$0xC870];
	v6 =	vmul.f32 v6, v9;
	v5 =	vadd.f32 v5, v4  }
0x1e5: {  	s24 =	simm.s32 $0x14420;
	v9 =	vld [tilespmem:s25+$0x10870]  }
0x1e6: {  	s25 =	simm.s32 $0x16410;
	v4 =	vld [tilespmem:s24+$0xFFFFFFE0];
	v7 =	vmul.f32 v7, v10;
	v13 =	vadd.f32 v6, v5  }
0x1e7: {  	v6 =	vld [tilespmem:s25+$0xFFFFFFF0]  }
0x1e8: {  	v5 =	vld [tilespmem:s24+$0xFFFFFFF0];
	v11 =	vmul.f32 v8, v11;
	v10 =	vadd.f32 v7, v13  }
0x1e9: {  	s28 =	simm.s32 $0x80;
	s31 =	simm.s32 $0x100;
	v7 =	vld [tilespmem:s25+$0x0]  }
0x1ea: {  	s30 =	sand.u32 $0x380, s28;
	s26 =	sand.u32 $0x3800, s31;
	v14 =	vld [tilespmem:s25+$0x10];
	v37 =	vmul.f32 v9, v12;
	v31 =	vadd.f32 v11, v10  }
0x1eb: {  	s26 =	sor.u32 s30, s26;
	s30 =	simm.s32 $0x200;
	v8 =	vld [tilespmem:s24+$0x0]  }
.LBB2_4:
0x1ec: {  	p0 =	sne.s32 s30, $0x3F00;
	v9 =	vld [tilespmem:s26+$0xC400];
	v10 =	vadd.f32 v37, v31;
	v4 =	vmul.f32 v6, v4  }
0x1ed: {  	v6 =	vld [tilespmem:s26+$0x10400]  }
0x1ee: {  	v11 =	vld [tilespmem:s26+$0xC410];
	v4 =	vadd.f32 v4, v10;
	v5 =	vmul.f32 v7, v5  }
0x1ef: {  	v7 =	vld [tilespmem:s26+$0x10410]  }
0x1f0: {  	v10 =	vld [tilespmem:s26+$0xC420];
	v4 =	vadd.f32 v5, v4;
	v5 =	vmul.f32 v14, v8  }
0x1f1: {  	v8 =	vld [tilespmem:s26+$0x10420]  }
0x1f2: {  	v6 =	vmul.f32 v6, v9;
	v9 =	vld [tilespmem:s26+$0xC430];
	v4 =	vadd.f32 v5, v4  }
0x1f3: {  	v5 =	vld [tilespmem:s26+$0x10430]  }
0x1f4: {  	v4 =	vadd.f32 v6, v4;
	v6 =	vmul.f32 v7, v11;
	v7 =	vld [tilespmem:s26+$0xC440]  }
0x1f5: {  	v11 =	vld [tilespmem:s26+$0x10440]  }
0x1f6: {  	v4 =	vadd.f32 v6, v4;
	v6 =	vmul.f32 v8, v10;
	v8 =	vld [tilespmem:s26+$0xC450]  }
0x1f7: {  	v10 =	vld [tilespmem:s26+$0x10450]  }
0x1f8: {  	v4 =	vadd.f32 v6, v4;
	v5 =	vmul.f32 v5, v9;
	v6 =	vld [tilespmem:s26+$0xC460]  }
0x1f9: {  	v9 =	vld [tilespmem:s26+$0x10460]  }
0x1fa: {  	v4 =	vadd.f32 v5, v4;
	v5 =	vmul.f32 v11, v7;
	v7 =	vld [tilespmem:s26+$0xC470]  }
0x1fb: {  	v11 =	vld [tilespmem:s26+$0x10470]  }
0x1fc: {  	v4 =	vadd.f32 v5, v4;
	v5 =	vmul.f32 v10, v8;
	v8 =	vld [tilespmem:s26+$0xC800]  }
0x1fd: {  	v10 =	vld [tilespmem:s26+$0x10800]  }
0x1fe: {  	v4 =	vadd.f32 v5, v4;
	v5 =	vmul.f32 v9, v6;
	v6 =	vld [tilespmem:s26+$0xC810]  }
0x1ff: {  	v9 =	vld [tilespmem:s26+$0x10810]  }
0x200: {  	v4 =	vadd.f32 v5, v4;
	v5 =	vmul.f32 v11, v7;
	v7 =	vld [tilespmem:s26+$0xC820]  }
0x201: {  	v11 =	vld [tilespmem:s26+$0x10820]  }
0x202: {  	v4 =	vadd.f32 v5, v4;
	v5 =	vmul.f32 v10, v8;
	v8 =	vld [tilespmem:s26+$0xC830]  }
0x203: {  	v10 =	vld [tilespmem:s26+$0x10830]  }
0x204: {  	v4 =	vadd.f32 v5, v4;
	v5 =	vmul.f32 v9, v6;
	v6 =	vld [tilespmem:s26+$0xC840]  }
0x205: {  	v9 =	vld [tilespmem:s26+$0x10840]  }
0x206: {  	v4 =	vadd.f32 v5, v4;
	v5 =	vmul.f32 v11, v7;
	v7 =	vld [tilespmem:s26+$0xC850]  }
0x207: {  	v11 =	vld [tilespmem:s26+$0x10850]  }
0x208: {  	v4 =	vadd.f32 v5, v4;
	v5 =	vmul.f32 v10, v8;
	v8 =	vld [tilespmem:s26+$0xC860]  }
0x209: {  	v10 =	vld [tilespmem:s26+$0x10860]  }
0x20a: {  	v4 =	vadd.f32 v5, v4;
	v5 =	vmul.f32 v9, v6;
	v9 =	vld [tilespmem:s26+$0xC870]  }
0x20b: {  	s24 =	sadd.s32 $0x80, s24;
	v12 =	vld [tilespmem:s26+$0x10870]  }
0x20c: {  	s25 =	sadd.s32 $0x80, s25;
	v5 =	vadd.f32 v5, v4;
	v7 =	vmul.f32 v11, v7;
	v4 =	vld [tilespmem:s24+$0xFFFFFFE0]  }
.Ltmp1:
0x20d: {  	v6 =	vld [tilespmem:s25+$0xFFFFFFF0];
	(pc) =	sbr.rel @p0 .LBB2_4-.Ltmp1, $4  }
0x20e: {  	v11 =	vadd.f32 v7, v5;
	v8 =	vmul.f32 v10, v8;
	v5 =	vld [tilespmem:s24+$0xFFFFFFF0]  }
0x20f: {  	s28 =	sadd.s32 $0x80, s28;
	v7 =	vld [tilespmem:s25+$0x0]  }
0x210: {  	s31 =	sand.u32 $0x380, s28;
	s26 =	sand.u32 $0x3800, s30;
	v31 =	vadd.f32 v8, v11;
	v37 =	vmul.f32 v12, v9;
	v8 =	vld [tilespmem:s24+$0x0]  }
0x211: {  	s30 =	sadd.s32 $0x100, s30;
	s26 =	sor.u32 s31, s26;
	v14 =	vld [tilespmem:s25+$0x10]  }
0x212: {  	v45 =	vld [tilespmem:s26+$0xC400]  }
0x213: {  	v46 =	vld [tilespmem:s26+$0x10400]  }
0x214: {  	v47 =	vld [tilespmem:s26+$0xC410]  }
0x215: {  	v48 =	vld [tilespmem:s26+$0x10410]  }
0x216: {  	v44 =	vld [tilespmem:s26+$0xC420]  }
0x217: {  	v49 =	vld [tilespmem:s26+$0x10420]  }
0x218: {  	v42 =	vld [tilespmem:s26+$0xC430]  }
0x219: {  	v43 =	vld [tilespmem:s26+$0x10430]  }
0x21a: {  	v38 =	vld [tilespmem:s26+$0xC440]  }
0x21b: {  	v41 =	vld [tilespmem:s26+$0x10440]  }
0x21c: {  	v34 =	vld [tilespmem:s26+$0xC450]  }
0x21d: {  	v39 =	vld [tilespmem:s26+$0x10450]  }
0x21e: {  	v35 =	vld [tilespmem:s26+$0xC460]  }
0x21f: {  	v40 =	vld [tilespmem:s26+$0x10460]  }
0x220: {  	v32 =	vld [tilespmem:s26+$0xC470]  }
0x221: {  	v36 =	vld [tilespmem:s26+$0x10470]  }
0x222: {  	v29 =	vld [tilespmem:s26+$0xC800]  }
0x223: {  	v33 =	vld [tilespmem:s26+$0x10800]  }
0x224: {  	v28 =	vld [tilespmem:s26+$0xC810]  }
0x225: {  	v30 =	vld [tilespmem:s26+$0x10810]  }
0x226: {  	v25 =	vld [tilespmem:s26+$0xC820]  }
0x227: {  	v27 =	vld [tilespmem:s26+$0x10820]  }
0x228: {  	v9 =	vld [tilespmem:$0xC0]  }
0x229: {  	v23 =	vld [tilespmem:s26+$0xC830]  }
0x22a: {  	v26 =	vld [tilespmem:s26+$0x10830]  }
0x22b: {  	v22 =	vld [tilespmem:s26+$0xC840]  }
0x22c: {  	v24 =	vld [tilespmem:s26+$0x10840]  }
0x22d: {  	v19 =	vld [tilespmem:s26+$0xC850];
	v10 =	vshrl.u32 v9, $0x3  }
0x22e: {  	v20 =	vld [tilespmem:s26+$0x10850];
	v10 =	vmul.u32 $0x18, v10  }
0x22f: {  	v15 =	vld [tilespmem:s26+$0xC860];
	v11 =	vand.u32 $0x7, v9  }
0x230: {  	v21 =	vld [tilespmem:s26+$0x10860];
	v11 =	vor.u32 v11, v10  }
0x231: {  	v16 =	vld [tilespmem:s26+$0x10870];
	s25 =	sadd.s32 $0x80, s25;
	v12 =	vperm.xlane v11, v0  }
0x232: {  	v17 =	vld [tilespmem:s25+$0xFFFFFFF0]  }
0x233: {  	v18 =	vld [tilespmem:s25+$0x0];
	v11 =	vperm.xlane v11, v2;
	v50 =	vadd.s32 v1, v12  }
0x234: {  	s24 =	sadd.s32 $0x80, s24;
	v13 =	vld [tilespmem:s25+$0x10]  }
0x235: {  	v10 =	vld [tilespmem:s24+$0xFFFFFFE0];
	v51 =	vadd.s32 v1, v11  }
0x236: {  	v12 =	vld [tilespmem:s24+$0xFFFFFFF0]  }
0x237: {  	v11 =	vld [tilespmem:s24+$0x0];
	s24 =	simm.s32 $0x0  }
0x238: {  	v9 =	vld [tilespmem:s26+$0xC870];
	[tilespmem:s0], [sflag:$0x2] =	stream.indirect_vreg.gather [hbm4b:s4+s24], $0x80, v50, vm0, $0xb8  }
0x239: {  	_ = 	snop  }
0x23a: {  	[tilespmem:s2], [sflag:$0x2] =	stream.indirect_vreg.gather [hbm4b:s4+s24], $0x80, v51, vm0, $0xb8;
	[tilespmem:$0x18800] =	vst v63  }
0x23b: {  	v50 =	vld [tilespmem:$0xD0];
	_ =	sdelay $0x4  }
0x23c: {  	v58 =	vshrl.u32 v50, $0x3  }
0x23d: {  	v51 =	vmul.u32 $0x18, v58  }
0x23e: {  	v50 =	vand.u32 $0x7, v50  }
0x23f: {  	v50 =	vor.u32 v50, v51  }
0x240: {  	v51 =	vperm.xlane v50, v0;
	_ =	sdelay $0x1  }
0x241: {  	v50 =	vperm.xlane v50, v2;
	v51 =	vadd.s32 v1, v51;
	_ =	sdelay $0x1  }
0x242: {  	v50 =	vadd.s32 v1, v50;
	_ =	sdelay $0x2  }
0x243: {  	[tilespmem:s9], [sflag:$0x2] =	stream.indirect_vreg.gather [hbm4b:s4+s24], $0x80, v51, vm0, $0xb8;
	[tilespmem:$0x18800] =	vst v63  }
0x244: {  	_ = 	snop  }
0x245: {  	[tilespmem:s5], [sflag:$0x2] =	stream.indirect_vreg.gather [hbm4b:s4+s24], $0x80, v50, vm0, $0xb8;
	[tilespmem:$0x18800] =	vst v63  }
0x246: {  	v50 =	vld [tilespmem:$0xE0];
	_ =	sdelay $0x4  }
0x247: {  	v59 =	vshrl.u32 v50, $0x3  }
0x248: {  	v51 =	vmul.u32 $0x18, v59  }
0x249: {  	v50 =	vand.u32 $0x7, v50  }
0x24a: {  	v50 =	vor.u32 v50, v51  }
0x24b: {  	v51 =	vperm.xlane v50, v0;
	_ =	sdelay $0x1  }
0x24c: {  	v50 =	vperm.xlane v50, v2;
	v51 =	vadd.s32 v1, v51;
	_ =	sdelay $0x1  }
0x24d: {  	v50 =	vadd.s32 v1, v50;
	_ =	sdelay $0x2  }
0x24e: {  	[tilespmem:s6], [sflag:$0x2] =	stream.indirect_vreg.gather [hbm4b:s4+s24], $0x80, v51, vm0, $0xb8;
	[tilespmem:$0x18800] =	vst v63  }
0x24f: {  	_ = 	snop  }
0x250: {  	[tilespmem:s7], [sflag:$0x2] =	stream.indirect_vreg.gather [hbm4b:s4+s24], $0x80, v50, vm0, $0xb8;
	[tilespmem:$0x18800] =	vst v63  }
0x251: {  	v50 =	vld [tilespmem:$0xF0];
	_ =	sdelay $0x4  }
0x252: {  	v60 =	vshrl.u32 v50, $0x3  }
0x253: {  	v51 =	vmul.u32 $0x18, v60  }
0x254: {  	v50 =	vand.u32 $0x7, v50  }
0x255: {  	v50 =	vor.u32 v50, v51  }
0x256: {  	v51 =	vperm.xlane v50, v0;
	_ =	sdelay $0x1  }
0x257: {  	v50 =	vperm.xlane v50, v2;
	v51 =	vadd.s32 v1, v51;
	_ =	sdelay $0x1  }
0x258: {  	v50 =	vadd.s32 v1, v50;
	_ =	sdelay $0x2  }
0x259: {  	[tilespmem:s8], [sflag:$0x2] =	stream.indirect_vreg.gather [hbm4b:s4+s24], $0x80, v51, vm0, $0xb8;
	[tilespmem:$0x18800] =	vst v63  }
0x25a: {  	_ = 	snop  }
0x25b: {  	[tilespmem:s12], [sflag:$0x2] =	stream.indirect_vreg.gather [hbm4b:s4+s24], $0x80, v50, vm0, $0xb8;
	[tilespmem:$0x18800] =	vst v63  }
0x25c: {  	v50 =	vld [tilespmem:$0x2C0];
	_ =	sdelay $0x4  }
0x25d: {  	v61 =	vshrl.u32 v50, $0x3  }
0x25e: {  	v51 =	vmul.u32 $0x18, v61  }
0x25f: {  	v50 =	vand.u32 $0x7, v50  }
0x260: {  	v50 =	vor.u32 v50, v51  }
0x261: {  	v51 =	vperm.xlane v50, v0;
	_ =	sdelay $0x1  }
0x262: {  	v50 =	vperm.xlane v50, v2;
	v51 =	vadd.s32 v1, v51;
	_ =	sdelay $0x1  }
0x263: {  	v50 =	vadd.s32 v1, v50;
	_ =	sdelay $0x2  }
0x264: {  	[tilespmem:s13], [sflag:$0x2] =	stream.indirect_vreg.gather [hbm4b:s4+s24], $0x80, v51, vm0, $0xb8;
	[tilespmem:$0x18800] =	vst v63  }
0x265: {  	_ = 	snop  }
0x266: {  	[tilespmem:s14], [sflag:$0x2] =	stream.indirect_vreg.gather [hbm4b:s4+s24], $0x80, v50, vm0, $0xb8;
	[tilespmem:$0x18800] =	vst v63  }
0x267: {  	v50 =	vld [tilespmem:$0x2D0];
	_ =	sdelay $0x4  }
0x268: {  	v62 =	vshrl.u32 v50, $0x3  }
0x269: {  	v51 =	vmul.u32 $0x18, v62  }
0x26a: {  	v50 =	vand.u32 $0x7, v50  }
0x26b: {  	v50 =	vor.u32 v50, v51  }
0x26c: {  	v51 =	vperm.xlane v50, v0;
	_ =	sdelay $0x1  }
0x26d: {  	v50 =	vperm.xlane v50, v2;
	v51 =	vadd.s32 v1, v51;
	_ =	sdelay $0x1  }
0x26e: {  	v50 =	vadd.s32 v1, v50;
	_ =	sdelay $0x2  }
0x26f: {  	[tilespmem:s15], [sflag:$0x2] =	stream.indirect_vreg.gather [hbm4b:s4+s24], $0x80, v51, vm0, $0xb8;
	[tilespmem:$0x18800] =	vst v63  }
0x270: {  	_ = 	snop  }
0x271: {  	[tilespmem:s16], [sflag:$0x2] =	stream.indirect_vreg.gather [hbm4b:s4+s24], $0x80, v50, vm0, $0xb8;
	[tilespmem:$0x18800] =	vst v63  }
0x272: {  	v50 =	vld [tilespmem:$0x2E0];
	_ =	sdelay $0x4  }
0x273: {  	v63 =	vshrl.u32 v50, $0x3  }
0x274: {  	v51 =	vmul.u32 $0x18, v63  }
0x275: {  	v50 =	vand.u32 $0x7, v50  }
0x276: {  	v50 =	vor.u32 v50, v51  }
0x277: {  	v51 =	vperm.xlane v50, v0;
	_ =	sdelay $0x1  }
0x278: {  	v50 =	vperm.xlane v50, v2;
	v51 =	vadd.s32 v1, v51;
	_ =	sdelay $0x1  }
0x279: {  	v50 =	vadd.s32 v1, v50;
	_ =	sdelay $0x1  }
0x27a: {  	v31 =	vadd.f32 v37, v31;
	v4 =	vmul.f32 v6, v4  }
0x27b: {  	[tilespmem:s17], [sflag:$0x2] =	stream.indirect_vreg.gather [hbm4b:s4+s24], $0x80, v51, vm0, $0xb8;
	[tilespmem:$0x18800] =	vst v63  }
0x27c: {  	v4 =	vadd.f32 v4, v31;
	v5 =	vmul.f32 v7, v5  }
0x27d: {  	[tilespmem:s18], [sflag:$0x2] =	stream.indirect_vreg.gather [hbm4b:s4+s24], $0x80, v50, vm0, $0xb8;
	[tilespmem:$0x18800] =	vst v63  }
0x27e: {  	v4 =	vadd.f32 v5, v4;
	v5 =	vmul.f32 v14, v8;
	v6 =	vld [tilespmem:$0x2F0];
	_ =	sdelay $0x1  }
0x27f: {  	v7 =	vmul.f32 v46, v45;
	v4 =	vadd.f32 v5, v4;
	_ =	sdelay $0x1  }
0x280: {  	v4 =	vadd.f32 v7, v4;
	v7 =	vmul.f32 v48, v47  }
0x281: {  	v5 =	vshrl.u32 v6, $0x3  }
0x282: {  	v4 =	vadd.f32 v7, v4;
	v7 =	vmul.f32 v49, v44;
	v5 =	vmul.u32 $0x18, v5  }
0x283: {  	v6 =	vand.u32 $0x7, v6  }
0x284: {  	v4 =	vadd.f32 v7, v4;
	v7 =	vmul.f32 v43, v42;
	v5 =	vor.u32 v6, v5  }
0x285: {  	v6 =	vperm.xlane v5, v0  }
0x286: {  	v4 =	vadd.f32 v7, v4  }
0x287: {  	v7 =	vmul.f32 v41, v38;
	v5 =	vperm.xlane v5, v2;
	v6 =	vadd.s32 v1, v6;
	_ =	sdelay $0x1  }
0x288: {  	v4 =	vadd.f32 v7, v4;
	v7 =	vmul.f32 v39, v34;
	v5 =	vadd.s32 v1, v5;
	_ =	sdelay $0x1  }
0x289: {  	v4 =	vadd.f32 v7, v4;
	v7 =	vmul.f32 v40, v35  }
0x28a: {  	[tilespmem:s19], [sflag:$0x2] =	stream.indirect_vreg.gather [hbm4b:s4+s24], $0x80, v6, vm0, $0xb8;
	[tilespmem:$0x18800] =	vst v63  }
0x28b: {  	v4 =	vadd.f32 v7, v4;
	v6 =	vmul.f32 v36, v32  }
0x28c: {  	[tilespmem:s20], [sflag:$0x2] =	stream.indirect_vreg.gather [hbm4b:s4+s24], $0x80, v5, vm0, $0xb8;
	[tilespmem:$0x18800] =	vst v63  }
0x28d: {  	s26 =	simm.s32 $0xC0;
	v4 =	vadd.f32 v6, v4;
	v5 =	vmul.f32 v33, v29  }
0x28e: {  	[tilespmem:s21], [sflag:$0x2] =	stream.indirect.gather [hbm4b:s1+s29], $0x80, s26, s29, $0xb8;
	[tilespmem:$0x18800] =	vst v63  }
0x28f: {  	s31 =	simm.s32 $0x2C0;
	v4 =	vadd.f32 v5, v4;
	v5 =	vmul.f32 v30, v28  }
0x290: {  	[tilespmem:s22], [sflag:$0x2] =	stream.indirect.gather [hbm4b:s1+s29], $0x80, s31, s29, $0xb8;
	[tilespmem:$0x18800] =	vst v63  }
0x291: {  	v4 =	vadd.f32 v5, v4;
	v5 =	vmul.f32 v27, v25;
	_ =	swait.ge [sflag:s10], $0x4000  }
0x292: {  	[sflag:s10] =	ssyncset.done $0x0  }
0x293: {  	v4 =	vadd.f32 v5, v4;
	v5 =	vmul.f32 v26, v23;
	[sflag:s10] =	ssyncadd.s32 $0xFFFFC000  }
0x294: {  	_ =	swait.ge [sflag:s10], $0x4000  }
0x295: {  	v4 =	vadd.f32 v5, v4;
	v5 =	vmul.f32 v24, v22;
	[sflag:s10] =	ssyncset.done $0x0  }
0x296: {  	[sflag:s10] =	ssyncadd.s32 $0xFFFFC000  }
0x297: {  	v4 =	vadd.f32 v5, v4;
	v5 =	vmul.f32 v20, v19;
	_ =	swait.ge [sflag:s10], $0x2000  }
0x298: {  	[sflag:s10] =	ssyncset.done $0x0  }
0x299: {  	v4 =	vadd.f32 v5, v4;
	v5 =	vmul.f32 v21, v15;
	[sflag:s10] =	ssyncadd.s32 $0xFFFFE000  }
0x29a: {  	_ =	swait.ge [sflag:s10], $0x2000  }
0x29b: {  	s26 =	sand.u32 $0x3800, s24;
	s24 =	sand.u32 $0x380, s24;
	v4 =	vadd.f32 v5, v4;
	v5 =	vmul.f32 v16, v9;
	[sflag:s10] =	ssyncset.done $0x0  }
0x29c: {  	s25 =	sor.u32 s24, s26;
	[sflag:s10] =	ssyncadd.s32 $0xFFFFE000  }
0x29d: {  	v4 =	vadd.f32 v5, v4;
	v5 =	vmul.f32 v17, v10;
	v6 =	vld [tilespmem:s25+$0x400]  }
0x29e: {  	v7 =	vld [tilespmem:s25+$0x4400]  }
0x29f: {  	v8 =	vld [tilespmem:s25+$0x410];
	v4 =	vadd.f32 v5, v4;
	v5 =	vmul.f32 v18, v12  }
0x2a0: {  	v9 =	vld [tilespmem:s25+$0x4410]  }
0x2a1: {  	v10 =	vld [tilespmem:s25+$0x420];
	v4 =	vadd.f32 v5, v4;
	v5 =	vmul.f32 v13, v11  }
0x2a2: {  	v11 =	vld [tilespmem:s25+$0x4420]  }
0x2a3: {  	v12 =	vld [tilespmem:s25+$0x430];
	v4 =	vadd.f32 v5, v4;
	v5 =	vmul.f32 v7, v6  }
0x2a4: {  	v6 =	vld [tilespmem:s25+$0x4430]  }
0x2a5: {  	v7 =	vld [tilespmem:s25+$0x440];
	v4 =	vadd.f32 v5, v4;
	v5 =	vmul.f32 v9, v8  }
0x2a6: {  	v8 =	vld [tilespmem:s25+$0x4440]  }
0x2a7: {  	v9 =	vld [tilespmem:s25+$0x450];
	v4 =	vadd.f32 v5, v4;
	v5 =	vmul.f32 v11, v10  }
0x2a8: {  	v10 =	vld [tilespmem:s25+$0x4450]  }
0x2a9: {  	v11 =	vld [tilespmem:s25+$0x460];
	v4 =	vadd.f32 v5, v4;
	v5 =	vmul.f32 v6, v12  }
0x2aa: {  	v6 =	vld [tilespmem:s25+$0x4460]  }
0x2ab: {  	v12 =	vld [tilespmem:s25+$0x470];
	v4 =	vadd.f32 v5, v4;
	v5 =	vmul.f32 v8, v7  }
0x2ac: {  	v7 =	vld [tilespmem:s25+$0x4470]  }
0x2ad: {  	v8 =	vld [tilespmem:s25+$0x800];
	v4 =	vadd.f32 v5, v4;
	v5 =	vmul.f32 v10, v9  }
0x2ae: {  	v9 =	vld [tilespmem:s25+$0x4800]  }
0x2af: {  	v10 =	vld [tilespmem:s25+$0x810];
	v4 =	vadd.f32 v5, v4;
	v5 =	vmul.f32 v6, v11  }
0x2b0: {  	v6 =	vld [tilespmem:s25+$0x4810]  }
0x2b1: {  	v11 =	vld [tilespmem:s25+$0x820];
	v4 =	vadd.f32 v5, v4;
	v5 =	vmul.f32 v7, v12  }
0x2b2: {  	v7 =	vld [tilespmem:s25+$0x4820]  }
0x2b3: {  	v12 =	vld [tilespmem:s25+$0x830];
	v4 =	vadd.f32 v5, v4;
	v5 =	vmul.f32 v9, v8  }
0x2b4: {  	v8 =	vld [tilespmem:s25+$0x4830]  }
0x2b5: {  	v9 =	vld [tilespmem:s25+$0x840];
	v4 =	vadd.f32 v5, v4;
	v5 =	vmul.f32 v6, v10  }
0x2b6: {  	v6 =	vld [tilespmem:s25+$0x4840]  }
0x2b7: {  	v10 =	vld [tilespmem:s25+$0x850];
	v4 =	vadd.f32 v5, v4;
	v5 =	vmul.f32 v7, v11  }
0x2b8: {  	v7 =	vld [tilespmem:s25+$0x4850]  }
0x2b9: {  	v11 =	vld [tilespmem:s25+$0x860];
	v4 =	vadd.f32 v5, v4;
	v5 =	vmul.f32 v8, v12  }
0x2ba: {  	v8 =	vld [tilespmem:s25+$0x4860]  }
0x2bb: {  	v12 =	vld [tilespmem:s25+$0x870];
	v6 =	vmul.f32 v6, v9;
	v5 =	vadd.f32 v5, v4  }
0x2bc: {  	s24 =	simm.s32 $0x8420;
	v9 =	vld [tilespmem:s25+$0x4870]  }
0x2bd: {  	s25 =	simm.s32 $0xA410;
	v4 =	vld [tilespmem:s24+$0xFFFFFFE0];
	v7 =	vmul.f32 v7, v10;
	v13 =	vadd.f32 v6, v5  }
0x2be: {  	v6 =	vld [tilespmem:s25+$0xFFFFFFF0]  }
0x2bf: {  	v5 =	vld [tilespmem:s24+$0xFFFFFFF0];
	v11 =	vmul.f32 v8, v11;
	v10 =	vadd.f32 v7, v13  }
0x2c0: {  	s28 =	simm.s32 $0x80;
	s31 =	simm.s32 $0x100;
	v7 =	vld [tilespmem:s25+$0x0]  }
0x2c1: {  	s30 =	sand.u32 $0x380, s28;
	s26 =	sand.u32 $0x3800, s31;
	v14 =	vld [tilespmem:s25+$0x10];
	v37 =	vmul.f32 v9, v12;
	v31 =	vadd.f32 v11, v10  }
0x2c2: {  	s26 =	sor.u32 s30, s26;
	s30 =	simm.s32 $0x200;
	v8 =	vld [tilespmem:s24+$0x0]  }
.LBB2_6:
0x2c3: {  	p0 =	sne.s32 s30, $0x3F00;
	v9 =	vld [tilespmem:s26+$0x400];
	v10 =	vadd.f32 v37, v31;
	v4 =	vmul.f32 v6, v4  }
0x2c4: {  	v6 =	vld [tilespmem:s26+$0x4400]  }
0x2c5: {  	v11 =	vld [tilespmem:s26+$0x410];
	v4 =	vadd.f32 v4, v10;
	v5 =	vmul.f32 v7, v5  }
0x2c6: {  	v7 =	vld [tilespmem:s26+$0x4410]  }
0x2c7: {  	v10 =	vld [tilespmem:s26+$0x420];
	v4 =	vadd.f32 v5, v4;
	v5 =	vmul.f32 v14, v8  }
0x2c8: {  	v8 =	vld [tilespmem:s26+$0x4420]  }
0x2c9: {  	v6 =	vmul.f32 v6, v9;
	v9 =	vld [tilespmem:s26+$0x430];
	v4 =	vadd.f32 v5, v4  }
0x2ca: {  	v5 =	vld [tilespmem:s26+$0x4430]  }
0x2cb: {  	v4 =	vadd.f32 v6, v4;
	v6 =	vmul.f32 v7, v11;
	v7 =	vld [tilespmem:s26+$0x440]  }
0x2cc: {  	v11 =	vld [tilespmem:s26+$0x4440]  }
0x2cd: {  	v4 =	vadd.f32 v6, v4;
	v6 =	vmul.f32 v8, v10;
	v8 =	vld [tilespmem:s26+$0x450]  }
0x2ce: {  	v10 =	vld [tilespmem:s26+$0x4450]  }
0x2cf: {  	v4 =	vadd.f32 v6, v4;
	v5 =	vmul.f32 v5, v9;
	v6 =	vld [tilespmem:s26+$0x460]  }
0x2d0: {  	v9 =	vld [tilespmem:s26+$0x4460]  }
0x2d1: {  	v4 =	vadd.f32 v5, v4;
	v5 =	vmul.f32 v11, v7;
	v7 =	vld [tilespmem:s26+$0x470]  }
0x2d2: {  	v11 =	vld [tilespmem:s26+$0x4470]  }
0x2d3: {  	v4 =	vadd.f32 v5, v4;
	v5 =	vmul.f32 v10, v8;
	v8 =	vld [tilespmem:s26+$0x800]  }
0x2d4: {  	v10 =	vld [tilespmem:s26+$0x4800]  }
0x2d5: {  	v4 =	vadd.f32 v5, v4;
	v5 =	vmul.f32 v9, v6;
	v6 =	vld [tilespmem:s26+$0x810]  }
0x2d6: {  	v9 =	vld [tilespmem:s26+$0x4810]  }
0x2d7: {  	v4 =	vadd.f32 v5, v4;
	v5 =	vmul.f32 v11, v7;
	v7 =	vld [tilespmem:s26+$0x820]  }
0x2d8: {  	v11 =	vld [tilespmem:s26+$0x4820]  }
0x2d9: {  	v4 =	vadd.f32 v5, v4;
	v5 =	vmul.f32 v10, v8;
	v8 =	vld [tilespmem:s26+$0x830]  }
0x2da: {  	v10 =	vld [tilespmem:s26+$0x4830]  }
0x2db: {  	v4 =	vadd.f32 v5, v4;
	v5 =	vmul.f32 v9, v6;
	v6 =	vld [tilespmem:s26+$0x840]  }
0x2dc: {  	v9 =	vld [tilespmem:s26+$0x4840]  }
0x2dd: {  	v4 =	vadd.f32 v5, v4;
	v5 =	vmul.f32 v11, v7;
	v7 =	vld [tilespmem:s26+$0x850]  }
0x2de: {  	v11 =	vld [tilespmem:s26+$0x4850]  }
0x2df: {  	v4 =	vadd.f32 v5, v4;
	v5 =	vmul.f32 v10, v8;
	v8 =	vld [tilespmem:s26+$0x860]  }
0x2e0: {  	v10 =	vld [tilespmem:s26+$0x4860]  }
0x2e1: {  	v4 =	vadd.f32 v5, v4;
	v5 =	vmul.f32 v9, v6;
	v9 =	vld [tilespmem:s26+$0x870]  }
0x2e2: {  	s24 =	sadd.s32 $0x80, s24;
	v12 =	vld [tilespmem:s26+$0x4870]  }
0x2e3: {  	s25 =	sadd.s32 $0x80, s25;
	v5 =	vadd.f32 v5, v4;
	v7 =	vmul.f32 v11, v7;
	v4 =	vld [tilespmem:s24+$0xFFFFFFE0]  }
.Ltmp2:
0x2e4: {  	v6 =	vld [tilespmem:s25+$0xFFFFFFF0];
	(pc) =	sbr.rel @p0 .LBB2_6-.Ltmp2, $4  }
0x2e5: {  	v11 =	vadd.f32 v7, v5;
	v8 =	vmul.f32 v10, v8;
	v5 =	vld [tilespmem:s24+$0xFFFFFFF0]  }
0x2e6: {  	s28 =	sadd.s32 $0x80, s28;
	v7 =	vld [tilespmem:s25+$0x0]  }
0x2e7: {  	s31 =	sand.u32 $0x380, s28;
	s26 =	sand.u32 $0x3800, s30;
	v31 =	vadd.f32 v8, v11;
	v37 =	vmul.f32 v12, v9;
	v8 =	vld [tilespmem:s24+$0x0]  }
0x2e8: {  	s30 =	sadd.s32 $0x100, s30;
	s26 =	sor.u32 s31, s26;
	v14 =	vld [tilespmem:s25+$0x10]  }
0x2e9: {  	v45 =	vld [tilespmem:s26+$0x400]  }
0x2ea: {  	v46 =	vld [tilespmem:s26+$0x4400]  }
0x2eb: {  	v47 =	vld [tilespmem:s26+$0x410]  }
0x2ec: {  	v48 =	vld [tilespmem:s26+$0x4410]  }
0x2ed: {  	v44 =	vld [tilespmem:s26+$0x420]  }
0x2ee: {  	v49 =	vld [tilespmem:s26+$0x4420]  }
0x2ef: {  	v42 =	vld [tilespmem:s26+$0x430]  }
0x2f0: {  	v43 =	vld [tilespmem:s26+$0x4430]  }
0x2f1: {  	v38 =	vld [tilespmem:s26+$0x440]  }
0x2f2: {  	v41 =	vld [tilespmem:s26+$0x4440]  }
0x2f3: {  	v34 =	vld [tilespmem:s26+$0x450]  }
0x2f4: {  	v39 =	vld [tilespmem:s26+$0x4450]  }
0x2f5: {  	v35 =	vld [tilespmem:s26+$0x460]  }
0x2f6: {  	v40 =	vld [tilespmem:s26+$0x4460]  }
0x2f7: {  	v32 =	vld [tilespmem:s26+$0x470]  }
0x2f8: {  	v36 =	vld [tilespmem:s26+$0x4470]  }
0x2f9: {  	v29 =	vld [tilespmem:s26+$0x800]  }
0x2fa: {  	v33 =	vld [tilespmem:s26+$0x4800]  }
0x2fb: {  	v28 =	vld [tilespmem:s26+$0x810]  }
0x2fc: {  	v30 =	vld [tilespmem:s26+$0x4810]  }
0x2fd: {  	v25 =	vld [tilespmem:s26+$0x820]  }
0x2fe: {  	v27 =	vld [tilespmem:s26+$0x4820]  }
0x2ff: {  	v9 =	vld [tilespmem:$0x100]  }
0x300: {  	v23 =	vld [tilespmem:s26+$0x830]  }
0x301: {  	v26 =	vld [tilespmem:s26+$0x4830]  }
0x302: {  	v22 =	vld [tilespmem:s26+$0x840]  }
0x303: {  	v24 =	vld [tilespmem:s26+$0x4840]  }
0x304: {  	v19 =	vld [tilespmem:s26+$0x850];
	v10 =	vshrl.u32 v9, $0x3  }
0x305: {  	v20 =	vld [tilespmem:s26+$0x4850];
	v10 =	vmul.u32 $0x18, v10  }
0x306: {  	v15 =	vld [tilespmem:s26+$0x860];
	v11 =	vand.u32 $0x7, v9  }
0x307: {  	v21 =	vld [tilespmem:s26+$0x4860];
	v11 =	vor.u32 v11, v10  }
0x308: {  	v16 =	vld [tilespmem:s26+$0x4870];
	s25 =	sadd.s32 $0x80, s25;
	v12 =	vperm.xlane v11, v0  }
0x309: {  	v17 =	vld [tilespmem:s25+$0xFFFFFFF0]  }
0x30a: {  	v18 =	vld [tilespmem:s25+$0x0];
	v11 =	vperm.xlane v11, v2;
	v50 =	vadd.s32 v1, v12  }
0x30b: {  	s24 =	sadd.s32 $0x80, s24;
	v9 =	vld [tilespmem:s26+$0x870]  }
0x30c: {  	v10 =	vld [tilespmem:s24+$0xFFFFFFE0];
	v51 =	vadd.s32 v1, v11  }
0x30d: {  	v12 =	vld [tilespmem:s24+$0xFFFFFFF0]  }
0x30e: {  	s26 =	simm.s32 $0x400;
	v11 =	vld [tilespmem:s24+$0x0];
	s24 =	simm.s32 $0x0  }
0x30f: {  	v13 =	vld [tilespmem:s25+$0x10];
	[tilespmem:s26], [sflag:$0x1] =	stream.indirect_vreg.gather [hbm4b:s4+s24], $0x80, v50, vm0, $0xb8  }
0x310: {  	s31 =	simm.s32 $0xC00  }
0x311: {  	[tilespmem:s31], [sflag:$0x1] =	stream.indirect_vreg.gather [hbm4b:s4+s24], $0x80, v51, vm0, $0xb8;
	[tilespmem:$0x18800] =	vst v63  }
0x312: {  	v50 =	vld [tilespmem:$0x110];
	_ =	sdelay $0x4  }
0x313: {  	v58 =	vshrl.u32 v50, $0x3  }
0x314: {  	v51 =	vmul.u32 $0x18, v58  }
0x315: {  	v50 =	vand.u32 $0x7, v50  }
0x316: {  	v50 =	vor.u32 v50, v51  }
0x317: {  	v51 =	vperm.xlane v50, v0;
	_ =	sdelay $0x1  }
0x318: {  	v50 =	vperm.xlane v50, v2;
	v51 =	vadd.s32 v1, v51;
	_ =	sdelay $0x1  }
0x319: {  	v50 =	vadd.s32 v1, v50;
	_ =	sdelay $0x1  }
0x31a: {  	s26 =	simm.s32 $0x1400  }
0x31b: {  	[tilespmem:s26], [sflag:$0x1] =	stream.indirect_vreg.gather [hbm4b:s4+s24], $0x80, v51, vm0, $0xb8;
	[tilespmem:$0x18800] =	vst v63  }
0x31c: {  	s31 =	simm.s32 $0x1C00  }
0x31d: {  	[tilespmem:s31], [sflag:$0x1] =	stream.indirect_vreg.gather [hbm4b:s4+s24], $0x80, v50, vm0, $0xb8;
	[tilespmem:$0x18800] =	vst v63  }
0x31e: {  	v50 =	vld [tilespmem:$0x120];
	_ =	sdelay $0x4  }
0x31f: {  	v59 =	vshrl.u32 v50, $0x3  }
0x320: {  	v51 =	vmul.u32 $0x18, v59  }
0x321: {  	v50 =	vand.u32 $0x7, v50  }
0x322: {  	v50 =	vor.u32 v50, v51  }
0x323: {  	v51 =	vperm.xlane v50, v0;
	_ =	sdelay $0x1  }
0x324: {  	v50 =	vperm.xlane v50, v2;
	v51 =	vadd.s32 v1, v51;
	_ =	sdelay $0x1  }
0x325: {  	v50 =	vadd.s32 v1, v50;
	_ =	sdelay $0x1  }
0x326: {  	s26 =	simm.s32 $0x2400  }
0x327: {  	[tilespmem:s26], [sflag:$0x1] =	stream.indirect_vreg.gather [hbm4b:s4+s24], $0x80, v51, vm0, $0xb8;
	[tilespmem:$0x18800] =	vst v63  }
0x328: {  	s31 =	simm.s32 $0x2C00  }
0x329: {  	[tilespmem:s31], [sflag:$0x1] =	stream.indirect_vreg.gather [hbm4b:s4+s24], $0x80, v50, vm0, $0xb8;
	[tilespmem:$0x18800] =	vst v63  }
0x32a: {  	v50 =	vld [tilespmem:$0x130];
	_ =	sdelay $0x4  }
0x32b: {  	v60 =	vshrl.u32 v50, $0x3  }
0x32c: {  	v51 =	vmul.u32 $0x18, v60  }
0x32d: {  	v50 =	vand.u32 $0x7, v50  }
0x32e: {  	v50 =	vor.u32 v50, v51  }
0x32f: {  	v51 =	vperm.xlane v50, v0;
	_ =	sdelay $0x1  }
0x330: {  	v50 =	vperm.xlane v50, v2;
	v51 =	vadd.s32 v1, v51;
	_ =	sdelay $0x1  }
0x331: {  	v50 =	vadd.s32 v1, v50;
	_ =	sdelay $0x1  }
0x332: {  	s26 =	simm.s32 $0x3400  }
0x333: {  	[tilespmem:s26], [sflag:$0x1] =	stream.indirect_vreg.gather [hbm4b:s4+s24], $0x80, v51, vm0, $0xb8;
	[tilespmem:$0x18800] =	vst v63  }
0x334: {  	s31 =	simm.s32 $0x3C00  }
0x335: {  	[tilespmem:s31], [sflag:$0x1] =	stream.indirect_vreg.gather [hbm4b:s4+s24], $0x80, v50, vm0, $0xb8;
	[tilespmem:$0x18800] =	vst v63  }
0x336: {  	v50 =	vld [tilespmem:$0x300];
	_ =	sdelay $0x4  }
0x337: {  	v61 =	vshrl.u32 v50, $0x3  }
0x338: {  	v51 =	vmul.u32 $0x18, v61  }
0x339: {  	v50 =	vand.u32 $0x7, v50  }
0x33a: {  	v50 =	vor.u32 v50, v51  }
0x33b: {  	v51 =	vperm.xlane v50, v0;
	_ =	sdelay $0x1  }
0x33c: {  	v50 =	vperm.xlane v50, v2;
	v51 =	vadd.s32 v1, v51;
	_ =	sdelay $0x1  }
0x33d: {  	v50 =	vadd.s32 v1, v50;
	_ =	sdelay $0x1  }
0x33e: {  	s26 =	simm.s32 $0x4400  }
0x33f: {  	[tilespmem:s26], [sflag:$0x1] =	stream.indirect_vreg.gather [hbm4b:s4+s24], $0x80, v51, vm0, $0xb8;
	[tilespmem:$0x18800] =	vst v63  }
0x340: {  	s31 =	simm.s32 $0x4C00  }
0x341: {  	[tilespmem:s31], [sflag:$0x1] =	stream.indirect_vreg.gather [hbm4b:s4+s24], $0x80, v50, vm0, $0xb8;
	[tilespmem:$0x18800] =	vst v63  }
0x342: {  	v50 =	vld [tilespmem:$0x310];
	_ =	sdelay $0x4  }
0x343: {  	v62 =	vshrl.u32 v50, $0x3  }
0x344: {  	v51 =	vmul.u32 $0x18, v62  }
0x345: {  	v50 =	vand.u32 $0x7, v50  }
0x346: {  	v50 =	vor.u32 v50, v51  }
0x347: {  	v51 =	vperm.xlane v50, v0;
	_ =	sdelay $0x1  }
0x348: {  	v50 =	vperm.xlane v50, v2;
	v51 =	vadd.s32 v1, v51;
	_ =	sdelay $0x1  }
0x349: {  	v50 =	vadd.s32 v1, v50;
	_ =	sdelay $0x1  }
0x34a: {  	s26 =	simm.s32 $0x5400  }
0x34b: {  	[tilespmem:s26], [sflag:$0x1] =	stream.indirect_vreg.gather [hbm4b:s4+s24], $0x80, v51, vm0, $0xb8;
	[tilespmem:$0x18800] =	vst v63  }
0x34c: {  	s31 =	simm.s32 $0x5C00  }
0x34d: {  	[tilespmem:s31], [sflag:$0x1] =	stream.indirect_vreg.gather [hbm4b:s4+s24], $0x80, v50, vm0, $0xb8;
	[tilespmem:$0x18800] =	vst v63  }
0x34e: {  	v50 =	vld [tilespmem:$0x320];
	_ =	sdelay $0x4  }
0x34f: {  	v63 =	vshrl.u32 v50, $0x3  }
0x350: {  	v51 =	vmul.u32 $0x18, v63  }
0x351: {  	v50 =	vand.u32 $0x7, v50  }
0x352: {  	v50 =	vor.u32 v50, v51  }
0x353: {  	v51 =	vperm.xlane v50, v0;
	_ =	sdelay $0x1  }
0x354: {  	v50 =	vperm.xlane v50, v2;
	v51 =	vadd.s32 v1, v51;
	_ =	sdelay $0x1  }
0x355: {  	v50 =	vadd.s32 v1, v50;
	_ =	sdelay $0x1  }
0x356: {  	v31 =	vadd.f32 v37, v31;
	v4 =	vmul.f32 v6, v4;
	s26 =	simm.s32 $0x6400  }
0x357: {  	[tilespmem:s26], [sflag:$0x1] =	stream.indirect_vreg.gather [hbm4b:s4+s24], $0x80, v51, vm0, $0xb8;
	[tilespmem:$0x18800] =	vst v63  }
0x358: {  	v4 =	vadd.f32 v4, v31;
	v5 =	vmul.f32 v7, v5;
	s31 =	simm.s32 $0x6C00  }
0x359: {  	[tilespmem:s31], [sflag:$0x1] =	stream.indirect_vreg.gather [hbm4b:s4+s24], $0x80, v50, vm0, $0xb8;
	[tilespmem:$0x18800] =	vst v63  }
0x35a: {  	v4 =	vadd.f32 v5, v4;
	v5 =	vmul.f32 v14, v8;
	v6 =	vld [tilespmem:$0x330];
	_ =	sdelay $0x1  }
0x35b: {  	v7 =	vmul.f32 v46, v45;
	v4 =	vadd.f32 v5, v4;
	_ =	sdelay $0x1  }
0x35c: {  	v4 =	vadd.f32 v7, v4;
	v7 =	vmul.f32 v48, v47  }
0x35d: {  	v5 =	vshrl.u32 v6, $0x3  }
0x35e: {  	v4 =	vadd.f32 v7, v4;
	v7 =	vmul.f32 v49, v44;
	v5 =	vmul.u32 $0x18, v5  }
0x35f: {  	v6 =	vand.u32 $0x7, v6  }
0x360: {  	v4 =	vadd.f32 v7, v4;
	v7 =	vmul.f32 v43, v42;
	v5 =	vor.u32 v6, v5  }
0x361: {  	v6 =	vperm.xlane v5, v0  }
0x362: {  	v4 =	vadd.f32 v7, v4  }
0x363: {  	v7 =	vmul.f32 v41, v38;
	v5 =	vperm.xlane v5, v2;
	v6 =	vadd.s32 v1, v6;
	_ =	sdelay $0x1  }
0x364: {  	v4 =	vadd.f32 v7, v4;
	v7 =	vmul.f32 v39, v34;
	v5 =	vadd.s32 v1, v5;
	_ =	sdelay $0x1  }
0x365: {  	v4 =	vadd.f32 v7, v4;
	v7 =	vmul.f32 v40, v35;
	s26 =	simm.s32 $0x7400  }
0x366: {  	[tilespmem:s26], [sflag:$0x1] =	stream.indirect_vreg.gather [hbm4b:s4+s24], $0x80, v6, vm0, $0xb8;
	[tilespmem:$0x18800] =	vst v63  }
0x367: {  	v4 =	vadd.f32 v7, v4;
	s31 =	simm.s32 $0x7C00;
	v6 =	vmul.f32 v36, v32  }
0x368: {  	[tilespmem:s31], [sflag:$0x1] =	stream.indirect_vreg.gather [hbm4b:s4+s24], $0x80, v5, vm0, $0xb8;
	[tilespmem:$0x18800] =	vst v63  }
0x369: {  	s26 =	simm.s32 $0x8400;
	v4 =	vadd.f32 v6, v4;
	v5 =	vmul.f32 v33, v29;
	s31 =	simm.s32 $0x100  }
0x36a: {  	[tilespmem:s26], [sflag:$0x1] =	stream.indirect.gather [hbm4b:s1+s29], $0x80, s31, s29, $0xb8;
	[tilespmem:$0x18800] =	vst v63  }
0x36b: {  	v4 =	vadd.f32 v5, v4;
	v5 =	vmul.f32 v30, v28;
	s26 =	simm.s32 $0xA400;
	s31 =	simm.s32 $0x300  }
0x36c: {  	[tilespmem:s26], [sflag:$0x1] =	stream.indirect.gather [hbm4b:s1+s29], $0x80, s31, s29, $0xb8;
	[tilespmem:$0x18800] =	vst v63  }
0x36d: {  	v4 =	vadd.f32 v5, v4;
	v5 =	vmul.f32 v27, v25;
	_ =	swait.ge [sflag:s11], $0x4000  }
0x36e: {  	[sflag:s11] =	ssyncset.done $0x0  }
0x36f: {  	v4 =	vadd.f32 v5, v4;
	v5 =	vmul.f32 v26, v23;
	[sflag:s11] =	ssyncadd.s32 $0xFFFFC000  }
0x370: {  	_ =	swait.ge [sflag:s11], $0x4000  }
0x371: {  	v4 =	vadd.f32 v5, v4;
	v5 =	vmul.f32 v24, v22;
	[sflag:s11] =	ssyncset.done $0x0  }
0x372: {  	[sflag:s11] =	ssyncadd.s32 $0xFFFFC000  }
0x373: {  	v4 =	vadd.f32 v5, v4;
	v5 =	vmul.f32 v20, v19;
	_ =	swait.ge [sflag:s11], $0x2000  }
0x374: {  	[sflag:s11] =	ssyncset.done $0x0  }
0x375: {  	v4 =	vadd.f32 v5, v4;
	v5 =	vmul.f32 v21, v15;
	[sflag:s11] =	ssyncadd.s32 $0xFFFFE000  }
0x376: {  	_ =	swait.ge [sflag:s11], $0x2000  }
0x377: {  	s26 =	sand.u32 $0x3800, s24;
	s24 =	sand.u32 $0x380, s24;
	v4 =	vadd.f32 v5, v4;
	v5 =	vmul.f32 v16, v9;
	[sflag:s11] =	ssyncset.done $0x0  }
0x378: {  	s25 =	sor.u32 s24, s26;
	[sflag:s11] =	ssyncadd.s32 $0xFFFFE000  }
0x379: {  	v4 =	vadd.f32 v5, v4;
	v5 =	vmul.f32 v17, v10;
	v6 =	vld [tilespmem:s25+$0xC400]  }
0x37a: {  	v7 =	vld [tilespmem:s25+$0x10400]  }
0x37b: {  	v8 =	vld [tilespmem:s25+$0xC410];
	v4 =	vadd.f32 v5, v4;
	v5 =	vmul.f32 v18, v12  }
0x37c: {  	v9 =	vld [tilespmem:s25+$0x10410]  }
0x37d: {  	v10 =	vld [tilespmem:s25+$0xC420];
	v4 =	vadd.f32 v5, v4;
	v5 =	vmul.f32 v13, v11  }
0x37e: {  	v11 =	vld [tilespmem:s25+$0x10420]  }
0x37f: {  	v12 =	vld [tilespmem:s25+$0xC430];
	v4 =	vadd.f32 v5, v4;
	v5 =	vmul.f32 v7, v6  }
0x380: {  	v6 =	vld [tilespmem:s25+$0x10430]  }
0x381: {  	v7 =	vld [tilespmem:s25+$0xC440];
	v4 =	vadd.f32 v5, v4;
	v5 =	vmul.f32 v9, v8  }
0x382: {  	v8 =	vld [tilespmem:s25+$0x10440]  }
0x383: {  	v9 =	vld [tilespmem:s25+$0xC450];
	v4 =	vadd.f32 v5, v4;
	v5 =	vmul.f32 v11, v10  }
0x384: {  	v10 =	vld [tilespmem:s25+$0x10450]  }
0x385: {  	v11 =	vld [tilespmem:s25+$0xC460];
	v4 =	vadd.f32 v5, v4;
	v5 =	vmul.f32 v6, v12  }
0x386: {  	v6 =	vld [tilespmem:s25+$0x10460]  }
0x387: {  	v12 =	vld [tilespmem:s25+$0xC470];
	v4 =	vadd.f32 v5, v4;
	v5 =	vmul.f32 v8, v7  }
0x388: {  	v7 =	vld [tilespmem:s25+$0x10470]  }
0x389: {  	v8 =	vld [tilespmem:s25+$0xC800];
	v4 =	vadd.f32 v5, v4;
	v5 =	vmul.f32 v10, v9  }
0x38a: {  	v9 =	vld [tilespmem:s25+$0x10800]  }
0x38b: {  	v10 =	vld [tilespmem:s25+$0xC810];
	v4 =	vadd.f32 v5, v4;
	v5 =	vmul.f32 v6, v11  }
0x38c: {  	v6 =	vld [tilespmem:s25+$0x10810]  }
0x38d: {  	v11 =	vld [tilespmem:s25+$0xC820];
	v4 =	vadd.f32 v5, v4;
	v5 =	vmul.f32 v7, v12  }
0x38e: {  	v7 =	vld [tilespmem:s25+$0x10820]  }
0x38f: {  	v12 =	vld [tilespmem:s25+$0xC830];
	v4 =	vadd.f32 v5, v4;
	v5 =	vmul.f32 v9, v8  }
0x390: {  	v8 =	vld [tilespmem:s25+$0x10830]  }
0x391: {  	v9 =	vld [tilespmem:s25+$0xC840];
	v4 =	vadd.f32 v5, v4;
	v5 =	vmul.f32 v6, v10  }
0x392: {  	v6 =	vld [tilespmem:s25+$0x10840]  }
0x393: {  	v10 =	vld [tilespmem:s25+$0xC850];
	v4 =	vadd.f32 v5, v4;
	v5 =	vmul.f32 v7, v11  }
0x394: {  	v7 =	vld [tilespmem:s25+$0x10850]  }
0x395: {  	v11 =	vld [tilespmem:s25+$0xC860];
	v4 =	vadd.f32 v5, v4;
	v5 =	vmul.f32 v8, v12  }
0x396: {  	v8 =	vld [tilespmem:s25+$0x10860]  }
0x397: {  	v12 =	vld [tilespmem:s25+$0xC870];
	v6 =	vmul.f32 v6, v9;
	v5 =	vadd.f32 v5, v4  }
0x398: {  	s24 =	simm.s32 $0x14420;
	v9 =	vld [tilespmem:s25+$0x10870]  }
0x399: {  	s25 =	simm.s32 $0x16410;
	v4 =	vld [tilespmem:s24+$0xFFFFFFE0];
	v7 =	vmul.f32 v7, v10;
	v13 =	vadd.f32 v6, v5  }
0x39a: {  	v6 =	vld [tilespmem:s25+$0xFFFFFFF0]  }
0x39b: {  	v5 =	vld [tilespmem:s24+$0xFFFFFFF0];
	v11 =	vmul.f32 v8, v11;
	v10 =	vadd.f32 v7, v13  }
0x39c: {  	s28 =	simm.s32 $0x80;
	s31 =	simm.s32 $0x100;
	v7 =	vld [tilespmem:s25+$0x0]  }
0x39d: {  	s30 =	sand.u32 $0x380, s28;
	s26 =	sand.u32 $0x3800, s31;
	v14 =	vld [tilespmem:s25+$0x10];
	v37 =	vmul.f32 v9, v12;
	v31 =	vadd.f32 v11, v10  }
0x39e: {  	s26 =	sor.u32 s30, s26;
	s30 =	simm.s32 $0x200;
	v8 =	vld [tilespmem:s24+$0x0]  }
.LBB2_8:
0x39f: {  	p0 =	sne.s32 s30, $0x3F00;
	v9 =	vld [tilespmem:s26+$0xC400];
	v10 =	vadd.f32 v37, v31;
	v4 =	vmul.f32 v6, v4  }
0x3a0: {  	v6 =	vld [tilespmem:s26+$0x10400]  }
0x3a1: {  	v11 =	vld [tilespmem:s26+$0xC410];
	v4 =	vadd.f32 v4, v10;
	v5 =	vmul.f32 v7, v5  }
0x3a2: {  	v7 =	vld [tilespmem:s26+$0x10410]  }
0x3a3: {  	v10 =	vld [tilespmem:s26+$0xC420];
	v4 =	vadd.f32 v5, v4;
	v5 =	vmul.f32 v14, v8  }
0x3a4: {  	v8 =	vld [tilespmem:s26+$0x10420]  }
0x3a5: {  	v6 =	vmul.f32 v6, v9;
	v9 =	vld [tilespmem:s26+$0xC430];
	v4 =	vadd.f32 v5, v4  }
0x3a6: {  	v5 =	vld [tilespmem:s26+$0x10430]  }
0x3a7: {  	v4 =	vadd.f32 v6, v4;
	v6 =	vmul.f32 v7, v11;
	v7 =	vld [tilespmem:s26+$0xC440]  }
0x3a8: {  	v11 =	vld [tilespmem:s26+$0x10440]  }
0x3a9: {  	v4 =	vadd.f32 v6, v4;
	v6 =	vmul.f32 v8, v10;
	v8 =	vld [tilespmem:s26+$0xC450]  }
0x3aa: {  	v10 =	vld [tilespmem:s26+$0x10450]  }
0x3ab: {  	v4 =	vadd.f32 v6, v4;
	v5 =	vmul.f32 v5, v9;
	v6 =	vld [tilespmem:s26+$0xC460]  }
0x3ac: {  	v9 =	vld [tilespmem:s26+$0x10460]  }
0x3ad: {  	v4 =	vadd.f32 v5, v4;
	v5 =	vmul.f32 v11, v7;
	v7 =	vld [tilespmem:s26+$0xC470]  }
0x3ae: {  	v11 =	vld [tilespmem:s26+$0x10470]  }
0x3af: {  	v4 =	vadd.f32 v5, v4;
	v5 =	vmul.f32 v10, v8;
	v8 =	vld [tilespmem:s26+$0xC800]  }
0x3b0: {  	v10 =	vld [tilespmem:s26+$0x10800]  }
0x3b1: {  	v4 =	vadd.f32 v5, v4;
	v5 =	vmul.f32 v9, v6;
	v6 =	vld [tilespmem:s26+$0xC810]  }
0x3b2: {  	v9 =	vld [tilespmem:s26+$0x10810]  }
0x3b3: {  	v4 =	vadd.f32 v5, v4;
	v5 =	vmul.f32 v11, v7;
	v7 =	vld [tilespmem:s26+$0xC820]  }
0x3b4: {  	v11 =	vld [tilespmem:s26+$0x10820]  }
0x3b5: {  	v4 =	vadd.f32 v5, v4;
	v5 =	vmul.f32 v10, v8;
	v8 =	vld [tilespmem:s26+$0xC830]  }
0x3b6: {  	v10 =	vld [tilespmem:s26+$0x10830]  }
0x3b7: {  	v4 =	vadd.f32 v5, v4;
	v5 =	vmul.f32 v9, v6;
	v6 =	vld [tilespmem:s26+$0xC840]  }
0x3b8: {  	v9 =	vld [tilespmem:s26+$0x10840]  }
0x3b9: {  	v4 =	vadd.f32 v5, v4;
	v5 =	vmul.f32 v11, v7;
	v7 =	vld [tilespmem:s26+$0xC850]  }
0x3ba: {  	v11 =	vld [tilespmem:s26+$0x10850]  }
0x3bb: {  	v4 =	vadd.f32 v5, v4;
	v5 =	vmul.f32 v10, v8;
	v8 =	vld [tilespmem:s26+$0xC860]  }
0x3bc: {  	v10 =	vld [tilespmem:s26+$0x10860]  }
0x3bd: {  	v4 =	vadd.f32 v5, v4;
	v5 =	vmul.f32 v9, v6;
	v9 =	vld [tilespmem:s26+$0xC870]  }
0x3be: {  	s24 =	sadd.s32 $0x80, s24;
	v12 =	vld [tilespmem:s26+$0x10870]  }
0x3bf: {  	s25 =	sadd.s32 $0x80, s25;
	v5 =	vadd.f32 v5, v4;
	v7 =	vmul.f32 v11, v7;
	v4 =	vld [tilespmem:s24+$0xFFFFFFE0]  }
.Ltmp3:
0x3c0: {  	v6 =	vld [tilespmem:s25+$0xFFFFFFF0];
	(pc) =	sbr.rel @p0 .LBB2_8-.Ltmp3, $4  }
0x3c1: {  	v11 =	vadd.f32 v7, v5;
	v8 =	vmul.f32 v10, v8;
	v5 =	vld [tilespmem:s24+$0xFFFFFFF0]  }
0x3c2: {  	s28 =	sadd.s32 $0x80, s28;
	v7 =	vld [tilespmem:s25+$0x0]  }
0x3c3: {  	s31 =	sand.u32 $0x380, s28;
	s26 =	sand.u32 $0x3800, s30;
	v31 =	vadd.f32 v8, v11;
	v37 =	vmul.f32 v12, v9;
	v8 =	vld [tilespmem:s24+$0x0]  }
0x3c4: {  	s30 =	sadd.s32 $0x100, s30;
	s26 =	sor.u32 s31, s26;
	v14 =	vld [tilespmem:s25+$0x10]  }
0x3c5: {  	v45 =	vld [tilespmem:s26+$0xC400]  }
0x3c6: {  	v46 =	vld [tilespmem:s26+$0x10400]  }
0x3c7: {  	v47 =	vld [tilespmem:s26+$0xC410]  }
0x3c8: {  	v48 =	vld [tilespmem:s26+$0x10410]  }
0x3c9: {  	v44 =	vld [tilespmem:s26+$0xC420]  }
0x3ca: {  	v49 =	vld [tilespmem:s26+$0x10420]  }
0x3cb: {  	v42 =	vld [tilespmem:s26+$0xC430]  }
0x3cc: {  	v43 =	vld [tilespmem:s26+$0x10430]  }
0x3cd: {  	v38 =	vld [tilespmem:s26+$0xC440]  }
0x3ce: {  	v41 =	vld [tilespmem:s26+$0x10440]  }
0x3cf: {  	v34 =	vld [tilespmem:s26+$0xC450]  }
0x3d0: {  	v39 =	vld [tilespmem:s26+$0x10450]  }
0x3d1: {  	v35 =	vld [tilespmem:s26+$0xC460]  }
0x3d2: {  	v40 =	vld [tilespmem:s26+$0x10460]  }
0x3d3: {  	v32 =	vld [tilespmem:s26+$0xC470]  }
0x3d4: {  	v36 =	vld [tilespmem:s26+$0x10470]  }
0x3d5: {  	v29 =	vld [tilespmem:s26+$0xC800]  }
0x3d6: {  	v33 =	vld [tilespmem:s26+$0x10800]  }
0x3d7: {  	v28 =	vld [tilespmem:s26+$0xC810]  }
0x3d8: {  	v30 =	vld [tilespmem:s26+$0x10810]  }
0x3d9: {  	v25 =	vld [tilespmem:s26+$0xC820]  }
0x3da: {  	v27 =	vld [tilespmem:s26+$0x10820]  }
0x3db: {  	v9 =	vld [tilespmem:$0x140]  }
0x3dc: {  	v23 =	vld [tilespmem:s26+$0xC830]  }
0x3dd: {  	v26 =	vld [tilespmem:s26+$0x10830]  }
0x3de: {  	v22 =	vld [tilespmem:s26+$0xC840]  }
0x3df: {  	v24 =	vld [tilespmem:s26+$0x10840]  }
0x3e0: {  	v19 =	vld [tilespmem:s26+$0xC850];
	v10 =	vshrl.u32 v9, $0x3  }
0x3e1: {  	v20 =	vld [tilespmem:s26+$0x10850];
	v10 =	vmul.u32 $0x18, v10  }
0x3e2: {  	v15 =	vld [tilespmem:s26+$0xC860];
	v11 =	vand.u32 $0x7, v9  }
0x3e3: {  	v21 =	vld [tilespmem:s26+$0x10860];
	v11 =	vor.u32 v11, v10  }
0x3e4: {  	v16 =	vld [tilespmem:s26+$0x10870];
	s25 =	sadd.s32 $0x80, s25;
	v12 =	vperm.xlane v11, v0  }
0x3e5: {  	v17 =	vld [tilespmem:s25+$0xFFFFFFF0]  }
0x3e6: {  	v18 =	vld [tilespmem:s25+$0x0];
	v11 =	vperm.xlane v11, v2;
	v50 =	vadd.s32 v1, v12  }
0x3e7: {  	s24 =	sadd.s32 $0x80, s24;
	v13 =	vld [tilespmem:s25+$0x10]  }
0x3e8: {  	v10 =	vld [tilespmem:s24+$0xFFFFFFE0];
	v51 =	vadd.s32 v1, v11  }
0x3e9: {  	v12 =	vld [tilespmem:s24+$0xFFFFFFF0]  }
0x3ea: {  	v11 =	vld [tilespmem:s24+$0x0];
	s24 =	simm.s32 $0x0  }
0x3eb: {  	v9 =	vld [tilespmem:s26+$0xC870];
	[tilespmem:s0], [sflag:$0x2] =	stream.indirect_vreg.gather [hbm4b:s4+s24], $0x80, v50, vm0, $0xb8  }
0x3ec: {  	_ = 	snop  }
0x3ed: {  	[tilespmem:s2], [sflag:$0x2] =	stream.indirect_vreg.gather [hbm4b:s4+s24], $0x80, v51, vm0, $0xb8;
	[tilespmem:$0x18800] =	vst v63  }
0x3ee: {  	v50 =	vld [tilespmem:$0x150];
	_ =	sdelay $0x4  }
0x3ef: {  	v58 =	vshrl.u32 v50, $0x3  }
0x3f0: {  	v51 =	vmul.u32 $0x18, v58  }
0x3f1: {  	v50 =	vand.u32 $0x7, v50  }
0x3f2: {  	v50 =	vor.u32 v50, v51  }
0x3f3: {  	v51 =	vperm.xlane v50, v0;
	_ =	sdelay $0x1  }
0x3f4: {  	v50 =	vperm.xlane v50, v2;
	v51 =	vadd.s32 v1, v51;
	_ =	sdelay $0x1  }
0x3f5: {  	v50 =	vadd.s32 v1, v50;
	_ =	sdelay $0x2  }
0x3f6: {  	[tilespmem:s9], [sflag:$0x2] =	stream.indirect_vreg.gather [hbm4b:s4+s24], $0x80, v51, vm0, $0xb8;
	[tilespmem:$0x18800] =	vst v63  }
0x3f7: {  	_ = 	snop  }
0x3f8: {  	[tilespmem:s5], [sflag:$0x2] =	stream.indirect_vreg.gather [hbm4b:s4+s24], $0x80, v50, vm0, $0xb8;
	[tilespmem:$0x18800] =	vst v63  }
0x3f9: {  	v50 =	vld [tilespmem:$0x160];
	_ =	sdelay $0x4  }
0x3fa: {  	v59 =	vshrl.u32 v50, $0x3  }
0x3fb: {  	v51 =	vmul.u32 $0x18, v59  }
0x3fc: {  	v50 =	vand.u32 $0x7, v50  }
0x3fd: {  	v50 =	vor.u32 v50, v51  }
0x3fe: {  	v51 =	vperm.xlane v50, v0;
	_ =	sdelay $0x1  }
0x3ff: {  	v50 =	vperm.xlane v50, v2;
	v51 =	vadd.s32 v1, v51;
	_ =	sdelay $0x1  }
0x400: {  	v50 =	vadd.s32 v1, v50;
	_ =	sdelay $0x2  }
0x401: {  	[tilespmem:s6], [sflag:$0x2] =	stream.indirect_vreg.gather [hbm4b:s4+s24], $0x80, v51, vm0, $0xb8;
	[tilespmem:$0x18800] =	vst v63  }
0x402: {  	_ = 	snop  }
0x403: {  	[tilespmem:s7], [sflag:$0x2] =	stream.indirect_vreg.gather [hbm4b:s4+s24], $0x80, v50, vm0, $0xb8;
	[tilespmem:$0x18800] =	vst v63  }
0x404: {  	v50 =	vld [tilespmem:$0x170];
	_ =	sdelay $0x4  }
0x405: {  	v60 =	vshrl.u32 v50, $0x3  }
0x406: {  	v51 =	vmul.u32 $0x18, v60  }
0x407: {  	v50 =	vand.u32 $0x7, v50  }
0x408: {  	v50 =	vor.u32 v50, v51  }
0x409: {  	v51 =	vperm.xlane v50, v0;
	_ =	sdelay $0x1  }
0x40a: {  	v50 =	vperm.xlane v50, v2;
	v51 =	vadd.s32 v1, v51;
	_ =	sdelay $0x1  }
0x40b: {  	v50 =	vadd.s32 v1, v50;
	_ =	sdelay $0x2  }
0x40c: {  	[tilespmem:s8], [sflag:$0x2] =	stream.indirect_vreg.gather [hbm4b:s4+s24], $0x80, v51, vm0, $0xb8;
	[tilespmem:$0x18800] =	vst v63  }
0x40d: {  	_ = 	snop  }
0x40e: {  	[tilespmem:s12], [sflag:$0x2] =	stream.indirect_vreg.gather [hbm4b:s4+s24], $0x80, v50, vm0, $0xb8;
	[tilespmem:$0x18800] =	vst v63  }
0x40f: {  	v50 =	vld [tilespmem:$0x340];
	_ =	sdelay $0x4  }
0x410: {  	v61 =	vshrl.u32 v50, $0x3  }
0x411: {  	v51 =	vmul.u32 $0x18, v61  }
0x412: {  	v50 =	vand.u32 $0x7, v50  }
0x413: {  	v50 =	vor.u32 v50, v51  }
0x414: {  	v51 =	vperm.xlane v50, v0;
	_ =	sdelay $0x1  }
0x415: {  	v50 =	vperm.xlane v50, v2;
	v51 =	vadd.s32 v1, v51;
	_ =	sdelay $0x1  }
0x416: {  	v50 =	vadd.s32 v1, v50;
	_ =	sdelay $0x2  }
0x417: {  	[tilespmem:s13], [sflag:$0x2] =	stream.indirect_vreg.gather [hbm4b:s4+s24], $0x80, v51, vm0, $0xb8;
	[tilespmem:$0x18800] =	vst v63  }
0x418: {  	_ = 	snop  }
0x419: {  	[tilespmem:s14], [sflag:$0x2] =	stream.indirect_vreg.gather [hbm4b:s4+s24], $0x80, v50, vm0, $0xb8;
	[tilespmem:$0x18800] =	vst v63  }
0x41a: {  	v50 =	vld [tilespmem:$0x350];
	_ =	sdelay $0x4  }
0x41b: {  	v62 =	vshrl.u32 v50, $0x3  }
0x41c: {  	v51 =	vmul.u32 $0x18, v62  }
0x41d: {  	v50 =	vand.u32 $0x7, v50  }
0x41e: {  	v50 =	vor.u32 v50, v51  }
0x41f: {  	v51 =	vperm.xlane v50, v0;
	_ =	sdelay $0x1  }
0x420: {  	v50 =	vperm.xlane v50, v2;
	v51 =	vadd.s32 v1, v51;
	_ =	sdelay $0x1  }
0x421: {  	v50 =	vadd.s32 v1, v50;
	_ =	sdelay $0x2  }
0x422: {  	[tilespmem:s15], [sflag:$0x2] =	stream.indirect_vreg.gather [hbm4b:s4+s24], $0x80, v51, vm0, $0xb8;
	[tilespmem:$0x18800] =	vst v63  }
0x423: {  	_ = 	snop  }
0x424: {  	[tilespmem:s16], [sflag:$0x2] =	stream.indirect_vreg.gather [hbm4b:s4+s24], $0x80, v50, vm0, $0xb8;
	[tilespmem:$0x18800] =	vst v63  }
0x425: {  	v50 =	vld [tilespmem:$0x360];
	_ =	sdelay $0x4  }
0x426: {  	v63 =	vshrl.u32 v50, $0x3  }
0x427: {  	v51 =	vmul.u32 $0x18, v63  }
0x428: {  	v50 =	vand.u32 $0x7, v50  }
0x429: {  	v50 =	vor.u32 v50, v51  }
0x42a: {  	v51 =	vperm.xlane v50, v0;
	_ =	sdelay $0x1  }
0x42b: {  	v50 =	vperm.xlane v50, v2;
	v51 =	vadd.s32 v1, v51;
	_ =	sdelay $0x1  }
0x42c: {  	v50 =	vadd.s32 v1, v50;
	_ =	sdelay $0x1  }
0x42d: {  	v31 =	vadd.f32 v37, v31;
	v4 =	vmul.f32 v6, v4  }
0x42e: {  	[tilespmem:s17], [sflag:$0x2] =	stream.indirect_vreg.gather [hbm4b:s4+s24], $0x80, v51, vm0, $0xb8;
	[tilespmem:$0x18800] =	vst v63  }
0x42f: {  	v4 =	vadd.f32 v4, v31;
	v5 =	vmul.f32 v7, v5  }
0x430: {  	[tilespmem:s18], [sflag:$0x2] =	stream.indirect_vreg.gather [hbm4b:s4+s24], $0x80, v50, vm0, $0xb8;
	[tilespmem:$0x18800] =	vst v63  }
0x431: {  	v4 =	vadd.f32 v5, v4;
	v5 =	vmul.f32 v14, v8;
	v6 =	vld [tilespmem:$0x370];
	_ =	sdelay $0x1  }
0x432: {  	v7 =	vmul.f32 v46, v45;
	v4 =	vadd.f32 v5, v4;
	_ =	sdelay $0x1  }
0x433: {  	v4 =	vadd.f32 v7, v4;
	v7 =	vmul.f32 v48, v47  }
0x434: {  	v5 =	vshrl.u32 v6, $0x3  }
0x435: {  	v4 =	vadd.f32 v7, v4;
	v7 =	vmul.f32 v49, v44;
	v5 =	vmul.u32 $0x18, v5  }
0x436: {  	v6 =	vand.u32 $0x7, v6  }
0x437: {  	v4 =	vadd.f32 v7, v4;
	v7 =	vmul.f32 v43, v42;
	v5 =	vor.u32 v6, v5  }
0x438: {  	v6 =	vperm.xlane v5, v0  }
0x439: {  	v4 =	vadd.f32 v7, v4  }
0x43a: {  	v7 =	vmul.f32 v41, v38;
	v5 =	vperm.xlane v5, v2;
	v6 =	vadd.s32 v1, v6;
	_ =	sdelay $0x1  }
0x43b: {  	v4 =	vadd.f32 v7, v4;
	v7 =	vmul.f32 v39, v34;
	v5 =	vadd.s32 v1, v5;
	_ =	sdelay $0x1  }
0x43c: {  	v4 =	vadd.f32 v7, v4;
	v7 =	vmul.f32 v40, v35  }
0x43d: {  	[tilespmem:s19], [sflag:$0x2] =	stream.indirect_vreg.gather [hbm4b:s4+s24], $0x80, v6, vm0, $0xb8;
	[tilespmem:$0x18800] =	vst v63  }
0x43e: {  	v4 =	vadd.f32 v7, v4;
	v6 =	vmul.f32 v36, v32  }
0x43f: {  	[tilespmem:s20], [sflag:$0x2] =	stream.indirect_vreg.gather [hbm4b:s4+s24], $0x80, v5, vm0, $0xb8;
	[tilespmem:$0x18800] =	vst v63  }
0x440: {  	s26 =	simm.s32 $0x140;
	v4 =	vadd.f32 v6, v4;
	v5 =	vmul.f32 v33, v29  }
0x441: {  	[tilespmem:s21], [sflag:$0x2] =	stream.indirect.gather [hbm4b:s1+s29], $0x80, s26, s29, $0xb8;
	[tilespmem:$0x18800] =	vst v63  }
0x442: {  	s31 =	simm.s32 $0x340;
	v4 =	vadd.f32 v5, v4;
	v5 =	vmul.f32 v30, v28  }
0x443: {  	[tilespmem:s22], [sflag:$0x2] =	stream.indirect.gather [hbm4b:s1+s29], $0x80, s31, s29, $0xb8;
	[tilespmem:$0x18800] =	vst v63  }
0x444: {  	v4 =	vadd.f32 v5, v4;
	v5 =	vmul.f32 v27, v25;
	_ =	swait.ge [sflag:s10], $0x4000  }
0x445: {  	[sflag:s10] =	ssyncset.done $0x0  }
0x446: {  	v4 =	vadd.f32 v5, v4;
	v5 =	vmul.f32 v26, v23;
	[sflag:s10] =	ssyncadd.s32 $0xFFFFC000  }
0x447: {  	_ =	swait.ge [sflag:s10], $0x4000  }
0x448: {  	v4 =	vadd.f32 v5, v4;
	v5 =	vmul.f32 v24, v22;
	[sflag:s10] =	ssyncset.done $0x0  }
0x449: {  	[sflag:s10] =	ssyncadd.s32 $0xFFFFC000  }
0x44a: {  	v4 =	vadd.f32 v5, v4;
	v5 =	vmul.f32 v20, v19;
	_ =	swait.ge [sflag:s10], $0x2000  }
0x44b: {  	[sflag:s10] =	ssyncset.done $0x0  }
0x44c: {  	v4 =	vadd.f32 v5, v4;
	v5 =	vmul.f32 v21, v15;
	[sflag:s10] =	ssyncadd.s32 $0xFFFFE000  }
0x44d: {  	_ =	swait.ge [sflag:s10], $0x2000  }
0x44e: {  	s26 =	sand.u32 $0x3800, s24;
	s24 =	sand.u32 $0x380, s24;
	v4 =	vadd.f32 v5, v4;
	v5 =	vmul.f32 v16, v9;
	[sflag:s10] =	ssyncset.done $0x0  }
0x44f: {  	s25 =	sor.u32 s24, s26;
	[sflag:s10] =	ssyncadd.s32 $0xFFFFE000  }
0x450: {  	v4 =	vadd.f32 v5, v4;
	v5 =	vmul.f32 v17, v10;
	v6 =	vld [tilespmem:s25+$0x400]  }
0x451: {  	v7 =	vld [tilespmem:s25+$0x4400]  }
0x452: {  	v8 =	vld [tilespmem:s25+$0x410];
	v4 =	vadd.f32 v5, v4;
	v5 =	vmul.f32 v18, v12  }
0x453: {  	v9 =	vld [tilespmem:s25+$0x4410]  }
0x454: {  	v10 =	vld [tilespmem:s25+$0x420];
	v4 =	vadd.f32 v5, v4;
	v5 =	vmul.f32 v13, v11  }
0x455: {  	v11 =	vld [tilespmem:s25+$0x4420]  }
0x456: {  	v12 =	vld [tilespmem:s25+$0x430];
	v4 =	vadd.f32 v5, v4;
	v5 =	vmul.f32 v7, v6  }
0x457: {  	v6 =	vld [tilespmem:s25+$0x4430]  }
0x458: {  	v7 =	vld [tilespmem:s25+$0x440];
	v4 =	vadd.f32 v5, v4;
	v5 =	vmul.f32 v9, v8  }
0x459: {  	v8 =	vld [tilespmem:s25+$0x4440]  }
0x45a: {  	v9 =	vld [tilespmem:s25+$0x450];
	v4 =	vadd.f32 v5, v4;
	v5 =	vmul.f32 v11, v10  }
0x45b: {  	v10 =	vld [tilespmem:s25+$0x4450]  }
0x45c: {  	v11 =	vld [tilespmem:s25+$0x460];
	v4 =	vadd.f32 v5, v4;
	v5 =	vmul.f32 v6, v12  }
0x45d: {  	v6 =	vld [tilespmem:s25+$0x4460]  }
0x45e: {  	v12 =	vld [tilespmem:s25+$0x470];
	v4 =	vadd.f32 v5, v4;
	v5 =	vmul.f32 v8, v7  }
0x45f: {  	v7 =	vld [tilespmem:s25+$0x4470]  }
0x460: {  	v8 =	vld [tilespmem:s25+$0x800];
	v4 =	vadd.f32 v5, v4;
	v5 =	vmul.f32 v10, v9  }
0x461: {  	v9 =	vld [tilespmem:s25+$0x4800]  }
0x462: {  	v10 =	vld [tilespmem:s25+$0x810];
	v4 =	vadd.f32 v5, v4;
	v5 =	vmul.f32 v6, v11  }
0x463: {  	v6 =	vld [tilespmem:s25+$0x4810]  }
0x464: {  	v11 =	vld [tilespmem:s25+$0x820];
	v4 =	vadd.f32 v5, v4;
	v5 =	vmul.f32 v7, v12  }
0x465: {  	v7 =	vld [tilespmem:s25+$0x4820]  }
0x466: {  	v12 =	vld [tilespmem:s25+$0x830];
	v4 =	vadd.f32 v5, v4;
	v5 =	vmul.f32 v9, v8  }
0x467: {  	v8 =	vld [tilespmem:s25+$0x4830]  }
0x468: {  	v9 =	vld [tilespmem:s25+$0x840];
	v4 =	vadd.f32 v5, v4;
	v5 =	vmul.f32 v6, v10  }
0x469: {  	v6 =	vld [tilespmem:s25+$0x4840]  }
0x46a: {  	v10 =	vld [tilespmem:s25+$0x850];
	v4 =	vadd.f32 v5, v4;
	v5 =	vmul.f32 v7, v11  }
0x46b: {  	v7 =	vld [tilespmem:s25+$0x4850]  }
0x46c: {  	v11 =	vld [tilespmem:s25+$0x860];
	v4 =	vadd.f32 v5, v4;
	v5 =	vmul.f32 v8, v12  }
0x46d: {  	v8 =	vld [tilespmem:s25+$0x4860]  }
0x46e: {  	v12 =	vld [tilespmem:s25+$0x870];
	v6 =	vmul.f32 v6, v9;
	v5 =	vadd.f32 v5, v4  }
0x46f: {  	s24 =	simm.s32 $0x8420;
	v9 =	vld [tilespmem:s25+$0x4870]  }
0x470: {  	s25 =	simm.s32 $0xA410;
	v4 =	vld [tilespmem:s24+$0xFFFFFFE0];
	v7 =	vmul.f32 v7, v10;
	v13 =	vadd.f32 v6, v5  }
0x471: {  	v6 =	vld [tilespmem:s25+$0xFFFFFFF0]  }
0x472: {  	v5 =	vld [tilespmem:s24+$0xFFFFFFF0];
	v11 =	vmul.f32 v8, v11;
	v10 =	vadd.f32 v7, v13  }
0x473: {  	s28 =	simm.s32 $0x80;
	s31 =	simm.s32 $0x100;
	v7 =	vld [tilespmem:s25+$0x0]  }
0x474: {  	s30 =	sand.u32 $0x380, s28;
	s26 =	sand.u32 $0x3800, s31;
	v14 =	vld [tilespmem:s25+$0x10];
	v37 =	vmul.f32 v9, v12;
	v31 =	vadd.f32 v11, v10  }
0x475: {  	s26 =	sor.u32 s30, s26;
	s30 =	simm.s32 $0x200;
	v8 =	vld [tilespmem:s24+$0x0]  }
.LBB2_10:
0x476: {  	p0 =	sne.s32 s30, $0x3F00;
	v9 =	vld [tilespmem:s26+$0x400];
	v10 =	vadd.f32 v37, v31;
	v4 =	vmul.f32 v6, v4  }
0x477: {  	v6 =	vld [tilespmem:s26+$0x4400]  }
0x478: {  	v11 =	vld [tilespmem:s26+$0x410];
	v4 =	vadd.f32 v4, v10;
	v5 =	vmul.f32 v7, v5  }
0x479: {  	v7 =	vld [tilespmem:s26+$0x4410]  }
0x47a: {  	v10 =	vld [tilespmem:s26+$0x420];
	v4 =	vadd.f32 v5, v4;
	v5 =	vmul.f32 v14, v8  }
0x47b: {  	v8 =	vld [tilespmem:s26+$0x4420]  }
0x47c: {  	v6 =	vmul.f32 v6, v9;
	v9 =	vld [tilespmem:s26+$0x430];
	v4 =	vadd.f32 v5, v4  }
0x47d: {  	v5 =	vld [tilespmem:s26+$0x4430]  }
0x47e: {  	v4 =	vadd.f32 v6, v4;
	v6 =	vmul.f32 v7, v11;
	v7 =	vld [tilespmem:s26+$0x440]  }
0x47f: {  	v11 =	vld [tilespmem:s26+$0x4440]  }
0x480: {  	v4 =	vadd.f32 v6, v4;
	v6 =	vmul.f32 v8, v10;
	v8 =	vld [tilespmem:s26+$0x450]  }
0x481: {  	v10 =	vld [tilespmem:s26+$0x4450]  }
0x482: {  	v4 =	vadd.f32 v6, v4;
	v5 =	vmul.f32 v5, v9;
	v6 =	vld [tilespmem:s26+$0x460]  }
0x483: {  	v9 =	vld [tilespmem:s26+$0x4460]  }
0x484: {  	v4 =	vadd.f32 v5, v4;
	v5 =	vmul.f32 v11, v7;
	v7 =	vld [tilespmem:s26+$0x470]  }
0x485: {  	v11 =	vld [tilespmem:s26+$0x4470]  }
0x486: {  	v4 =	vadd.f32 v5, v4;
	v5 =	vmul.f32 v10, v8;
	v8 =	vld [tilespmem:s26+$0x800]  }
0x487: {  	v10 =	vld [tilespmem:s26+$0x4800]  }
0x488: {  	v4 =	vadd.f32 v5, v4;
	v5 =	vmul.f32 v9, v6;
	v6 =	vld [tilespmem:s26+$0x810]  }
0x489: {  	v9 =	vld [tilespmem:s26+$0x4810]  }
0x48a: {  	v4 =	vadd.f32 v5, v4;
	v5 =	vmul.f32 v11, v7;
	v7 =	vld [tilespmem:s26+$0x820]  }
0x48b: {  	v11 =	vld [tilespmem:s26+$0x4820]  }
0x48c: {  	v4 =	vadd.f32 v5, v4;
	v5 =	vmul.f32 v10, v8;
	v8 =	vld [tilespmem:s26+$0x830]  }
0x48d: {  	v10 =	vld [tilespmem:s26+$0x4830]  }
0x48e: {  	v4 =	vadd.f32 v5, v4;
	v5 =	vmul.f32 v9, v6;
	v6 =	vld [tilespmem:s26+$0x840]  }
0x48f: {  	v9 =	vld [tilespmem:s26+$0x4840]  }
0x490: {  	v4 =	vadd.f32 v5, v4;
	v5 =	vmul.f32 v11, v7;
	v7 =	vld [tilespmem:s26+$0x850]  }
0x491: {  	v11 =	vld [tilespmem:s26+$0x4850]  }
0x492: {  	v4 =	vadd.f32 v5, v4;
	v5 =	vmul.f32 v10, v8;
	v8 =	vld [tilespmem:s26+$0x860]  }
0x493: {  	v10 =	vld [tilespmem:s26+$0x4860]  }
0x494: {  	v4 =	vadd.f32 v5, v4;
	v5 =	vmul.f32 v9, v6;
	v9 =	vld [tilespmem:s26+$0x870]  }
0x495: {  	s24 =	sadd.s32 $0x80, s24;
	v12 =	vld [tilespmem:s26+$0x4870]  }
0x496: {  	s25 =	sadd.s32 $0x80, s25;
	v5 =	vadd.f32 v5, v4;
	v7 =	vmul.f32 v11, v7;
	v4 =	vld [tilespmem:s24+$0xFFFFFFE0]  }
.Ltmp4:
0x497: {  	v6 =	vld [tilespmem:s25+$0xFFFFFFF0];
	(pc) =	sbr.rel @p0 .LBB2_10-.Ltmp4, $4  }
0x498: {  	v11 =	vadd.f32 v7, v5;
	v8 =	vmul.f32 v10, v8;
	v5 =	vld [tilespmem:s24+$0xFFFFFFF0]  }
0x499: {  	s28 =	sadd.s32 $0x80, s28;
	v7 =	vld [tilespmem:s25+$0x0]  }
0x49a: {  	s31 =	sand.u32 $0x380, s28;
	s26 =	sand.u32 $0x3800, s30;
	v31 =	vadd.f32 v8, v11;
	v37 =	vmul.f32 v12, v9;
	v8 =	vld [tilespmem:s24+$0x0]  }
0x49b: {  	s30 =	sadd.s32 $0x100, s30;
	s26 =	sor.u32 s31, s26;
	v14 =	vld [tilespmem:s25+$0x10]  }
0x49c: {  	v45 =	vld [tilespmem:s26+$0x400]  }
0x49d: {  	v46 =	vld [tilespmem:s26+$0x4400]  }
0x49e: {  	v47 =	vld [tilespmem:s26+$0x410]  }
0x49f: {  	v48 =	vld [tilespmem:s26+$0x4410]  }
0x4a0: {  	v44 =	vld [tilespmem:s26+$0x420]  }
0x4a1: {  	v49 =	vld [tilespmem:s26+$0x4420]  }
0x4a2: {  	v42 =	vld [tilespmem:s26+$0x430]  }
0x4a3: {  	v43 =	vld [tilespmem:s26+$0x4430]  }
0x4a4: {  	v38 =	vld [tilespmem:s26+$0x440]  }
0x4a5: {  	v41 =	vld [tilespmem:s26+$0x4440]  }
0x4a6: {  	v34 =	vld [tilespmem:s26+$0x450]  }
0x4a7: {  	v39 =	vld [tilespmem:s26+$0x4450]  }
0x4a8: {  	v35 =	vld [tilespmem:s26+$0x460]  }
0x4a9: {  	v40 =	vld [tilespmem:s26+$0x4460]  }
0x4aa: {  	v32 =	vld [tilespmem:s26+$0x470]  }
0x4ab: {  	v36 =	vld [tilespmem:s26+$0x4470]  }
0x4ac: {  	v29 =	vld [tilespmem:s26+$0x800]  }
0x4ad: {  	v33 =	vld [tilespmem:s26+$0x4800]  }
0x4ae: {  	v28 =	vld [tilespmem:s26+$0x810]  }
0x4af: {  	v30 =	vld [tilespmem:s26+$0x4810]  }
0x4b0: {  	v25 =	vld [tilespmem:s26+$0x820]  }
0x4b1: {  	v27 =	vld [tilespmem:s26+$0x4820]  }
0x4b2: {  	v9 =	vld [tilespmem:$0x180]  }
0x4b3: {  	v23 =	vld [tilespmem:s26+$0x830]  }
0x4b4: {  	v26 =	vld [tilespmem:s26+$0x4830]  }
0x4b5: {  	v22 =	vld [tilespmem:s26+$0x840]  }
0x4b6: {  	v24 =	vld [tilespmem:s26+$0x4840]  }
0x4b7: {  	v19 =	vld [tilespmem:s26+$0x850];
	v10 =	vshrl.u32 v9, $0x3  }
0x4b8: {  	v20 =	vld [tilespmem:s26+$0x4850];
	v10 =	vmul.u32 $0x18, v10  }
0x4b9: {  	v15 =	vld [tilespmem:s26+$0x860];
	v11 =	vand.u32 $0x7, v9  }
0x4ba: {  	v21 =	vld [tilespmem:s26+$0x4860];
	v11 =	vor.u32 v11, v10  }
0x4bb: {  	v16 =	vld [tilespmem:s26+$0x4870];
	s25 =	sadd.s32 $0x80, s25;
	v12 =	vperm.xlane v11, v0  }
0x4bc: {  	v17 =	vld [tilespmem:s25+$0xFFFFFFF0]  }
0x4bd: {  	v18 =	vld [tilespmem:s25+$0x0];
	v11 =	vperm.xlane v11, v2;
	v50 =	vadd.s32 v1, v12  }
0x4be: {  	s24 =	sadd.s32 $0x80, s24;
	v9 =	vld [tilespmem:s26+$0x870]  }
0x4bf: {  	v10 =	vld [tilespmem:s24+$0xFFFFFFE0];
	v51 =	vadd.s32 v1, v11  }
0x4c0: {  	v12 =	vld [tilespmem:s24+$0xFFFFFFF0]  }
0x4c1: {  	s26 =	simm.s32 $0x400;
	v11 =	vld [tilespmem:s24+$0x0];
	s24 =	simm.s32 $0x0  }
0x4c2: {  	v13 =	vld [tilespmem:s25+$0x10];
	[tilespmem:s26], [sflag:$0x1] =	stream.indirect_vreg.gather [hbm4b:s4+s24], $0x80, v50, vm0, $0xb8  }
0x4c3: {  	s31 =	simm.s32 $0xC00  }
0x4c4: {  	[tilespmem:s31], [sflag:$0x1] =	stream.indirect_vreg.gather [hbm4b:s4+s24], $0x80, v51, vm0, $0xb8;
	[tilespmem:$0x18800] =	vst v63  }
0x4c5: {  	v50 =	vld [tilespmem:$0x190];
	_ =	sdelay $0x4  }
0x4c6: {  	v58 =	vshrl.u32 v50, $0x3  }
0x4c7: {  	v51 =	vmul.u32 $0x18, v58  }
0x4c8: {  	v50 =	vand.u32 $0x7, v50  }
0x4c9: {  	v50 =	vor.u32 v50, v51  }
0x4ca: {  	v51 =	vperm.xlane v50, v0;
	_ =	sdelay $0x1  }
0x4cb: {  	v50 =	vperm.xlane v50, v2;
	v51 =	vadd.s32 v1, v51;
	_ =	sdelay $0x1  }
0x4cc: {  	v50 =	vadd.s32 v1, v50;
	_ =	sdelay $0x1  }
0x4cd: {  	s26 =	simm.s32 $0x1400  }
0x4ce: {  	[tilespmem:s26], [sflag:$0x1] =	stream.indirect_vreg.gather [hbm4b:s4+s24], $0x80, v51, vm0, $0xb8;
	[tilespmem:$0x18800] =	vst v63  }
0x4cf: {  	s31 =	simm.s32 $0x1C00  }
0x4d0: {  	[tilespmem:s31], [sflag:$0x1] =	stream.indirect_vreg.gather [hbm4b:s4+s24], $0x80, v50, vm0, $0xb8;
	[tilespmem:$0x18800] =	vst v63  }
0x4d1: {  	v50 =	vld [tilespmem:$0x1A0];
	_ =	sdelay $0x4  }
0x4d2: {  	v59 =	vshrl.u32 v50, $0x3  }
0x4d3: {  	v51 =	vmul.u32 $0x18, v59  }
0x4d4: {  	v50 =	vand.u32 $0x7, v50  }
0x4d5: {  	v50 =	vor.u32 v50, v51  }
0x4d6: {  	v51 =	vperm.xlane v50, v0;
	_ =	sdelay $0x1  }
0x4d7: {  	v50 =	vperm.xlane v50, v2;
	v51 =	vadd.s32 v1, v51;
	_ =	sdelay $0x1  }
0x4d8: {  	v50 =	vadd.s32 v1, v50;
	_ =	sdelay $0x1  }
0x4d9: {  	s26 =	simm.s32 $0x2400  }
0x4da: {  	[tilespmem:s26], [sflag:$0x1] =	stream.indirect_vreg.gather [hbm4b:s4+s24], $0x80, v51, vm0, $0xb8;
	[tilespmem:$0x18800] =	vst v63  }
0x4db: {  	s31 =	simm.s32 $0x2C00  }
0x4dc: {  	[tilespmem:s31], [sflag:$0x1] =	stream.indirect_vreg.gather [hbm4b:s4+s24], $0x80, v50, vm0, $0xb8;
	[tilespmem:$0x18800] =	vst v63  }
0x4dd: {  	v50 =	vld [tilespmem:$0x1B0];
	_ =	sdelay $0x4  }
0x4de: {  	v60 =	vshrl.u32 v50, $0x3  }
0x4df: {  	v51 =	vmul.u32 $0x18, v60  }
0x4e0: {  	v50 =	vand.u32 $0x7, v50  }
0x4e1: {  	v50 =	vor.u32 v50, v51  }
0x4e2: {  	v51 =	vperm.xlane v50, v0;
	_ =	sdelay $0x1  }
0x4e3: {  	v50 =	vperm.xlane v50, v2;
	v51 =	vadd.s32 v1, v51;
	_ =	sdelay $0x1  }
0x4e4: {  	v50 =	vadd.s32 v1, v50;
	_ =	sdelay $0x1  }
0x4e5: {  	s26 =	simm.s32 $0x3400  }
0x4e6: {  	[tilespmem:s26], [sflag:$0x1] =	stream.indirect_vreg.gather [hbm4b:s4+s24], $0x80, v51, vm0, $0xb8;
	[tilespmem:$0x18800] =	vst v63  }
0x4e7: {  	s31 =	simm.s32 $0x3C00  }
0x4e8: {  	[tilespmem:s31], [sflag:$0x1] =	stream.indirect_vreg.gather [hbm4b:s4+s24], $0x80, v50, vm0, $0xb8;
	[tilespmem:$0x18800] =	vst v63  }
0x4e9: {  	v50 =	vld [tilespmem:$0x380];
	_ =	sdelay $0x4  }
0x4ea: {  	v61 =	vshrl.u32 v50, $0x3  }
0x4eb: {  	v51 =	vmul.u32 $0x18, v61  }
0x4ec: {  	v50 =	vand.u32 $0x7, v50  }
0x4ed: {  	v50 =	vor.u32 v50, v51  }
0x4ee: {  	v51 =	vperm.xlane v50, v0;
	_ =	sdelay $0x1  }
0x4ef: {  	v50 =	vperm.xlane v50, v2;
	v51 =	vadd.s32 v1, v51;
	_ =	sdelay $0x1  }
0x4f0: {  	v50 =	vadd.s32 v1, v50;
	_ =	sdelay $0x1  }
0x4f1: {  	s26 =	simm.s32 $0x4400  }
0x4f2: {  	[tilespmem:s26], [sflag:$0x1] =	stream.indirect_vreg.gather [hbm4b:s4+s24], $0x80, v51, vm0, $0xb8;
	[tilespmem:$0x18800] =	vst v63  }
0x4f3: {  	s31 =	simm.s32 $0x4C00  }
0x4f4: {  	[tilespmem:s31], [sflag:$0x1] =	stream.indirect_vreg.gather [hbm4b:s4+s24], $0x80, v50, vm0, $0xb8;
	[tilespmem:$0x18800] =	vst v63  }
0x4f5: {  	v50 =	vld [tilespmem:$0x390];
	_ =	sdelay $0x4  }
0x4f6: {  	v62 =	vshrl.u32 v50, $0x3  }
0x4f7: {  	v51 =	vmul.u32 $0x18, v62  }
0x4f8: {  	v50 =	vand.u32 $0x7, v50  }
0x4f9: {  	v50 =	vor.u32 v50, v51  }
0x4fa: {  	v51 =	vperm.xlane v50, v0;
	_ =	sdelay $0x1  }
0x4fb: {  	v50 =	vperm.xlane v50, v2;
	v51 =	vadd.s32 v1, v51;
	_ =	sdelay $0x1  }
0x4fc: {  	v50 =	vadd.s32 v1, v50;
	_ =	sdelay $0x1  }
0x4fd: {  	s26 =	simm.s32 $0x5400  }
0x4fe: {  	[tilespmem:s26], [sflag:$0x1] =	stream.indirect_vreg.gather [hbm4b:s4+s24], $0x80, v51, vm0, $0xb8;
	[tilespmem:$0x18800] =	vst v63  }
0x4ff: {  	s31 =	simm.s32 $0x5C00  }
0x500: {  	[tilespmem:s31], [sflag:$0x1] =	stream.indirect_vreg.gather [hbm4b:s4+s24], $0x80, v50, vm0, $0xb8;
	[tilespmem:$0x18800] =	vst v63  }
0x501: {  	v50 =	vld [tilespmem:$0x3A0];
	_ =	sdelay $0x4  }
0x502: {  	v63 =	vshrl.u32 v50, $0x3  }
0x503: {  	v51 =	vmul.u32 $0x18, v63  }
0x504: {  	v50 =	vand.u32 $0x7, v50  }
0x505: {  	v50 =	vor.u32 v50, v51  }
0x506: {  	v51 =	vperm.xlane v50, v0;
	_ =	sdelay $0x1  }
0x507: {  	v50 =	vperm.xlane v50, v2;
	v51 =	vadd.s32 v1, v51;
	_ =	sdelay $0x1  }
0x508: {  	v50 =	vadd.s32 v1, v50;
	_ =	sdelay $0x1  }
0x509: {  	v31 =	vadd.f32 v37, v31;
	v4 =	vmul.f32 v6, v4;
	s26 =	simm.s32 $0x6400  }
0x50a: {  	[tilespmem:s26], [sflag:$0x1] =	stream.indirect_vreg.gather [hbm4b:s4+s24], $0x80, v51, vm0, $0xb8;
	[tilespmem:$0x18800] =	vst v63  }
0x50b: {  	v4 =	vadd.f32 v4, v31;
	v5 =	vmul.f32 v7, v5;
	s31 =	simm.s32 $0x6C00  }
0x50c: {  	[tilespmem:s31], [sflag:$0x1] =	stream.indirect_vreg.gather [hbm4b:s4+s24], $0x80, v50, vm0, $0xb8;
	[tilespmem:$0x18800] =	vst v63  }
0x50d: {  	v4 =	vadd.f32 v5, v4;
	v5 =	vmul.f32 v14, v8;
	v6 =	vld [tilespmem:$0x3B0];
	_ =	sdelay $0x1  }
0x50e: {  	v7 =	vmul.f32 v46, v45;
	v4 =	vadd.f32 v5, v4;
	_ =	sdelay $0x1  }
0x50f: {  	v4 =	vadd.f32 v7, v4;
	v7 =	vmul.f32 v48, v47  }
0x510: {  	v5 =	vshrl.u32 v6, $0x3  }
0x511: {  	v4 =	vadd.f32 v7, v4;
	v7 =	vmul.f32 v49, v44;
	v5 =	vmul.u32 $0x18, v5  }
0x512: {  	v6 =	vand.u32 $0x7, v6  }
0x513: {  	v4 =	vadd.f32 v7, v4;
	v7 =	vmul.f32 v43, v42;
	v5 =	vor.u32 v6, v5  }
0x514: {  	v6 =	vperm.xlane v5, v0  }
0x515: {  	v4 =	vadd.f32 v7, v4  }
0x516: {  	v7 =	vmul.f32 v41, v38;
	v5 =	vperm.xlane v5, v2;
	v6 =	vadd.s32 v1, v6;
	_ =	sdelay $0x1  }
0x517: {  	v4 =	vadd.f32 v7, v4;
	v7 =	vmul.f32 v39, v34;
	v5 =	vadd.s32 v1, v5;
	_ =	sdelay $0x1  }
0x518: {  	v4 =	vadd.f32 v7, v4;
	v7 =	vmul.f32 v40, v35;
	s26 =	simm.s32 $0x7400  }
0x519: {  	[tilespmem:s26], [sflag:$0x1] =	stream.indirect_vreg.gather [hbm4b:s4+s24], $0x80, v6, vm0, $0xb8;
	[tilespmem:$0x18800] =	vst v63  }
0x51a: {  	v4 =	vadd.f32 v7, v4;
	s31 =	simm.s32 $0x7C00;
	v6 =	vmul.f32 v36, v32  }
0x51b: {  	[tilespmem:s31], [sflag:$0x1] =	stream.indirect_vreg.gather [hbm4b:s4+s24], $0x80, v5, vm0, $0xb8;
	[tilespmem:$0x18800] =	vst v63  }
0x51c: {  	s26 =	simm.s32 $0x8400;
	v4 =	vadd.f32 v6, v4;
	v5 =	vmul.f32 v33, v29;
	s31 =	simm.s32 $0x180  }
0x51d: {  	[tilespmem:s26], [sflag:$0x1] =	stream.indirect.gather [hbm4b:s1+s29], $0x80, s31, s29, $0xb8;
	[tilespmem:$0x18800] =	vst v63  }
0x51e: {  	v4 =	vadd.f32 v5, v4;
	v5 =	vmul.f32 v30, v28;
	s26 =	simm.s32 $0xA400;
	s31 =	simm.s32 $0x380  }
0x51f: {  	[tilespmem:s26], [sflag:$0x1] =	stream.indirect.gather [hbm4b:s1+s29], $0x80, s31, s29, $0xb8;
	[tilespmem:$0x18800] =	vst v63  }
0x520: {  	v4 =	vadd.f32 v5, v4;
	v5 =	vmul.f32 v27, v25;
	_ =	swait.ge [sflag:s11], $0x4000  }
0x521: {  	[sflag:s11] =	ssyncset.done $0x0  }
0x522: {  	v4 =	vadd.f32 v5, v4;
	v5 =	vmul.f32 v26, v23;
	[sflag:s11] =	ssyncadd.s32 $0xFFFFC000  }
0x523: {  	_ =	swait.ge [sflag:s11], $0x4000  }
0x524: {  	v4 =	vadd.f32 v5, v4;
	v5 =	vmul.f32 v24, v22;
	[sflag:s11] =	ssyncset.done $0x0  }
0x525: {  	[sflag:s11] =	ssyncadd.s32 $0xFFFFC000  }
0x526: {  	v4 =	vadd.f32 v5, v4;
	v5 =	vmul.f32 v20, v19;
	_ =	swait.ge [sflag:s11], $0x2000  }
0x527: {  	[sflag:s11] =	ssyncset.done $0x0  }
0x528: {  	v4 =	vadd.f32 v5, v4;
	v5 =	vmul.f32 v21, v15;
	[sflag:s11] =	ssyncadd.s32 $0xFFFFE000  }
0x529: {  	_ =	swait.ge [sflag:s11], $0x2000  }
0x52a: {  	s26 =	sand.u32 $0x3800, s24;
	s24 =	sand.u32 $0x380, s24;
	v4 =	vadd.f32 v5, v4;
	v5 =	vmul.f32 v16, v9;
	[sflag:s11] =	ssyncset.done $0x0  }
0x52b: {  	s25 =	sor.u32 s24, s26;
	[sflag:s11] =	ssyncadd.s32 $0xFFFFE000  }
0x52c: {  	v4 =	vadd.f32 v5, v4;
	v5 =	vmul.f32 v17, v10;
	v6 =	vld [tilespmem:s25+$0xC400]  }
0x52d: {  	v7 =	vld [tilespmem:s25+$0x10400]  }
0x52e: {  	v8 =	vld [tilespmem:s25+$0xC410];
	v4 =	vadd.f32 v5, v4;
	v5 =	vmul.f32 v18, v12  }
0x52f: {  	v9 =	vld [tilespmem:s25+$0x10410]  }
0x530: {  	v10 =	vld [tilespmem:s25+$0xC420];
	v4 =	vadd.f32 v5, v4;
	v5 =	vmul.f32 v13, v11  }
0x531: {  	v11 =	vld [tilespmem:s25+$0x10420]  }
0x532: {  	v12 =	vld [tilespmem:s25+$0xC430];
	v4 =	vadd.f32 v5, v4;
	v5 =	vmul.f32 v7, v6  }
0x533: {  	v6 =	vld [tilespmem:s25+$0x10430]  }
0x534: {  	v7 =	vld [tilespmem:s25+$0xC440];
	v4 =	vadd.f32 v5, v4;
	v5 =	vmul.f32 v9, v8  }
0x535: {  	v8 =	vld [tilespmem:s25+$0x10440]  }
0x536: {  	v9 =	vld [tilespmem:s25+$0xC450];
	v4 =	vadd.f32 v5, v4;
	v5 =	vmul.f32 v11, v10  }
0x537: {  	v10 =	vld [tilespmem:s25+$0x10450]  }
0x538: {  	v11 =	vld [tilespmem:s25+$0xC460];
	v4 =	vadd.f32 v5, v4;
	v5 =	vmul.f32 v6, v12  }
0x539: {  	v6 =	vld [tilespmem:s25+$0x10460]  }
0x53a: {  	v12 =	vld [tilespmem:s25+$0xC470];
	v4 =	vadd.f32 v5, v4;
	v5 =	vmul.f32 v8, v7  }
0x53b: {  	v7 =	vld [tilespmem:s25+$0x10470]  }
0x53c: {  	v8 =	vld [tilespmem:s25+$0xC800];
	v4 =	vadd.f32 v5, v4;
	v5 =	vmul.f32 v10, v9  }
0x53d: {  	v9 =	vld [tilespmem:s25+$0x10800]  }
0x53e: {  	v10 =	vld [tilespmem:s25+$0xC810];
	v4 =	vadd.f32 v5, v4;
	v5 =	vmul.f32 v6, v11  }
0x53f: {  	v6 =	vld [tilespmem:s25+$0x10810]  }
0x540: {  	v11 =	vld [tilespmem:s25+$0xC820];
	v4 =	vadd.f32 v5, v4;
	v5 =	vmul.f32 v7, v12  }
0x541: {  	v7 =	vld [tilespmem:s25+$0x10820]  }
0x542: {  	v12 =	vld [tilespmem:s25+$0xC830];
	v4 =	vadd.f32 v5, v4;
	v5 =	vmul.f32 v9, v8  }
0x543: {  	v8 =	vld [tilespmem:s25+$0x10830]  }
0x544: {  	v9 =	vld [tilespmem:s25+$0xC840];
	v4 =	vadd.f32 v5, v4;
	v5 =	vmul.f32 v6, v10  }
0x545: {  	v6 =	vld [tilespmem:s25+$0x10840]  }
0x546: {  	v10 =	vld [tilespmem:s25+$0xC850];
	v4 =	vadd.f32 v5, v4;
	v5 =	vmul.f32 v7, v11  }
0x547: {  	v7 =	vld [tilespmem:s25+$0x10850]  }
0x548: {  	v11 =	vld [tilespmem:s25+$0xC860];
	v4 =	vadd.f32 v5, v4;
	v5 =	vmul.f32 v8, v12  }
0x549: {  	v8 =	vld [tilespmem:s25+$0x10860]  }
0x54a: {  	v12 =	vld [tilespmem:s25+$0xC870];
	v6 =	vmul.f32 v6, v9;
	v5 =	vadd.f32 v5, v4  }
0x54b: {  	s24 =	simm.s32 $0x14420;
	v9 =	vld [tilespmem:s25+$0x10870]  }
0x54c: {  	s25 =	simm.s32 $0x16410;
	v4 =	vld [tilespmem:s24+$0xFFFFFFE0];
	v7 =	vmul.f32 v7, v10;
	v13 =	vadd.f32 v6, v5  }
0x54d: {  	v6 =	vld [tilespmem:s25+$0xFFFFFFF0]  }
0x54e: {  	v5 =	vld [tilespmem:s24+$0xFFFFFFF0];
	v11 =	vmul.f32 v8, v11;
	v10 =	vadd.f32 v7, v13  }
0x54f: {  	s28 =	simm.s32 $0x80;
	s31 =	simm.s32 $0x100;
	v7 =	vld [tilespmem:s25+$0x0]  }
0x550: {  	s30 =	sand.u32 $0x380, s28;
	s26 =	sand.u32 $0x3800, s31;
	v14 =	vld [tilespmem:s25+$0x10];
	v37 =	vmul.f32 v9, v12;
	v31 =	vadd.f32 v11, v10  }
0x551: {  	s26 =	sor.u32 s30, s26;
	s30 =	simm.s32 $0x200;
	v8 =	vld [tilespmem:s24+$0x0]  }
.LBB2_12:
0x552: {  	p0 =	sne.s32 s30, $0x3F00;
	v9 =	vld [tilespmem:s26+$0xC400];
	v10 =	vadd.f32 v37, v31;
	v4 =	vmul.f32 v6, v4  }
0x553: {  	v6 =	vld [tilespmem:s26+$0x10400]  }
0x554: {  	v11 =	vld [tilespmem:s26+$0xC410];
	v4 =	vadd.f32 v4, v10;
	v5 =	vmul.f32 v7, v5  }
0x555: {  	v7 =	vld [tilespmem:s26+$0x10410]  }
0x556: {  	v10 =	vld [tilespmem:s26+$0xC420];
	v4 =	vadd.f32 v5, v4;
	v5 =	vmul.f32 v14, v8  }
0x557: {  	v8 =	vld [tilespmem:s26+$0x10420]  }
0x558: {  	v6 =	vmul.f32 v6, v9;
	v9 =	vld [tilespmem:s26+$0xC430];
	v4 =	vadd.f32 v5, v4  }
0x559: {  	v5 =	vld [tilespmem:s26+$0x10430]  }
0x55a: {  	v4 =	vadd.f32 v6, v4;
	v6 =	vmul.f32 v7, v11;
	v7 =	vld [tilespmem:s26+$0xC440]  }
0x55b: {  	v11 =	vld [tilespmem:s26+$0x10440]  }
0x55c: {  	v4 =	vadd.f32 v6, v4;
	v6 =	vmul.f32 v8, v10;
	v8 =	vld [tilespmem:s26+$0xC450]  }
0x55d: {  	v10 =	vld [tilespmem:s26+$0x10450]  }
0x55e: {  	v4 =	vadd.f32 v6, v4;
	v5 =	vmul.f32 v5, v9;
	v6 =	vld [tilespmem:s26+$0xC460]  }
0x55f: {  	v9 =	vld [tilespmem:s26+$0x10460]  }
0x560: {  	v4 =	vadd.f32 v5, v4;
	v5 =	vmul.f32 v11, v7;
	v7 =	vld [tilespmem:s26+$0xC470]  }
0x561: {  	v11 =	vld [tilespmem:s26+$0x10470]  }
0x562: {  	v4 =	vadd.f32 v5, v4;
	v5 =	vmul.f32 v10, v8;
	v8 =	vld [tilespmem:s26+$0xC800]  }
0x563: {  	v10 =	vld [tilespmem:s26+$0x10800]  }
0x564: {  	v4 =	vadd.f32 v5, v4;
	v5 =	vmul.f32 v9, v6;
	v6 =	vld [tilespmem:s26+$0xC810]  }
0x565: {  	v9 =	vld [tilespmem:s26+$0x10810]  }
0x566: {  	v4 =	vadd.f32 v5, v4;
	v5 =	vmul.f32 v11, v7;
	v7 =	vld [tilespmem:s26+$0xC820]  }
0x567: {  	v11 =	vld [tilespmem:s26+$0x10820]  }
0x568: {  	v4 =	vadd.f32 v5, v4;
	v5 =	vmul.f32 v10, v8;
	v8 =	vld [tilespmem:s26+$0xC830]  }
0x569: {  	v10 =	vld [tilespmem:s26+$0x10830]  }
0x56a: {  	v4 =	vadd.f32 v5, v4;
	v5 =	vmul.f32 v9, v6;
	v6 =	vld [tilespmem:s26+$0xC840]  }
0x56b: {  	v9 =	vld [tilespmem:s26+$0x10840]  }
0x56c: {  	v4 =	vadd.f32 v5, v4;
	v5 =	vmul.f32 v11, v7;
	v7 =	vld [tilespmem:s26+$0xC850]  }
0x56d: {  	v11 =	vld [tilespmem:s26+$0x10850]  }
0x56e: {  	v4 =	vadd.f32 v5, v4;
	v5 =	vmul.f32 v10, v8;
	v8 =	vld [tilespmem:s26+$0xC860]  }
0x56f: {  	v10 =	vld [tilespmem:s26+$0x10860]  }
0x570: {  	v4 =	vadd.f32 v5, v4;
	v5 =	vmul.f32 v9, v6;
	v9 =	vld [tilespmem:s26+$0xC870]  }
0x571: {  	s24 =	sadd.s32 $0x80, s24;
	v12 =	vld [tilespmem:s26+$0x10870]  }
0x572: {  	s25 =	sadd.s32 $0x80, s25;
	v5 =	vadd.f32 v5, v4;
	v7 =	vmul.f32 v11, v7;
	v4 =	vld [tilespmem:s24+$0xFFFFFFE0]  }
.Ltmp5:
0x573: {  	v6 =	vld [tilespmem:s25+$0xFFFFFFF0];
	(pc) =	sbr.rel @p0 .LBB2_12-.Ltmp5, $4  }
0x574: {  	v11 =	vadd.f32 v7, v5;
	v8 =	vmul.f32 v10, v8;
	v5 =	vld [tilespmem:s24+$0xFFFFFFF0]  }
0x575: {  	s28 =	sadd.s32 $0x80, s28;
	v7 =	vld [tilespmem:s25+$0x0]  }
0x576: {  	s31 =	sand.u32 $0x380, s28;
	s26 =	sand.u32 $0x3800, s30;
	v31 =	vadd.f32 v8, v11;
	v37 =	vmul.f32 v12, v9;
	v8 =	vld [tilespmem:s24+$0x0]  }
0x577: {  	s30 =	sadd.s32 $0x100, s30;
	s26 =	sor.u32 s31, s26;
	v14 =	vld [tilespmem:s25+$0x10]  }
0x578: {  	v45 =	vld [tilespmem:s26+$0xC400]  }
0x579: {  	v46 =	vld [tilespmem:s26+$0x10400]  }
0x57a: {  	v47 =	vld [tilespmem:s26+$0xC410]  }
0x57b: {  	v48 =	vld [tilespmem:s26+$0x10410]  }
0x57c: {  	v44 =	vld [tilespmem:s26+$0xC420]  }
0x57d: {  	v49 =	vld [tilespmem:s26+$0x10420]  }
0x57e: {  	v42 =	vld [tilespmem:s26+$0xC430]  }
0x57f: {  	v43 =	vld [tilespmem:s26+$0x10430]  }
0x580: {  	v38 =	vld [tilespmem:s26+$0xC440]  }
0x581: {  	v41 =	vld [tilespmem:s26+$0x10440]  }
0x582: {  	v34 =	vld [tilespmem:s26+$0xC450]  }
0x583: {  	v39 =	vld [tilespmem:s26+$0x10450]  }
0x584: {  	v35 =	vld [tilespmem:s26+$0xC460]  }
0x585: {  	v40 =	vld [tilespmem:s26+$0x10460]  }
0x586: {  	v32 =	vld [tilespmem:s26+$0xC470]  }
0x587: {  	v36 =	vld [tilespmem:s26+$0x10470]  }
0x588: {  	v29 =	vld [tilespmem:s26+$0xC800]  }
0x589: {  	v33 =	vld [tilespmem:s26+$0x10800]  }
0x58a: {  	v28 =	vld [tilespmem:s26+$0xC810]  }
0x58b: {  	v30 =	vld [tilespmem:s26+$0x10810]  }
0x58c: {  	v25 =	vld [tilespmem:s26+$0xC820]  }
0x58d: {  	v27 =	vld [tilespmem:s26+$0x10820]  }
0x58e: {  	v9 =	vld [tilespmem:$0x1C0]  }
0x58f: {  	v23 =	vld [tilespmem:s26+$0xC830]  }
0x590: {  	v26 =	vld [tilespmem:s26+$0x10830]  }
0x591: {  	v22 =	vld [tilespmem:s26+$0xC840]  }
0x592: {  	v24 =	vld [tilespmem:s26+$0x10840]  }
0x593: {  	v19 =	vld [tilespmem:s26+$0xC850];
	v10 =	vshrl.u32 v9, $0x3  }
0x594: {  	v20 =	vld [tilespmem:s26+$0x10850];
	v10 =	vmul.u32 $0x18, v10  }
0x595: {  	v15 =	vld [tilespmem:s26+$0xC860];
	v11 =	vand.u32 $0x7, v9  }
0x596: {  	v21 =	vld [tilespmem:s26+$0x10860];
	v11 =	vor.u32 v11, v10  }
0x597: {  	v16 =	vld [tilespmem:s26+$0x10870];
	s25 =	sadd.s32 $0x80, s25;
	v12 =	vperm.xlane v11, v0  }
0x598: {  	s24 =	sadd.s32 $0x80, s24;
	v17 =	vld [tilespmem:s25+$0xFFFFFFF0]  }
0x599: {  	v62 =	vld [tilespmem:s24+$0xFFFFFFF0];
	v11 =	vperm.xlane v11, v2;
	v50 =	vadd.s32 v1, v12  }
0x59a: {  	v18 =	vld [tilespmem:s25+$0x0]  }
0x59b: {  	v13 =	vld [tilespmem:s25+$0x10];
	v51 =	vadd.s32 v1, v11  }
0x59c: {  	v10 =	vld [tilespmem:s24+$0xFFFFFFE0]  }
0x59d: {  	v11 =	vld [tilespmem:s24+$0x0];
	s24 =	simm.s32 $0x0  }
0x59e: {  	v9 =	vld [tilespmem:s26+$0xC870];
	[tilespmem:s0], [sflag:$0x2] =	stream.indirect_vreg.gather [hbm4b:s4+s24], $0x80, v50, vm0, $0xb8  }
0x59f: {  	_ = 	snop  }
0x5a0: {  	[tilespmem:s2], [sflag:$0x2] =	stream.indirect_vreg.gather [hbm4b:s4+s24], $0x80, v51, vm0, $0xb8;
	[tilespmem:$0x18800] =	vst v63  }
0x5a1: {  	v50 =	vld [tilespmem:$0x1D0];
	_ =	sdelay $0x4  }
0x5a2: {  	v63 =	vshrl.u32 v50, $0x3  }
0x5a3: {  	v51 =	vmul.u32 $0x18, v63  }
0x5a4: {  	v50 =	vand.u32 $0x7, v50  }
0x5a5: {  	v50 =	vor.u32 v50, v51  }
0x5a6: {  	v51 =	vperm.xlane v50, v0;
	_ =	sdelay $0x1  }
0x5a7: {  	v50 =	vperm.xlane v50, v2;
	v51 =	vadd.s32 v1, v51;
	_ =	sdelay $0x1  }
0x5a8: {  	v50 =	vadd.s32 v1, v50;
	_ =	sdelay $0x2  }
0x5a9: {  	[tilespmem:s9], [sflag:$0x2] =	stream.indirect_vreg.gather [hbm4b:s4+s24], $0x80, v51, vm0, $0xb8;
	[tilespmem:$0x18800] =	vst v63  }
0x5aa: {  	_ = 	snop  }
0x5ab: {  	[tilespmem:s5], [sflag:$0x2] =	stream.indirect_vreg.gather [hbm4b:s4+s24], $0x80, v50, vm0, $0xb8;
	[tilespmem:$0x18800] =	vst v63  }
0x5ac: {  	v50 =	vld [tilespmem:$0x1E0];
	_ =	sdelay $0x4  }
0x5ad: {  	v54 =	vshrl.u32 v50, $0x3  }
0x5ae: {  	v51 =	vmul.u32 $0x18, v54  }
0x5af: {  	v50 =	vand.u32 $0x7, v50  }
0x5b0: {  	v50 =	vor.u32 v50, v51  }
0x5b1: {  	v51 =	vperm.xlane v50, v0;
	_ =	sdelay $0x1  }
0x5b2: {  	v50 =	vperm.xlane v50, v2;
	v51 =	vadd.s32 v1, v51;
	_ =	sdelay $0x1  }
0x5b3: {  	v50 =	vadd.s32 v1, v50;
	_ =	sdelay $0x2  }
0x5b4: {  	[tilespmem:s6], [sflag:$0x2] =	stream.indirect_vreg.gather [hbm4b:s4+s24], $0x80, v51, vm0, $0xb8;
	[tilespmem:$0x18800] =	vst v63  }
0x5b5: {  	_ = 	snop  }
0x5b6: {  	[tilespmem:s7], [sflag:$0x2] =	stream.indirect_vreg.gather [hbm4b:s4+s24], $0x80, v50, vm0, $0xb8;
	[tilespmem:$0x18800] =	vst v63  }
0x5b7: {  	v50 =	vld [tilespmem:$0x1F0];
	_ =	sdelay $0x4  }
0x5b8: {  	v55 =	vshrl.u32 v50, $0x3  }
0x5b9: {  	v51 =	vmul.u32 $0x18, v55  }
0x5ba: {  	v50 =	vand.u32 $0x7, v50  }
0x5bb: {  	v50 =	vor.u32 v50, v51  }
0x5bc: {  	v51 =	vperm.xlane v50, v0;
	_ =	sdelay $0x1  }
0x5bd: {  	v50 =	vperm.xlane v50, v2;
	v51 =	vadd.s32 v1, v51;
	_ =	sdelay $0x1  }
0x5be: {  	v50 =	vadd.s32 v1, v50;
	_ =	sdelay $0x2  }
0x5bf: {  	[tilespmem:s8], [sflag:$0x2] =	stream.indirect_vreg.gather [hbm4b:s4+s24], $0x80, v51, vm0, $0xb8;
	[tilespmem:$0x18800] =	vst v63  }
0x5c0: {  	_ = 	snop  }
0x5c1: {  	[tilespmem:s12], [sflag:$0x2] =	stream.indirect_vreg.gather [hbm4b:s4+s24], $0x80, v50, vm0, $0xb8;
	[tilespmem:$0x18800] =	vst v63  }
0x5c2: {  	v50 =	vld [tilespmem:$0x3C0];
	_ =	sdelay $0x4  }
0x5c3: {  	v56 =	vshrl.u32 v50, $0x3  }
0x5c4: {  	v51 =	vmul.u32 $0x18, v56  }
0x5c5: {  	v50 =	vand.u32 $0x7, v50  }
0x5c6: {  	v50 =	vor.u32 v50, v51  }
0x5c7: {  	v51 =	vperm.xlane v50, v0;
	_ =	sdelay $0x1  }
0x5c8: {  	v50 =	vperm.xlane v50, v2;
	v51 =	vadd.s32 v1, v51;
	_ =	sdelay $0x1  }
0x5c9: {  	v50 =	vadd.s32 v1, v50;
	_ =	sdelay $0x2  }
0x5ca: {  	[tilespmem:s13], [sflag:$0x2] =	stream.indirect_vreg.gather [hbm4b:s4+s24], $0x80, v51, vm0, $0xb8;
	[tilespmem:$0x18800] =	vst v63  }
0x5cb: {  	_ = 	snop  }
0x5cc: {  	[tilespmem:s14], [sflag:$0x2] =	stream.indirect_vreg.gather [hbm4b:s4+s24], $0x80, v50, vm0, $0xb8;
	[tilespmem:$0x18800] =	vst v63  }
0x5cd: {  	v50 =	vld [tilespmem:$0x3D0];
	_ =	sdelay $0x4  }
0x5ce: {  	v57 =	vshrl.u32 v50, $0x3  }
0x5cf: {  	v51 =	vmul.u32 $0x18, v57  }
0x5d0: {  	v50 =	vand.u32 $0x7, v50  }
0x5d1: {  	v50 =	vor.u32 v50, v51  }
0x5d2: {  	v51 =	vperm.xlane v50, v0;
	_ =	sdelay $0x1  }
0x5d3: {  	v50 =	vperm.xlane v50, v2;
	v51 =	vadd.s32 v1, v51;
	_ =	sdelay $0x1  }
0x5d4: {  	v50 =	vadd.s32 v1, v50;
	_ =	sdelay $0x2  }
0x5d5: {  	[tilespmem:s15], [sflag:$0x2] =	stream.indirect_vreg.gather [hbm4b:s4+s24], $0x80, v51, vm0, $0xb8;
	[tilespmem:$0x18800] =	vst v63  }
0x5d6: {  	_ = 	snop  }
0x5d7: {  	[tilespmem:s16], [sflag:$0x2] =	stream.indirect_vreg.gather [hbm4b:s4+s24], $0x80, v50, vm0, $0xb8;
	[tilespmem:$0x18800] =	vst v63  }
0x5d8: {  	v50 =	vld [tilespmem:$0x3E0];
	_ =	sdelay $0x4  }
0x5d9: {  	v58 =	vshrl.u32 v50, $0x3  }
0x5da: {  	v51 =	vmul.u32 $0x18, v58  }
0x5db: {  	v50 =	vand.u32 $0x7, v50  }
0x5dc: {  	v50 =	vor.u32 v50, v51  }
0x5dd: {  	v51 =	vperm.xlane v50, v0;
	_ =	sdelay $0x1  }
0x5de: {  	v50 =	vperm.xlane v50, v2;
	v51 =	vadd.s32 v1, v51;
	_ =	sdelay $0x1  }
0x5df: {  	v50 =	vadd.s32 v1, v50;
	_ =	sdelay $0x1  }
0x5e0: {  	v31 =	vadd.f32 v37, v31;
	v4 =	vmul.f32 v6, v4  }
0x5e1: {  	[tilespmem:s17], [sflag:$0x2] =	stream.indirect_vreg.gather [hbm4b:s4+s24], $0x80, v51, vm0, $0xb8;
	[tilespmem:$0x18800] =	vst v63  }
0x5e2: {  	v4 =	vadd.f32 v4, v31;
	v5 =	vmul.f32 v7, v5  }
0x5e3: {  	[tilespmem:s18], [sflag:$0x2] =	stream.indirect_vreg.gather [hbm4b:s4+s24], $0x80, v50, vm0, $0xb8;
	[tilespmem:$0x18800] =	vst v63  }
0x5e4: {  	v4 =	vadd.f32 v5, v4;
	v5 =	vmul.f32 v14, v8;
	v6 =	vld [tilespmem:$0x3F0];
	_ =	sdelay $0x1  }
0x5e5: {  	v7 =	vmul.f32 v46, v45;
	v4 =	vadd.f32 v5, v4;
	_ =	sdelay $0x1  }
0x5e6: {  	v4 =	vadd.f32 v7, v4;
	v7 =	vmul.f32 v48, v47  }
0x5e7: {  	v5 =	vshrl.u32 v6, $0x3  }
0x5e8: {  	v4 =	vadd.f32 v7, v4;
	v7 =	vmul.f32 v49, v44;
	v5 =	vmul.u32 $0x18, v5  }
0x5e9: {  	v6 =	vand.u32 $0x7, v6  }
0x5ea: {  	v4 =	vadd.f32 v7, v4;
	v7 =	vmul.f32 v43, v42;
	v5 =	vor.u32 v6, v5  }
0x5eb: {  	v6 =	vperm.xlane v5, v0  }
0x5ec: {  	v4 =	vadd.f32 v7, v4  }
0x5ed: {  	v7 =	vmul.f32 v41, v38;
	v5 =	vperm.xlane v5, v2;
	v6 =	vadd.s32 v1, v6;
	_ =	sdelay $0x1  }
0x5ee: {  	v4 =	vadd.f32 v7, v4;
	v7 =	vmul.f32 v39, v34;
	v5 =	vadd.s32 v1, v5;
	_ =	sdelay $0x1  }
0x5ef: {  	v4 =	vadd.f32 v7, v4;
	v7 =	vmul.f32 v40, v35  }
0x5f0: {  	[tilespmem:s19], [sflag:$0x2] =	stream.indirect_vreg.gather [hbm4b:s4+s24], $0x80, v6, vm0, $0xb8;
	[tilespmem:$0x18800] =	vst v63  }
0x5f1: {  	v4 =	vadd.f32 v7, v4;
	v6 =	vmul.f32 v36, v32  }
0x5f2: {  	[tilespmem:s20], [sflag:$0x2] =	stream.indirect_vreg.gather [hbm4b:s4+s24], $0x80, v5, vm0, $0xb8;
	[tilespmem:$0x18800] =	vst v63  }
0x5f3: {  	s26 =	simm.s32 $0x1C0;
	v4 =	vadd.f32 v6, v4;
	v5 =	vmul.f32 v33, v29  }
0x5f4: {  	[tilespmem:s21], [sflag:$0x2] =	stream.indirect.gather [hbm4b:s1+s29], $0x80, s26, s29, $0xb8;
	[tilespmem:$0x18800] =	vst v63  }
0x5f5: {  	s31 =	simm.s32 $0x3C0;
	v4 =	vadd.f32 v5, v4;
	v5 =	vmul.f32 v30, v28  }
0x5f6: {  	[tilespmem:s22], [sflag:$0x2] =	stream.indirect.gather [hbm4b:s1+s29], $0x80, s31, s29, $0xb8;
	[tilespmem:$0x18800] =	vst v63  }
0x5f7: {  	v4 =	vadd.f32 v5, v4;
	v5 =	vmul.f32 v27, v25;
	_ =	swait.ge [sflag:s10], $0x4000  }
0x5f8: {  	[sflag:s10] =	ssyncset.done $0x0  }
0x5f9: {  	v4 =	vadd.f32 v5, v4;
	v5 =	vmul.f32 v26, v23;
	[sflag:s10] =	ssyncadd.s32 $0xFFFFC000  }
0x5fa: {  	_ =	swait.ge [sflag:s10], $0x4000  }
0x5fb: {  	v4 =	vadd.f32 v5, v4;
	v5 =	vmul.f32 v24, v22;
	[sflag:s10] =	ssyncset.done $0x0  }
0x5fc: {  	[sflag:s10] =	ssyncadd.s32 $0xFFFFC000  }
0x5fd: {  	v4 =	vadd.f32 v5, v4;
	v5 =	vmul.f32 v20, v19;
	_ =	swait.ge [sflag:s10], $0x2000  }
0x5fe: {  	[sflag:s10] =	ssyncset.done $0x0  }
0x5ff: {  	v4 =	vadd.f32 v5, v4;
	v5 =	vmul.f32 v21, v15;
	[sflag:s10] =	ssyncadd.s32 $0xFFFFE000  }
0x600: {  	_ =	swait.ge [sflag:s10], $0x2000  }
0x601: {  	s26 =	sand.u32 $0x3800, s24;
	s24 =	sand.u32 $0x380, s24;
	v4 =	vadd.f32 v5, v4;
	v5 =	vmul.f32 v16, v9;
	[sflag:s10] =	ssyncset.done $0x0  }
0x602: {  	s25 =	sor.u32 s24, s26;
	[sflag:s10] =	ssyncadd.s32 $0xFFFFE000  }
0x603: {  	v4 =	vadd.f32 v5, v4;
	v5 =	vmul.f32 v17, v10;
	v6 =	vld [tilespmem:s25+$0x400]  }
0x604: {  	v7 =	vld [tilespmem:s25+$0x4400]  }
0x605: {  	v8 =	vld [tilespmem:s25+$0x410];
	v4 =	vadd.f32 v5, v4;
	v5 =	vmul.f32 v18, v62  }
0x606: {  	v9 =	vld [tilespmem:s25+$0x4410]  }
0x607: {  	v10 =	vld [tilespmem:s25+$0x420];
	v4 =	vadd.f32 v5, v4;
	v5 =	vmul.f32 v13, v11  }
0x608: {  	v11 =	vld [tilespmem:s25+$0x4420]  }
0x609: {  	v59 =	vld [tilespmem:s25+$0x430];
	v4 =	vadd.f32 v5, v4;
	v5 =	vmul.f32 v7, v6  }
0x60a: {  	v6 =	vld [tilespmem:s25+$0x4430]  }
0x60b: {  	v7 =	vld [tilespmem:s25+$0x440];
	v4 =	vadd.f32 v5, v4;
	v5 =	vmul.f32 v9, v8  }
0x60c: {  	v8 =	vld [tilespmem:s25+$0x4440]  }
0x60d: {  	v9 =	vld [tilespmem:s25+$0x450];
	v4 =	vadd.f32 v5, v4;
	v5 =	vmul.f32 v11, v10  }
0x60e: {  	v10 =	vld [tilespmem:s25+$0x4450]  }
0x60f: {  	v11 =	vld [tilespmem:s25+$0x460];
	v4 =	vadd.f32 v5, v4;
	v5 =	vmul.f32 v6, v59  }
0x610: {  	v6 =	vld [tilespmem:s25+$0x4460]  }
0x611: {  	v60 =	vld [tilespmem:s25+$0x470];
	v4 =	vadd.f32 v5, v4;
	v5 =	vmul.f32 v8, v7  }
0x612: {  	v7 =	vld [tilespmem:s25+$0x4470]  }
0x613: {  	v8 =	vld [tilespmem:s25+$0x800];
	v4 =	vadd.f32 v5, v4;
	v5 =	vmul.f32 v10, v9  }
0x614: {  	v9 =	vld [tilespmem:s25+$0x4800]  }
0x615: {  	v10 =	vld [tilespmem:s25+$0x810];
	v4 =	vadd.f32 v5, v4;
	v5 =	vmul.f32 v6, v11  }
0x616: {  	v6 =	vld [tilespmem:s25+$0x4810]  }
0x617: {  	v11 =	vld [tilespmem:s25+$0x820];
	v4 =	vadd.f32 v5, v4;
	v5 =	vmul.f32 v7, v60  }
0x618: {  	v7 =	vld [tilespmem:s25+$0x4820]  }
0x619: {  	v61 =	vld [tilespmem:s25+$0x830];
	v4 =	vadd.f32 v5, v4;
	v5 =	vmul.f32 v9, v8  }
0x61a: {  	v8 =	vld [tilespmem:s25+$0x4830]  }
0x61b: {  	v9 =	vld [tilespmem:s25+$0x840];
	v4 =	vadd.f32 v5, v4;
	v5 =	vmul.f32 v6, v10  }
0x61c: {  	v6 =	vld [tilespmem:s25+$0x4840]  }
0x61d: {  	v10 =	vld [tilespmem:s25+$0x850];
	v4 =	vadd.f32 v5, v4;
	v5 =	vmul.f32 v7, v11  }
0x61e: {  	v7 =	vld [tilespmem:s25+$0x4850]  }
0x61f: {  	v11 =	vld [tilespmem:s25+$0x860];
	v4 =	vadd.f32 v5, v4;
	v5 =	vmul.f32 v8, v61  }
0x620: {  	v8 =	vld [tilespmem:s25+$0x4860]  }
0x621: {  	v62 =	vld [tilespmem:s25+$0x870];
	v6 =	vmul.f32 v6, v9;
	v5 =	vadd.f32 v5, v4  }
0x622: {  	s24 =	simm.s32 $0x8420;
	v9 =	vld [tilespmem:s25+$0x4870]  }
0x623: {  	s25 =	simm.s32 $0xA410;
	v4 =	vld [tilespmem:s24+$0xFFFFFFE0];
	v7 =	vmul.f32 v7, v10;
	v63 =	vadd.f32 v6, v5  }
0x624: {  	v6 =	vld [tilespmem:s25+$0xFFFFFFF0]  }
0x625: {  	v5 =	vld [tilespmem:s24+$0xFFFFFFF0];
	v11 =	vmul.f32 v8, v11;
	v10 =	vadd.f32 v7, v63  }
0x626: {  	s28 =	simm.s32 $0x80;
	s31 =	simm.s32 $0x100;
	v7 =	vld [tilespmem:s25+$0x0]  }
0x627: {  	s30 =	sand.u32 $0x380, s28;
	s26 =	sand.u32 $0x3800, s31;
	v8 =	vld [tilespmem:s24+$0x0];
	v10 =	vadd.f32 v11, v10;
	v11 =	vmul.f32 v9, v62  }
0x628: {  	s26 =	sor.u32 s30, s26;
	s30 =	simm.s32 $0x200;
	v9 =	vld [tilespmem:s25+$0x10]  }
.LBB2_14:
0x629: {  	p0 =	sne.s32 s30, $0x3F00;
	v12 =	vld [tilespmem:s26+$0x400];
	v10 =	vadd.f32 v11, v10;
	v4 =	vmul.f32 v6, v4  }
0x62a: {  	v6 =	vld [tilespmem:s26+$0x4400]  }
0x62b: {  	v11 =	vld [tilespmem:s26+$0x410];
	v4 =	vadd.f32 v4, v10;
	v5 =	vmul.f32 v7, v5  }
0x62c: {  	v7 =	vld [tilespmem:s26+$0x4410]  }
0x62d: {  	v10 =	vld [tilespmem:s26+$0x420];
	v4 =	vadd.f32 v5, v4;
	v5 =	vmul.f32 v9, v8  }
0x62e: {  	v8 =	vld [tilespmem:s26+$0x4420]  }
0x62f: {  	v6 =	vmul.f32 v6, v12;
	v9 =	vld [tilespmem:s26+$0x430];
	v4 =	vadd.f32 v5, v4  }
0x630: {  	v5 =	vld [tilespmem:s26+$0x4430]  }
0x631: {  	v4 =	vadd.f32 v6, v4;
	v6 =	vmul.f32 v7, v11;
	v7 =	vld [tilespmem:s26+$0x440]  }
0x632: {  	v11 =	vld [tilespmem:s26+$0x4440]  }
0x633: {  	v4 =	vadd.f32 v6, v4;
	v6 =	vmul.f32 v8, v10;
	v8 =	vld [tilespmem:s26+$0x450]  }
0x634: {  	v10 =	vld [tilespmem:s26+$0x4450]  }
0x635: {  	v4 =	vadd.f32 v6, v4;
	v5 =	vmul.f32 v5, v9;
	v6 =	vld [tilespmem:s26+$0x460]  }
0x636: {  	v9 =	vld [tilespmem:s26+$0x4460]  }
0x637: {  	v4 =	vadd.f32 v5, v4;
	v5 =	vmul.f32 v11, v7;
	v7 =	vld [tilespmem:s26+$0x470]  }
0x638: {  	v11 =	vld [tilespmem:s26+$0x4470]  }
0x639: {  	v4 =	vadd.f32 v5, v4;
	v5 =	vmul.f32 v10, v8;
	v8 =	vld [tilespmem:s26+$0x800]  }
0x63a: {  	v10 =	vld [tilespmem:s26+$0x4800]  }
0x63b: {  	v4 =	vadd.f32 v5, v4;
	v5 =	vmul.f32 v9, v6;
	v6 =	vld [tilespmem:s26+$0x810]  }
0x63c: {  	v9 =	vld [tilespmem:s26+$0x4810]  }
0x63d: {  	v4 =	vadd.f32 v5, v4;
	v5 =	vmul.f32 v11, v7;
	v7 =	vld [tilespmem:s26+$0x820]  }
0x63e: {  	v11 =	vld [tilespmem:s26+$0x4820]  }
0x63f: {  	v4 =	vadd.f32 v5, v4;
	v5 =	vmul.f32 v10, v8;
	v8 =	vld [tilespmem:s26+$0x830]  }
0x640: {  	v10 =	vld [tilespmem:s26+$0x4830]  }
0x641: {  	v4 =	vadd.f32 v5, v4;
	v5 =	vmul.f32 v9, v6;
	v6 =	vld [tilespmem:s26+$0x840]  }
0x642: {  	v9 =	vld [tilespmem:s26+$0x4840]  }
0x643: {  	v4 =	vadd.f32 v5, v4;
	v5 =	vmul.f32 v11, v7;
	v7 =	vld [tilespmem:s26+$0x850]  }
0x644: {  	v11 =	vld [tilespmem:s26+$0x4850]  }
0x645: {  	v4 =	vadd.f32 v5, v4;
	v5 =	vmul.f32 v10, v8;
	v8 =	vld [tilespmem:s26+$0x860]  }
0x646: {  	v10 =	vld [tilespmem:s26+$0x4860]  }
0x647: {  	v4 =	vadd.f32 v5, v4;
	v5 =	vmul.f32 v9, v6;
	v9 =	vld [tilespmem:s26+$0x870]  }
0x648: {  	s24 =	sadd.s32 $0x80, s24;
	v12 =	vld [tilespmem:s26+$0x4870]  }
0x649: {  	s25 =	sadd.s32 $0x80, s25;
	v5 =	vadd.f32 v5, v4;
	v7 =	vmul.f32 v11, v7;
	v4 =	vld [tilespmem:s24+$0xFFFFFFE0]  }
.Ltmp6:
0x64a: {  	v6 =	vld [tilespmem:s25+$0xFFFFFFF0];
	(pc) =	sbr.rel @p0 .LBB2_14-.Ltmp6, $4  }
0x64b: {  	v11 =	vadd.f32 v7, v5;
	v8 =	vmul.f32 v10, v8;
	v5 =	vld [tilespmem:s24+$0xFFFFFFF0]  }
0x64c: {  	s28 =	sadd.s32 $0x80, s28;
	v7 =	vld [tilespmem:s25+$0x0]  }
0x64d: {  	s31 =	sand.u32 $0x380, s28;
	s26 =	sand.u32 $0x3800, s30;
	v10 =	vadd.f32 v8, v11;
	v11 =	vmul.f32 v12, v9;
	v8 =	vld [tilespmem:s24+$0x0]  }
0x64e: {  	s30 =	sadd.s32 $0x100, s30;
	s26 =	sor.u32 s31, s26;
	v9 =	vld [tilespmem:s25+$0x10]  }
0x64f: {  	v12 =	vld [tilespmem:s26+$0x400]  }
0x650: {  	v13 =	vld [tilespmem:s26+$0x4400]  }
0x651: {  	v14 =	vld [tilespmem:s26+$0x410]  }
0x652: {  	v15 =	vld [tilespmem:s26+$0x4410]  }
0x653: {  	v16 =	vld [tilespmem:s26+$0x420]  }
0x654: {  	v17 =	vld [tilespmem:s26+$0x4420]  }
0x655: {  	v18 =	vld [tilespmem:s26+$0x430]  }
0x656: {  	v19 =	vld [tilespmem:s26+$0x4430]  }
0x657: {  	v20 =	vld [tilespmem:s26+$0x440]  }
0x658: {  	v21 =	vld [tilespmem:s26+$0x4440]  }
0x659: {  	v22 =	vld [tilespmem:s26+$0x450]  }
0x65a: {  	v23 =	vld [tilespmem:s26+$0x4450];
	v10 =	vadd.f32 v11, v10;
	v4 =	vmul.f32 v6, v4  }
0x65b: {  	v24 =	vld [tilespmem:s26+$0x460]  }
0x65c: {  	v6 =	vld [tilespmem:s26+$0x4460];
	v4 =	vadd.f32 v4, v10;
	v5 =	vmul.f32 v7, v5  }
0x65d: {  	v11 =	vld [tilespmem:s26+$0x470]  }
0x65e: {  	v41 =	vld [tilespmem:s26+$0x820];
	v4 =	vadd.f32 v5, v4;
	v5 =	vmul.f32 v9, v8  }
0x65f: {  	v43 =	vld [tilespmem:s26+$0x4820]  }
0x660: {  	v44 =	vld [tilespmem:s26+$0x830];
	v12 =	vmul.f32 v13, v12;
	v4 =	vadd.f32 v5, v4  }
0x661: {  	v46 =	vld [tilespmem:s26+$0x4830]  }
0x662: {  	v47 =	vld [tilespmem:s26+$0x840];
	v42 =	vmul.f32 v15, v14;
	v4 =	vadd.f32 v12, v4  }
0x663: {  	v49 =	vld [tilespmem:s26+$0x4840]  }
0x664: {  	v50 =	vld [tilespmem:s26+$0x850];
	v45 =	vmul.f32 v17, v16;
	v4 =	vadd.f32 v42, v4  }
0x665: {  	v52 =	vld [tilespmem:s26+$0x4850]  }
0x666: {  	v53 =	vld [tilespmem:s26+$0x860];
	v48 =	vmul.f32 v19, v18;
	v4 =	vadd.f32 v45, v4  }
0x667: {  	v55 =	vld [tilespmem:s26+$0x4860]  }
0x668: {  	v56 =	vld [tilespmem:s26+$0x870];
	v51 =	vmul.f32 v21, v20;
	v4 =	vadd.f32 v48, v4  }
0x669: {  	v7 =	vld [tilespmem:s26+$0x4470]  }
0x66a: {  	v10 =	vld [tilespmem:s26+$0x800];
	v54 =	vmul.f32 v23, v22;
	v4 =	vadd.f32 v51, v4  }
0x66b: {  	v8 =	vld [tilespmem:s26+$0x4800]  }
0x66c: {  	v9 =	vld [tilespmem:s26+$0x810];
	v6 =	vmul.f32 v6, v24;
	v4 =	vadd.f32 v54, v4  }
0x66d: {  	v5 =	vld [tilespmem:s26+$0x4810]  }
0x66e: {  	v57 =	vld [tilespmem:s26+$0x4870];
	s24 =	sadd.s32 $0x80, s24;
	v4 =	vadd.f32 v6, v4;
	v6 =	vmul.f32 v7, v11  }
0x66f: {  	s25 =	sadd.s32 $0x80, s25;
	v58 =	vld [tilespmem:s24+$0xFFFFFFE0]  }
0x670: {  	v7 =	vld [tilespmem:s25+$0xFFFFFFF0];
	v4 =	vadd.f32 v6, v4;
	v6 =	vmul.f32 v8, v10  }
0x671: {  	v11 =	vld [tilespmem:s24+$0xFFFFFFF0]  }
0x672: {  	v5 =	vmul.f32 v5, v9;
	v8 =	vld [tilespmem:s25+$0x0];
	v4 =	vadd.f32 v6, v4  }
0x673: {  	v10 =	vld [tilespmem:s24+$0x0]  }
0x674: {  	v6 =	vld [tilespmem:s25+$0x10];
	_ =	swait.ge [sflag:s11], $0x4000;
	v4 =	vadd.f32 v5, v4;
	v5 =	vmul.f32 v43, v41  }
0x675: {  	[sflag:s11] =	ssyncset.done $0x0  }
0x676: {  	[sflag:s11] =	ssyncadd.s32 $0xFFFFC000;
	v4 =	vadd.f32 v5, v4;
	v5 =	vmul.f32 v46, v44  }
0x677: {  	_ =	swait.ge [sflag:s11], $0x4000  }
0x678: {  	[sflag:s11] =	ssyncset.done $0x0;
	v4 =	vadd.f32 v5, v4;
	v5 =	vmul.f32 v49, v47  }
0x679: {  	[sflag:s11] =	ssyncadd.s32 $0xFFFFC000  }
0x67a: {  	_ =	swait.ge [sflag:s11], $0x2000;
	v4 =	vadd.f32 v5, v4;
	v5 =	vmul.f32 v52, v50  }
0x67b: {  	[sflag:s11] =	ssyncset.done $0x0  }
0x67c: {  	[sflag:s11] =	ssyncadd.s32 $0xFFFFE000;
	v4 =	vadd.f32 v5, v4;
	v5 =	vmul.f32 v55, v53  }
0x67d: {  	s25 =	simm.s32 $0x0;
	_ =	swait.ge [sflag:s11], $0x2000  }
0x67e: {  	s26 =	sand.u32 $0x3800, s25;
	s24 =	sand.u32 $0x380, s25;
	[sflag:s11] =	ssyncset.done $0x0;
	v4 =	vadd.f32 v5, v4;
	v5 =	vmul.f32 v57, v56  }
0x67f: {  	s25 =	sor.u32 s24, s26;
	[sflag:s11] =	ssyncadd.s32 $0xFFFFE000  }
0x680: {  	v9 =	vld [tilespmem:s25+$0xC400];
	v4 =	vadd.f32 v5, v4;
	v5 =	vmul.f32 v7, v58  }
0x681: {  	v7 =	vld [tilespmem:s25+$0x10400]  }
0x682: {  	v59 =	vld [tilespmem:s25+$0xC410];
	v4 =	vadd.f32 v5, v4;
	v5 =	vmul.f32 v8, v11  }
0x683: {  	v8 =	vld [tilespmem:s25+$0x10410]  }
0x684: {  	v11 =	vld [tilespmem:s25+$0xC420];
	v4 =	vadd.f32 v5, v4;
	v5 =	vmul.f32 v6, v10  }
0x685: {  	v6 =	vld [tilespmem:s25+$0x10420]  }
0x686: {  	v10 =	vld [tilespmem:s25+$0xC430];
	v4 =	vadd.f32 v5, v4;
	v5 =	vmul.f32 v7, v9  }
0x687: {  	v7 =	vld [tilespmem:s25+$0x10430]  }
0x688: {  	v9 =	vld [tilespmem:s25+$0xC440];
	v4 =	vadd.f32 v5, v4;
	v5 =	vmul.f32 v8, v59  }
0x689: {  	v8 =	vld [tilespmem:s25+$0x10440]  }
0x68a: {  	v60 =	vld [tilespmem:s25+$0xC450];
	v4 =	vadd.f32 v5, v4;
	v5 =	vmul.f32 v6, v11  }
0x68b: {  	v6 =	vld [tilespmem:s25+$0x10450]  }
0x68c: {  	v11 =	vld [tilespmem:s25+$0xC460];
	v4 =	vadd.f32 v5, v4;
	v5 =	vmul.f32 v7, v10  }
0x68d: {  	v7 =	vld [tilespmem:s25+$0x10460]  }
0x68e: {  	v10 =	vld [tilespmem:s25+$0xC470];
	v4 =	vadd.f32 v5, v4;
	v5 =	vmul.f32 v8, v9  }
0x68f: {  	v8 =	vld [tilespmem:s25+$0x10470]  }
0x690: {  	v9 =	vld [tilespmem:s25+$0xC800];
	v4 =	vadd.f32 v5, v4;
	v5 =	vmul.f32 v6, v60  }
0x691: {  	v6 =	vld [tilespmem:s25+$0x10800]  }
0x692: {  	v61 =	vld [tilespmem:s25+$0xC810];
	v4 =	vadd.f32 v5, v4;
	v5 =	vmul.f32 v7, v11  }
0x693: {  	v7 =	vld [tilespmem:s25+$0x10810]  }
0x694: {  	v11 =	vld [tilespmem:s25+$0xC820];
	v4 =	vadd.f32 v5, v4;
	v5 =	vmul.f32 v8, v10  }
0x695: {  	v8 =	vld [tilespmem:s25+$0x10820]  }
0x696: {  	v10 =	vld [tilespmem:s25+$0xC830];
	v4 =	vadd.f32 v5, v4;
	v5 =	vmul.f32 v6, v9  }
0x697: {  	v6 =	vld [tilespmem:s25+$0x10830]  }
0x698: {  	v9 =	vld [tilespmem:s25+$0xC840];
	v4 =	vadd.f32 v5, v4;
	v5 =	vmul.f32 v7, v61  }
0x699: {  	v7 =	vld [tilespmem:s25+$0x10840]  }
0x69a: {  	v62 =	vld [tilespmem:s25+$0xC850];
	v4 =	vadd.f32 v5, v4;
	v5 =	vmul.f32 v8, v11  }
0x69b: {  	v8 =	vld [tilespmem:s25+$0x10850]  }
0x69c: {  	v11 =	vld [tilespmem:s25+$0xC860];
	v4 =	vadd.f32 v5, v4;
	v5 =	vmul.f32 v6, v10  }
0x69d: {  	v10 =	vld [tilespmem:s25+$0x10860]  }
0x69e: {  	v63 =	vld [tilespmem:s25+$0xC870];
	v6 =	vmul.f32 v7, v9;
	v5 =	vadd.f32 v5, v4  }
0x69f: {  	s24 =	simm.s32 $0x14420;
	v9 =	vld [tilespmem:s25+$0x10870]  }
0x6a0: {  	s25 =	simm.s32 $0x16410;
	v4 =	vld [tilespmem:s24+$0xFFFFFFE0];
	v8 =	vmul.f32 v8, v62;
	v7 =	vadd.f32 v6, v5  }
0x6a1: {  	v6 =	vld [tilespmem:s25+$0xFFFFFFF0]  }
0x6a2: {  	v5 =	vld [tilespmem:s24+$0xFFFFFFF0];
	v10 =	vmul.f32 v10, v11;
	v12 =	vadd.f32 v8, v7  }
0x6a3: {  	s31 =	simm.s32 $0x100;
	s28 =	simm.s32 $0x80;
	v7 =	vld [tilespmem:s25+$0x0]  }
0x6a4: {  	s30 =	sand.u32 $0x380, s28;
	s26 =	sand.u32 $0x3800, s31;
	v8 =	vld [tilespmem:s24+$0x0];
	v11 =	vmul.f32 v9, v63;
	v10 =	vadd.f32 v10, v12  }
0x6a5: {  	s26 =	sor.u32 s30, s26;
	s30 =	simm.s32 $0x200;
	v9 =	vld [tilespmem:s25+$0x10]  }
.LBB2_16:
0x6a6: {  	p0 =	sne.s32 s30, $0x3F00;
	v12 =	vld [tilespmem:s26+$0xC400];
	v10 =	vadd.f32 v11, v10;
	v4 =	vmul.f32 v6, v4  }
0x6a7: {  	v6 =	vld [tilespmem:s26+$0x10400]  }
0x6a8: {  	v11 =	vld [tilespmem:s26+$0xC410];
	v4 =	vadd.f32 v4, v10;
	v5 =	vmul.f32 v7, v5  }
0x6a9: {  	v7 =	vld [tilespmem:s26+$0x10410]  }
0x6aa: {  	v10 =	vld [tilespmem:s26+$0xC420];
	v4 =	vadd.f32 v5, v4;
	v5 =	vmul.f32 v9, v8  }
0x6ab: {  	v8 =	vld [tilespmem:s26+$0x10420]  }
0x6ac: {  	v6 =	vmul.f32 v6, v12;
	v9 =	vld [tilespmem:s26+$0xC430];
	v4 =	vadd.f32 v5, v4  }
0x6ad: {  	v5 =	vld [tilespmem:s26+$0x10430]  }
0x6ae: {  	v4 =	vadd.f32 v6, v4;
	v6 =	vmul.f32 v7, v11;
	v7 =	vld [tilespmem:s26+$0xC440]  }
0x6af: {  	v11 =	vld [tilespmem:s26+$0x10440]  }
0x6b0: {  	v4 =	vadd.f32 v6, v4;
	v6 =	vmul.f32 v8, v10;
	v8 =	vld [tilespmem:s26+$0xC450]  }
0x6b1: {  	v10 =	vld [tilespmem:s26+$0x10450]  }
0x6b2: {  	v4 =	vadd.f32 v6, v4;
	v5 =	vmul.f32 v5, v9;
	v6 =	vld [tilespmem:s26+$0xC460]  }
0x6b3: {  	v9 =	vld [tilespmem:s26+$0x10460]  }
0x6b4: {  	v4 =	vadd.f32 v5, v4;
	v5 =	vmul.f32 v11, v7;
	v7 =	vld [tilespmem:s26+$0xC470]  }
0x6b5: {  	v11 =	vld [tilespmem:s26+$0x10470]  }
0x6b6: {  	v4 =	vadd.f32 v5, v4;
	v5 =	vmul.f32 v10, v8;
	v8 =	vld [tilespmem:s26+$0xC800]  }
0x6b7: {  	v10 =	vld [tilespmem:s26+$0x10800]  }
0x6b8: {  	v4 =	vadd.f32 v5, v4;
	v5 =	vmul.f32 v9, v6;
	v6 =	vld [tilespmem:s26+$0xC810]  }
0x6b9: {  	v9 =	vld [tilespmem:s26+$0x10810]  }
0x6ba: {  	v4 =	vadd.f32 v5, v4;
	v5 =	vmul.f32 v11, v7;
	v7 =	vld [tilespmem:s26+$0xC820]  }
0x6bb: {  	v11 =	vld [tilespmem:s26+$0x10820]  }
0x6bc: {  	v4 =	vadd.f32 v5, v4;
	v5 =	vmul.f32 v10, v8;
	v8 =	vld [tilespmem:s26+$0xC830]  }
0x6bd: {  	v10 =	vld [tilespmem:s26+$0x10830]  }
0x6be: {  	v4 =	vadd.f32 v5, v4;
	v5 =	vmul.f32 v9, v6;
	v6 =	vld [tilespmem:s26+$0xC840]  }
0x6bf: {  	v9 =	vld [tilespmem:s26+$0x10840]  }
0x6c0: {  	v4 =	vadd.f32 v5, v4;
	v5 =	vmul.f32 v11, v7;
	v7 =	vld [tilespmem:s26+$0xC850]  }
0x6c1: {  	v11 =	vld [tilespmem:s26+$0x10850]  }
0x6c2: {  	v4 =	vadd.f32 v5, v4;
	v5 =	vmul.f32 v10, v8;
	v8 =	vld [tilespmem:s26+$0xC860]  }
0x6c3: {  	v10 =	vld [tilespmem:s26+$0x10860]  }
0x6c4: {  	v4 =	vadd.f32 v5, v4;
	v5 =	vmul.f32 v9, v6;
	v9 =	vld [tilespmem:s26+$0xC870]  }
0x6c5: {  	s24 =	sadd.s32 $0x80, s24;
	v12 =	vld [tilespmem:s26+$0x10870]  }
0x6c6: {  	s25 =	sadd.s32 $0x80, s25;
	v5 =	vadd.f32 v5, v4;
	v7 =	vmul.f32 v11, v7;
	v4 =	vld [tilespmem:s24+$0xFFFFFFE0]  }
.Ltmp7:
0x6c7: {  	v6 =	vld [tilespmem:s25+$0xFFFFFFF0];
	(pc) =	sbr.rel @p0 .LBB2_16-.Ltmp7, $4  }
0x6c8: {  	v11 =	vadd.f32 v7, v5;
	v8 =	vmul.f32 v10, v8;
	v5 =	vld [tilespmem:s24+$0xFFFFFFF0]  }
0x6c9: {  	s28 =	sadd.s32 $0x80, s28;
	v7 =	vld [tilespmem:s25+$0x0]  }
0x6ca: {  	s31 =	sand.u32 $0x380, s28;
	s26 =	sand.u32 $0x3800, s30;
	v10 =	vadd.f32 v8, v11;
	v11 =	vmul.f32 v12, v9;
	v8 =	vld [tilespmem:s24+$0x0]  }
0x6cb: {  	s30 =	sadd.s32 $0x100, s30;
	s26 =	sor.u32 s31, s26;
	v9 =	vld [tilespmem:s25+$0x10]  }
0x6cc: {  	v12 =	vld [tilespmem:s26+$0xC400]  }
0x6cd: {  	v13 =	vld [tilespmem:s26+$0x10400]  }
0x6ce: {  	v14 =	vld [tilespmem:s26+$0xC410]  }
0x6cf: {  	v15 =	vld [tilespmem:s26+$0x10410]  }
0x6d0: {  	v16 =	vld [tilespmem:s26+$0xC420]  }
0x6d1: {  	v17 =	vld [tilespmem:s26+$0x10420]  }
0x6d2: {  	v18 =	vld [tilespmem:s26+$0xC430]  }
0x6d3: {  	v19 =	vld [tilespmem:s26+$0x10430]  }
0x6d4: {  	v20 =	vld [tilespmem:s26+$0xC440]  }
0x6d5: {  	v21 =	vld [tilespmem:s26+$0x10440]  }
0x6d6: {  	v22 =	vld [tilespmem:s26+$0xC450]  }
0x6d7: {  	v23 =	vld [tilespmem:s26+$0x10450]  }
0x6d8: {  	v24 =	vld [tilespmem:s26+$0xC460]  }
0x6d9: {  	v25 =	vld [tilespmem:s26+$0x10460]  }
0x6da: {  	v26 =	vld [tilespmem:s26+$0xC470]  }
0x6db: {  	v27 =	vld [tilespmem:s26+$0x10470]  }
0x6dc: {  	v28 =	vld [tilespmem:s26+$0xC800]  }
0x6dd: {  	v29 =	vld [tilespmem:s26+$0x10800]  }
0x6de: {  	v30 =	vld [tilespmem:s26+$0xC810]  }
0x6df: {  	v31 =	vld [tilespmem:s26+$0x10810]  }
0x6e0: {  	v32 =	vld [tilespmem:s26+$0xC820]  }
0x6e1: {  	v33 =	vld [tilespmem:s26+$0x10820]  }
0x6e2: {  	v34 =	vld [tilespmem:s26+$0xC830]  }
0x6e3: {  	v35 =	vld [tilespmem:s26+$0x10830]  }
0x6e4: {  	v36 =	vld [tilespmem:s26+$0xC840]  }
0x6e5: {  	v37 =	vld [tilespmem:s26+$0x10840]  }
0x6e6: {  	v38 =	vld [tilespmem:s26+$0xC850]  }
0x6e7: {  	v39 =	vld [tilespmem:s26+$0x10850]  }
0x6e8: {  	v40 =	vld [tilespmem:s26+$0xC860]  }
0x6e9: {  	v41 =	vld [tilespmem:s26+$0x10860]  }
0x6ea: {  	v42 =	vld [tilespmem:s26+$0xC870]  }
0x6eb: {  	v43 =	vld [tilespmem:s26+$0x10870];
	s24 =	sadd.s32 $0x80, s24  }
0x6ec: {  	s25 =	sadd.s32 $0x80, s25;
	v44 =	vld [tilespmem:s24+$0xFFFFFFE0]  }
0x6ed: {  	v45 =	vld [tilespmem:s25+$0xFFFFFFF0]  }
0x6ee: {  	v46 =	vld [tilespmem:s24+$0xFFFFFFF0]  }
0x6ef: {  	v47 =	vld [tilespmem:s25+$0x0]  }
0x6f0: {  	v48 =	vld [tilespmem:s24+$0x0]  }
0x6f1: {  	v49 =	vld [tilespmem:s25+$0x10];
	[tilespmem:$0x18410] =	vst v3  }
0x6f2: {  	[tilespmem:$0x18420] =	vst v3  }
0x6f3: {  	[tilespmem:$0x18430] =	vst v3  }
0x6f4: {  	[tilespmem:$0x18440] =	vst v3  }
0x6f5: {  	[tilespmem:$0x18450] =	vst v3  }
0x6f6: {  	[tilespmem:$0x18460] =	vst v3  }
0x6f7: {  	[tilespmem:$0x18470] =	vst v3  }
0x6f8: {  	[tilespmem:$0x18480] =	vst v3  }
0x6f9: {  	[tilespmem:$0x18490] =	vst v3  }
0x6fa: {  	[tilespmem:$0x184A0] =	vst v3  }
0x6fb: {  	[tilespmem:$0x184B0] =	vst v3  }
0x6fc: {  	[tilespmem:$0x184C0] =	vst v3  }
0x6fd: {  	[tilespmem:$0x184D0] =	vst v3  }
0x6fe: {  	[tilespmem:$0x184E0] =	vst v3  }
0x6ff: {  	[tilespmem:$0x184F0] =	vst v3  }
0x700: {  	[tilespmem:$0x18500] =	vst v3  }
0x701: {  	[tilespmem:$0x18510] =	vst v3  }
0x702: {  	v10 =	vadd.f32 v11, v10;
	v4 =	vmul.f32 v6, v4;
	[tilespmem:$0x18520] =	vst v3  }
0x703: {  	[tilespmem:$0x18530] =	vst v3  }
0x704: {  	[tilespmem:$0x18540] =	vst v3;
	v4 =	vadd.f32 v4, v10;
	v5 =	vmul.f32 v7, v5  }
0x705: {  	[tilespmem:$0x18550] =	vst v3  }
0x706: {  	[tilespmem:$0x18560] =	vst v3;
	v4 =	vadd.f32 v5, v4;
	v5 =	vmul.f32 v9, v8  }
0x707: {  	[tilespmem:$0x18570] =	vst v3  }
0x708: {  	[tilespmem:$0x18580] =	vst v3;
	v63 =	vmul.f32 v13, v12;
	v4 =	vadd.f32 v5, v4  }
0x709: {  	[tilespmem:$0x18590] =	vst v3  }
0x70a: {  	[tilespmem:$0x185A0] =	vst v3;
	v5 =	vmul.f32 v15, v14;
	v4 =	vadd.f32 v63, v4  }
0x70b: {  	[tilespmem:$0x185B0] =	vst v3  }
0x70c: {  	[tilespmem:$0x185C0] =	vst v3;
	v4 =	vadd.f32 v5, v4;
	v5 =	vmul.f32 v17, v16  }
0x70d: {  	[tilespmem:$0x185D0] =	vst v3  }
0x70e: {  	[tilespmem:$0x185E0] =	vst v3;
	v4 =	vadd.f32 v5, v4;
	v5 =	vmul.f32 v19, v18  }
0x70f: {  	[tilespmem:$0x185F0] =	vst v3  }
0x710: {  	[tilespmem:$0x18600] =	vst v3;
	v4 =	vadd.f32 v5, v4;
	v5 =	vmul.f32 v21, v20  }
0x711: {  	[tilespmem:$0x18610] =	vst v3  }
0x712: {  	[tilespmem:$0x18620] =	vst v3;
	v4 =	vadd.f32 v5, v4;
	v5 =	vmul.f32 v23, v22  }
0x713: {  	[tilespmem:$0x18630] =	vst v3  }
0x714: {  	[tilespmem:$0x18640] =	vst v3;
	v4 =	vadd.f32 v5, v4;
	v5 =	vmul.f32 v25, v24  }
0x715: {  	[tilespmem:$0x18650] =	vst v3  }
0x716: {  	[tilespmem:$0x18660] =	vst v3;
	v4 =	vadd.f32 v5, v4;
	v5 =	vmul.f32 v27, v26  }
0x717: {  	[tilespmem:$0x18670] =	vst v3  }
0x718: {  	[tilespmem:$0x18680] =	vst v3;
	v4 =	vadd.f32 v5, v4;
	v5 =	vmul.f32 v29, v28  }
0x719: {  	[tilespmem:$0x18690] =	vst v3  }
0x71a: {  	[tilespmem:$0x186A0] =	vst v3;
	v4 =	vadd.f32 v5, v4;
	v5 =	vmul.f32 v31, v30  }
0x71b: {  	[tilespmem:$0x186B0] =	vst v3  }
0x71c: {  	[tilespmem:$0x186C0] =	vst v3;
	v4 =	vadd.f32 v5, v4;
	v5 =	vmul.f32 v33, v32  }
0x71d: {  	[tilespmem:$0x186D0] =	vst v3  }
0x71e: {  	[tilespmem:$0x186E0] =	vst v3;
	v4 =	vadd.f32 v5, v4;
	v5 =	vmul.f32 v35, v34  }
0x71f: {  	[tilespmem:$0x186F0] =	vst v3  }
0x720: {  	[tilespmem:$0x18700] =	vst v3;
	v4 =	vadd.f32 v5, v4;
	v5 =	vmul.f32 v37, v36  }
0x721: {  	[tilespmem:$0x18710] =	vst v3  }
0x722: {  	[tilespmem:$0x18720] =	vst v3;
	v4 =	vadd.f32 v5, v4;
	v5 =	vmul.f32 v39, v38  }
0x723: {  	[tilespmem:$0x18730] =	vst v3  }
0x724: {  	[tilespmem:$0x18740] =	vst v3;
	v4 =	vadd.f32 v5, v4;
	v5 =	vmul.f32 v41, v40  }
0x725: {  	[tilespmem:$0x18750] =	vst v3  }
0x726: {  	[tilespmem:$0x18760] =	vst v3;
	v4 =	vadd.f32 v5, v4;
	v5 =	vmul.f32 v43, v42  }
0x727: {  	[tilespmem:$0x18770] =	vst v3  }
0x728: {  	[tilespmem:$0x18780] =	vst v3;
	v4 =	vadd.f32 v5, v4;
	v5 =	vmul.f32 v45, v44  }
0x729: {  	[tilespmem:$0x18790] =	vst v3  }
0x72a: {  	[tilespmem:$0x187A0] =	vst v3;
	v4 =	vadd.f32 v5, v4;
	v5 =	vmul.f32 v47, v46  }
0x72b: {  	[tilespmem:$0x187B0] =	vst v3  }
0x72c: {  	[tilespmem:$0x187C0] =	vst v3;
	v4 =	vadd.f32 v5, v4;
	v5 =	vmul.f32 v49, v48  }
0x72d: {  	[tilespmem:$0x187D0] =	vst v3  }
0x72e: {  	[tilespmem:$0x187E0] =	vst v3;
	v4 =	vadd.f32 v5, v4  }
0x72f: {  	[tilespmem:$0x187F0] =	vst v3  }
0x730: {  	s26 =	rddreg [dreg:$0x8];
	s28 =	simm.s32 $0x18400;
	s30 =	simm.s32 $0x3;
	[tilespmem:$0x18400] =	vst v4  }
0x731: {  	[hbm4b:s26+s3] =	stream.linear.scatter [tilespmem:s28], [sflag:$0x3], $0x400, $0x38;
	[tilespmem:$0x18800] =	vst v63  }
0x732: {  	_ =	swait.ge [sflag:s30], $0x400  }
0x733: {  	s23 =	sadd.s32 $0x1, s23;
	s31 =	rddreg [dreg:$0x9]  }
0x734: {  	p0 =	sne.s32 s23, s31  }
.Ltmp8:
0x735: {  	_ = 	snop;
	(pc) =	sbr.rel @p0 .LBB2_1-.Ltmp8, $3  }
0x736: {  	_ =	sdelay $0x1  }
0x737: {  	[sflag:s30] =	ssyncset.done $0x0  }
0x738: {  	[sflag:s30] =	ssyncadd.s32 $0xFFFFFC00  }
0x739: {  	_ =	sfence.sel $0x180000  }
0x73a: {  	[bflag:$0x0] =	sbarrier.arrive $0xFFFF  }
0x73b: {  	_ =	strace $0x90000047  }
0x73c: {  	s0 =	stileid.u32;
	[bflag:$0x2] =	sbarrier.arrive $0xFFFF  }
0x73d: {  	p0 =	sne.s32 s0, $0x0;
	s0 =	rddreg [dreg:$0x5]  }
0x73e: {  	s0 =	sadd.s32 @!p0 $0x100000, s0  }
0x73f: {  	[sflag:s0] =	ssyncadd.tile.s32 @!p0 $0x1;
	_ =	shalt  }
.Lfunc_end2:
_tile_overlayer_lowered:
.L_overlay_start_2:
0x740: {  	(tag) =	ssettag $0x2  }
0x741: {  	s0 =	rddreg [dreg:$0x0];
	s2 =	stileid.u32  }
0x742: {  	s1 =	rddreg [dreg:$0x1];
	p0 =	sne.s32 s2, $0x0  }
0x743: {  	s3 =	rddreg [dreg:$0x2];
	[bflag:$0x3] =	sbarrier.arrive $0xFFFF;
	s2 =	simm.s32 @!p0 $0x1C04  }
0x744: {  	[timem:s3], [sflag:s2] =	dma.local @!p0 [hbm:s0], s1  }
0x745: {  	s0 =	simm.s32 @!p0 $0x4  }
0x746: {  	_ =	swait.ge @!p0 [sflag:s0], s1  }
0x747: {  	s1 =	ssub.s32 @!p0 $0x0, s1;
	[sflag:s0] =	ssyncset.done @!p0 $0x0  }
0x748: {  	[sflag:s0] =	ssyncadd.s32 @!p0 s1  }
0x749: {  	[bflag:$0x3] =	sbarrier.arrive $0xFFFF  }
0x74a: {  	_ =	shalt  }

</sc_bundles>
